<compile_context>
chip_gen: v7x
topology: tpu7x:2x2x1
jax: 0.10.2.dev20260603
libtpu: 0.0.44.dev20260713+nightly
codegen_flags: <defaults>
</compile_context>

<pallas_src>
import math

import jax
import jax.numpy as jnp
from jax import lax
from jax.experimental import pallas as pl
from jax.experimental.pallas import tpu as pltpu
from jax.experimental.pallas import tpu_sc as plsc

B = 1024
V = 100000
S = 16.0
SHIFT = 16.0
M_MARGIN = 0.1
COS_M = math.cos(M_MARGIN)
SIN_M = math.sin(M_MARGIN)
COS_PI_M = math.cos(math.pi - M_MARGIN)
SIN_PI_M = math.sin(math.pi - M_MARGIN)

NC = 2
NS = 16
L = 16
NW = NC * NS
BPW = B // NW

TAIL0 = (V // 128) * 128
CB_MAX = TAIL0 - 128

RB = 32
TC_GRID = B // RB


def _sc_body(in_hbm, tail_hbm, tgt_hbm, ct_hbm, ps_hbm,
             idx_v, win_v, tail_v, val_v, acc_v, sem):
    wid = lax.axis_index("s") * NC + lax.axis_index("c")
    base = wid * BPW
    pltpu.sync_copy(tgt_hbm.at[pl.ds(base, BPW)], idx_v)
    copies = []
    for rg in range(BPW // 8):
        r0 = pl.multiple_of(base + rg * 8, 8)
        copies.append(
            pltpu.async_copy(
                tail_hbm.at[pl.ds(r0, 8), :], tail_v.at[pl.ds(rg * 8, 8), :], sem
            )
        )
    for g in range(BPW // L):
        cvec = idx_v[pl.ds(g * L, L)]
        cbvec = jnp.minimum((cvec // 128) * 128, CB_MAX)
        for j in range(L):
            i = g * L + j
            r0 = pl.multiple_of(base + (i // 8) * 8, 8)
            cb = pl.multiple_of(cbvec[j], 128)
            copies.append(
                pltpu.async_copy(
                    in_hbm.at[pl.ds(r0, 8), pl.ds(cb, 128)], win_v.at[i], sem
                )
            )
    for cp in copies:
        cp.wait()
    for g in range(BPW // L):
        i16 = g * L + lax.iota(jnp.int32, L)
        cvec = idx_v[pl.ds(g * L, L)]
        cbvec = jnp.minimum((cvec // 128) * 128, CB_MAX)
        rin = lax.rem(i16, 8)
        main_off = jnp.minimum(jnp.maximum(cvec - cbvec, 0), 127)
        v_main = plsc.load_gather(win_v, [i16, rin, main_off])
        tail_off = jnp.minimum(jnp.maximum(cvec - TAIL0, 0), 127)
        v_tail = plsc.load_gather(tail_v, [i16, tail_off])
        val_v[pl.ds(g * L, L)] = jnp.where(cvec >= TAIL0, v_tail, v_main)
    pltpu.sync_copy(val_v, ct_hbm.at[pl.ds(base, BPW)])

    for rg in range(BPW // 8):
        acc = [jnp.zeros((L,), jnp.float32) for _ in range(8)]
        for r in range(8):
            for t in range(128 // L):
                acc[r] = acc[r] + jnp.exp(
                    tail_v[rg * 8 + r, pl.ds(t * L, L)] * S - SHIFT
                )
        for r in range(8):
            acc_v[rg * 8 + r, :] = acc[r]
    pltpu.sync_copy(acc_v, ps_hbm.at[pl.ds(base, BPW)])


def _sc_gather_and_partials(input, tail, target):
    mesh = plsc.VectorSubcoreMesh(core_axis_name="c", subcore_axis_name="s")
    return pl.kernel(
        _sc_body,
        mesh=mesh,
        compiler_params=pltpu.CompilerParams(needs_layout_passes=False),
        out_type=[
            jax.ShapeDtypeStruct((B,), jnp.float32),
            jax.ShapeDtypeStruct((B, L), jnp.float32),
        ],
        scratch_types=[
            pltpu.VMEM((BPW,), jnp.int32),
            pltpu.VMEM((BPW, 8, 128), jnp.float32),
            pltpu.VMEM((BPW, 128), jnp.float32),
            pltpu.VMEM((BPW,), jnp.float32),
            pltpu.VMEM((BPW, L), jnp.float32),
            pltpu.SemaphoreType.DMA,
        ],
    )(input, tail, target)


def _lse_body(in_ref, s_out):
    s_out[...] = jnp.sum(
        jnp.exp(in_ref[...] * S - SHIFT), axis=1, keepdims=True
    )


def _tc_lse(input):
    return pl.pallas_call(
        _lse_body,
        grid=(TC_GRID,),
        in_specs=[pl.BlockSpec((RB, TAIL0), lambda i: (i, 0))],
        out_specs=pl.BlockSpec((RB, 1), lambda i: (i, 0)),
        out_shape=jax.ShapeDtypeStruct((B, 1), jnp.float32),
    )(input)


def _combine_body(s_ref, ps_ref, ct_ref, out_ref):
    ssum = s_ref[...] + jnp.sum(ps_ref[...], axis=1, keepdims=True)
    ct = ct_ref[...]
    sin_t = jnp.sqrt(1.0 - ct * ct)
    phi = ct * COS_M - sin_t * SIN_M
    keep = ct - SIN_PI_M * M_MARGIN
    new_val = jnp.where(ct - COS_PI_M > 0, phi, keep)
    s_adj = ssum - jnp.exp(S * ct - SHIFT) + jnp.exp(S * new_val - SHIFT)
    logz = SHIFT + jnp.log(s_adj)
    nll = logz - S * new_val
    out_ref[...] = jnp.sum(nll, keepdims=True).reshape(1, 1) / B


def _tc_combine(ssum, partials, cos_t):
    return pl.pallas_call(
        _combine_body,
        out_shape=jax.ShapeDtypeStruct((1, 1), jnp.float32),
    )(ssum, partials, cos_t)


@jax.jit
def kernel(input, target):
    target = target.astype(jnp.int32)
    tail = jnp.pad(
        input[:, TAIL0:], ((0, 0), (0, 128 - (V - TAIL0))), constant_values=-1000.0
    )
    ssum = _tc_lse(input)
    cos_t, partials = _sc_gather_and_partials(input, tail, target)
    loss = _tc_combine(ssum, partials, cos_t.reshape(B, 1))
    return loss[0, 0]

# --- scband reference (transcript-rebuilt; emitter-appended) ---
"""Pipeline reference for scband-arc-face-loss-15564961481451 (READ-ONLY COPY).

The authoritative reference and input builder live on the scoring server;
editing this copy changes nothing except your own understanding.
"""

import math
import jax, jax.numpy as jnp
import numpy as np

B = 1024
V = 100000


def setup_inputs(seed: int = 0) -> dict:
    key = jax.random.key(seed)
    k1, k2 = jax.random.split(key)
    # cosine-similarity logits must lie in [-1, 1] so sqrt(1 - cos^2) is valid;
    # uniform [0, 1) keeps them in-range (matches fill='rand').
    inp = jax.random.uniform(k1, (B, V), dtype=jnp.float32)
    target = jax.random.randint(k2, (B,), 0, V, dtype=jnp.int64)
    return {"input": inp, "target": target}


def reference(input, target):
    m = 0.1
    s = 16.0
    cos_m = math.cos(m)
    sin_m = math.sin(m)
    rows = jnp.arange(input.shape[0])
    # gather the target-class cosine per row (equivalent to boolean-mask indexing,
    # one True per row, row-major order)
    cos_t = input[rows, target]
    sin_t = jnp.sqrt(1.0 - cos_t * cos_t)
    cos_t_add_m = cos_t * cos_m - sin_t * sin_m
    # easy_margin = False branch
    cond_v = cos_t - math.cos(math.pi - m)
    cond = jax.nn.relu(cond_v)
    keep = cos_t - math.sin(math.pi - m) * m
    new_val = jnp.where(cond != 0, cos_t_add_m, keep)
    # scatter-overwrite the target column per row
    output = input.at[rows, target].set(new_val)
    output = s * output
    # cross entropy (mean reduction)
    logz = jax.scipy.special.logsumexp(output, axis=1)
    nll = logz - output[rows, target]
    return jnp.mean(nll)

if __name__ == "__main__":
    import jax
    _d = setup_inputs()
    print(jax.jit(kernel)(*tuple(_d.values())))

</pallas_src>

<mosaic_0001>
#map = affine_map<(d0, d1) -> (0, 0)>
#map1 = affine_map<(d0, d1) -> (0)>
module attributes {stable_mosaic.version = 14 : i64} {
  func.func @_sc_body(%arg0: i32, %arg1: i32, %arg2: memref<1024x100000xf32, #tpu.memory_space<hbm>>, %arg3: memref<1024x128xf32, #tpu.memory_space<hbm>>, %arg4: memref<1024xi32, #tpu.memory_space<hbm>>, %arg5: memref<1024xf32, #tpu.memory_space<hbm>>, %arg6: memref<1024x16xf32, #tpu.memory_space<hbm>>, %arg7: memref<32xi32, #tpu.memory_space<vmem>>, %arg8: memref<32x8x128xf32, #tpu.memory_space<vmem>>, %arg9: memref<32x128xf32, #tpu.memory_space<vmem>>, %arg10: memref<32xf32, #tpu.memory_space<vmem>>, %arg11: memref<32x16xf32, #tpu.memory_space<vmem>>, %arg12: memref<!tpu.dma_semaphore, #tpu.memory_space<semaphore_mem>>) attributes {dimension_semantics = [#tpu.dimension_semantics<core_parallel>, #tpu.dimension_semantics<subcore_parallel>], iteration_bounds = array<i64: 2, 16>, scalar_prefetch = 0 : i64, scratch_operands = 6 : i64, tpu.core_type = #tpu.core_type<sc_vector_subcore>, window_params = [{transform_indices = #map}, {transform_indices = #map}, {transform_indices = #map1}, {transform_indices = #map1}, {transform_indices = #map}]} {
    %mul3A = arith.constant 2 : i32
    %mul3A_0 = arith.muli %arg1, %mul3A : i32
    %add3A = arith.addi %mul3A_0, %arg0 : i32
    %mul3A_1 = arith.constant 32 : i32
    %mul3A_2 = arith.muli %add3A, %mul3A_1 : i32
    "tpu.region"() ({
      %run_scoped3A = tpu.sem_alloc : memref<!tpu.dma_semaphore, #tpu.memory_space<semaphore_mem>>
      %dma_start3A_4451 = tpu.memref_slice %arg4[%mul3A_2] : memref<1024xi32, #tpu.memory_space<hbm>> -> memref<32xi32, #tpu.memory_space<hbm>>
      %dma_start3A_4452 = tpu.memref_slice %arg4[%mul3A_2] : memref<1024xi32, #tpu.memory_space<hbm>> -> memref<32xi32, #tpu.memory_space<hbm>>
      tpu.enqueue_dma source(%dma_start3A_4452 : memref<32xi32, #tpu.memory_space<hbm>>) target(%arg7 : memref<32xi32, #tpu.memory_space<vmem>>) target_semaphore(%run_scoped3A : memref<!tpu.dma_semaphore, #tpu.memory_space<semaphore_mem>>)
      %dma_wait3A_4453 = tpu.memref_slice %arg4[%mul3A_2] : memref<1024xi32, #tpu.memory_space<hbm>> -> memref<32xi32, #tpu.memory_space<hbm>>
      %dma_wait3A_4454 = tpu.memref_slice %arg4[%mul3A_2] : memref<1024xi32, #tpu.memory_space<hbm>> -> memref<32xi32, #tpu.memory_space<hbm>>
      tpu.wait_dma2 semaphore(%run_scoped3A : memref<!tpu.dma_semaphore, #tpu.memory_space<semaphore_mem>>) src(%dma_wait3A_4454 : memref<32xi32, #tpu.memory_space<hbm>>) dst(%arg7 : memref<32xi32, #tpu.memory_space<vmem>>)
      tpu.yield
    }) : () -> ()
    %add3A_3 = arith.constant 0 : i32
    %add3A_4 = arith.addi %mul3A_2, %add3A_3 : i32
    %multiple_of3A = tpu.assume_multiple %add3A_4, 8 : i32
    %dma_start3A = arith.constant 0 : i32
    %dma_start3A_5 = arith.constant 0 : i32
    %dma_start3A_6 = tpu.memref_slice %arg9[%dma_start3A, %dma_start3A_5] : memref<32x128xf32, #tpu.memory_space<vmem>> -> memref<8x128xf32, #tpu.memory_space<vmem>>
    %dma_start3A_7 = arith.constant 0 : i32
    %dma_start3A_8 = tpu.memref_slice %arg3[%multiple_of3A, %dma_start3A_7] : memref<1024x128xf32, #tpu.memory_space<hbm>> -> memref<8x128xf32, #tpu.memory_space<hbm>>
    %dma_start3A_9 = arith.constant 0 : i32
    %dma_start3A_10 = arith.constant 0 : i32
    %dma_start3A_11 = tpu.memref_slice %arg9[%dma_start3A_9, %dma_start3A_10] : memref<32x128xf32, #tpu.memory_space<vmem>> -> memref<8x128xf32, #tpu.memory_space<vmem>>
    %dma_start3A_12 = arith.constant 0 : i32
    %dma_start3A_13 = tpu.memref_slice %arg3[%multiple_of3A, %dma_start3A_12] : memref<1024x128xf32, #tpu.memory_space<hbm>> -> memref<8x128xf32, #tpu.memory_space<hbm>>
    tpu.enqueue_dma source(%dma_start3A_13 : memref<8x128xf32, #tpu.memory_space<hbm>>) target(%dma_start3A_11 : memref<8x128xf32, #tpu.memory_space<vmem>>) target_semaphore(%arg12 : memref<!tpu.dma_semaphore, #tpu.memory_space<semaphore_mem>>)
    %add3A_14 = arith.constant 8 : i32
    %add3A_15 = arith.addi %mul3A_2, %add3A_14 : i32
    %multiple_of3A_16 = tpu.assume_multiple %add3A_15, 8 : i32
    %dma_start3A_17 = arith.constant 8 : i32
    %dma_start3A_18 = arith.constant 0 : i32
    %dma_start3A_19 = tpu.memref_slice %arg9[%dma_start3A_17, %dma_start3A_18] : memref<32x128xf32, #tpu.memory_space<vmem>> -> memref<8x128xf32, #tpu.memory_space<vmem>>
    %dma_start3A_20 = arith.constant 0 : i32
    %dma_start3A_21 = tpu.memref_slice %arg3[%multiple_of3A_16, %dma_start3A_20] : memref<1024x128xf32, #tpu.memory_space<hbm>> -> memref<8x128xf32, #tpu.memory_space<hbm>>
    %dma_start3A_22 = arith.constant 8 : i32
    %dma_start3A_23 = arith.constant 0 : i32
    %dma_start3A_24 = tpu.memref_slice %arg9[%dma_start3A_22, %dma_start3A_23] : memref<32x128xf32, #tpu.memory_space<vmem>> -> memref<8x128xf32, #tpu.memory_space<vmem>>
    %dma_start3A_25 = arith.constant 0 : i32
    %dma_start3A_26 = tpu.memref_slice %arg3[%multiple_of3A_16, %dma_start3A_25] : memref<1024x128xf32, #tpu.memory_space<hbm>> -> memref<8x128xf32, #tpu.memory_space<hbm>>
    tpu.enqueue_dma source(%dma_start3A_26 : memref<8x128xf32, #tpu.memory_space<hbm>>) target(%dma_start3A_24 : memref<8x128xf32, #tpu.memory_space<vmem>>) target_semaphore(%arg12 : memref<!tpu.dma_semaphore, #tpu.memory_space<semaphore_mem>>)
    %add3A_27 = arith.constant 16 : i32
    %add3A_28 = arith.addi %mul3A_2, %add3A_27 : i32
    %multiple_of3A_29 = tpu.assume_multiple %add3A_28, 8 : i32
    %dma_start3A_30 = arith.constant 16 : i32
    %dma_start3A_31 = arith.constant 0 : i32
    %dma_start3A_32 = tpu.memref_slice %arg9[%dma_start3A_30, %dma_start3A_31] : memref<32x128xf32, #tpu.memory_space<vmem>> -> memref<8x128xf32, #tpu.memory_space<vmem>>
    %dma_start3A_33 = arith.constant 0 : i32
    %dma_start3A_34 = tpu.memref_slice %arg3[%multiple_of3A_29, %dma_start3A_33] : memref<1024x128xf32, #tpu.memory_space<hbm>> -> memref<8x128xf32, #tpu.memory_space<hbm>>
    %dma_start3A_35 = arith.constant 16 : i32
    %dma_start3A_36 = arith.constant 0 : i32
    %dma_start3A_37 = tpu.memref_slice %arg9[%dma_start3A_35, %dma_start3A_36] : memref<32x128xf32, #tpu.memory_space<vmem>> -> memref<8x128xf32, #tpu.memory_space<vmem>>
    %dma_start3A_38 = arith.constant 0 : i32
    %dma_start3A_39 = tpu.memref_slice %arg3[%multiple_of3A_29, %dma_start3A_38] : memref<1024x128xf32, #tpu.memory_space<hbm>> -> memref<8x128xf32, #tpu.memory_space<hbm>>
    tpu.enqueue_dma source(%dma_start3A_39 : memref<8x128xf32, #tpu.memory_space<hbm>>) target(%dma_start3A_37 : memref<8x128xf32, #tpu.memory_space<vmem>>) target_semaphore(%arg12 : memref<!tpu.dma_semaphore, #tpu.memory_space<semaphore_mem>>)
    %add3A_40 = arith.constant 24 : i32
    %add3A_41 = arith.addi %mul3A_2, %add3A_40 : i32
    %multiple_of3A_42 = tpu.assume_multiple %add3A_41, 8 : i32
    %dma_start3A_43 = arith.constant 24 : i32
    %dma_start3A_44 = arith.constant 0 : i32
    %dma_start3A_45 = tpu.memref_slice %arg9[%dma_start3A_43, %dma_start3A_44] : memref<32x128xf32, #tpu.memory_space<vmem>> -> memref<8x128xf32, #tpu.memory_space<vmem>>
    %dma_start3A_46 = arith.constant 0 : i32
    %dma_start3A_47 = tpu.memref_slice %arg3[%multiple_of3A_42, %dma_start3A_46] : memref<1024x128xf32, #tpu.memory_space<hbm>> -> memref<8x128xf32, #tpu.memory_space<hbm>>
    %dma_start3A_48 = arith.constant 24 : i32
    %dma_start3A_49 = arith.constant 0 : i32
    %dma_start3A_50 = tpu.memref_slice %arg9[%dma_start3A_48, %dma_start3A_49] : memref<32x128xf32, #tpu.memory_space<vmem>> -> memref<8x128xf32, #tpu.memory_space<vmem>>
    %dma_start3A_51 = arith.constant 0 : i32
    %dma_start3A_52 = tpu.memref_slice %arg3[%multiple_of3A_42, %dma_start3A_51] : memref<1024x128xf32, #tpu.memory_space<hbm>> -> memref<8x128xf32, #tpu.memory_space<hbm>>
    tpu.enqueue_dma source(%dma_start3A_52 : memref<8x128xf32, #tpu.memory_space<hbm>>) target(%dma_start3A_50 : memref<8x128xf32, #tpu.memory_space<vmem>>) target_semaphore(%arg12 : memref<!tpu.dma_semaphore, #tpu.memory_space<semaphore_mem>>)
    %get3A = arith.constant 0 : index
    %get3A_53 = tpu.vector_load %arg7[%get3A] {strides = array<i32>} : memref<32xi32, #tpu.memory_space<vmem>>, vector<16xi32>,
    %jit3A = arith.constant 128 : i32
    %div3A = vector.broadcast %jit3A : i32 to vector<16xi32>
    %div3A_54 = arith.divsi %get3A_53, %div3A : vector<16xi32>
    %sign3A = arith.constant 0 : i32
    %sign3A_55 = vector.broadcast %sign3A : i32 to vector<16xi32>
    %sign3A_56 = arith.cmpi sgt, %get3A_53, %sign3A_55 : vector<16xi32>
    %sign3A_57 = arith.extui %sign3A_56 : vector<16xi1> to vector<16xi32>
    %sign3A_58 = arith.constant 0 : i32
    %sign3A_59 = vector.broadcast %sign3A_58 : i32 to vector<16xi32>
    %sign3A_60 = arith.cmpi slt, %get3A_53, %sign3A_59 : vector<16xi32>
    %sign3A_61 = arith.extui %sign3A_60 : vector<16xi1> to vector<16xi32>
    %sign3A_62 = arith.subi %sign3A_57, %sign3A_61 : vector<16xi32>
    %sign3A_63 = arith.constant 0 : i32
    %sign3A_64 = arith.cmpi sgt, %jit3A, %sign3A_63 : i32
    %sign3A_65 = arith.extui %sign3A_64 : i1 to i32
    %sign3A_66 = arith.constant 0 : i32
    %sign3A_67 = arith.cmpi slt, %jit3A, %sign3A_66 : i32
    %sign3A_68 = arith.extui %sign3A_67 : i1 to i32
    %sign3A_69 = arith.subi %sign3A_65, %sign3A_68 : i32
    %ne3A = vector.broadcast %sign3A_69 : i32 to vector<16xi32>
    %ne3A_70 = arith.cmpi ne, %sign3A_62, %ne3A : vector<16xi32>
    %rem3A = vector.broadcast %jit3A : i32 to vector<16xi32>
    %rem3A_71 = arith.remsi %get3A_53, %rem3A : vector<16xi32>
    %ne3A_72 = arith.constant 0 : i32
    %ne3A_73 = vector.broadcast %ne3A_72 : i32 to vector<16xi32>
    %ne3A_74 = arith.cmpi ne, %rem3A_71, %ne3A_73 : vector<16xi32>
    %and3A = arith.andi %ne3A_70, %ne3A_74 : vector<16xi1>
    %sub3A = arith.constant 1 : i32
    %sub3A_75 = vector.broadcast %sub3A : i32 to vector<16xi32>
    %sub3A_76 = arith.subi %div3A_54, %sub3A_75 : vector<16xi32>
    %select_n3A = arith.select %and3A, %sub3A_76, %div3A_54 : vector<16xi1>, vector<16xi32>
    %mul3A_77 = arith.constant 128 : i32
    %mul3A_78 = vector.broadcast %mul3A_77 : i32 to vector<16xi32>
    %mul3A_79 = arith.muli %select_n3A, %mul3A_78 : vector<16xi32>
    %min3A = arith.constant 99840 : i32
    %min3A_80 = vector.broadcast %min3A : i32 to vector<16xi32>
    %min3A_81 = arith.minsi %mul3A_79, %min3A_80 : vector<16xi32>
    %add3A_82 = arith.constant 0 : i32
    %add3A_83 = arith.addi %mul3A_2, %add3A_82 : i32
    %multiple_of3A_84 = tpu.assume_multiple %add3A_83, 8 : i32
    %slice3A = vector.extract_strided_slice %min3A_81 {offsets = [0], sizes = [1], strides = [1]} : vector<16xi32> to vector<1xi32>
    %squeeze3A = vector.extract %slice3A[0] : i32 from vector<1xi32>
    %multiple_of3A_85 = tpu.assume_multiple %squeeze3A, 128 : i32
    %dma_start3A_86 = arith.constant 0 : i32
    %dma_start3A_87 = arith.constant 0 : i32
    %dma_start3A_88 = arith.constant 0 : i32
    %dma_start3A_89 = tpu.memref_slice %arg8[%dma_start3A_86, %dma_start3A_87, %dma_start3A_88] : memref<32x8x128xf32, #tpu.memory_space<vmem>> -> memref<1x8x128xf32, #tpu.memory_space<vmem>>
    %dma_start3A_90 = tpu.memref_squeeze %dma_start3A_89 : memref<1x8x128xf32, #tpu.memory_space<vmem>> -> memref<8x128xf32, #tpu.memory_space<vmem>>
    %dma_start3A_91 = tpu.memref_slice %arg2[%multiple_of3A_84, %multiple_of3A_85] : memref<1024x100000xf32, #tpu.memory_space<hbm>> -> memref<8x128xf32, #tpu.memory_space<hbm>>
    %dma_start3A_92 = arith.constant 0 : i32
    %dma_start3A_93 = arith.constant 0 : i32
    %dma_start3A_94 = tpu.memref_slice %arg8[%dma_start3A_86, %dma_start3A_92, %dma_start3A_93] : memref<32x8x128xf32, #tpu.memory_space<vmem>> -> memref<1x8x128xf32, #tpu.memory_space<vmem>>
    %dma_start3A_95 = tpu.memref_squeeze %dma_start3A_94 : memref<1x8x128xf32, #tpu.memory_space<vmem>> -> memref<8x128xf32, #tpu.memory_space<vmem>>
    %dma_start3A_96 = tpu.memref_slice %arg2[%multiple_of3A_84, %multiple_of3A_85] : memref<1024x100000xf32, #tpu.memory_space<hbm>> -> memref<8x128xf32, #tpu.memory_space<hbm>>
    tpu.enqueue_dma source(%dma_start3A_96 : memref<8x128xf32, #tpu.memory_space<hbm>>) target(%dma_start3A_95 : memref<8x128xf32, #tpu.memory_space<vmem>>) target_semaphore(%arg12 : memref<!tpu.dma_semaphore, #tpu.memory_space<semaphore_mem>>)
    %add3A_97 = arith.constant 0 : i32
    %add3A_98 = arith.addi %mul3A_2, %add3A_97 : i32
    %multiple_of3A_99 = tpu.assume_multiple %add3A_98, 8 : i32
    %slice3A_100 = vector.extract_strided_slice %min3A_81 {offsets = [1], sizes = [1], strides = [1]} : vector<16xi32> to vector<1xi32>
    %squeeze3A_101 = vector.extract %slice3A_100[0] : i32 from vector<1xi32>
    %multiple_of3A_102 = tpu.assume_multiple %squeeze3A_101, 128 : i32
    %dma_start3A_103 = arith.constant 1 : i32
    %dma_start3A_104 = arith.constant 0 : i32
    %dma_start3A_105 = arith.constant 0 : i32
    %dma_start3A_106 = tpu.memref_slice %arg8[%dma_start3A_103, %dma_start3A_104, %dma_start3A_105] : memref<32x8x128xf32, #tpu.memory_space<vmem>> -> memref<1x8x128xf32, #tpu.memory_space<vmem>>
    %dma_start3A_107 = tpu.memref_squeeze %dma_start3A_106 : memref<1x8x128xf32, #tpu.memory_space<vmem>> -> memref<8x128xf32, #tpu.memory_space<vmem>>
    %dma_start3A_108 = tpu.memref_slice %arg2[%multiple_of3A_99, %multiple_of3A_102] : memref<1024x100000xf32, #tpu.memory_space<hbm>> -> memref<8x128xf32, #tpu.memory_space<hbm>>
    %dma_start3A_109 = arith.constant 0 : i32
    %dma_start3A_110 = arith.constant 0 : i32
    %dma_start3A_111 = tpu.memref_slice %arg8[%dma_start3A_103, %dma_start3A_109, %dma_start3A_110] : memref<32x8x128xf32, #tpu.memory_space<vmem>> -> memref<1x8x128xf32, #tpu.memory_space<vmem>>
    %dma_start3A_112 = tpu.memref_squeeze %dma_start3A_111 : memref<1x8x128xf32, #tpu.memory_space<vmem>> -> memref<8x128xf32, #tpu.memory_space<vmem>>
    %dma_start3A_113 = tpu.memref_slice %arg2[%multiple_of3A_99, %multiple_of3A_102] : memref<1024x100000xf32, #tpu.memory_space<hbm>> -> memref<8x128xf32, #tpu.memory_space<hbm>>
    tpu.enqueue_dma source(%dma_start3A_113 : memref<8x128xf32, #tpu.memory_space<hbm>>) target(%dma_start3A_112 : memref<8x128xf32, #tpu.memory_space<vmem>>) target_semaphore(%arg12 : memref<!tpu.dma_semaphore, #tpu.memory_space<semaphore_mem>>)
    %add3A_114 = arith.constant 0 : i32
    %add3A_115 = arith.addi %mul3A_2, %add3A_114 : i32
    %multiple_of3A_116 = tpu.assume_multiple %add3A_115, 8 : i32
    %slice3A_117 = vector.extract_strided_slice %min3A_81 {offsets = [2], sizes = [1], strides = [1]} : vector<16xi32> to vector<1xi32>
    %squeeze3A_118 = vector.extract %slice3A_117[0] : i32 from vector<1xi32>
    %multiple_of3A_119 = tpu.assume_multiple %squeeze3A_118, 128 : i32
    %dma_start3A_120 = arith.constant 2 : i32
    %dma_start3A_121 = arith.constant 0 : i32
    %dma_start3A_122 = arith.constant 0 : i32
    %dma_start3A_123 = tpu.memref_slice %arg8[%dma_start3A_120, %dma_start3A_121, %dma_start3A_122] : memref<32x8x128xf32, #tpu.memory_space<vmem>> -> memref<1x8x128xf32, #tpu.memory_space<vmem>>
    %dma_start3A_124 = tpu.memref_squeeze %dma_start3A_123 : memref<1x8x128xf32, #tpu.memory_space<vmem>> -> memref<8x128xf32, #tpu.memory_space<vmem>>
    %dma_start3A_125 = tpu.memref_slice %arg2[%multiple_of3A_116, %multiple_of3A_119] : memref<1024x100000xf32, #tpu.memory_space<hbm>> -> memref<8x128xf32, #tpu.memory_space<hbm>>
    %dma_start3A_126 = arith.constant 0 : i32
    %dma_start3A_127 = arith.constant 0 : i32
    %dma_start3A_128 = tpu.memref_slice %arg8[%dma_start3A_120, %dma_start3A_126, %dma_start3A_127] : memref<32x8x128xf32, #tpu.memory_space<vmem>> -> memref<1x8x128xf32, #tpu.memory_space<vmem>>
    %dma_start3A_129 = tpu.memref_squeeze %dma_start3A_128 : memref<1x8x128xf32, #tpu.memory_space<vmem>> -> memref<8x128xf32, #tpu.memory_space<vmem>>
    %dma_start3A_130 = tpu.memref_slice %arg2[%multiple_of3A_116, %multiple_of3A_119] : memref<1024x100000xf32, #tpu.memory_space<hbm>> -> memref<8x128xf32, #tpu.memory_space<hbm>>
    tpu.enqueue_dma source(%dma_start3A_130 : memref<8x128xf32, #tpu.memory_space<hbm>>) target(%dma_start3A_129 : memref<8x128xf32, #tpu.memory_space<vmem>>) target_semaphore(%arg12 : memref<!tpu.dma_semaphore, #tpu.memory_space<semaphore_mem>>)
    %add3A_131 = arith.constant 0 : i32
    %add3A_132 = arith.addi %mul3A_2, %add3A_131 : i32
    %multiple_of3A_133 = tpu.assume_multiple %add3A_132, 8 : i32
    %slice3A_134 = vector.extract_strided_slice %min3A_81 {offsets = [3], sizes = [1], strides = [1]} : vector<16xi32> to vector<1xi32>
    %squeeze3A_135 = vector.extract %slice3A_134[0] : i32 from vector<1xi32>
    %multiple_of3A_136 = tpu.assume_multiple %squeeze3A_135, 128 : i32
    %dma_start3A_137 = arith.constant 3 : i32
    %dma_start3A_138 = arith.constant 0 : i32
    %dma_start3A_139 = arith.constant 0 : i32
    %dma_start3A_140 = tpu.memref_slice %arg8[%dma_start3A_137, %dma_start3A_138, %dma_start3A_139] : memref<32x8x128xf32, #tpu.memory_space<vmem>> -> memref<1x8x128xf32, #tpu.memory_space<vmem>>
    %dma_start3A_141 = tpu.memref_squeeze %dma_start3A_140 : memref<1x8x128xf32, #tpu.memory_space<vmem>> -> memref<8x128xf32, #tpu.memory_space<vmem>>
    %dma_start3A_142 = tpu.memref_slice %arg2[%multiple_of3A_133, %multiple_of3A_136] : memref<1024x100000xf32, #tpu.memory_space<hbm>> -> memref<8x128xf32, #tpu.memory_space<hbm>>
    %dma_start3A_143 = arith.constant 0 : i32
    %dma_start3A_144 = arith.constant 0 : i32
    %dma_start3A_145 = tpu.memref_slice %arg8[%dma_start3A_137, %dma_start3A_143, %dma_start3A_144] : memref<32x8x128xf32, #tpu.memory_space<vmem>> -> memref<1x8x128xf32, #tpu.memory_space<vmem>>
    %dma_start3A_146 = tpu.memref_squeeze %dma_start3A_145 : memref<1x8x128xf32, #tpu.memory_space<vmem>> -> memref<8x128xf32, #tpu.memory_space<vmem>>
    %dma_start3A_147 = tpu.memref_slice %arg2[%multiple_of3A_133, %multiple_of3A_136] : memref<1024x100000xf32, #tpu.memory_space<hbm>> -> memref<8x128xf32, #tpu.memory_space<hbm>>
    tpu.enqueue_dma source(%dma_start3A_147 : memref<8x128xf32, #tpu.memory_space<hbm>>) target(%dma_start3A_146 : memref<8x128xf32, #tpu.memory_space<vmem>>) target_semaphore(%arg12 : memref<!tpu.dma_semaphore, #tpu.memory_space<semaphore_mem>>)
    %add3A_148 = arith.constant 0 : i32
    %add3A_149 = arith.addi %mul3A_2, %add3A_148 : i32
    %multiple_of3A_150 = tpu.assume_multiple %add3A_149, 8 : i32
    %slice3A_151 = vector.extract_strided_slice %min3A_81 {offsets = [4], sizes = [1], strides = [1]} : vector<16xi32> to vector<1xi32>
    %squeeze3A_152 = vector.extract %slice3A_151[0] : i32 from vector<1xi32>
    %multiple_of3A_153 = tpu.assume_multiple %squeeze3A_152, 128 : i32
    %dma_start3A_154 = arith.constant 4 : i32
    %dma_start3A_155 = arith.constant 0 : i32
    %dma_start3A_156 = arith.constant 0 : i32
    %dma_start3A_157 = tpu.memref_slice %arg8[%dma_start3A_154, %dma_start3A_155, %dma_start3A_156] : memref<32x8x128xf32, #tpu.memory_space<vmem>> -> memref<1x8x128xf32, #tpu.memory_space<vmem>>
    %dma_start3A_158 = tpu.memref_squeeze %dma_start3A_157 : memref<1x8x128xf32, #tpu.memory_space<vmem>> -> memref<8x128xf32, #tpu.memory_space<vmem>>
    %dma_start3A_159 = tpu.memref_slice %arg2[%multiple_of3A_150, %multiple_of3A_153] : memref<1024x100000xf32, #tpu.memory_space<hbm>> -> memref<8x128xf32, #tpu.memory_space<hbm>>
    %dma_start3A_160 = arith.constant 0 : i32
    %dma_start3A_161 = arith.constant 0 : i32
    %dma_start3A_162 = tpu.memref_slice %arg8[%dma_start3A_154, %dma_start3A_160, %dma_start3A_161] : memref<32x8x128xf32, #tpu.memory_space<vmem>> -> memref<1x8x128xf32, #tpu.memory_space<vmem>>
    %dma_start3A_163 = tpu.memref_squeeze %dma_start3A_162 : memref<1x8x128xf32, #tpu.memory_space<vmem>> -> memref<8x128xf32, #tpu.memory_space<vmem>>
    %dma_start3A_164 = tpu.memref_slice %arg2[%multiple_of3A_150, %multiple_of3A_153] : memref<1024x100000xf32, #tpu.memory_space<hbm>> -> memref<8x128xf32, #tpu.memory_space<hbm>>
    tpu.enqueue_dma source(%dma_start3A_164 : memref<8x128xf32, #tpu.memory_space<hbm>>) target(%dma_start3A_163 : memref<8x128xf32, #tpu.memory_space<vmem>>) target_semaphore(%arg12 : memref<!tpu.dma_semaphore, #tpu.memory_space<semaphore_mem>>)
    %add3A_165 = arith.constant 0 : i32
    %add3A_166 = arith.addi %mul3A_2, %add3A_165 : i32
    %multiple_of3A_167 = tpu.assume_multiple %add3A_166, 8 : i32
    %slice3A_168 = vector.extract_strided_slice %min3A_81 {offsets = [5], sizes = [1], strides = [1]} : vector<16xi32> to vector<1xi32>
    %squeeze3A_169 = vector.extract %slice3A_168[0] : i32 from vector<1xi32>
    %multiple_of3A_170 = tpu.assume_multiple %squeeze3A_169, 128 : i32
    %dma_start3A_171 = arith.constant 5 : i32
    %dma_start3A_172 = arith.constant 0 : i32
    %dma_start3A_173 = arith.constant 0 : i32
    %dma_start3A_174 = tpu.memref_slice %arg8[%dma_start3A_171, %dma_start3A_172, %dma_start3A_173] : memref<32x8x128xf32, #tpu.memory_space<vmem>> -> memref<1x8x128xf32, #tpu.memory_space<vmem>>
    %dma_start3A_175 = tpu.memref_squeeze %dma_start3A_174 : memref<1x8x128xf32, #tpu.memory_space<vmem>> -> memref<8x128xf32, #tpu.memory_space<vmem>>
    %dma_start3A_176 = tpu.memref_slice %arg2[%multiple_of3A_167, %multiple_of3A_170] : memref<1024x100000xf32, #tpu.memory_space<hbm>> -> memref<8x128xf32, #tpu.memory_space<hbm>>
    %dma_start3A_177 = arith.constant 0 : i32
    %dma_start3A_178 = arith.constant 0 : i32
    %dma_start3A_179 = tpu.memref_slice %arg8[%dma_start3A_171, %dma_start3A_177, %dma_start3A_178] : memref<32x8x128xf32, #tpu.memory_space<vmem>> -> memref<1x8x128xf32, #tpu.memory_space<vmem>>
    %dma_start3A_180 = tpu.memref_squeeze %dma_start3A_179 : memref<1x8x128xf32, #tpu.memory_space<vmem>> -> memref<8x128xf32, #tpu.memory_space<vmem>>
    %dma_start3A_181 = tpu.memref_slice %arg2[%multiple_of3A_167, %multiple_of3A_170] : memref<1024x100000xf32, #tpu.memory_space<hbm>> -> memref<8x128xf32, #tpu.memory_space<hbm>>
    tpu.enqueue_dma source(%dma_start3A_181 : memref<8x128xf32, #tpu.memory_space<hbm>>) target(%dma_start3A_180 : memref<8x128xf32, #tpu.memory_space<vmem>>) target_semaphore(%arg12 : memref<!tpu.dma_semaphore, #tpu.memory_space<semaphore_mem>>)
    %add3A_182 = arith.constant 0 : i32
    %add3A_183 = arith.addi %mul3A_2, %add3A_182 : i32
    %multiple_of3A_184 = tpu.assume_multiple %add3A_183, 8 : i32
    %slice3A_185 = vector.extract_strided_slice %min3A_81 {offsets = [6], sizes = [1], strides = [1]} : vector<16xi32> to vector<1xi32>
    %squeeze3A_186 = vector.extract %slice3A_185[0] : i32 from vector<1xi32>
    %multiple_of3A_187 = tpu.assume_multiple %squeeze3A_186, 128 : i32
    %dma_start3A_188 = arith.constant 6 : i32
    %dma_start3A_189 = arith.constant 0 : i32
    %dma_start3A_190 = arith.constant 0 : i32
    %dma_start3A_191 = tpu.memref_slice %arg8[%dma_start3A_188, %dma_start3A_189, %dma_start3A_190] : memref<32x8x128xf32, #tpu.memory_space<vmem>> -> memref<1x8x128xf32, #tpu.memory_space<vmem>>
    %dma_start3A_192 = tpu.memref_squeeze %dma_start3A_191 : memref<1x8x128xf32, #tpu.memory_space<vmem>> -> memref<8x128xf32, #tpu.memory_space<vmem>>
    %dma_start3A_193 = tpu.memref_slice %arg2[%multiple_of3A_184, %multiple_of3A_187] : memref<1024x100000xf32, #tpu.memory_space<hbm>> -> memref<8x128xf32, #tpu.memory_space<hbm>>
    %dma_start3A_194 = arith.constant 0 : i32
    %dma_start3A_195 = arith.constant 0 : i32
    %dma_start3A_196 = tpu.memref_slice %arg8[%dma_start3A_188, %dma_start3A_194, %dma_start3A_195] : memref<32x8x128xf32, #tpu.memory_space<vmem>> -> memref<1x8x128xf32, #tpu.memory_space<vmem>>
    %dma_start3A_197 = tpu.memref_squeeze %dma_start3A_196 : memref<1x8x128xf32, #tpu.memory_space<vmem>> -> memref<8x128xf32, #tpu.memory_space<vmem>>
    %dma_start3A_198 = tpu.memref_slice %arg2[%multiple_of3A_184, %multiple_of3A_187] : memref<1024x100000xf32, #tpu.memory_space<hbm>> -> memref<8x128xf32, #tpu.memory_space<hbm>>
    tpu.enqueue_dma source(%dma_start3A_198 : memref<8x128xf32, #tpu.memory_space<hbm>>) target(%dma_start3A_197 : memref<8x128xf32, #tpu.memory_space<vmem>>) target_semaphore(%arg12 : memref<!tpu.dma_semaphore, #tpu.memory_space<semaphore_mem>>)
    %add3A_199 = arith.constant 0 : i32
    %add3A_200 = arith.addi %mul3A_2, %add3A_199 : i32
    %multiple_of3A_201 = tpu.assume_multiple %add3A_200, 8 : i32
    %slice3A_202 = vector.extract_strided_slice %min3A_81 {offsets = [7], sizes = [1], strides = [1]} : vector<16xi32> to vector<1xi32>
    %squeeze3A_203 = vector.extract %slice3A_202[0] : i32 from vector<1xi32>
    %multiple_of3A_204 = tpu.assume_multiple %squeeze3A_203, 128 : i32
    %dma_start3A_205 = arith.constant 7 : i32
    %dma_start3A_206 = arith.constant 0 : i32
    %dma_start3A_207 = arith.constant 0 : i32
    %dma_start3A_208 = tpu.memref_slice %arg8[%dma_start3A_205, %dma_start3A_206, %dma_start3A_207] : memref<32x8x128xf32, #tpu.memory_space<vmem>> -> memref<1x8x128xf32, #tpu.memory_space<vmem>>
    %dma_start3A_209 = tpu.memref_squeeze %dma_start3A_208 : memref<1x8x128xf32, #tpu.memory_space<vmem>> -> memref<8x128xf32, #tpu.memory_space<vmem>>
    %dma_start3A_210 = tpu.memref_slice %arg2[%multiple_of3A_201, %multiple_of3A_204] : memref<1024x100000xf32, #tpu.memory_space<hbm>> -> memref<8x128xf32, #tpu.memory_space<hbm>>
    %dma_start3A_211 = arith.constant 0 : i32
    %dma_start3A_212 = arith.constant 0 : i32
    %dma_start3A_213 = tpu.memref_slice %arg8[%dma_start3A_205, %dma_start3A_211, %dma_start3A_212] : memref<32x8x128xf32, #tpu.memory_space<vmem>> -> memref<1x8x128xf32, #tpu.memory_space<vmem>>
    %dma_start3A_214 = tpu.memref_squeeze %dma_start3A_213 : memref<1x8x128xf32, #tpu.memory_space<vmem>> -> memref<8x128xf32, #tpu.memory_space<vmem>>
    %dma_start3A_215 = tpu.memref_slice %arg2[%multiple_of3A_201, %multiple_of3A_204] : memref<1024x100000xf32, #tpu.memory_space<hbm>> -> memref<8x128xf32, #tpu.memory_space<hbm>>
    tpu.enqueue_dma source(%dma_start3A_215 : memref<8x128xf32, #tpu.memory_space<hbm>>) target(%dma_start3A_214 : memref<8x128xf32, #tpu.memory_space<vmem>>) target_semaphore(%arg12 : memref<!tpu.dma_semaphore, #tpu.memory_space<semaphore_mem>>)
    %add3A_216 = arith.constant 8 : i32
    %add3A_217 = arith.addi %mul3A_2, %add3A_216 : i32
    %multiple_of3A_218 = tpu.assume_multiple %add3A_217, 8 : i32
    %slice3A_219 = vector.extract_strided_slice %min3A_81 {offsets = [8], sizes = [1], strides = [1]} : vector<16xi32> to vector<1xi32>
    %squeeze3A_220 = vector.extract %slice3A_219[0] : i32 from vector<1xi32>
    %multiple_of3A_221 = tpu.assume_multiple %squeeze3A_220, 128 : i32
    %dma_start3A_222 = arith.constant 8 : i32
    %dma_start3A_223 = arith.constant 0 : i32
    %dma_start3A_224 = arith.constant 0 : i32
    %dma_start3A_225 = tpu.memref_slice %arg8[%dma_start3A_222, %dma_start3A_223, %dma_start3A_224] : memref<32x8x128xf32, #tpu.memory_space<vmem>> -> memref<1x8x128xf32, #tpu.memory_space<vmem>>
    %dma_start3A_226 = tpu.memref_squeeze %dma_start3A_225 : memref<1x8x128xf32, #tpu.memory_space<vmem>> -> memref<8x128xf32, #tpu.memory_space<vmem>>
    %dma_start3A_227 = tpu.memref_slice %arg2[%multiple_of3A_218, %multiple_of3A_221] : memref<1024x100000xf32, #tpu.memory_space<hbm>> -> memref<8x128xf32, #tpu.memory_space<hbm>>
    %dma_start3A_228 = arith.constant 0 : i32
    %dma_start3A_229 = arith.constant 0 : i32
    %dma_start3A_230 = tpu.memref_slice %arg8[%dma_start3A_222, %dma_start3A_228, %dma_start3A_229] : memref<32x8x128xf32, #tpu.memory_space<vmem>> -> memref<1x8x128xf32, #tpu.memory_space<vmem>>
    %dma_start3A_231 = tpu.memref_squeeze %dma_start3A_230 : memref<1x8x128xf32, #tpu.memory_space<vmem>> -> memref<8x128xf32, #tpu.memory_space<vmem>>
    %dma_start3A_232 = tpu.memref_slice %arg2[%multiple_of3A_218, %multiple_of3A_221] : memref<1024x100000xf32, #tpu.memory_space<hbm>> -> memref<8x128xf32, #tpu.memory_space<hbm>>
    tpu.enqueue_dma source(%dma_start3A_232 : memref<8x128xf32, #tpu.memory_space<hbm>>) target(%dma_start3A_231 : memref<8x128xf32, #tpu.memory_space<vmem>>) target_semaphore(%arg12 : memref<!tpu.dma_semaphore, #tpu.memory_space<semaphore_mem>>)
    %add3A_233 = arith.constant 8 : i32
    %add3A_234 = arith.addi %mul3A_2, %add3A_233 : i32
    %multiple_of3A_235 = tpu.assume_multiple %add3A_234, 8 : i32
    %slice3A_236 = vector.extract_strided_slice %min3A_81 {offsets = [9], sizes = [1], strides = [1]} : vector<16xi32> to vector<1xi32>
    %squeeze3A_237 = vector.extract %slice3A_236[0] : i32 from vector<1xi32>
    %multiple_of3A_238 = tpu.assume_multiple %squeeze3A_237, 128 : i32
    %dma_start3A_239 = arith.constant 9 : i32
    %dma_start3A_240 = arith.constant 0 : i32
    %dma_start3A_241 = arith.constant 0 : i32
    %dma_start3A_242 = tpu.memref_slice %arg8[%dma_start3A_239, %dma_start3A_240, %dma_start3A_241] : memref<32x8x128xf32, #tpu.memory_space<vmem>> -> memref<1x8x128xf32, #tpu.memory_space<vmem>>
    %dma_start3A_243 = tpu.memref_squeeze %dma_start3A_242 : memref<1x8x128xf32, #tpu.memory_space<vmem>> -> memref<8x128xf32, #tpu.memory_space<vmem>>
    %dma_start3A_244 = tpu.memref_slice %arg2[%multiple_of3A_235, %multiple_of3A_238] : memref<1024x100000xf32, #tpu.memory_space<hbm>> -> memref<8x128xf32, #tpu.memory_space<hbm>>
    %dma_start3A_245 = arith.constant 0 : i32
    %dma_start3A_246 = arith.constant 0 : i32
    %dma_start3A_247 = tpu.memref_slice %arg8[%dma_start3A_239, %dma_start3A_245, %dma_start3A_246] : memref<32x8x128xf32, #tpu.memory_space<vmem>> -> memref<1x8x128xf32, #tpu.memory_space<vmem>>
    %dma_start3A_248 = tpu.memref_squeeze %dma_start3A_247 : memref<1x8x128xf32, #tpu.memory_space<vmem>> -> memref<8x128xf32, #tpu.memory_space<vmem>>
    %dma_start3A_249 = tpu.memref_slice %arg2[%multiple_of3A_235, %multiple_of3A_238] : memref<1024x100000xf32, #tpu.memory_space<hbm>> -> memref<8x128xf32, #tpu.memory_space<hbm>>
    tpu.enqueue_dma source(%dma_start3A_249 : memref<8x128xf32, #tpu.memory_space<hbm>>) target(%dma_start3A_248 : memref<8x128xf32, #tpu.memory_space<vmem>>) target_semaphore(%arg12 : memref<!tpu.dma_semaphore, #tpu.memory_space<semaphore_mem>>)
    %add3A_250 = arith.constant 8 : i32
    %add3A_251 = arith.addi %mul3A_2, %add3A_250 : i32
    %multiple_of3A_252 = tpu.assume_multiple %add3A_251, 8 : i32
    %slice3A_253 = vector.extract_strided_slice %min3A_81 {offsets = [10], sizes = [1], strides = [1]} : vector<16xi32> to vector<1xi32>
    %squeeze3A_254 = vector.extract %slice3A_253[0] : i32 from vector<1xi32>
    %multiple_of3A_255 = tpu.assume_multiple %squeeze3A_254, 128 : i32
    %dma_start3A_256 = arith.constant 10 : i32
    %dma_start3A_257 = arith.constant 0 : i32
    %dma_start3A_258 = arith.constant 0 : i32
    %dma_start3A_259 = tpu.memref_slice %arg8[%dma_start3A_256, %dma_start3A_257, %dma_start3A_258] : memref<32x8x128xf32, #tpu.memory_space<vmem>> -> memref<1x8x128xf32, #tpu.memory_space<vmem>>
    %dma_start3A_260 = tpu.memref_squeeze %dma_start3A_259 : memref<1x8x128xf32, #tpu.memory_space<vmem>> -> memref<8x128xf32, #tpu.memory_space<vmem>>
    %dma_start3A_261 = tpu.memref_slice %arg2[%multiple_of3A_252, %multiple_of3A_255] : memref<1024x100000xf32, #tpu.memory_space<hbm>> -> memref<8x128xf32, #tpu.memory_space<hbm>>
    %dma_start3A_262 = arith.constant 0 : i32
    %dma_start3A_263 = arith.constant 0 : i32
    %dma_start3A_264 = tpu.memref_slice %arg8[%dma_start3A_256, %dma_start3A_262, %dma_start3A_263] : memref<32x8x128xf32, #tpu.memory_space<vmem>> -> memref<1x8x128xf32, #tpu.memory_space<vmem>>
    %dma_start3A_265 = tpu.memref_squeeze %dma_start3A_264 : memref<1x8x128xf32, #tpu.memory_space<vmem>> -> memref<8x128xf32, #tpu.memory_space<vmem>>
    %dma_start3A_266 = tpu.memref_slice %arg2[%multiple_of3A_252, %multiple_of3A_255] : memref<1024x100000xf32, #tpu.memory_space<hbm>> -> memref<8x128xf32, #tpu.memory_space<hbm>>
    tpu.enqueue_dma source(%dma_start3A_266 : memref<8x128xf32, #tpu.memory_space<hbm>>) target(%dma_start3A_265 : memref<8x128xf32, #tpu.memory_space<vmem>>) target_semaphore(%arg12 : memref<!tpu.dma_semaphore, #tpu.memory_space<semaphore_mem>>)
    %add3A_267 = arith.constant 8 : i32
    %add3A_268 = arith.addi %mul3A_2, %add3A_267 : i32
    %multiple_of3A_269 = tpu.assume_multiple %add3A_268, 8 : i32
    %slice3A_270 = vector.extract_strided_slice %min3A_81 {offsets = [11], sizes = [1], strides = [1]} : vector<16xi32> to vector<1xi32>
    %squeeze3A_271 = vector.extract %slice3A_270[0] : i32 from vector<1xi32>
    %multiple_of3A_272 = tpu.assume_multiple %squeeze3A_271, 128 : i32
    %dma_start3A_273 = arith.constant 11 : i32
    %dma_start3A_274 = arith.constant 0 : i32
    %dma_start3A_275 = arith.constant 0 : i32
    %dma_start3A_276 = tpu.memref_slice %arg8[%dma_start3A_273, %dma_start3A_274, %dma_start3A_275] : memref<32x8x128xf32, #tpu.memory_space<vmem>> -> memref<1x8x128xf32, #tpu.memory_space<vmem>>
    %dma_start3A_277 = tpu.memref_squeeze %dma_start3A_276 : memref<1x8x128xf32, #tpu.memory_space<vmem>> -> memref<8x128xf32, #tpu.memory_space<vmem>>
    %dma_start3A_278 = tpu.memref_slice %arg2[%multiple_of3A_269, %multiple_of3A_272] : memref<1024x100000xf32, #tpu.memory_space<hbm>> -> memref<8x128xf32, #tpu.memory_space<hbm>>
    %dma_start3A_279 = arith.constant 0 : i32
    %dma_start3A_280 = arith.constant 0 : i32
    %dma_start3A_281 = tpu.memref_slice %arg8[%dma_start3A_273, %dma_start3A_279, %dma_start3A_280] : memref<32x8x128xf32, #tpu.memory_space<vmem>> -> memref<1x8x128xf32, #tpu.memory_space<vmem>>
    %dma_start3A_282 = tpu.memref_squeeze %dma_start3A_281 : memref<1x8x128xf32, #tpu.memory_space<vmem>> -> memref<8x128xf32, #tpu.memory_space<vmem>>
    %dma_start3A_283 = tpu.memref_slice %arg2[%multiple_of3A_269, %multiple_of3A_272] : memref<1024x100000xf32, #tpu.memory_space<hbm>> -> memref<8x128xf32, #tpu.memory_space<hbm>>
    tpu.enqueue_dma source(%dma_start3A_283 : memref<8x128xf32, #tpu.memory_space<hbm>>) target(%dma_start3A_282 : memref<8x128xf32, #tpu.memory_space<vmem>>) target_semaphore(%arg12 : memref<!tpu.dma_semaphore, #tpu.memory_space<semaphore_mem>>)
    %add3A_284 = arith.constant 8 : i32
    %add3A_285 = arith.addi %mul3A_2, %add3A_284 : i32
    %multiple_of3A_286 = tpu.assume_multiple %add3A_285, 8 : i32
    %slice3A_287 = vector.extract_strided_slice %min3A_81 {offsets = [12], sizes = [1], strides = [1]} : vector<16xi32> to vector<1xi32>
    %squeeze3A_288 = vector.extract %slice3A_287[0] : i32 from vector<1xi32>
    %multiple_of3A_289 = tpu.assume_multiple %squeeze3A_288, 128 : i32
    %dma_start3A_290 = arith.constant 12 : i32
    %dma_start3A_291 = arith.constant 0 : i32
    %dma_start3A_292 = arith.constant 0 : i32
    %dma_start3A_293 = tpu.memref_slice %arg8[%dma_start3A_290, %dma_start3A_291, %dma_start3A_292] : memref<32x8x128xf32, #tpu.memory_space<vmem>> -> memref<1x8x128xf32, #tpu.memory_space<vmem>>
    %dma_start3A_294 = tpu.memref_squeeze %dma_start3A_293 : memref<1x8x128xf32, #tpu.memory_space<vmem>> -> memref<8x128xf32, #tpu.memory_space<vmem>>
    %dma_start3A_295 = tpu.memref_slice %arg2[%multiple_of3A_286, %multiple_of3A_289] : memref<1024x100000xf32, #tpu.memory_space<hbm>> -> memref<8x128xf32, #tpu.memory_space<hbm>>
    %dma_start3A_296 = arith.constant 0 : i32
    %dma_start3A_297 = arith.constant 0 : i32
    %dma_start3A_298 = tpu.memref_slice %arg8[%dma_start3A_290, %dma_start3A_296, %dma_start3A_297] : memref<32x8x128xf32, #tpu.memory_space<vmem>> -> memref<1x8x128xf32, #tpu.memory_space<vmem>>
    %dma_start3A_299 = tpu.memref_squeeze %dma_start3A_298 : memref<1x8x128xf32, #tpu.memory_space<vmem>> -> memref<8x128xf32, #tpu.memory_space<vmem>>
    %dma_start3A_300 = tpu.memref_slice %arg2[%multiple_of3A_286, %multiple_of3A_289] : memref<1024x100000xf32, #tpu.memory_space<hbm>> -> memref<8x128xf32, #tpu.memory_space<hbm>>
    tpu.enqueue_dma source(%dma_start3A_300 : memref<8x128xf32, #tpu.memory_space<hbm>>) target(%dma_start3A_299 : memref<8x128xf32, #tpu.memory_space<vmem>>) target_semaphore(%arg12 : memref<!tpu.dma_semaphore, #tpu.memory_space<semaphore_mem>>)
    %add3A_301 = arith.constant 8 : i32
    %add3A_302 = arith.addi %mul3A_2, %add3A_301 : i32
    %multiple_of3A_303 = tpu.assume_multiple %add3A_302, 8 : i32
    %slice3A_304 = vector.extract_strided_slice %min3A_81 {offsets = [13], sizes = [1], strides = [1]} : vector<16xi32> to vector<1xi32>
    %squeeze3A_305 = vector.extract %slice3A_304[0] : i32 from vector<1xi32>
    %multiple_of3A_306 = tpu.assume_multiple %squeeze3A_305, 128 : i32
    %dma_start3A_307 = arith.constant 13 : i32
    %dma_start3A_308 = arith.constant 0 : i32
    %dma_start3A_309 = arith.constant 0 : i32
    %dma_start3A_310 = tpu.memref_slice %arg8[%dma_start3A_307, %dma_start3A_308, %dma_start3A_309] : memref<32x8x128xf32, #tpu.memory_space<vmem>> -> memref<1x8x128xf32, #tpu.memory_space<vmem>>
    %dma_start3A_311 = tpu.memref_squeeze %dma_start3A_310 : memref<1x8x128xf32, #tpu.memory_space<vmem>> -> memref<8x128xf32, #tpu.memory_space<vmem>>
    %dma_start3A_312 = tpu.memref_slice %arg2[%multiple_of3A_303, %multiple_of3A_306] : memref<1024x100000xf32, #tpu.memory_space<hbm>> -> memref<8x128xf32, #tpu.memory_space<hbm>>
    %dma_start3A_313 = arith.constant 0 : i32
    %dma_start3A_314 = arith.constant 0 : i32
    %dma_start3A_315 = tpu.memref_slice %arg8[%dma_start3A_307, %dma_start3A_313, %dma_start3A_314] : memref<32x8x128xf32, #tpu.memory_space<vmem>> -> memref<1x8x128xf32, #tpu.memory_space<vmem>>
    %dma_start3A_316 = tpu.memref_squeeze %dma_start3A_315 : memref<1x8x128xf32, #tpu.memory_space<vmem>> -> memref<8x128xf32, #tpu.memory_space<vmem>>
    %dma_start3A_317 = tpu.memref_slice %arg2[%multiple_of3A_303, %multiple_of3A_306] : memref<1024x100000xf32, #tpu.memory_space<hbm>> -> memref<8x128xf32, #tpu.memory_space<hbm>>
    tpu.enqueue_dma source(%dma_start3A_317 : memref<8x128xf32, #tpu.memory_space<hbm>>) target(%dma_start3A_316 : memref<8x128xf32, #tpu.memory_space<vmem>>) target_semaphore(%arg12 : memref<!tpu.dma_semaphore, #tpu.memory_space<semaphore_mem>>)
    %add3A_318 = arith.constant 8 : i32
    %add3A_319 = arith.addi %mul3A_2, %add3A_318 : i32
    %multiple_of3A_320 = tpu.assume_multiple %add3A_319, 8 : i32
    %slice3A_321 = vector.extract_strided_slice %min3A_81 {offsets = [14], sizes = [1], strides = [1]} : vector<16xi32> to vector<1xi32>
    %squeeze3A_322 = vector.extract %slice3A_321[0] : i32 from vector<1xi32>
    %multiple_of3A_323 = tpu.assume_multiple %squeeze3A_322, 128 : i32
    %dma_start3A_324 = arith.constant 14 : i32
    %dma_start3A_325 = arith.constant 0 : i32
    %dma_start3A_326 = arith.constant 0 : i32
    %dma_start3A_327 = tpu.memref_slice %arg8[%dma_start3A_324, %dma_start3A_325, %dma_start3A_326] : memref<32x8x128xf32, #tpu.memory_space<vmem>> -> memref<1x8x128xf32, #tpu.memory_space<vmem>>
    %dma_start3A_328 = tpu.memref_squeeze %dma_start3A_327 : memref<1x8x128xf32, #tpu.memory_space<vmem>> -> memref<8x128xf32, #tpu.memory_space<vmem>>
    %dma_start3A_329 = tpu.memref_slice %arg2[%multiple_of3A_320, %multiple_of3A_323] : memref<1024x100000xf32, #tpu.memory_space<hbm>> -> memref<8x128xf32, #tpu.memory_space<hbm>>
    %dma_start3A_330 = arith.constant 0 : i32
    %dma_start3A_331 = arith.constant 0 : i32
    %dma_start3A_332 = tpu.memref_slice %arg8[%dma_start3A_324, %dma_start3A_330, %dma_start3A_331] : memref<32x8x128xf32, #tpu.memory_space<vmem>> -> memref<1x8x128xf32, #tpu.memory_space<vmem>>
    %dma_start3A_333 = tpu.memref_squeeze %dma_start3A_332 : memref<1x8x128xf32, #tpu.memory_space<vmem>> -> memref<8x128xf32, #tpu.memory_space<vmem>>
    %dma_start3A_334 = tpu.memref_slice %arg2[%multiple_of3A_320, %multiple_of3A_323] : memref<1024x100000xf32, #tpu.memory_space<hbm>> -> memref<8x128xf32, #tpu.memory_space<hbm>>
    tpu.enqueue_dma source(%dma_start3A_334 : memref<8x128xf32, #tpu.memory_space<hbm>>) target(%dma_start3A_333 : memref<8x128xf32, #tpu.memory_space<vmem>>) target_semaphore(%arg12 : memref<!tpu.dma_semaphore, #tpu.memory_space<semaphore_mem>>)
    %add3A_335 = arith.constant 8 : i32
    %add3A_336 = arith.addi %mul3A_2, %add3A_335 : i32
    %multiple_of3A_337 = tpu.assume_multiple %add3A_336, 8 : i32
    %slice3A_338 = vector.extract_strided_slice %min3A_81 {offsets = [15], sizes = [1], strides = [1]} : vector<16xi32> to vector<1xi32>
    %squeeze3A_339 = vector.extract %slice3A_338[0] : i32 from vector<1xi32>
    %multiple_of3A_340 = tpu.assume_multiple %squeeze3A_339, 128 : i32
    %dma_start3A_341 = arith.constant 15 : i32
    %dma_start3A_342 = arith.constant 0 : i32
    %dma_start3A_343 = arith.constant 0 : i32
    %dma_start3A_344 = tpu.memref_slice %arg8[%dma_start3A_341, %dma_start3A_342, %dma_start3A_343] : memref<32x8x128xf32, #tpu.memory_space<vmem>> -> memref<1x8x128xf32, #tpu.memory_space<vmem>>
    %dma_start3A_345 = tpu.memref_squeeze %dma_start3A_344 : memref<1x8x128xf32, #tpu.memory_space<vmem>> -> memref<8x128xf32, #tpu.memory_space<vmem>>
    %dma_start3A_346 = tpu.memref_slice %arg2[%multiple_of3A_337, %multiple_of3A_340] : memref<1024x100000xf32, #tpu.memory_space<hbm>> -> memref<8x128xf32, #tpu.memory_space<hbm>>
    %dma_start3A_347 = arith.constant 0 : i32
    %dma_start3A_348 = arith.constant 0 : i32
    %dma_start3A_349 = tpu.memref_slice %arg8[%dma_start3A_341, %dma_start3A_347, %dma_start3A_348] : memref<32x8x128xf32, #tpu.memory_space<vmem>> -> memref<1x8x128xf32, #tpu.memory_space<vmem>>
    %dma_start3A_350 = tpu.memref_squeeze %dma_start3A_349 : memref<1x8x128xf32, #tpu.memory_space<vmem>> -> memref<8x128xf32, #tpu.memory_space<vmem>>
    %dma_start3A_351 = tpu.memref_slice %arg2[%multiple_of3A_337, %multiple_of3A_340] : memref<1024x100000xf32, #tpu.memory_space<hbm>> -> memref<8x128xf32, #tpu.memory_space<hbm>>
    tpu.enqueue_dma source(%dma_start3A_351 : memref<8x128xf32, #tpu.memory_space<hbm>>) target(%dma_start3A_350 : memref<8x128xf32, #tpu.memory_space<vmem>>) target_semaphore(%arg12 : memref<!tpu.dma_semaphore, #tpu.memory_space<semaphore_mem>>)
    %get3A_352 = arith.constant 16 : index
    %get3A_353 = tpu.vector_load %arg7[%get3A_352] {strides = array<i32>} : memref<32xi32, #tpu.memory_space<vmem>>, vector<16xi32>,
    %jit3A_354 = arith.constant 128 : i32
    %div3A_355 = vector.broadcast %jit3A_354 : i32 to vector<16xi32>
    %div3A_356 = arith.divsi %get3A_353, %div3A_355 : vector<16xi32>
    %sign3A_357 = arith.constant 0 : i32
    %sign3A_358 = vector.broadcast %sign3A_357 : i32 to vector<16xi32>
    %sign3A_359 = arith.cmpi sgt, %get3A_353, %sign3A_358 : vector<16xi32>
    %sign3A_360 = arith.extui %sign3A_359 : vector<16xi1> to vector<16xi32>
    %sign3A_361 = arith.constant 0 : i32
    %sign3A_362 = vector.broadcast %sign3A_361 : i32 to vector<16xi32>
    %sign3A_363 = arith.cmpi slt, %get3A_353, %sign3A_362 : vector<16xi32>
    %sign3A_364 = arith.extui %sign3A_363 : vector<16xi1> to vector<16xi32>
    %sign3A_365 = arith.subi %sign3A_360, %sign3A_364 : vector<16xi32>
    %sign3A_366 = arith.constant 0 : i32
    %sign3A_367 = arith.cmpi sgt, %jit3A_354, %sign3A_366 : i32
    %sign3A_368 = arith.extui %sign3A_367 : i1 to i32
    %sign3A_369 = arith.constant 0 : i32
    %sign3A_370 = arith.cmpi slt, %jit3A_354, %sign3A_369 : i32
    %sign3A_371 = arith.extui %sign3A_370 : i1 to i32
    %sign3A_372 = arith.subi %sign3A_368, %sign3A_371 : i32
    %ne3A_373 = vector.broadcast %sign3A_372 : i32 to vector<16xi32>
    %ne3A_374 = arith.cmpi ne, %sign3A_365, %ne3A_373 : vector<16xi32>
    %rem3A_375 = vector.broadcast %jit3A_354 : i32 to vector<16xi32>
    %rem3A_376 = arith.remsi %get3A_353, %rem3A_375 : vector<16xi32>
    %ne3A_377 = arith.constant 0 : i32
    %ne3A_378 = vector.broadcast %ne3A_377 : i32 to vector<16xi32>
    %ne3A_379 = arith.cmpi ne, %rem3A_376, %ne3A_378 : vector<16xi32>
    %and3A_380 = arith.andi %ne3A_374, %ne3A_379 : vector<16xi1>
    %sub3A_381 = arith.constant 1 : i32
    %sub3A_382 = vector.broadcast %sub3A_381 : i32 to vector<16xi32>
    %sub3A_383 = arith.subi %div3A_356, %sub3A_382 : vector<16xi32>
    %select_n3A_384 = arith.select %and3A_380, %sub3A_383, %div3A_356 : vector<16xi1>, vector<16xi32>
    %mul3A_385 = arith.constant 128 : i32
    %mul3A_386 = vector.broadcast %mul3A_385 : i32 to vector<16xi32>
    %mul3A_387 = arith.muli %select_n3A_384, %mul3A_386 : vector<16xi32>
    %min3A_388 = arith.constant 99840 : i32
    %min3A_389 = vector.broadcast %min3A_388 : i32 to vector<16xi32>
    %min3A_390 = arith.minsi %mul3A_387, %min3A_389 : vector<16xi32>
    %add3A_391 = arith.constant 16 : i32
    %add3A_392 = arith.addi %mul3A_2, %add3A_391 : i32
    %multiple_of3A_393 = tpu.assume_multiple %add3A_392, 8 : i32
    %slice3A_394 = vector.extract_strided_slice %min3A_390 {offsets = [0], sizes = [1], strides = [1]} : vector<16xi32> to vector<1xi32>
    %squeeze3A_395 = vector.extract %slice3A_394[0] : i32 from vector<1xi32>
    %multiple_of3A_396 = tpu.assume_multiple %squeeze3A_395, 128 : i32
    %dma_start3A_397 = arith.constant 16 : i32
    %dma_start3A_398 = arith.constant 0 : i32
    %dma_start3A_399 = arith.constant 0 : i32
    %dma_start3A_400 = tpu.memref_slice %arg8[%dma_start3A_397, %dma_start3A_398, %dma_start3A_399] : memref<32x8x128xf32, #tpu.memory_space<vmem>> -> memref<1x8x128xf32, #tpu.memory_space<vmem>>
    %dma_start3A_401 = tpu.memref_squeeze %dma_start3A_400 : memref<1x8x128xf32, #tpu.memory_space<vmem>> -> memref<8x128xf32, #tpu.memory_space<vmem>>
    %dma_start3A_402 = tpu.memref_slice %arg2[%multiple_of3A_393, %multiple_of3A_396] : memref<1024x100000xf32, #tpu.memory_space<hbm>> -> memref<8x128xf32, #tpu.memory_space<hbm>>
    %dma_start3A_403 = arith.constant 0 : i32
    %dma_start3A_404 = arith.constant 0 : i32
    %dma_start3A_405 = tpu.memref_slice %arg8[%dma_start3A_397, %dma_start3A_403, %dma_start3A_404] : memref<32x8x128xf32, #tpu.memory_space<vmem>> -> memref<1x8x128xf32, #tpu.memory_space<vmem>>
    %dma_start3A_406 = tpu.memref_squeeze %dma_start3A_405 : memref<1x8x128xf32, #tpu.memory_space<vmem>> -> memref<8x128xf32, #tpu.memory_space<vmem>>
    %dma_start3A_407 = tpu.memref_slice %arg2[%multiple_of3A_393, %multiple_of3A_396] : memref<1024x100000xf32, #tpu.memory_space<hbm>> -> memref<8x128xf32, #tpu.memory_space<hbm>>
    tpu.enqueue_dma source(%dma_start3A_407 : memref<8x128xf32, #tpu.memory_space<hbm>>) target(%dma_start3A_406 : memref<8x128xf32, #tpu.memory_space<vmem>>) target_semaphore(%arg12 : memref<!tpu.dma_semaphore, #tpu.memory_space<semaphore_mem>>)
    %add3A_408 = arith.constant 16 : i32
    %add3A_409 = arith.addi %mul3A_2, %add3A_408 : i32
    %multiple_of3A_410 = tpu.assume_multiple %add3A_409, 8 : i32
    %slice3A_411 = vector.extract_strided_slice %min3A_390 {offsets = [1], sizes = [1], strides = [1]} : vector<16xi32> to vector<1xi32>
    %squeeze3A_412 = vector.extract %slice3A_411[0] : i32 from vector<1xi32>
    %multiple_of3A_413 = tpu.assume_multiple %squeeze3A_412, 128 : i32
    %dma_start3A_414 = arith.constant 17 : i32
    %dma_start3A_415 = arith.constant 0 : i32
    %dma_start3A_416 = arith.constant 0 : i32
    %dma_start3A_417 = tpu.memref_slice %arg8[%dma_start3A_414, %dma_start3A_415, %dma_start3A_416] : memref<32x8x128xf32, #tpu.memory_space<vmem>> -> memref<1x8x128xf32, #tpu.memory_space<vmem>>
    %dma_start3A_418 = tpu.memref_squeeze %dma_start3A_417 : memref<1x8x128xf32, #tpu.memory_space<vmem>> -> memref<8x128xf32, #tpu.memory_space<vmem>>
    %dma_start3A_419 = tpu.memref_slice %arg2[%multiple_of3A_410, %multiple_of3A_413] : memref<1024x100000xf32, #tpu.memory_space<hbm>> -> memref<8x128xf32, #tpu.memory_space<hbm>>
    %dma_start3A_420 = arith.constant 0 : i32
    %dma_start3A_421 = arith.constant 0 : i32
    %dma_start3A_422 = tpu.memref_slice %arg8[%dma_start3A_414, %dma_start3A_420, %dma_start3A_421] : memref<32x8x128xf32, #tpu.memory_space<vmem>> -> memref<1x8x128xf32, #tpu.memory_space<vmem>>
    %dma_start3A_423 = tpu.memref_squeeze %dma_start3A_422 : memref<1x8x128xf32, #tpu.memory_space<vmem>> -> memref<8x128xf32, #tpu.memory_space<vmem>>
    %dma_start3A_424 = tpu.memref_slice %arg2[%multiple_of3A_410, %multiple_of3A_413] : memref<1024x100000xf32, #tpu.memory_space<hbm>> -> memref<8x128xf32, #tpu.memory_space<hbm>>
    tpu.enqueue_dma source(%dma_start3A_424 : memref<8x128xf32, #tpu.memory_space<hbm>>) target(%dma_start3A_423 : memref<8x128xf32, #tpu.memory_space<vmem>>) target_semaphore(%arg12 : memref<!tpu.dma_semaphore, #tpu.memory_space<semaphore_mem>>)
    %add3A_425 = arith.constant 16 : i32
    %add3A_426 = arith.addi %mul3A_2, %add3A_425 : i32
    %multiple_of3A_427 = tpu.assume_multiple %add3A_426, 8 : i32
    %slice3A_428 = vector.extract_strided_slice %min3A_390 {offsets = [2], sizes = [1], strides = [1]} : vector<16xi32> to vector<1xi32>
    %squeeze3A_429 = vector.extract %slice3A_428[0] : i32 from vector<1xi32>
    %multiple_of3A_430 = tpu.assume_multiple %squeeze3A_429, 128 : i32
    %dma_start3A_431 = arith.constant 18 : i32
    %dma_start3A_432 = arith.constant 0 : i32
    %dma_start3A_433 = arith.constant 0 : i32
    %dma_start3A_434 = tpu.memref_slice %arg8[%dma_start3A_431, %dma_start3A_432, %dma_start3A_433] : memref<32x8x128xf32, #tpu.memory_space<vmem>> -> memref<1x8x128xf32, #tpu.memory_space<vmem>>
    %dma_start3A_435 = tpu.memref_squeeze %dma_start3A_434 : memref<1x8x128xf32, #tpu.memory_space<vmem>> -> memref<8x128xf32, #tpu.memory_space<vmem>>
    %dma_start3A_436 = tpu.memref_slice %arg2[%multiple_of3A_427, %multiple_of3A_430] : memref<1024x100000xf32, #tpu.memory_space<hbm>> -> memref<8x128xf32, #tpu.memory_space<hbm>>
    %dma_start3A_437 = arith.constant 0 : i32
    %dma_start3A_438 = arith.constant 0 : i32
    %dma_start3A_439 = tpu.memref_slice %arg8[%dma_start3A_431, %dma_start3A_437, %dma_start3A_438] : memref<32x8x128xf32, #tpu.memory_space<vmem>> -> memref<1x8x128xf32, #tpu.memory_space<vmem>>
    %dma_start3A_440 = tpu.memref_squeeze %dma_start3A_439 : memref<1x8x128xf32, #tpu.memory_space<vmem>> -> memref<8x128xf32, #tpu.memory_space<vmem>>
    %dma_start3A_441 = tpu.memref_slice %arg2[%multiple_of3A_427, %multiple_of3A_430] : memref<1024x100000xf32, #tpu.memory_space<hbm>> -> memref<8x128xf32, #tpu.memory_space<hbm>>
    tpu.enqueue_dma source(%dma_start3A_441 : memref<8x128xf32, #tpu.memory_space<hbm>>) target(%dma_start3A_440 : memref<8x128xf32, #tpu.memory_space<vmem>>) target_semaphore(%arg12 : memref<!tpu.dma_semaphore, #tpu.memory_space<semaphore_mem>>)
    %add3A_442 = arith.constant 16 : i32
    %add3A_443 = arith.addi %mul3A_2, %add3A_442 : i32
    %multiple_of3A_444 = tpu.assume_multiple %add3A_443, 8 : i32
    %slice3A_445 = vector.extract_strided_slice %min3A_390 {offsets = [3], sizes = [1], strides = [1]} : vector<16xi32> to vector<1xi32>
    %squeeze3A_446 = vector.extract %slice3A_445[0] : i32 from vector<1xi32>
    %multiple_of3A_447 = tpu.assume_multiple %squeeze3A_446, 128 : i32
    %dma_start3A_448 = arith.constant 19 : i32
    %dma_start3A_449 = arith.constant 0 : i32
    %dma_start3A_450 = arith.constant 0 : i32
    %dma_start3A_451 = tpu.memref_slice %arg8[%dma_start3A_448, %dma_start3A_449, %dma_start3A_450] : memref<32x8x128xf32, #tpu.memory_space<vmem>> -> memref<1x8x128xf32, #tpu.memory_space<vmem>>
    %dma_start3A_452 = tpu.memref_squeeze %dma_start3A_451 : memref<1x8x128xf32, #tpu.memory_space<vmem>> -> memref<8x128xf32, #tpu.memory_space<vmem>>
    %dma_start3A_453 = tpu.memref_slice %arg2[%multiple_of3A_444, %multiple_of3A_447] : memref<1024x100000xf32, #tpu.memory_space<hbm>> -> memref<8x128xf32, #tpu.memory_space<hbm>>
    %dma_start3A_454 = arith.constant 0 : i32
    %dma_start3A_455 = arith.constant 0 : i32
    %dma_start3A_456 = tpu.memref_slice %arg8[%dma_start3A_448, %dma_start3A_454, %dma_start3A_455] : memref<32x8x128xf32, #tpu.memory_space<vmem>> -> memref<1x8x128xf32, #tpu.memory_space<vmem>>
    %dma_start3A_457 = tpu.memref_squeeze %dma_start3A_456 : memref<1x8x128xf32, #tpu.memory_space<vmem>> -> memref<8x128xf32, #tpu.memory_space<vmem>>
    %dma_start3A_458 = tpu.memref_slice %arg2[%multiple_of3A_444, %multiple_of3A_447] : memref<1024x100000xf32, #tpu.memory_space<hbm>> -> memref<8x128xf32, #tpu.memory_space<hbm>>
    tpu.enqueue_dma source(%dma_start3A_458 : memref<8x128xf32, #tpu.memory_space<hbm>>) target(%dma_start3A_457 : memref<8x128xf32, #tpu.memory_space<vmem>>) target_semaphore(%arg12 : memref<!tpu.dma_semaphore, #tpu.memory_space<semaphore_mem>>)
    %add3A_459 = arith.constant 16 : i32
    %add3A_460 = arith.addi %mul3A_2, %add3A_459 : i32
    %multiple_of3A_461 = tpu.assume_multiple %add3A_460, 8 : i32
    %slice3A_462 = vector.extract_strided_slice %min3A_390 {offsets = [4], sizes = [1], strides = [1]} : vector<16xi32> to vector<1xi32>
    %squeeze3A_463 = vector.extract %slice3A_462[0] : i32 from vector<1xi32>
    %multiple_of3A_464 = tpu.assume_multiple %squeeze3A_463, 128 : i32
    %dma_start3A_465 = arith.constant 20 : i32
    %dma_start3A_466 = arith.constant 0 : i32
    %dma_start3A_467 = arith.constant 0 : i32
    %dma_start3A_468 = tpu.memref_slice %arg8[%dma_start3A_465, %dma_start3A_466, %dma_start3A_467] : memref<32x8x128xf32, #tpu.memory_space<vmem>> -> memref<1x8x128xf32, #tpu.memory_space<vmem>>
    %dma_start3A_469 = tpu.memref_squeeze %dma_start3A_468 : memref<1x8x128xf32, #tpu.memory_space<vmem>> -> memref<8x128xf32, #tpu.memory_space<vmem>>
    %dma_start3A_470 = tpu.memref_slice %arg2[%multiple_of3A_461, %multiple_of3A_464] : memref<1024x100000xf32, #tpu.memory_space<hbm>> -> memref<8x128xf32, #tpu.memory_space<hbm>>
    %dma_start3A_471 = arith.constant 0 : i32
    %dma_start3A_472 = arith.constant 0 : i32
    %dma_start3A_473 = tpu.memref_slice %arg8[%dma_start3A_465, %dma_start3A_471, %dma_start3A_472] : memref<32x8x128xf32, #tpu.memory_space<vmem>> -> memref<1x8x128xf32, #tpu.memory_space<vmem>>
    %dma_start3A_474 = tpu.memref_squeeze %dma_start3A_473 : memref<1x8x128xf32, #tpu.memory_space<vmem>> -> memref<8x128xf32, #tpu.memory_space<vmem>>
    %dma_start3A_475 = tpu.memref_slice %arg2[%multiple_of3A_461, %multiple_of3A_464] : memref<1024x100000xf32, #tpu.memory_space<hbm>> -> memref<8x128xf32, #tpu.memory_space<hbm>>
    tpu.enqueue_dma source(%dma_start3A_475 : memref<8x128xf32, #tpu.memory_space<hbm>>) target(%dma_start3A_474 : memref<8x128xf32, #tpu.memory_space<vmem>>) target_semaphore(%arg12 : memref<!tpu.dma_semaphore, #tpu.memory_space<semaphore_mem>>)
    %add3A_476 = arith.constant 16 : i32
    %add3A_477 = arith.addi %mul3A_2, %add3A_476 : i32
    %multiple_of3A_478 = tpu.assume_multiple %add3A_477, 8 : i32
    %slice3A_479 = vector.extract_strided_slice %min3A_390 {offsets = [5], sizes = [1], strides = [1]} : vector<16xi32> to vector<1xi32>
    %squeeze3A_480 = vector.extract %slice3A_479[0] : i32 from vector<1xi32>
    %multiple_of3A_481 = tpu.assume_multiple %squeeze3A_480, 128 : i32
    %dma_start3A_482 = arith.constant 21 : i32
    %dma_start3A_483 = arith.constant 0 : i32
    %dma_start3A_484 = arith.constant 0 : i32
    %dma_start3A_485 = tpu.memref_slice %arg8[%dma_start3A_482, %dma_start3A_483, %dma_start3A_484] : memref<32x8x128xf32, #tpu.memory_space<vmem>> -> memref<1x8x128xf32, #tpu.memory_space<vmem>>
    %dma_start3A_486 = tpu.memref_squeeze %dma_start3A_485 : memref<1x8x128xf32, #tpu.memory_space<vmem>> -> memref<8x128xf32, #tpu.memory_space<vmem>>
    %dma_start3A_487 = tpu.memref_slice %arg2[%multiple_of3A_478, %multiple_of3A_481] : memref<1024x100000xf32, #tpu.memory_space<hbm>> -> memref<8x128xf32, #tpu.memory_space<hbm>>
    %dma_start3A_488 = arith.constant 0 : i32
    %dma_start3A_489 = arith.constant 0 : i32
    %dma_start3A_490 = tpu.memref_slice %arg8[%dma_start3A_482, %dma_start3A_488, %dma_start3A_489] : memref<32x8x128xf32, #tpu.memory_space<vmem>> -> memref<1x8x128xf32, #tpu.memory_space<vmem>>
    %dma_start3A_491 = tpu.memref_squeeze %dma_start3A_490 : memref<1x8x128xf32, #tpu.memory_space<vmem>> -> memref<8x128xf32, #tpu.memory_space<vmem>>
    %dma_start3A_492 = tpu.memref_slice %arg2[%multiple_of3A_478, %multiple_of3A_481] : memref<1024x100000xf32, #tpu.memory_space<hbm>> -> memref<8x128xf32, #tpu.memory_space<hbm>>
    tpu.enqueue_dma source(%dma_start3A_492 : memref<8x128xf32, #tpu.memory_space<hbm>>) target(%dma_start3A_491 : memref<8x128xf32, #tpu.memory_space<vmem>>) target_semaphore(%arg12 : memref<!tpu.dma_semaphore, #tpu.memory_space<semaphore_mem>>)
    %add3A_493 = arith.constant 16 : i32
    %add3A_494 = arith.addi %mul3A_2, %add3A_493 : i32
    %multiple_of3A_495 = tpu.assume_multiple %add3A_494, 8 : i32
    %slice3A_496 = vector.extract_strided_slice %min3A_390 {offsets = [6], sizes = [1], strides = [1]} : vector<16xi32> to vector<1xi32>
    %squeeze3A_497 = vector.extract %slice3A_496[0] : i32 from vector<1xi32>
    %multiple_of3A_498 = tpu.assume_multiple %squeeze3A_497, 128 : i32
    %dma_start3A_499 = arith.constant 22 : i32
    %dma_start3A_500 = arith.constant 0 : i32
    %dma_start3A_501 = arith.constant 0 : i32
    %dma_start3A_502 = tpu.memref_slice %arg8[%dma_start3A_499, %dma_start3A_500, %dma_start3A_501] : memref<32x8x128xf32, #tpu.memory_space<vmem>> -> memref<1x8x128xf32, #tpu.memory_space<vmem>>
    %dma_start3A_503 = tpu.memref_squeeze %dma_start3A_502 : memref<1x8x128xf32, #tpu.memory_space<vmem>> -> memref<8x128xf32, #tpu.memory_space<vmem>>
    %dma_start3A_504 = tpu.memref_slice %arg2[%multiple_of3A_495, %multiple_of3A_498] : memref<1024x100000xf32, #tpu.memory_space<hbm>> -> memref<8x128xf32, #tpu.memory_space<hbm>>
    %dma_start3A_505 = arith.constant 0 : i32
    %dma_start3A_506 = arith.constant 0 : i32
    %dma_start3A_507 = tpu.memref_slice %arg8[%dma_start3A_499, %dma_start3A_505, %dma_start3A_506] : memref<32x8x128xf32, #tpu.memory_space<vmem>> -> memref<1x8x128xf32, #tpu.memory_space<vmem>>
    %dma_start3A_508 = tpu.memref_squeeze %dma_start3A_507 : memref<1x8x128xf32, #tpu.memory_space<vmem>> -> memref<8x128xf32, #tpu.memory_space<vmem>>
    %dma_start3A_509 = tpu.memref_slice %arg2[%multiple_of3A_495, %multiple_of3A_498] : memref<1024x100000xf32, #tpu.memory_space<hbm>> -> memref<8x128xf32, #tpu.memory_space<hbm>>
    tpu.enqueue_dma source(%dma_start3A_509 : memref<8x128xf32, #tpu.memory_space<hbm>>) target(%dma_start3A_508 : memref<8x128xf32, #tpu.memory_space<vmem>>) target_semaphore(%arg12 : memref<!tpu.dma_semaphore, #tpu.memory_space<semaphore_mem>>)
    %add3A_510 = arith.constant 16 : i32
    %add3A_511 = arith.addi %mul3A_2, %add3A_510 : i32
    %multiple_of3A_512 = tpu.assume_multiple %add3A_511, 8 : i32
    %slice3A_513 = vector.extract_strided_slice %min3A_390 {offsets = [7], sizes = [1], strides = [1]} : vector<16xi32> to vector<1xi32>
    %squeeze3A_514 = vector.extract %slice3A_513[0] : i32 from vector<1xi32>
    %multiple_of3A_515 = tpu.assume_multiple %squeeze3A_514, 128 : i32
    %dma_start3A_516 = arith.constant 23 : i32
    %dma_start3A_517 = arith.constant 0 : i32
    %dma_start3A_518 = arith.constant 0 : i32
    %dma_start3A_519 = tpu.memref_slice %arg8[%dma_start3A_516, %dma_start3A_517, %dma_start3A_518] : memref<32x8x128xf32, #tpu.memory_space<vmem>> -> memref<1x8x128xf32, #tpu.memory_space<vmem>>
    %dma_start3A_520 = tpu.memref_squeeze %dma_start3A_519 : memref<1x8x128xf32, #tpu.memory_space<vmem>> -> memref<8x128xf32, #tpu.memory_space<vmem>>
    %dma_start3A_521 = tpu.memref_slice %arg2[%multiple_of3A_512, %multiple_of3A_515] : memref<1024x100000xf32, #tpu.memory_space<hbm>> -> memref<8x128xf32, #tpu.memory_space<hbm>>
    %dma_start3A_522 = arith.constant 0 : i32
    %dma_start3A_523 = arith.constant 0 : i32
    %dma_start3A_524 = tpu.memref_slice %arg8[%dma_start3A_516, %dma_start3A_522, %dma_start3A_523] : memref<32x8x128xf32, #tpu.memory_space<vmem>> -> memref<1x8x128xf32, #tpu.memory_space<vmem>>
    %dma_start3A_525 = tpu.memref_squeeze %dma_start3A_524 : memref<1x8x128xf32, #tpu.memory_space<vmem>> -> memref<8x128xf32, #tpu.memory_space<vmem>>
    %dma_start3A_526 = tpu.memref_slice %arg2[%multiple_of3A_512, %multiple_of3A_515] : memref<1024x100000xf32, #tpu.memory_space<hbm>> -> memref<8x128xf32, #tpu.memory_space<hbm>>
    tpu.enqueue_dma source(%dma_start3A_526 : memref<8x128xf32, #tpu.memory_space<hbm>>) target(%dma_start3A_525 : memref<8x128xf32, #tpu.memory_space<vmem>>) target_semaphore(%arg12 : memref<!tpu.dma_semaphore, #tpu.memory_space<semaphore_mem>>)
    %add3A_527 = arith.constant 24 : i32
    %add3A_528 = arith.addi %mul3A_2, %add3A_527 : i32
    %multiple_of3A_529 = tpu.assume_multiple %add3A_528, 8 : i32
    %slice3A_530 = vector.extract_strided_slice %min3A_390 {offsets = [8], sizes = [1], strides = [1]} : vector<16xi32> to vector<1xi32>
    %squeeze3A_531 = vector.extract %slice3A_530[0] : i32 from vector<1xi32>
    %multiple_of3A_532 = tpu.assume_multiple %squeeze3A_531, 128 : i32
    %dma_start3A_533 = arith.constant 24 : i32
    %dma_start3A_534 = arith.constant 0 : i32
    %dma_start3A_535 = arith.constant 0 : i32
    %dma_start3A_536 = tpu.memref_slice %arg8[%dma_start3A_533, %dma_start3A_534, %dma_start3A_535] : memref<32x8x128xf32, #tpu.memory_space<vmem>> -> memref<1x8x128xf32, #tpu.memory_space<vmem>>
    %dma_start3A_537 = tpu.memref_squeeze %dma_start3A_536 : memref<1x8x128xf32, #tpu.memory_space<vmem>> -> memref<8x128xf32, #tpu.memory_space<vmem>>
    %dma_start3A_538 = tpu.memref_slice %arg2[%multiple_of3A_529, %multiple_of3A_532] : memref<1024x100000xf32, #tpu.memory_space<hbm>> -> memref<8x128xf32, #tpu.memory_space<hbm>>
    %dma_start3A_539 = arith.constant 0 : i32
    %dma_start3A_540 = arith.constant 0 : i32
    %dma_start3A_541 = tpu.memref_slice %arg8[%dma_start3A_533, %dma_start3A_539, %dma_start3A_540] : memref<32x8x128xf32, #tpu.memory_space<vmem>> -> memref<1x8x128xf32, #tpu.memory_space<vmem>>
    %dma_start3A_542 = tpu.memref_squeeze %dma_start3A_541 : memref<1x8x128xf32, #tpu.memory_space<vmem>> -> memref<8x128xf32, #tpu.memory_space<vmem>>
    %dma_start3A_543 = tpu.memref_slice %arg2[%multiple_of3A_529, %multiple_of3A_532] : memref<1024x100000xf32, #tpu.memory_space<hbm>> -> memref<8x128xf32, #tpu.memory_space<hbm>>
    tpu.enqueue_dma source(%dma_start3A_543 : memref<8x128xf32, #tpu.memory_space<hbm>>) target(%dma_start3A_542 : memref<8x128xf32, #tpu.memory_space<vmem>>) target_semaphore(%arg12 : memref<!tpu.dma_semaphore, #tpu.memory_space<semaphore_mem>>)
    %add3A_544 = arith.constant 24 : i32
    %add3A_545 = arith.addi %mul3A_2, %add3A_544 : i32
    %multiple_of3A_546 = tpu.assume_multiple %add3A_545, 8 : i32
    %slice3A_547 = vector.extract_strided_slice %min3A_390 {offsets = [9], sizes = [1], strides = [1]} : vector<16xi32> to vector<1xi32>
    %squeeze3A_548 = vector.extract %slice3A_547[0] : i32 from vector<1xi32>
    %multiple_of3A_549 = tpu.assume_multiple %squeeze3A_548, 128 : i32
    %dma_start3A_550 = arith.constant 25 : i32
    %dma_start3A_551 = arith.constant 0 : i32
    %dma_start3A_552 = arith.constant 0 : i32
    %dma_start3A_553 = tpu.memref_slice %arg8[%dma_start3A_550, %dma_start3A_551, %dma_start3A_552] : memref<32x8x128xf32, #tpu.memory_space<vmem>> -> memref<1x8x128xf32, #tpu.memory_space<vmem>>
    %dma_start3A_554 = tpu.memref_squeeze %dma_start3A_553 : memref<1x8x128xf32, #tpu.memory_space<vmem>> -> memref<8x128xf32, #tpu.memory_space<vmem>>
    %dma_start3A_555 = tpu.memref_slice %arg2[%multiple_of3A_546, %multiple_of3A_549] : memref<1024x100000xf32, #tpu.memory_space<hbm>> -> memref<8x128xf32, #tpu.memory_space<hbm>>
    %dma_start3A_556 = arith.constant 0 : i32
    %dma_start3A_557 = arith.constant 0 : i32
    %dma_start3A_558 = tpu.memref_slice %arg8[%dma_start3A_550, %dma_start3A_556, %dma_start3A_557] : memref<32x8x128xf32, #tpu.memory_space<vmem>> -> memref<1x8x128xf32, #tpu.memory_space<vmem>>
    %dma_start3A_559 = tpu.memref_squeeze %dma_start3A_558 : memref<1x8x128xf32, #tpu.memory_space<vmem>> -> memref<8x128xf32, #tpu.memory_space<vmem>>
    %dma_start3A_560 = tpu.memref_slice %arg2[%multiple_of3A_546, %multiple_of3A_549] : memref<1024x100000xf32, #tpu.memory_space<hbm>> -> memref<8x128xf32, #tpu.memory_space<hbm>>
    tpu.enqueue_dma source(%dma_start3A_560 : memref<8x128xf32, #tpu.memory_space<hbm>>) target(%dma_start3A_559 : memref<8x128xf32, #tpu.memory_space<vmem>>) target_semaphore(%arg12 : memref<!tpu.dma_semaphore, #tpu.memory_space<semaphore_mem>>)
    %add3A_561 = arith.constant 24 : i32
    %add3A_562 = arith.addi %mul3A_2, %add3A_561 : i32
    %multiple_of3A_563 = tpu.assume_multiple %add3A_562, 8 : i32
    %slice3A_564 = vector.extract_strided_slice %min3A_390 {offsets = [10], sizes = [1], strides = [1]} : vector<16xi32> to vector<1xi32>
    %squeeze3A_565 = vector.extract %slice3A_564[0] : i32 from vector<1xi32>
    %multiple_of3A_566 = tpu.assume_multiple %squeeze3A_565, 128 : i32
    %dma_start3A_567 = arith.constant 26 : i32
    %dma_start3A_568 = arith.constant 0 : i32
    %dma_start3A_569 = arith.constant 0 : i32
    %dma_start3A_570 = tpu.memref_slice %arg8[%dma_start3A_567, %dma_start3A_568, %dma_start3A_569] : memref<32x8x128xf32, #tpu.memory_space<vmem>> -> memref<1x8x128xf32, #tpu.memory_space<vmem>>
    %dma_start3A_571 = tpu.memref_squeeze %dma_start3A_570 : memref<1x8x128xf32, #tpu.memory_space<vmem>> -> memref<8x128xf32, #tpu.memory_space<vmem>>
    %dma_start3A_572 = tpu.memref_slice %arg2[%multiple_of3A_563, %multiple_of3A_566] : memref<1024x100000xf32, #tpu.memory_space<hbm>> -> memref<8x128xf32, #tpu.memory_space<hbm>>
    %dma_start3A_573 = arith.constant 0 : i32
    %dma_start3A_574 = arith.constant 0 : i32
    %dma_start3A_575 = tpu.memref_slice %arg8[%dma_start3A_567, %dma_start3A_573, %dma_start3A_574] : memref<32x8x128xf32, #tpu.memory_space<vmem>> -> memref<1x8x128xf32, #tpu.memory_space<vmem>>
    %dma_start3A_576 = tpu.memref_squeeze %dma_start3A_575 : memref<1x8x128xf32, #tpu.memory_space<vmem>> -> memref<8x128xf32, #tpu.memory_space<vmem>>
    %dma_start3A_577 = tpu.memref_slice %arg2[%multiple_of3A_563, %multiple_of3A_566] : memref<1024x100000xf32, #tpu.memory_space<hbm>> -> memref<8x128xf32, #tpu.memory_space<hbm>>
    tpu.enqueue_dma source(%dma_start3A_577 : memref<8x128xf32, #tpu.memory_space<hbm>>) target(%dma_start3A_576 : memref<8x128xf32, #tpu.memory_space<vmem>>) target_semaphore(%arg12 : memref<!tpu.dma_semaphore, #tpu.memory_space<semaphore_mem>>)
    %add3A_578 = arith.constant 24 : i32
    %add3A_579 = arith.addi %mul3A_2, %add3A_578 : i32
    %multiple_of3A_580 = tpu.assume_multiple %add3A_579, 8 : i32
    %slice3A_581 = vector.extract_strided_slice %min3A_390 {offsets = [11], sizes = [1], strides = [1]} : vector<16xi32> to vector<1xi32>
    %squeeze3A_582 = vector.extract %slice3A_581[0] : i32 from vector<1xi32>
    %multiple_of3A_583 = tpu.assume_multiple %squeeze3A_582, 128 : i32
    %dma_start3A_584 = arith.constant 27 : i32
    %dma_start3A_585 = arith.constant 0 : i32
    %dma_start3A_586 = arith.constant 0 : i32
    %dma_start3A_587 = tpu.memref_slice %arg8[%dma_start3A_584, %dma_start3A_585, %dma_start3A_586] : memref<32x8x128xf32, #tpu.memory_space<vmem>> -> memref<1x8x128xf32, #tpu.memory_space<vmem>>
    %dma_start3A_588 = tpu.memref_squeeze %dma_start3A_587 : memref<1x8x128xf32, #tpu.memory_space<vmem>> -> memref<8x128xf32, #tpu.memory_space<vmem>>
    %dma_start3A_589 = tpu.memref_slice %arg2[%multiple_of3A_580, %multiple_of3A_583] : memref<1024x100000xf32, #tpu.memory_space<hbm>> -> memref<8x128xf32, #tpu.memory_space<hbm>>
    %dma_start3A_590 = arith.constant 0 : i32
    %dma_start3A_591 = arith.constant 0 : i32
    %dma_start3A_592 = tpu.memref_slice %arg8[%dma_start3A_584, %dma_start3A_590, %dma_start3A_591] : memref<32x8x128xf32, #tpu.memory_space<vmem>> -> memref<1x8x128xf32, #tpu.memory_space<vmem>>
    %dma_start3A_593 = tpu.memref_squeeze %dma_start3A_592 : memref<1x8x128xf32, #tpu.memory_space<vmem>> -> memref<8x128xf32, #tpu.memory_space<vmem>>
    %dma_start3A_594 = tpu.memref_slice %arg2[%multiple_of3A_580, %multiple_of3A_583] : memref<1024x100000xf32, #tpu.memory_space<hbm>> -> memref<8x128xf32, #tpu.memory_space<hbm>>
    tpu.enqueue_dma source(%dma_start3A_594 : memref<8x128xf32, #tpu.memory_space<hbm>>) target(%dma_start3A_593 : memref<8x128xf32, #tpu.memory_space<vmem>>) target_semaphore(%arg12 : memref<!tpu.dma_semaphore, #tpu.memory_space<semaphore_mem>>)
    %add3A_595 = arith.constant 24 : i32
    %add3A_596 = arith.addi %mul3A_2, %add3A_595 : i32
    %multiple_of3A_597 = tpu.assume_multiple %add3A_596, 8 : i32
    %slice3A_598 = vector.extract_strided_slice %min3A_390 {offsets = [12], sizes = [1], strides = [1]} : vector<16xi32> to vector<1xi32>
    %squeeze3A_599 = vector.extract %slice3A_598[0] : i32 from vector<1xi32>
    %multiple_of3A_600 = tpu.assume_multiple %squeeze3A_599, 128 : i32
    %dma_start3A_601 = arith.constant 28 : i32
    %dma_start3A_602 = arith.constant 0 : i32
    %dma_start3A_603 = arith.constant 0 : i32
    %dma_start3A_604 = tpu.memref_slice %arg8[%dma_start3A_601, %dma_start3A_602, %dma_start3A_603] : memref<32x8x128xf32, #tpu.memory_space<vmem>> -> memref<1x8x128xf32, #tpu.memory_space<vmem>>
    %dma_start3A_605 = tpu.memref_squeeze %dma_start3A_604 : memref<1x8x128xf32, #tpu.memory_space<vmem>> -> memref<8x128xf32, #tpu.memory_space<vmem>>
    %dma_start3A_606 = tpu.memref_slice %arg2[%multiple_of3A_597, %multiple_of3A_600] : memref<1024x100000xf32, #tpu.memory_space<hbm>> -> memref<8x128xf32, #tpu.memory_space<hbm>>
    %dma_start3A_607 = arith.constant 0 : i32
    %dma_start3A_608 = arith.constant 0 : i32
    %dma_start3A_609 = tpu.memref_slice %arg8[%dma_start3A_601, %dma_start3A_607, %dma_start3A_608] : memref<32x8x128xf32, #tpu.memory_space<vmem>> -> memref<1x8x128xf32, #tpu.memory_space<vmem>>
    %dma_start3A_610 = tpu.memref_squeeze %dma_start3A_609 : memref<1x8x128xf32, #tpu.memory_space<vmem>> -> memref<8x128xf32, #tpu.memory_space<vmem>>
    %dma_start3A_611 = tpu.memref_slice %arg2[%multiple_of3A_597, %multiple_of3A_600] : memref<1024x100000xf32, #tpu.memory_space<hbm>> -> memref<8x128xf32, #tpu.memory_space<hbm>>
    tpu.enqueue_dma source(%dma_start3A_611 : memref<8x128xf32, #tpu.memory_space<hbm>>) target(%dma_start3A_610 : memref<8x128xf32, #tpu.memory_space<vmem>>) target_semaphore(%arg12 : memref<!tpu.dma_semaphore, #tpu.memory_space<semaphore_mem>>)
    %add3A_612 = arith.constant 24 : i32
    %add3A_613 = arith.addi %mul3A_2, %add3A_612 : i32
    %multiple_of3A_614 = tpu.assume_multiple %add3A_613, 8 : i32
    %slice3A_615 = vector.extract_strided_slice %min3A_390 {offsets = [13], sizes = [1], strides = [1]} : vector<16xi32> to vector<1xi32>
    %squeeze3A_616 = vector.extract %slice3A_615[0] : i32 from vector<1xi32>
    %multiple_of3A_617 = tpu.assume_multiple %squeeze3A_616, 128 : i32
    %dma_start3A_618 = arith.constant 29 : i32
    %dma_start3A_619 = arith.constant 0 : i32
    %dma_start3A_620 = arith.constant 0 : i32
    %dma_start3A_621 = tpu.memref_slice %arg8[%dma_start3A_618, %dma_start3A_619, %dma_start3A_620] : memref<32x8x128xf32, #tpu.memory_space<vmem>> -> memref<1x8x128xf32, #tpu.memory_space<vmem>>
    %dma_start3A_622 = tpu.memref_squeeze %dma_start3A_621 : memref<1x8x128xf32, #tpu.memory_space<vmem>> -> memref<8x128xf32, #tpu.memory_space<vmem>>
    %dma_start3A_623 = tpu.memref_slice %arg2[%multiple_of3A_614, %multiple_of3A_617] : memref<1024x100000xf32, #tpu.memory_space<hbm>> -> memref<8x128xf32, #tpu.memory_space<hbm>>
    %dma_start3A_624 = arith.constant 0 : i32
    %dma_start3A_625 = arith.constant 0 : i32
    %dma_start3A_626 = tpu.memref_slice %arg8[%dma_start3A_618, %dma_start3A_624, %dma_start3A_625] : memref<32x8x128xf32, #tpu.memory_space<vmem>> -> memref<1x8x128xf32, #tpu.memory_space<vmem>>
    %dma_start3A_627 = tpu.memref_squeeze %dma_start3A_626 : memref<1x8x128xf32, #tpu.memory_space<vmem>> -> memref<8x128xf32, #tpu.memory_space<vmem>>
    %dma_start3A_628 = tpu.memref_slice %arg2[%multiple_of3A_614, %multiple_of3A_617] : memref<1024x100000xf32, #tpu.memory_space<hbm>> -> memref<8x128xf32, #tpu.memory_space<hbm>>
    tpu.enqueue_dma source(%dma_start3A_628 : memref<8x128xf32, #tpu.memory_space<hbm>>) target(%dma_start3A_627 : memref<8x128xf32, #tpu.memory_space<vmem>>) target_semaphore(%arg12 : memref<!tpu.dma_semaphore, #tpu.memory_space<semaphore_mem>>)
    %add3A_629 = arith.constant 24 : i32
    %add3A_630 = arith.addi %mul3A_2, %add3A_629 : i32
    %multiple_of3A_631 = tpu.assume_multiple %add3A_630, 8 : i32
    %slice3A_632 = vector.extract_strided_slice %min3A_390 {offsets = [14], sizes = [1], strides = [1]} : vector<16xi32> to vector<1xi32>
    %squeeze3A_633 = vector.extract %slice3A_632[0] : i32 from vector<1xi32>
    %multiple_of3A_634 = tpu.assume_multiple %squeeze3A_633, 128 : i32
    %dma_start3A_635 = arith.constant 30 : i32
    %dma_start3A_636 = arith.constant 0 : i32
    %dma_start3A_637 = arith.constant 0 : i32
    %dma_start3A_638 = tpu.memref_slice %arg8[%dma_start3A_635, %dma_start3A_636, %dma_start3A_637] : memref<32x8x128xf32, #tpu.memory_space<vmem>> -> memref<1x8x128xf32, #tpu.memory_space<vmem>>
    %dma_start3A_639 = tpu.memref_squeeze %dma_start3A_638 : memref<1x8x128xf32, #tpu.memory_space<vmem>> -> memref<8x128xf32, #tpu.memory_space<vmem>>
    %dma_start3A_640 = tpu.memref_slice %arg2[%multiple_of3A_631, %multiple_of3A_634] : memref<1024x100000xf32, #tpu.memory_space<hbm>> -> memref<8x128xf32, #tpu.memory_space<hbm>>
    %dma_start3A_641 = arith.constant 0 : i32
    %dma_start3A_642 = arith.constant 0 : i32
    %dma_start3A_643 = tpu.memref_slice %arg8[%dma_start3A_635, %dma_start3A_641, %dma_start3A_642] : memref<32x8x128xf32, #tpu.memory_space<vmem>> -> memref<1x8x128xf32, #tpu.memory_space<vmem>>
    %dma_start3A_644 = tpu.memref_squeeze %dma_start3A_643 : memref<1x8x128xf32, #tpu.memory_space<vmem>> -> memref<8x128xf32, #tpu.memory_space<vmem>>
    %dma_start3A_645 = tpu.memref_slice %arg2[%multiple_of3A_631, %multiple_of3A_634] : memref<1024x100000xf32, #tpu.memory_space<hbm>> -> memref<8x128xf32, #tpu.memory_space<hbm>>
    tpu.enqueue_dma source(%dma_start3A_645 : memref<8x128xf32, #tpu.memory_space<hbm>>) target(%dma_start3A_644 : memref<8x128xf32, #tpu.memory_space<vmem>>) target_semaphore(%arg12 : memref<!tpu.dma_semaphore, #tpu.memory_space<semaphore_mem>>)
    %add3A_646 = arith.constant 24 : i32
    %add3A_647 = arith.addi %mul3A_2, %add3A_646 : i32
    %multiple_of3A_648 = tpu.assume_multiple %add3A_647, 8 : i32
    %slice3A_649 = vector.extract_strided_slice %min3A_390 {offsets = [15], sizes = [1], strides = [1]} : vector<16xi32> to vector<1xi32>
    %squeeze3A_650 = vector.extract %slice3A_649[0] : i32 from vector<1xi32>
    %multiple_of3A_651 = tpu.assume_multiple %squeeze3A_650, 128 : i32
    %dma_start3A_652 = arith.constant 31 : i32
    %dma_start3A_653 = arith.constant 0 : i32
    %dma_start3A_654 = arith.constant 0 : i32
    %dma_start3A_655 = tpu.memref_slice %arg8[%dma_start3A_652, %dma_start3A_653, %dma_start3A_654] : memref<32x8x128xf32, #tpu.memory_space<vmem>> -> memref<1x8x128xf32, #tpu.memory_space<vmem>>
    %dma_start3A_656 = tpu.memref_squeeze %dma_start3A_655 : memref<1x8x128xf32, #tpu.memory_space<vmem>> -> memref<8x128xf32, #tpu.memory_space<vmem>>
    %dma_start3A_657 = tpu.memref_slice %arg2[%multiple_of3A_648, %multiple_of3A_651] : memref<1024x100000xf32, #tpu.memory_space<hbm>> -> memref<8x128xf32, #tpu.memory_space<hbm>>
    %dma_start3A_658 = arith.constant 0 : i32
    %dma_start3A_659 = arith.constant 0 : i32
    %dma_start3A_660 = tpu.memref_slice %arg8[%dma_start3A_652, %dma_start3A_658, %dma_start3A_659] : memref<32x8x128xf32, #tpu.memory_space<vmem>> -> memref<1x8x128xf32, #tpu.memory_space<vmem>>
    %dma_start3A_661 = tpu.memref_squeeze %dma_start3A_660 : memref<1x8x128xf32, #tpu.memory_space<vmem>> -> memref<8x128xf32, #tpu.memory_space<vmem>>
    %dma_start3A_662 = tpu.memref_slice %arg2[%multiple_of3A_648, %multiple_of3A_651] : memref<1024x100000xf32, #tpu.memory_space<hbm>> -> memref<8x128xf32, #tpu.memory_space<hbm>>
    tpu.enqueue_dma source(%dma_start3A_662 : memref<8x128xf32, #tpu.memory_space<hbm>>) target(%dma_start3A_661 : memref<8x128xf32, #tpu.memory_space<vmem>>) target_semaphore(%arg12 : memref<!tpu.dma_semaphore, #tpu.memory_space<semaphore_mem>>)
    %dma_wait3A = arith.constant 0 : i32
    %dma_wait3A_663 = arith.constant 0 : i32
    %dma_wait3A_664 = tpu.memref_slice %arg9[%dma_wait3A, %dma_wait3A_663] : memref<32x128xf32, #tpu.memory_space<vmem>> -> memref<8x128xf32, #tpu.memory_space<vmem>>
    %dma_wait3A_665 = arith.constant 0 : i32
    %dma_wait3A_666 = tpu.memref_slice %arg3[%multiple_of3A, %dma_wait3A_665] : memref<1024x128xf32, #tpu.memory_space<hbm>> -> memref<8x128xf32, #tpu.memory_space<hbm>>
    %dma_wait3A_667 = arith.constant 0 : i32
    %dma_wait3A_668 = arith.constant 0 : i32
    %dma_wait3A_669 = tpu.memref_slice %arg9[%dma_wait3A_667, %dma_wait3A_668] : memref<32x128xf32, #tpu.memory_space<vmem>> -> memref<8x128xf32, #tpu.memory_space<vmem>>
    %dma_wait3A_670 = arith.constant 0 : i32
    %dma_wait3A_671 = tpu.memref_slice %arg3[%multiple_of3A, %dma_wait3A_670] : memref<1024x128xf32, #tpu.memory_space<hbm>> -> memref<8x128xf32, #tpu.memory_space<hbm>>
    tpu.wait_dma2 semaphore(%arg12 : memref<!tpu.dma_semaphore, #tpu.memory_space<semaphore_mem>>) src(%dma_wait3A_671 : memref<8x128xf32, #tpu.memory_space<hbm>>) dst(%dma_wait3A_669 : memref<8x128xf32, #tpu.memory_space<vmem>>)
    %dma_wait3A_672 = arith.constant 8 : i32
    %dma_wait3A_673 = arith.constant 0 : i32
    %dma_wait3A_674 = tpu.memref_slice %arg9[%dma_wait3A_672, %dma_wait3A_673] : memref<32x128xf32, #tpu.memory_space<vmem>> -> memref<8x128xf32, #tpu.memory_space<vmem>>
    %dma_wait3A_675 = arith.constant 0 : i32
    %dma_wait3A_676 = tpu.memref_slice %arg3[%multiple_of3A_16, %dma_wait3A_675] : memref<1024x128xf32, #tpu.memory_space<hbm>> -> memref<8x128xf32, #tpu.memory_space<hbm>>
    %dma_wait3A_677 = arith.constant 8 : i32
    %dma_wait3A_678 = arith.constant 0 : i32
    %dma_wait3A_679 = tpu.memref_slice %arg9[%dma_wait3A_677, %dma_wait3A_678] : memref<32x128xf32, #tpu.memory_space<vmem>> -> memref<8x128xf32, #tpu.memory_space<vmem>>
    %dma_wait3A_680 = arith.constant 0 : i32
    %dma_wait3A_681 = tpu.memref_slice %arg3[%multiple_of3A_16, %dma_wait3A_680] : memref<1024x128xf32, #tpu.memory_space<hbm>> -> memref<8x128xf32, #tpu.memory_space<hbm>>
    tpu.wait_dma2 semaphore(%arg12 : memref<!tpu.dma_semaphore, #tpu.memory_space<semaphore_mem>>) src(%dma_wait3A_681 : memref<8x128xf32, #tpu.memory_space<hbm>>) dst(%dma_wait3A_679 : memref<8x128xf32, #tpu.memory_space<vmem>>)
    %dma_wait3A_682 = arith.constant 16 : i32
    %dma_wait3A_683 = arith.constant 0 : i32
    %dma_wait3A_684 = tpu.memref_slice %arg9[%dma_wait3A_682, %dma_wait3A_683] : memref<32x128xf32, #tpu.memory_space<vmem>> -> memref<8x128xf32, #tpu.memory_space<vmem>>
    %dma_wait3A_685 = arith.constant 0 : i32
    %dma_wait3A_686 = tpu.memref_slice %arg3[%multiple_of3A_29, %dma_wait3A_685] : memref<1024x128xf32, #tpu.memory_space<hbm>> -> memref<8x128xf32, #tpu.memory_space<hbm>>
    %dma_wait3A_687 = arith.constant 16 : i32
    %dma_wait3A_688 = arith.constant 0 : i32
    %dma_wait3A_689 = tpu.memref_slice %arg9[%dma_wait3A_687, %dma_wait3A_688] : memref<32x128xf32, #tpu.memory_space<vmem>> -> memref<8x128xf32, #tpu.memory_space<vmem>>
    %dma_wait3A_690 = arith.constant 0 : i32
    %dma_wait3A_691 = tpu.memref_slice %arg3[%multiple_of3A_29, %dma_wait3A_690] : memref<1024x128xf32, #tpu.memory_space<hbm>> -> memref<8x128xf32, #tpu.memory_space<hbm>>
    tpu.wait_dma2 semaphore(%arg12 : memref<!tpu.dma_semaphore, #tpu.memory_space<semaphore_mem>>) src(%dma_wait3A_691 : memref<8x128xf32, #tpu.memory_space<hbm>>) dst(%dma_wait3A_689 : memref<8x128xf32, #tpu.memory_space<vmem>>)
    %dma_wait3A_692 = arith.constant 24 : i32
    %dma_wait3A_693 = arith.constant 0 : i32
    %dma_wait3A_694 = tpu.memref_slice %arg9[%dma_wait3A_692, %dma_wait3A_693] : memref<32x128xf32, #tpu.memory_space<vmem>> -> memref<8x128xf32, #tpu.memory_space<vmem>>
    %dma_wait3A_695 = arith.constant 0 : i32
    %dma_wait3A_696 = tpu.memref_slice %arg3[%multiple_of3A_42, %dma_wait3A_695] : memref<1024x128xf32, #tpu.memory_space<hbm>> -> memref<8x128xf32, #tpu.memory_space<hbm>>
    %dma_wait3A_697 = arith.constant 24 : i32
    %dma_wait3A_698 = arith.constant 0 : i32
    %dma_wait3A_699 = tpu.memref_slice %arg9[%dma_wait3A_697, %dma_wait3A_698] : memref<32x128xf32, #tpu.memory_space<vmem>> -> memref<8x128xf32, #tpu.memory_space<vmem>>
    %dma_wait3A_700 = arith.constant 0 : i32
    %dma_wait3A_701 = tpu.memref_slice %arg3[%multiple_of3A_42, %dma_wait3A_700] : memref<1024x128xf32, #tpu.memory_space<hbm>> -> memref<8x128xf32, #tpu.memory_space<hbm>>
    tpu.wait_dma2 semaphore(%arg12 : memref<!tpu.dma_semaphore, #tpu.memory_space<semaphore_mem>>) src(%dma_wait3A_701 : memref<8x128xf32, #tpu.memory_space<hbm>>) dst(%dma_wait3A_699 : memref<8x128xf32, #tpu.memory_space<vmem>>)
    %dma_wait3A_702 = arith.constant 0 : i32
    %dma_wait3A_703 = arith.constant 0 : i32
    %dma_wait3A_704 = arith.constant 0 : i32
    %dma_wait3A_705 = tpu.memref_slice %arg8[%dma_wait3A_702, %dma_wait3A_703, %dma_wait3A_704] : memref<32x8x128xf32, #tpu.memory_space<vmem>> -> memref<1x8x128xf32, #tpu.memory_space<vmem>>
    %dma_wait3A_706 = tpu.memref_squeeze %dma_wait3A_705 : memref<1x8x128xf32, #tpu.memory_space<vmem>> -> memref<8x128xf32, #tpu.memory_space<vmem>>
    %dma_wait3A_707 = tpu.memref_slice %arg2[%multiple_of3A_84, %multiple_of3A_85] : memref<1024x100000xf32, #tpu.memory_space<hbm>> -> memref<8x128xf32, #tpu.memory_space<hbm>>
    %dma_wait3A_708 = arith.constant 0 : i32
    %dma_wait3A_709 = arith.constant 0 : i32
    %dma_wait3A_710 = tpu.memref_slice %arg8[%dma_wait3A_702, %dma_wait3A_708, %dma_wait3A_709] : memref<32x8x128xf32, #tpu.memory_space<vmem>> -> memref<1x8x128xf32, #tpu.memory_space<vmem>>
    %dma_wait3A_711 = tpu.memref_squeeze %dma_wait3A_710 : memref<1x8x128xf32, #tpu.memory_space<vmem>> -> memref<8x128xf32, #tpu.memory_space<vmem>>
    %dma_wait3A_712 = tpu.memref_slice %arg2[%multiple_of3A_84, %multiple_of3A_85] : memref<1024x100000xf32, #tpu.memory_space<hbm>> -> memref<8x128xf32, #tpu.memory_space<hbm>>
    tpu.wait_dma2 semaphore(%arg12 : memref<!tpu.dma_semaphore, #tpu.memory_space<semaphore_mem>>) src(%dma_wait3A_712 : memref<8x128xf32, #tpu.memory_space<hbm>>) dst(%dma_wait3A_711 : memref<8x128xf32, #tpu.memory_space<vmem>>)
    %dma_wait3A_713 = arith.constant 1 : i32
    %dma_wait3A_714 = arith.constant 0 : i32
    %dma_wait3A_715 = arith.constant 0 : i32
    %dma_wait3A_716 = tpu.memref_slice %arg8[%dma_wait3A_713, %dma_wait3A_714, %dma_wait3A_715] : memref<32x8x128xf32, #tpu.memory_space<vmem>> -> memref<1x8x128xf32, #tpu.memory_space<vmem>>
    %dma_wait3A_717 = tpu.memref_squeeze %dma_wait3A_716 : memref<1x8x128xf32, #tpu.memory_space<vmem>> -> memref<8x128xf32, #tpu.memory_space<vmem>>
    %dma_wait3A_718 = tpu.memref_slice %arg2[%multiple_of3A_99, %multiple_of3A_102] : memref<1024x100000xf32, #tpu.memory_space<hbm>> -> memref<8x128xf32, #tpu.memory_space<hbm>>
    %dma_wait3A_719 = arith.constant 0 : i32
    %dma_wait3A_720 = arith.constant 0 : i32
    %dma_wait3A_721 = tpu.memref_slice %arg8[%dma_wait3A_713, %dma_wait3A_719, %dma_wait3A_720] : memref<32x8x128xf32, #tpu.memory_space<vmem>> -> memref<1x8x128xf32, #tpu.memory_space<vmem>>
    %dma_wait3A_722 = tpu.memref_squeeze %dma_wait3A_721 : memref<1x8x128xf32, #tpu.memory_space<vmem>> -> memref<8x128xf32, #tpu.memory_space<vmem>>
    %dma_wait3A_723 = tpu.memref_slice %arg2[%multiple_of3A_99, %multiple_of3A_102] : memref<1024x100000xf32, #tpu.memory_space<hbm>> -> memref<8x128xf32, #tpu.memory_space<hbm>>
    tpu.wait_dma2 semaphore(%arg12 : memref<!tpu.dma_semaphore, #tpu.memory_space<semaphore_mem>>) src(%dma_wait3A_723 : memref<8x128xf32, #tpu.memory_space<hbm>>) dst(%dma_wait3A_722 : memref<8x128xf32, #tpu.memory_space<vmem>>)
    %dma_wait3A_724 = arith.constant 2 : i32
    %dma_wait3A_725 = arith.constant 0 : i32
    %dma_wait3A_726 = arith.constant 0 : i32
    %dma_wait3A_727 = tpu.memref_slice %arg8[%dma_wait3A_724, %dma_wait3A_725, %dma_wait3A_726] : memref<32x8x128xf32, #tpu.memory_space<vmem>> -> memref<1x8x128xf32, #tpu.memory_space<vmem>>
    %dma_wait3A_728 = tpu.memref_squeeze %dma_wait3A_727 : memref<1x8x128xf32, #tpu.memory_space<vmem>> -> memref<8x128xf32, #tpu.memory_space<vmem>>
    %dma_wait3A_729 = tpu.memref_slice %arg2[%multiple_of3A_116, %multiple_of3A_119] : memref<1024x100000xf32, #tpu.memory_space<hbm>> -> memref<8x128xf32, #tpu.memory_space<hbm>>
    %dma_wait3A_730 = arith.constant 0 : i32
    %dma_wait3A_731 = arith.constant 0 : i32
    %dma_wait3A_732 = tpu.memref_slice %arg8[%dma_wait3A_724, %dma_wait3A_730, %dma_wait3A_731] : memref<32x8x128xf32, #tpu.memory_space<vmem>> -> memref<1x8x128xf32, #tpu.memory_space<vmem>>
    %dma_wait3A_733 = tpu.memref_squeeze %dma_wait3A_732 : memref<1x8x128xf32, #tpu.memory_space<vmem>> -> memref<8x128xf32, #tpu.memory_space<vmem>>
    %dma_wait3A_734 = tpu.memref_slice %arg2[%multiple_of3A_116, %multiple_of3A_119] : memref<1024x100000xf32, #tpu.memory_space<hbm>> -> memref<8x128xf32, #tpu.memory_space<hbm>>
    tpu.wait_dma2 semaphore(%arg12 : memref<!tpu.dma_semaphore, #tpu.memory_space<semaphore_mem>>) src(%dma_wait3A_734 : memref<8x128xf32, #tpu.memory_space<hbm>>) dst(%dma_wait3A_733 : memref<8x128xf32, #tpu.memory_space<vmem>>)
    %dma_wait3A_735 = arith.constant 3 : i32
    %dma_wait3A_736 = arith.constant 0 : i32
    %dma_wait3A_737 = arith.constant 0 : i32
    %dma_wait3A_738 = tpu.memref_slice %arg8[%dma_wait3A_735, %dma_wait3A_736, %dma_wait3A_737] : memref<32x8x128xf32, #tpu.memory_space<vmem>> -> memref<1x8x128xf32, #tpu.memory_space<vmem>>
    %dma_wait3A_739 = tpu.memref_squeeze %dma_wait3A_738 : memref<1x8x128xf32, #tpu.memory_space<vmem>> -> memref<8x128xf32, #tpu.memory_space<vmem>>
    %dma_wait3A_740 = tpu.memref_slice %arg2[%multiple_of3A_133, %multiple_of3A_136] : memref<1024x100000xf32, #tpu.memory_space<hbm>> -> memref<8x128xf32, #tpu.memory_space<hbm>>
    %dma_wait3A_741 = arith.constant 0 : i32
    %dma_wait3A_742 = arith.constant 0 : i32
    %dma_wait3A_743 = tpu.memref_slice %arg8[%dma_wait3A_735, %dma_wait3A_741, %dma_wait3A_742] : memref<32x8x128xf32, #tpu.memory_space<vmem>> -> memref<1x8x128xf32, #tpu.memory_space<vmem>>
    %dma_wait3A_744 = tpu.memref_squeeze %dma_wait3A_743 : memref<1x8x128xf32, #tpu.memory_space<vmem>> -> memref<8x128xf32, #tpu.memory_space<vmem>>
    %dma_wait3A_745 = tpu.memref_slice %arg2[%multiple_of3A_133, %multiple_of3A_136] : memref<1024x100000xf32, #tpu.memory_space<hbm>> -> memref<8x128xf32, #tpu.memory_space<hbm>>
    tpu.wait_dma2 semaphore(%arg12 : memref<!tpu.dma_semaphore, #tpu.memory_space<semaphore_mem>>) src(%dma_wait3A_745 : memref<8x128xf32, #tpu.memory_space<hbm>>) dst(%dma_wait3A_744 : memref<8x128xf32, #tpu.memory_space<vmem>>)
    %dma_wait3A_746 = arith.constant 4 : i32
    %dma_wait3A_747 = arith.constant 0 : i32
    %dma_wait3A_748 = arith.constant 0 : i32
    %dma_wait3A_749 = tpu.memref_slice %arg8[%dma_wait3A_746, %dma_wait3A_747, %dma_wait3A_748] : memref<32x8x128xf32, #tpu.memory_space<vmem>> -> memref<1x8x128xf32, #tpu.memory_space<vmem>>
    %dma_wait3A_750 = tpu.memref_squeeze %dma_wait3A_749 : memref<1x8x128xf32, #tpu.memory_space<vmem>> -> memref<8x128xf32, #tpu.memory_space<vmem>>
    %dma_wait3A_751 = tpu.memref_slice %arg2[%multiple_of3A_150, %multiple_of3A_153] : memref<1024x100000xf32, #tpu.memory_space<hbm>> -> memref<8x128xf32, #tpu.memory_space<hbm>>
    %dma_wait3A_752 = arith.constant 0 : i32
    %dma_wait3A_753 = arith.constant 0 : i32
    %dma_wait3A_754 = tpu.memref_slice %arg8[%dma_wait3A_746, %dma_wait3A_752, %dma_wait3A_753] : memref<32x8x128xf32, #tpu.memory_space<vmem>> -> memref<1x8x128xf32, #tpu.memory_space<vmem>>
    %dma_wait3A_755 = tpu.memref_squeeze %dma_wait3A_754 : memref<1x8x128xf32, #tpu.memory_space<vmem>> -> memref<8x128xf32, #tpu.memory_space<vmem>>
    %dma_wait3A_756 = tpu.memref_slice %arg2[%multiple_of3A_150, %multiple_of3A_153] : memref<1024x100000xf32, #tpu.memory_space<hbm>> -> memref<8x128xf32, #tpu.memory_space<hbm>>
    tpu.wait_dma2 semaphore(%arg12 : memref<!tpu.dma_semaphore, #tpu.memory_space<semaphore_mem>>) src(%dma_wait3A_756 : memref<8x128xf32, #tpu.memory_space<hbm>>) dst(%dma_wait3A_755 : memref<8x128xf32, #tpu.memory_space<vmem>>)
    %dma_wait3A_757 = arith.constant 5 : i32
    %dma_wait3A_758 = arith.constant 0 : i32
    %dma_wait3A_759 = arith.constant 0 : i32
    %dma_wait3A_760 = tpu.memref_slice %arg8[%dma_wait3A_757, %dma_wait3A_758, %dma_wait3A_759] : memref<32x8x128xf32, #tpu.memory_space<vmem>> -> memref<1x8x128xf32, #tpu.memory_space<vmem>>
    %dma_wait3A_761 = tpu.memref_squeeze %dma_wait3A_760 : memref<1x8x128xf32, #tpu.memory_space<vmem>> -> memref<8x128xf32, #tpu.memory_space<vmem>>
    %dma_wait3A_762 = tpu.memref_slice %arg2[%multiple_of3A_167, %multiple_of3A_170] : memref<1024x100000xf32, #tpu.memory_space<hbm>> -> memref<8x128xf32, #tpu.memory_space<hbm>>
    %dma_wait3A_763 = arith.constant 0 : i32
    %dma_wait3A_764 = arith.constant 0 : i32
    %dma_wait3A_765 = tpu.memref_slice %arg8[%dma_wait3A_757, %dma_wait3A_763, %dma_wait3A_764] : memref<32x8x128xf32, #tpu.memory_space<vmem>> -> memref<1x8x128xf32, #tpu.memory_space<vmem>>
    %dma_wait3A_766 = tpu.memref_squeeze %dma_wait3A_765 : memref<1x8x128xf32, #tpu.memory_space<vmem>> -> memref<8x128xf32, #tpu.memory_space<vmem>>
    %dma_wait3A_767 = tpu.memref_slice %arg2[%multiple_of3A_167, %multiple_of3A_170] : memref<1024x100000xf32, #tpu.memory_space<hbm>> -> memref<8x128xf32, #tpu.memory_space<hbm>>
    tpu.wait_dma2 semaphore(%arg12 : memref<!tpu.dma_semaphore, #tpu.memory_space<semaphore_mem>>) src(%dma_wait3A_767 : memref<8x128xf32, #tpu.memory_space<hbm>>) dst(%dma_wait3A_766 : memref<8x128xf32, #tpu.memory_space<vmem>>)
    %dma_wait3A_768 = arith.constant 6 : i32
    %dma_wait3A_769 = arith.constant 0 : i32
    %dma_wait3A_770 = arith.constant 0 : i32
    %dma_wait3A_771 = tpu.memref_slice %arg8[%dma_wait3A_768, %dma_wait3A_769, %dma_wait3A_770] : memref<32x8x128xf32, #tpu.memory_space<vmem>> -> memref<1x8x128xf32, #tpu.memory_space<vmem>>
    %dma_wait3A_772 = tpu.memref_squeeze %dma_wait3A_771 : memref<1x8x128xf32, #tpu.memory_space<vmem>> -> memref<8x128xf32, #tpu.memory_space<vmem>>
    %dma_wait3A_773 = tpu.memref_slice %arg2[%multiple_of3A_184, %multiple_of3A_187] : memref<1024x100000xf32, #tpu.memory_space<hbm>> -> memref<8x128xf32, #tpu.memory_space<hbm>>
    %dma_wait3A_774 = arith.constant 0 : i32
    %dma_wait3A_775 = arith.constant 0 : i32
    %dma_wait3A_776 = tpu.memref_slice %arg8[%dma_wait3A_768, %dma_wait3A_774, %dma_wait3A_775] : memref<32x8x128xf32, #tpu.memory_space<vmem>> -> memref<1x8x128xf32, #tpu.memory_space<vmem>>
    %dma_wait3A_777 = tpu.memref_squeeze %dma_wait3A_776 : memref<1x8x128xf32, #tpu.memory_space<vmem>> -> memref<8x128xf32, #tpu.memory_space<vmem>>
    %dma_wait3A_778 = tpu.memref_slice %arg2[%multiple_of3A_184, %multiple_of3A_187] : memref<1024x100000xf32, #tpu.memory_space<hbm>> -> memref<8x128xf32, #tpu.memory_space<hbm>>
    tpu.wait_dma2 semaphore(%arg12 : memref<!tpu.dma_semaphore, #tpu.memory_space<semaphore_mem>>) src(%dma_wait3A_778 : memref<8x128xf32, #tpu.memory_space<hbm>>) dst(%dma_wait3A_777 : memref<8x128xf32, #tpu.memory_space<vmem>>)
    %dma_wait3A_779 = arith.constant 7 : i32
    %dma_wait3A_780 = arith.constant 0 : i32
    %dma_wait3A_781 = arith.constant 0 : i32
    %dma_wait3A_782 = tpu.memref_slice %arg8[%dma_wait3A_779, %dma_wait3A_780, %dma_wait3A_781] : memref<32x8x128xf32, #tpu.memory_space<vmem>> -> memref<1x8x128xf32, #tpu.memory_space<vmem>>
    %dma_wait3A_783 = tpu.memref_squeeze %dma_wait3A_782 : memref<1x8x128xf32, #tpu.memory_space<vmem>> -> memref<8x128xf32, #tpu.memory_space<vmem>>
    %dma_wait3A_784 = tpu.memref_slice %arg2[%multiple_of3A_201, %multiple_of3A_204] : memref<1024x100000xf32, #tpu.memory_space<hbm>> -> memref<8x128xf32, #tpu.memory_space<hbm>>
    %dma_wait3A_785 = arith.constant 0 : i32
    %dma_wait3A_786 = arith.constant 0 : i32
    %dma_wait3A_787 = tpu.memref_slice %arg8[%dma_wait3A_779, %dma_wait3A_785, %dma_wait3A_786] : memref<32x8x128xf32, #tpu.memory_space<vmem>> -> memref<1x8x128xf32, #tpu.memory_space<vmem>>
    %dma_wait3A_788 = tpu.memref_squeeze %dma_wait3A_787 : memref<1x8x128xf32, #tpu.memory_space<vmem>> -> memref<8x128xf32, #tpu.memory_space<vmem>>
    %dma_wait3A_789 = tpu.memref_slice %arg2[%multiple_of3A_201, %multiple_of3A_204] : memref<1024x100000xf32, #tpu.memory_space<hbm>> -> memref<8x128xf32, #tpu.memory_space<hbm>>
    tpu.wait_dma2 semaphore(%arg12 : memref<!tpu.dma_semaphore, #tpu.memory_space<semaphore_mem>>) src(%dma_wait3A_789 : memref<8x128xf32, #tpu.memory_space<hbm>>) dst(%dma_wait3A_788 : memref<8x128xf32, #tpu.memory_space<vmem>>)
    %dma_wait3A_790 = arith.constant 8 : i32
    %dma_wait3A_791 = arith.constant 0 : i32
    %dma_wait3A_792 = arith.constant 0 : i32
    %dma_wait3A_793 = tpu.memref_slice %arg8[%dma_wait3A_790, %dma_wait3A_791, %dma_wait3A_792] : memref<32x8x128xf32, #tpu.memory_space<vmem>> -> memref<1x8x128xf32, #tpu.memory_space<vmem>>
    %dma_wait3A_794 = tpu.memref_squeeze %dma_wait3A_793 : memref<1x8x128xf32, #tpu.memory_space<vmem>> -> memref<8x128xf32, #tpu.memory_space<vmem>>
    %dma_wait3A_795 = tpu.memref_slice %arg2[%multiple_of3A_218, %multiple_of3A_221] : memref<1024x100000xf32, #tpu.memory_space<hbm>> -> memref<8x128xf32, #tpu.memory_space<hbm>>
    %dma_wait3A_796 = arith.constant 0 : i32
    %dma_wait3A_797 = arith.constant 0 : i32
    %dma_wait3A_798 = tpu.memref_slice %arg8[%dma_wait3A_790, %dma_wait3A_796, %dma_wait3A_797] : memref<32x8x128xf32, #tpu.memory_space<vmem>> -> memref<1x8x128xf32, #tpu.memory_space<vmem>>
    %dma_wait3A_799 = tpu.memref_squeeze %dma_wait3A_798 : memref<1x8x128xf32, #tpu.memory_space<vmem>> -> memref<8x128xf32, #tpu.memory_space<vmem>>
    %dma_wait3A_800 = tpu.memref_slice %arg2[%multiple_of3A_218, %multiple_of3A_221] : memref<1024x100000xf32, #tpu.memory_space<hbm>> -> memref<8x128xf32, #tpu.memory_space<hbm>>
    tpu.wait_dma2 semaphore(%arg12 : memref<!tpu.dma_semaphore, #tpu.memory_space<semaphore_mem>>) src(%dma_wait3A_800 : memref<8x128xf32, #tpu.memory_space<hbm>>) dst(%dma_wait3A_799 : memref<8x128xf32, #tpu.memory_space<vmem>>)
    %dma_wait3A_801 = arith.constant 9 : i32
    %dma_wait3A_802 = arith.constant 0 : i32
    %dma_wait3A_803 = arith.constant 0 : i32
    %dma_wait3A_804 = tpu.memref_slice %arg8[%dma_wait3A_801, %dma_wait3A_802, %dma_wait3A_803] : memref<32x8x128xf32, #tpu.memory_space<vmem>> -> memref<1x8x128xf32, #tpu.memory_space<vmem>>
    %dma_wait3A_805 = tpu.memref_squeeze %dma_wait3A_804 : memref<1x8x128xf32, #tpu.memory_space<vmem>> -> memref<8x128xf32, #tpu.memory_space<vmem>>
    %dma_wait3A_806 = tpu.memref_slice %arg2[%multiple_of3A_235, %multiple_of3A_238] : memref<1024x100000xf32, #tpu.memory_space<hbm>> -> memref<8x128xf32, #tpu.memory_space<hbm>>
    %dma_wait3A_807 = arith.constant 0 : i32
    %dma_wait3A_808 = arith.constant 0 : i32
    %dma_wait3A_809 = tpu.memref_slice %arg8[%dma_wait3A_801, %dma_wait3A_807, %dma_wait3A_808] : memref<32x8x128xf32, #tpu.memory_space<vmem>> -> memref<1x8x128xf32, #tpu.memory_space<vmem>>
    %dma_wait3A_810 = tpu.memref_squeeze %dma_wait3A_809 : memref<1x8x128xf32, #tpu.memory_space<vmem>> -> memref<8x128xf32, #tpu.memory_space<vmem>>
    %dma_wait3A_811 = tpu.memref_slice %arg2[%multiple_of3A_235, %multiple_of3A_238] : memref<1024x100000xf32, #tpu.memory_space<hbm>> -> memref<8x128xf32, #tpu.memory_space<hbm>>
    tpu.wait_dma2 semaphore(%arg12 : memref<!tpu.dma_semaphore, #tpu.memory_space<semaphore_mem>>) src(%dma_wait3A_811 : memref<8x128xf32, #tpu.memory_space<hbm>>) dst(%dma_wait3A_810 : memref<8x128xf32, #tpu.memory_space<vmem>>)
    %dma_wait3A_812 = arith.constant 10 : i32
    %dma_wait3A_813 = arith.constant 0 : i32
    %dma_wait3A_814 = arith.constant 0 : i32
    %dma_wait3A_815 = tpu.memref_slice %arg8[%dma_wait3A_812, %dma_wait3A_813, %dma_wait3A_814] : memref<32x8x128xf32, #tpu.memory_space<vmem>> -> memref<1x8x128xf32, #tpu.memory_space<vmem>>
    %dma_wait3A_816 = tpu.memref_squeeze %dma_wait3A_815 : memref<1x8x128xf32, #tpu.memory_space<vmem>> -> memref<8x128xf32, #tpu.memory_space<vmem>>
    %dma_wait3A_817 = tpu.memref_slice %arg2[%multiple_of3A_252, %multiple_of3A_255] : memref<1024x100000xf32, #tpu.memory_space<hbm>> -> memref<8x128xf32, #tpu.memory_space<hbm>>
    %dma_wait3A_818 = arith.constant 0 : i32
    %dma_wait3A_819 = arith.constant 0 : i32
    %dma_wait3A_820 = tpu.memref_slice %arg8[%dma_wait3A_812, %dma_wait3A_818, %dma_wait3A_819] : memref<32x8x128xf32, #tpu.memory_space<vmem>> -> memref<1x8x128xf32, #tpu.memory_space<vmem>>
    %dma_wait3A_821 = tpu.memref_squeeze %dma_wait3A_820 : memref<1x8x128xf32, #tpu.memory_space<vmem>> -> memref<8x128xf32, #tpu.memory_space<vmem>>
    %dma_wait3A_822 = tpu.memref_slice %arg2[%multiple_of3A_252, %multiple_of3A_255] : memref<1024x100000xf32, #tpu.memory_space<hbm>> -> memref<8x128xf32, #tpu.memory_space<hbm>>
    tpu.wait_dma2 semaphore(%arg12 : memref<!tpu.dma_semaphore, #tpu.memory_space<semaphore_mem>>) src(%dma_wait3A_822 : memref<8x128xf32, #tpu.memory_space<hbm>>) dst(%dma_wait3A_821 : memref<8x128xf32, #tpu.memory_space<vmem>>)
    %dma_wait3A_823 = arith.constant 11 : i32
    %dma_wait3A_824 = arith.constant 0 : i32
    %dma_wait3A_825 = arith.constant 0 : i32
    %dma_wait3A_826 = tpu.memref_slice %arg8[%dma_wait3A_823, %dma_wait3A_824, %dma_wait3A_825] : memref<32x8x128xf32, #tpu.memory_space<vmem>> -> memref<1x8x128xf32, #tpu.memory_space<vmem>>
    %dma_wait3A_827 = tpu.memref_squeeze %dma_wait3A_826 : memref<1x8x128xf32, #tpu.memory_space<vmem>> -> memref<8x128xf32, #tpu.memory_space<vmem>>
    %dma_wait3A_828 = tpu.memref_slice %arg2[%multiple_of3A_269, %multiple_of3A_272] : memref<1024x100000xf32, #tpu.memory_space<hbm>> -> memref<8x128xf32, #tpu.memory_space<hbm>>
    %dma_wait3A_829 = arith.constant 0 : i32
    %dma_wait3A_830 = arith.constant 0 : i32
    %dma_wait3A_831 = tpu.memref_slice %arg8[%dma_wait3A_823, %dma_wait3A_829, %dma_wait3A_830] : memref<32x8x128xf32, #tpu.memory_space<vmem>> -> memref<1x8x128xf32, #tpu.memory_space<vmem>>
    %dma_wait3A_832 = tpu.memref_squeeze %dma_wait3A_831 : memref<1x8x128xf32, #tpu.memory_space<vmem>> -> memref<8x128xf32, #tpu.memory_space<vmem>>
    %dma_wait3A_833 = tpu.memref_slice %arg2[%multiple_of3A_269, %multiple_of3A_272] : memref<1024x100000xf32, #tpu.memory_space<hbm>> -> memref<8x128xf32, #tpu.memory_space<hbm>>
    tpu.wait_dma2 semaphore(%arg12 : memref<!tpu.dma_semaphore, #tpu.memory_space<semaphore_mem>>) src(%dma_wait3A_833 : memref<8x128xf32, #tpu.memory_space<hbm>>) dst(%dma_wait3A_832 : memref<8x128xf32, #tpu.memory_space<vmem>>)
    %dma_wait3A_834 = arith.constant 12 : i32
    %dma_wait3A_835 = arith.constant 0 : i32
    %dma_wait3A_836 = arith.constant 0 : i32
    %dma_wait3A_837 = tpu.memref_slice %arg8[%dma_wait3A_834, %dma_wait3A_835, %dma_wait3A_836] : memref<32x8x128xf32, #tpu.memory_space<vmem>> -> memref<1x8x128xf32, #tpu.memory_space<vmem>>
    %dma_wait3A_838 = tpu.memref_squeeze %dma_wait3A_837 : memref<1x8x128xf32, #tpu.memory_space<vmem>> -> memref<8x128xf32, #tpu.memory_space<vmem>>
    %dma_wait3A_839 = tpu.memref_slice %arg2[%multiple_of3A_286, %multiple_of3A_289] : memref<1024x100000xf32, #tpu.memory_space<hbm>> -> memref<8x128xf32, #tpu.memory_space<hbm>>
    %dma_wait3A_840 = arith.constant 0 : i32
    %dma_wait3A_841 = arith.constant 0 : i32
    %dma_wait3A_842 = tpu.memref_slice %arg8[%dma_wait3A_834, %dma_wait3A_840, %dma_wait3A_841] : memref<32x8x128xf32, #tpu.memory_space<vmem>> -> memref<1x8x128xf32, #tpu.memory_space<vmem>>
    %dma_wait3A_843 = tpu.memref_squeeze %dma_wait3A_842 : memref<1x8x128xf32, #tpu.memory_space<vmem>> -> memref<8x128xf32, #tpu.memory_space<vmem>>
    %dma_wait3A_844 = tpu.memref_slice %arg2[%multiple_of3A_286, %multiple_of3A_289] : memref<1024x100000xf32, #tpu.memory_space<hbm>> -> memref<8x128xf32, #tpu.memory_space<hbm>>
    tpu.wait_dma2 semaphore(%arg12 : memref<!tpu.dma_semaphore, #tpu.memory_space<semaphore_mem>>) src(%dma_wait3A_844 : memref<8x128xf32, #tpu.memory_space<hbm>>) dst(%dma_wait3A_843 : memref<8x128xf32, #tpu.memory_space<vmem>>)
    %dma_wait3A_845 = arith.constant 13 : i32
    %dma_wait3A_846 = arith.constant 0 : i32
    %dma_wait3A_847 = arith.constant 0 : i32
    %dma_wait3A_848 = tpu.memref_slice %arg8[%dma_wait3A_845, %dma_wait3A_846, %dma_wait3A_847] : memref<32x8x128xf32, #tpu.memory_space<vmem>> -> memref<1x8x128xf32, #tpu.memory_space<vmem>>
    %dma_wait3A_849 = tpu.memref_squeeze %dma_wait3A_848 : memref<1x8x128xf32, #tpu.memory_space<vmem>> -> memref<8x128xf32, #tpu.memory_space<vmem>>
    %dma_wait3A_850 = tpu.memref_slice %arg2[%multiple_of3A_303, %multiple_of3A_306] : memref<1024x100000xf32, #tpu.memory_space<hbm>> -> memref<8x128xf32, #tpu.memory_space<hbm>>
    %dma_wait3A_851 = arith.constant 0 : i32
    %dma_wait3A_852 = arith.constant 0 : i32
    %dma_wait3A_853 = tpu.memref_slice %arg8[%dma_wait3A_845, %dma_wait3A_851, %dma_wait3A_852] : memref<32x8x128xf32, #tpu.memory_space<vmem>> -> memref<1x8x128xf32, #tpu.memory_space<vmem>>
    %dma_wait3A_854 = tpu.memref_squeeze %dma_wait3A_853 : memref<1x8x128xf32, #tpu.memory_space<vmem>> -> memref<8x128xf32, #tpu.memory_space<vmem>>
    %dma_wait3A_855 = tpu.memref_slice %arg2[%multiple_of3A_303, %multiple_of3A_306] : memref<1024x100000xf32, #tpu.memory_space<hbm>> -> memref<8x128xf32, #tpu.memory_space<hbm>>
    tpu.wait_dma2 semaphore(%arg12 : memref<!tpu.dma_semaphore, #tpu.memory_space<semaphore_mem>>) src(%dma_wait3A_855 : memref<8x128xf32, #tpu.memory_space<hbm>>) dst(%dma_wait3A_854 : memref<8x128xf32, #tpu.memory_space<vmem>>)
    %dma_wait3A_856 = arith.constant 14 : i32
    %dma_wait3A_857 = arith.constant 0 : i32
    %dma_wait3A_858 = arith.constant 0 : i32
    %dma_wait3A_859 = tpu.memref_slice %arg8[%dma_wait3A_856, %dma_wait3A_857, %dma_wait3A_858] : memref<32x8x128xf32, #tpu.memory_space<vmem>> -> memref<1x8x128xf32, #tpu.memory_space<vmem>>
    %dma_wait3A_860 = tpu.memref_squeeze %dma_wait3A_859 : memref<1x8x128xf32, #tpu.memory_space<vmem>> -> memref<8x128xf32, #tpu.memory_space<vmem>>
    %dma_wait3A_861 = tpu.memref_slice %arg2[%multiple_of3A_320, %multiple_of3A_323] : memref<1024x100000xf32, #tpu.memory_space<hbm>> -> memref<8x128xf32, #tpu.memory_space<hbm>>
    %dma_wait3A_862 = arith.constant 0 : i32
    %dma_wait3A_863 = arith.constant 0 : i32
    %dma_wait3A_864 = tpu.memref_slice %arg8[%dma_wait3A_856, %dma_wait3A_862, %dma_wait3A_863] : memref<32x8x128xf32, #tpu.memory_space<vmem>> -> memref<1x8x128xf32, #tpu.memory_space<vmem>>
    %dma_wait3A_865 = tpu.memref_squeeze %dma_wait3A_864 : memref<1x8x128xf32, #tpu.memory_space<vmem>> -> memref<8x128xf32, #tpu.memory_space<vmem>>
    %dma_wait3A_866 = tpu.memref_slice %arg2[%multiple_of3A_320, %multiple_of3A_323] : memref<1024x100000xf32, #tpu.memory_space<hbm>> -> memref<8x128xf32, #tpu.memory_space<hbm>>
    tpu.wait_dma2 semaphore(%arg12 : memref<!tpu.dma_semaphore, #tpu.memory_space<semaphore_mem>>) src(%dma_wait3A_866 : memref<8x128xf32, #tpu.memory_space<hbm>>) dst(%dma_wait3A_865 : memref<8x128xf32, #tpu.memory_space<vmem>>)
    %dma_wait3A_867 = arith.constant 15 : i32
    %dma_wait3A_868 = arith.constant 0 : i32
    %dma_wait3A_869 = arith.constant 0 : i32
    %dma_wait3A_870 = tpu.memref_slice %arg8[%dma_wait3A_867, %dma_wait3A_868, %dma_wait3A_869] : memref<32x8x128xf32, #tpu.memory_space<vmem>> -> memref<1x8x128xf32, #tpu.memory_space<vmem>>
    %dma_wait3A_871 = tpu.memref_squeeze %dma_wait3A_870 : memref<1x8x128xf32, #tpu.memory_space<vmem>> -> memref<8x128xf32, #tpu.memory_space<vmem>>
    %dma_wait3A_872 = tpu.memref_slice %arg2[%multiple_of3A_337, %multiple_of3A_340] : memref<1024x100000xf32, #tpu.memory_space<hbm>> -> memref<8x128xf32, #tpu.memory_space<hbm>>
    %dma_wait3A_873 = arith.constant 0 : i32
    %dma_wait3A_874 = arith.constant 0 : i32
    %dma_wait3A_875 = tpu.memref_slice %arg8[%dma_wait3A_867, %dma_wait3A_873, %dma_wait3A_874] : memref<32x8x128xf32, #tpu.memory_space<vmem>> -> memref<1x8x128xf32, #tpu.memory_space<vmem>>
    %dma_wait3A_876 = tpu.memref_squeeze %dma_wait3A_875 : memref<1x8x128xf32, #tpu.memory_space<vmem>> -> memref<8x128xf32, #tpu.memory_space<vmem>>
    %dma_wait3A_877 = tpu.memref_slice %arg2[%multiple_of3A_337, %multiple_of3A_340] : memref<1024x100000xf32, #tpu.memory_space<hbm>> -> memref<8x128xf32, #tpu.memory_space<hbm>>
    tpu.wait_dma2 semaphore(%arg12 : memref<!tpu.dma_semaphore, #tpu.memory_space<semaphore_mem>>) src(%dma_wait3A_877 : memref<8x128xf32, #tpu.memory_space<hbm>>) dst(%dma_wait3A_876 : memref<8x128xf32, #tpu.memory_space<vmem>>)
    %dma_wait3A_878 = arith.constant 16 : i32
    %dma_wait3A_879 = arith.constant 0 : i32
    %dma_wait3A_880 = arith.constant 0 : i32
    %dma_wait3A_881 = tpu.memref_slice %arg8[%dma_wait3A_878, %dma_wait3A_879, %dma_wait3A_880] : memref<32x8x128xf32, #tpu.memory_space<vmem>> -> memref<1x8x128xf32, #tpu.memory_space<vmem>>
    %dma_wait3A_882 = tpu.memref_squeeze %dma_wait3A_881 : memref<1x8x128xf32, #tpu.memory_space<vmem>> -> memref<8x128xf32, #tpu.memory_space<vmem>>
    %dma_wait3A_883 = tpu.memref_slice %arg2[%multiple_of3A_393, %multiple_of3A_396] : memref<1024x100000xf32, #tpu.memory_space<hbm>> -> memref<8x128xf32, #tpu.memory_space<hbm>>
    %dma_wait3A_884 = arith.constant 0 : i32
    %dma_wait3A_885 = arith.constant 0 : i32
    %dma_wait3A_886 = tpu.memref_slice %arg8[%dma_wait3A_878, %dma_wait3A_884, %dma_wait3A_885] : memref<32x8x128xf32, #tpu.memory_space<vmem>> -> memref<1x8x128xf32, #tpu.memory_space<vmem>>
    %dma_wait3A_887 = tpu.memref_squeeze %dma_wait3A_886 : memref<1x8x128xf32, #tpu.memory_space<vmem>> -> memref<8x128xf32, #tpu.memory_space<vmem>>
    %dma_wait3A_888 = tpu.memref_slice %arg2[%multiple_of3A_393, %multiple_of3A_396] : memref<1024x100000xf32, #tpu.memory_space<hbm>> -> memref<8x128xf32, #tpu.memory_space<hbm>>
    tpu.wait_dma2 semaphore(%arg12 : memref<!tpu.dma_semaphore, #tpu.memory_space<semaphore_mem>>) src(%dma_wait3A_888 : memref<8x128xf32, #tpu.memory_space<hbm>>) dst(%dma_wait3A_887 : memref<8x128xf32, #tpu.memory_space<vmem>>)
    %dma_wait3A_889 = arith.constant 17 : i32
    %dma_wait3A_890 = arith.constant 0 : i32
    %dma_wait3A_891 = arith.constant 0 : i32
    %dma_wait3A_892 = tpu.memref_slice %arg8[%dma_wait3A_889, %dma_wait3A_890, %dma_wait3A_891] : memref<32x8x128xf32, #tpu.memory_space<vmem>> -> memref<1x8x128xf32, #tpu.memory_space<vmem>>
    %dma_wait3A_893 = tpu.memref_squeeze %dma_wait3A_892 : memref<1x8x128xf32, #tpu.memory_space<vmem>> -> memref<8x128xf32, #tpu.memory_space<vmem>>
    %dma_wait3A_894 = tpu.memref_slice %arg2[%multiple_of3A_410, %multiple_of3A_413] : memref<1024x100000xf32, #tpu.memory_space<hbm>> -> memref<8x128xf32, #tpu.memory_space<hbm>>
    %dma_wait3A_895 = arith.constant 0 : i32
    %dma_wait3A_896 = arith.constant 0 : i32
    %dma_wait3A_897 = tpu.memref_slice %arg8[%dma_wait3A_889, %dma_wait3A_895, %dma_wait3A_896] : memref<32x8x128xf32, #tpu.memory_space<vmem>> -> memref<1x8x128xf32, #tpu.memory_space<vmem>>
    %dma_wait3A_898 = tpu.memref_squeeze %dma_wait3A_897 : memref<1x8x128xf32, #tpu.memory_space<vmem>> -> memref<8x128xf32, #tpu.memory_space<vmem>>
    %dma_wait3A_899 = tpu.memref_slice %arg2[%multiple_of3A_410, %multiple_of3A_413] : memref<1024x100000xf32, #tpu.memory_space<hbm>> -> memref<8x128xf32, #tpu.memory_space<hbm>>
    tpu.wait_dma2 semaphore(%arg12 : memref<!tpu.dma_semaphore, #tpu.memory_space<semaphore_mem>>) src(%dma_wait3A_899 : memref<8x128xf32, #tpu.memory_space<hbm>>) dst(%dma_wait3A_898 : memref<8x128xf32, #tpu.memory_space<vmem>>)
    %dma_wait3A_900 = arith.constant 18 : i32
    %dma_wait3A_901 = arith.constant 0 : i32
    %dma_wait3A_902 = arith.constant 0 : i32
    %dma_wait3A_903 = tpu.memref_slice %arg8[%dma_wait3A_900, %dma_wait3A_901, %dma_wait3A_902] : memref<32x8x128xf32, #tpu.memory_space<vmem>> -> memref<1x8x128xf32, #tpu.memory_space<vmem>>
    %dma_wait3A_904 = tpu.memref_squeeze %dma_wait3A_903 : memref<1x8x128xf32, #tpu.memory_space<vmem>> -> memref<8x128xf32, #tpu.memory_space<vmem>>
    %dma_wait3A_905 = tpu.memref_slice %arg2[%multiple_of3A_427, %multiple_of3A_430] : memref<1024x100000xf32, #tpu.memory_space<hbm>> -> memref<8x128xf32, #tpu.memory_space<hbm>>
    %dma_wait3A_906 = arith.constant 0 : i32
    %dma_wait3A_907 = arith.constant 0 : i32
    %dma_wait3A_908 = tpu.memref_slice %arg8[%dma_wait3A_900, %dma_wait3A_906, %dma_wait3A_907] : memref<32x8x128xf32, #tpu.memory_space<vmem>> -> memref<1x8x128xf32, #tpu.memory_space<vmem>>
    %dma_wait3A_909 = tpu.memref_squeeze %dma_wait3A_908 : memref<1x8x128xf32, #tpu.memory_space<vmem>> -> memref<8x128xf32, #tpu.memory_space<vmem>>
    %dma_wait3A_910 = tpu.memref_slice %arg2[%multiple_of3A_427, %multiple_of3A_430] : memref<1024x100000xf32, #tpu.memory_space<hbm>> -> memref<8x128xf32, #tpu.memory_space<hbm>>
    tpu.wait_dma2 semaphore(%arg12 : memref<!tpu.dma_semaphore, #tpu.memory_space<semaphore_mem>>) src(%dma_wait3A_910 : memref<8x128xf32, #tpu.memory_space<hbm>>) dst(%dma_wait3A_909 : memref<8x128xf32, #tpu.memory_space<vmem>>)
    %dma_wait3A_911 = arith.constant 19 : i32
    %dma_wait3A_912 = arith.constant 0 : i32
    %dma_wait3A_913 = arith.constant 0 : i32
    %dma_wait3A_914 = tpu.memref_slice %arg8[%dma_wait3A_911, %dma_wait3A_912, %dma_wait3A_913] : memref<32x8x128xf32, #tpu.memory_space<vmem>> -> memref<1x8x128xf32, #tpu.memory_space<vmem>>
    %dma_wait3A_915 = tpu.memref_squeeze %dma_wait3A_914 : memref<1x8x128xf32, #tpu.memory_space<vmem>> -> memref<8x128xf32, #tpu.memory_space<vmem>>
    %dma_wait3A_916 = tpu.memref_slice %arg2[%multiple_of3A_444, %multiple_of3A_447] : memref<1024x100000xf32, #tpu.memory_space<hbm>> -> memref<8x128xf32, #tpu.memory_space<hbm>>
    %dma_wait3A_917 = arith.constant 0 : i32
    %dma_wait3A_918 = arith.constant 0 : i32
    %dma_wait3A_919 = tpu.memref_slice %arg8[%dma_wait3A_911, %dma_wait3A_917, %dma_wait3A_918] : memref<32x8x128xf32, #tpu.memory_space<vmem>> -> memref<1x8x128xf32, #tpu.memory_space<vmem>>
    %dma_wait3A_920 = tpu.memref_squeeze %dma_wait3A_919 : memref<1x8x128xf32, #tpu.memory_space<vmem>> -> memref<8x128xf32, #tpu.memory_space<vmem>>
    %dma_wait3A_921 = tpu.memref_slice %arg2[%multiple_of3A_444, %multiple_of3A_447] : memref<1024x100000xf32, #tpu.memory_space<hbm>> -> memref<8x128xf32, #tpu.memory_space<hbm>>
    tpu.wait_dma2 semaphore(%arg12 : memref<!tpu.dma_semaphore, #tpu.memory_space<semaphore_mem>>) src(%dma_wait3A_921 : memref<8x128xf32, #tpu.memory_space<hbm>>) dst(%dma_wait3A_920 : memref<8x128xf32, #tpu.memory_space<vmem>>)
    %dma_wait3A_922 = arith.constant 20 : i32
    %dma_wait3A_923 = arith.constant 0 : i32
    %dma_wait3A_924 = arith.constant 0 : i32
    %dma_wait3A_925 = tpu.memref_slice %arg8[%dma_wait3A_922, %dma_wait3A_923, %dma_wait3A_924] : memref<32x8x128xf32, #tpu.memory_space<vmem>> -> memref<1x8x128xf32, #tpu.memory_space<vmem>>
    %dma_wait3A_926 = tpu.memref_squeeze %dma_wait3A_925 : memref<1x8x128xf32, #tpu.memory_space<vmem>> -> memref<8x128xf32, #tpu.memory_space<vmem>>
    %dma_wait3A_927 = tpu.memref_slice %arg2[%multiple_of3A_461, %multiple_of3A_464] : memref<1024x100000xf32, #tpu.memory_space<hbm>> -> memref<8x128xf32, #tpu.memory_space<hbm>>
    %dma_wait3A_928 = arith.constant 0 : i32
    %dma_wait3A_929 = arith.constant 0 : i32
    %dma_wait3A_930 = tpu.memref_slice %arg8[%dma_wait3A_922, %dma_wait3A_928, %dma_wait3A_929] : memref<32x8x128xf32, #tpu.memory_space<vmem>> -> memref<1x8x128xf32, #tpu.memory_space<vmem>>
    %dma_wait3A_931 = tpu.memref_squeeze %dma_wait3A_930 : memref<1x8x128xf32, #tpu.memory_space<vmem>> -> memref<8x128xf32, #tpu.memory_space<vmem>>
    %dma_wait3A_932 = tpu.memref_slice %arg2[%multiple_of3A_461, %multiple_of3A_464] : memref<1024x100000xf32, #tpu.memory_space<hbm>> -> memref<8x128xf32, #tpu.memory_space<hbm>>
    tpu.wait_dma2 semaphore(%arg12 : memref<!tpu.dma_semaphore, #tpu.memory_space<semaphore_mem>>) src(%dma_wait3A_932 : memref<8x128xf32, #tpu.memory_space<hbm>>) dst(%dma_wait3A_931 : memref<8x128xf32, #tpu.memory_space<vmem>>)
    %dma_wait3A_933 = arith.constant 21 : i32
    %dma_wait3A_934 = arith.constant 0 : i32
    %dma_wait3A_935 = arith.constant 0 : i32
    %dma_wait3A_936 = tpu.memref_slice %arg8[%dma_wait3A_933, %dma_wait3A_934, %dma_wait3A_935] : memref<32x8x128xf32, #tpu.memory_space<vmem>> -> memref<1x8x128xf32, #tpu.memory_space<vmem>>
    %dma_wait3A_937 = tpu.memref_squeeze %dma_wait3A_936 : memref<1x8x128xf32, #tpu.memory_space<vmem>> -> memref<8x128xf32, #tpu.memory_space<vmem>>
    %dma_wait3A_938 = tpu.memref_slice %arg2[%multiple_of3A_478, %multiple_of3A_481] : memref<1024x100000xf32, #tpu.memory_space<hbm>> -> memref<8x128xf32, #tpu.memory_space<hbm>>
    %dma_wait3A_939 = arith.constant 0 : i32
    %dma_wait3A_940 = arith.constant 0 : i32
    %dma_wait3A_941 = tpu.memref_slice %arg8[%dma_wait3A_933, %dma_wait3A_939, %dma_wait3A_940] : memref<32x8x128xf32, #tpu.memory_space<vmem>> -> memref<1x8x128xf32, #tpu.memory_space<vmem>>
    %dma_wait3A_942 = tpu.memref_squeeze %dma_wait3A_941 : memref<1x8x128xf32, #tpu.memory_space<vmem>> -> memref<8x128xf32, #tpu.memory_space<vmem>>
    %dma_wait3A_943 = tpu.memref_slice %arg2[%multiple_of3A_478, %multiple_of3A_481] : memref<1024x100000xf32, #tpu.memory_space<hbm>> -> memref<8x128xf32, #tpu.memory_space<hbm>>
    tpu.wait_dma2 semaphore(%arg12 : memref<!tpu.dma_semaphore, #tpu.memory_space<semaphore_mem>>) src(%dma_wait3A_943 : memref<8x128xf32, #tpu.memory_space<hbm>>) dst(%dma_wait3A_942 : memref<8x128xf32, #tpu.memory_space<vmem>>)
    %dma_wait3A_944 = arith.constant 22 : i32
    %dma_wait3A_945 = arith.constant 0 : i32
    %dma_wait3A_946 = arith.constant 0 : i32
    %dma_wait3A_947 = tpu.memref_slice %arg8[%dma_wait3A_944, %dma_wait3A_945, %dma_wait3A_946] : memref<32x8x128xf32, #tpu.memory_space<vmem>> -> memref<1x8x128xf32, #tpu.memory_space<vmem>>
    %dma_wait3A_948 = tpu.memref_squeeze %dma_wait3A_947 : memref<1x8x128xf32, #tpu.memory_space<vmem>> -> memref<8x128xf32, #tpu.memory_space<vmem>>
    %dma_wait3A_949 = tpu.memref_slice %arg2[%multiple_of3A_495, %multiple_of3A_498] : memref<1024x100000xf32, #tpu.memory_space<hbm>> -> memref<8x128xf32, #tpu.memory_space<hbm>>
    %dma_wait3A_950 = arith.constant 0 : i32
    %dma_wait3A_951 = arith.constant 0 : i32
    %dma_wait3A_952 = tpu.memref_slice %arg8[%dma_wait3A_944, %dma_wait3A_950, %dma_wait3A_951] : memref<32x8x128xf32, #tpu.memory_space<vmem>> -> memref<1x8x128xf32, #tpu.memory_space<vmem>>
    %dma_wait3A_953 = tpu.memref_squeeze %dma_wait3A_952 : memref<1x8x128xf32, #tpu.memory_space<vmem>> -> memref<8x128xf32, #tpu.memory_space<vmem>>
    %dma_wait3A_954 = tpu.memref_slice %arg2[%multiple_of3A_495, %multiple_of3A_498] : memref<1024x100000xf32, #tpu.memory_space<hbm>> -> memref<8x128xf32, #tpu.memory_space<hbm>>
    tpu.wait_dma2 semaphore(%arg12 : memref<!tpu.dma_semaphore, #tpu.memory_space<semaphore_mem>>) src(%dma_wait3A_954 : memref<8x128xf32, #tpu.memory_space<hbm>>) dst(%dma_wait3A_953 : memref<8x128xf32, #tpu.memory_space<vmem>>)
    %dma_wait3A_955 = arith.constant 23 : i32
    %dma_wait3A_956 = arith.constant 0 : i32
    %dma_wait3A_957 = arith.constant 0 : i32
    %dma_wait3A_958 = tpu.memref_slice %arg8[%dma_wait3A_955, %dma_wait3A_956, %dma_wait3A_957] : memref<32x8x128xf32, #tpu.memory_space<vmem>> -> memref<1x8x128xf32, #tpu.memory_space<vmem>>
    %dma_wait3A_959 = tpu.memref_squeeze %dma_wait3A_958 : memref<1x8x128xf32, #tpu.memory_space<vmem>> -> memref<8x128xf32, #tpu.memory_space<vmem>>
    %dma_wait3A_960 = tpu.memref_slice %arg2[%multiple_of3A_512, %multiple_of3A_515] : memref<1024x100000xf32, #tpu.memory_space<hbm>> -> memref<8x128xf32, #tpu.memory_space<hbm>>
    %dma_wait3A_961 = arith.constant 0 : i32
    %dma_wait3A_962 = arith.constant 0 : i32
    %dma_wait3A_963 = tpu.memref_slice %arg8[%dma_wait3A_955, %dma_wait3A_961, %dma_wait3A_962] : memref<32x8x128xf32, #tpu.memory_space<vmem>> -> memref<1x8x128xf32, #tpu.memory_space<vmem>>
    %dma_wait3A_964 = tpu.memref_squeeze %dma_wait3A_963 : memref<1x8x128xf32, #tpu.memory_space<vmem>> -> memref<8x128xf32, #tpu.memory_space<vmem>>
    %dma_wait3A_965 = tpu.memref_slice %arg2[%multiple_of3A_512, %multiple_of3A_515] : memref<1024x100000xf32, #tpu.memory_space<hbm>> -> memref<8x128xf32, #tpu.memory_space<hbm>>
    tpu.wait_dma2 semaphore(%arg12 : memref<!tpu.dma_semaphore, #tpu.memory_space<semaphore_mem>>) src(%dma_wait3A_965 : memref<8x128xf32, #tpu.memory_space<hbm>>) dst(%dma_wait3A_964 : memref<8x128xf32, #tpu.memory_space<vmem>>)
    %dma_wait3A_966 = arith.constant 24 : i32
    %dma_wait3A_967 = arith.constant 0 : i32
    %dma_wait3A_968 = arith.constant 0 : i32
    %dma_wait3A_969 = tpu.memref_slice %arg8[%dma_wait3A_966, %dma_wait3A_967, %dma_wait3A_968] : memref<32x8x128xf32, #tpu.memory_space<vmem>> -> memref<1x8x128xf32, #tpu.memory_space<vmem>>
    %dma_wait3A_970 = tpu.memref_squeeze %dma_wait3A_969 : memref<1x8x128xf32, #tpu.memory_space<vmem>> -> memref<8x128xf32, #tpu.memory_space<vmem>>
    %dma_wait3A_971 = tpu.memref_slice %arg2[%multiple_of3A_529, %multiple_of3A_532] : memref<1024x100000xf32, #tpu.memory_space<hbm>> -> memref<8x128xf32, #tpu.memory_space<hbm>>
    %dma_wait3A_972 = arith.constant 0 : i32
    %dma_wait3A_973 = arith.constant 0 : i32
    %dma_wait3A_974 = tpu.memref_slice %arg8[%dma_wait3A_966, %dma_wait3A_972, %dma_wait3A_973] : memref<32x8x128xf32, #tpu.memory_space<vmem>> -> memref<1x8x128xf32, #tpu.memory_space<vmem>>
    %dma_wait3A_975 = tpu.memref_squeeze %dma_wait3A_974 : memref<1x8x128xf32, #tpu.memory_space<vmem>> -> memref<8x128xf32, #tpu.memory_space<vmem>>
    %dma_wait3A_976 = tpu.memref_slice %arg2[%multiple_of3A_529, %multiple_of3A_532] : memref<1024x100000xf32, #tpu.memory_space<hbm>> -> memref<8x128xf32, #tpu.memory_space<hbm>>
    tpu.wait_dma2 semaphore(%arg12 : memref<!tpu.dma_semaphore, #tpu.memory_space<semaphore_mem>>) src(%dma_wait3A_976 : memref<8x128xf32, #tpu.memory_space<hbm>>) dst(%dma_wait3A_975 : memref<8x128xf32, #tpu.memory_space<vmem>>)
    %dma_wait3A_977 = arith.constant 25 : i32
    %dma_wait3A_978 = arith.constant 0 : i32
    %dma_wait3A_979 = arith.constant 0 : i32
    %dma_wait3A_980 = tpu.memref_slice %arg8[%dma_wait3A_977, %dma_wait3A_978, %dma_wait3A_979] : memref<32x8x128xf32, #tpu.memory_space<vmem>> -> memref<1x8x128xf32, #tpu.memory_space<vmem>>
    %dma_wait3A_981 = tpu.memref_squeeze %dma_wait3A_980 : memref<1x8x128xf32, #tpu.memory_space<vmem>> -> memref<8x128xf32, #tpu.memory_space<vmem>>
    %dma_wait3A_982 = tpu.memref_slice %arg2[%multiple_of3A_546, %multiple_of3A_549] : memref<1024x100000xf32, #tpu.memory_space<hbm>> -> memref<8x128xf32, #tpu.memory_space<hbm>>
    %dma_wait3A_983 = arith.constant 0 : i32
    %dma_wait3A_984 = arith.constant 0 : i32
    %dma_wait3A_985 = tpu.memref_slice %arg8[%dma_wait3A_977, %dma_wait3A_983, %dma_wait3A_984] : memref<32x8x128xf32, #tpu.memory_space<vmem>> -> memref<1x8x128xf32, #tpu.memory_space<vmem>>
    %dma_wait3A_986 = tpu.memref_squeeze %dma_wait3A_985 : memref<1x8x128xf32, #tpu.memory_space<vmem>> -> memref<8x128xf32, #tpu.memory_space<vmem>>
    %dma_wait3A_987 = tpu.memref_slice %arg2[%multiple_of3A_546, %multiple_of3A_549] : memref<1024x100000xf32, #tpu.memory_space<hbm>> -> memref<8x128xf32, #tpu.memory_space<hbm>>
    tpu.wait_dma2 semaphore(%arg12 : memref<!tpu.dma_semaphore, #tpu.memory_space<semaphore_mem>>) src(%dma_wait3A_987 : memref<8x128xf32, #tpu.memory_space<hbm>>) dst(%dma_wait3A_986 : memref<8x128xf32, #tpu.memory_space<vmem>>)
    %dma_wait3A_988 = arith.constant 26 : i32
    %dma_wait3A_989 = arith.constant 0 : i32
    %dma_wait3A_990 = arith.constant 0 : i32
    %dma_wait3A_991 = tpu.memref_slice %arg8[%dma_wait3A_988, %dma_wait3A_989, %dma_wait3A_990] : memref<32x8x128xf32, #tpu.memory_space<vmem>> -> memref<1x8x128xf32, #tpu.memory_space<vmem>>
    %dma_wait3A_992 = tpu.memref_squeeze %dma_wait3A_991 : memref<1x8x128xf32, #tpu.memory_space<vmem>> -> memref<8x128xf32, #tpu.memory_space<vmem>>
    %dma_wait3A_993 = tpu.memref_slice %arg2[%multiple_of3A_563, %multiple_of3A_566] : memref<1024x100000xf32, #tpu.memory_space<hbm>> -> memref<8x128xf32, #tpu.memory_space<hbm>>
    %dma_wait3A_994 = arith.constant 0 : i32
    %dma_wait3A_995 = arith.constant 0 : i32
    %dma_wait3A_996 = tpu.memref_slice %arg8[%dma_wait3A_988, %dma_wait3A_994, %dma_wait3A_995] : memref<32x8x128xf32, #tpu.memory_space<vmem>> -> memref<1x8x128xf32, #tpu.memory_space<vmem>>
    %dma_wait3A_997 = tpu.memref_squeeze %dma_wait3A_996 : memref<1x8x128xf32, #tpu.memory_space<vmem>> -> memref<8x128xf32, #tpu.memory_space<vmem>>
    %dma_wait3A_998 = tpu.memref_slice %arg2[%multiple_of3A_563, %multiple_of3A_566] : memref<1024x100000xf32, #tpu.memory_space<hbm>> -> memref<8x128xf32, #tpu.memory_space<hbm>>
    tpu.wait_dma2 semaphore(%arg12 : memref<!tpu.dma_semaphore, #tpu.memory_space<semaphore_mem>>) src(%dma_wait3A_998 : memref<8x128xf32, #tpu.memory_space<hbm>>) dst(%dma_wait3A_997 : memref<8x128xf32, #tpu.memory_space<vmem>>)
    %dma_wait3A_999 = arith.constant 27 : i32
    %dma_wait3A_1000 = arith.constant 0 : i32
    %dma_wait3A_1001 = arith.constant 0 : i32
    %dma_wait3A_1002 = tpu.memref_slice %arg8[%dma_wait3A_999, %dma_wait3A_1000, %dma_wait3A_1001] : memref<32x8x128xf32, #tpu.memory_space<vmem>> -> memref<1x8x128xf32, #tpu.memory_space<vmem>>
    %dma_wait3A_1003 = tpu.memref_squeeze %dma_wait3A_1002 : memref<1x8x128xf32, #tpu.memory_space<vmem>> -> memref<8x128xf32, #tpu.memory_space<vmem>>
    %dma_wait3A_1004 = tpu.memref_slice %arg2[%multiple_of3A_580, %multiple_of3A_583] : memref<1024x100000xf32, #tpu.memory_space<hbm>> -> memref<8x128xf32, #tpu.memory_space<hbm>>
    %dma_wait3A_1005 = arith.constant 0 : i32
    %dma_wait3A_1006 = arith.constant 0 : i32
    %dma_wait3A_1007 = tpu.memref_slice %arg8[%dma_wait3A_999, %dma_wait3A_1005, %dma_wait3A_1006] : memref<32x8x128xf32, #tpu.memory_space<vmem>> -> memref<1x8x128xf32, #tpu.memory_space<vmem>>
    %dma_wait3A_1008 = tpu.memref_squeeze %dma_wait3A_1007 : memref<1x8x128xf32, #tpu.memory_space<vmem>> -> memref<8x128xf32, #tpu.memory_space<vmem>>
    %dma_wait3A_1009 = tpu.memref_slice %arg2[%multiple_of3A_580, %multiple_of3A_583] : memref<1024x100000xf32, #tpu.memory_space<hbm>> -> memref<8x128xf32, #tpu.memory_space<hbm>>
    tpu.wait_dma2 semaphore(%arg12 : memref<!tpu.dma_semaphore, #tpu.memory_space<semaphore_mem>>) src(%dma_wait3A_1009 : memref<8x128xf32, #tpu.memory_space<hbm>>) dst(%dma_wait3A_1008 : memref<8x128xf32, #tpu.memory_space<vmem>>)
    %dma_wait3A_1010 = arith.constant 28 : i32
    %dma_wait3A_1011 = arith.constant 0 : i32
    %dma_wait3A_1012 = arith.constant 0 : i32
    %dma_wait3A_1013 = tpu.memref_slice %arg8[%dma_wait3A_1010, %dma_wait3A_1011, %dma_wait3A_1012] : memref<32x8x128xf32, #tpu.memory_space<vmem>> -> memref<1x8x128xf32, #tpu.memory_space<vmem>>
    %dma_wait3A_1014 = tpu.memref_squeeze %dma_wait3A_1013 : memref<1x8x128xf32, #tpu.memory_space<vmem>> -> memref<8x128xf32, #tpu.memory_space<vmem>>
    %dma_wait3A_1015 = tpu.memref_slice %arg2[%multiple_of3A_597, %multiple_of3A_600] : memref<1024x100000xf32, #tpu.memory_space<hbm>> -> memref<8x128xf32, #tpu.memory_space<hbm>>
    %dma_wait3A_1016 = arith.constant 0 : i32
    %dma_wait3A_1017 = arith.constant 0 : i32
    %dma_wait3A_1018 = tpu.memref_slice %arg8[%dma_wait3A_1010, %dma_wait3A_1016, %dma_wait3A_1017] : memref<32x8x128xf32, #tpu.memory_space<vmem>> -> memref<1x8x128xf32, #tpu.memory_space<vmem>>
    %dma_wait3A_1019 = tpu.memref_squeeze %dma_wait3A_1018 : memref<1x8x128xf32, #tpu.memory_space<vmem>> -> memref<8x128xf32, #tpu.memory_space<vmem>>
    %dma_wait3A_1020 = tpu.memref_slice %arg2[%multiple_of3A_597, %multiple_of3A_600] : memref<1024x100000xf32, #tpu.memory_space<hbm>> -> memref<8x128xf32, #tpu.memory_space<hbm>>
    tpu.wait_dma2 semaphore(%arg12 : memref<!tpu.dma_semaphore, #tpu.memory_space<semaphore_mem>>) src(%dma_wait3A_1020 : memref<8x128xf32, #tpu.memory_space<hbm>>) dst(%dma_wait3A_1019 : memref<8x128xf32, #tpu.memory_space<vmem>>)
    %dma_wait3A_1021 = arith.constant 29 : i32
    %dma_wait3A_1022 = arith.constant 0 : i32
    %dma_wait3A_1023 = arith.constant 0 : i32
    %dma_wait3A_1024 = tpu.memref_slice %arg8[%dma_wait3A_1021, %dma_wait3A_1022, %dma_wait3A_1023] : memref<32x8x128xf32, #tpu.memory_space<vmem>> -> memref<1x8x128xf32, #tpu.memory_space<vmem>>
    %dma_wait3A_1025 = tpu.memref_squeeze %dma_wait3A_1024 : memref<1x8x128xf32, #tpu.memory_space<vmem>> -> memref<8x128xf32, #tpu.memory_space<vmem>>
    %dma_wait3A_1026 = tpu.memref_slice %arg2[%multiple_of3A_614, %multiple_of3A_617] : memref<1024x100000xf32, #tpu.memory_space<hbm>> -> memref<8x128xf32, #tpu.memory_space<hbm>>
    %dma_wait3A_1027 = arith.constant 0 : i32
    %dma_wait3A_1028 = arith.constant 0 : i32
    %dma_wait3A_1029 = tpu.memref_slice %arg8[%dma_wait3A_1021, %dma_wait3A_1027, %dma_wait3A_1028] : memref<32x8x128xf32, #tpu.memory_space<vmem>> -> memref<1x8x128xf32, #tpu.memory_space<vmem>>
    %dma_wait3A_1030 = tpu.memref_squeeze %dma_wait3A_1029 : memref<1x8x128xf32, #tpu.memory_space<vmem>> -> memref<8x128xf32, #tpu.memory_space<vmem>>
    %dma_wait3A_1031 = tpu.memref_slice %arg2[%multiple_of3A_614, %multiple_of3A_617] : memref<1024x100000xf32, #tpu.memory_space<hbm>> -> memref<8x128xf32, #tpu.memory_space<hbm>>
    tpu.wait_dma2 semaphore(%arg12 : memref<!tpu.dma_semaphore, #tpu.memory_space<semaphore_mem>>) src(%dma_wait3A_1031 : memref<8x128xf32, #tpu.memory_space<hbm>>) dst(%dma_wait3A_1030 : memref<8x128xf32, #tpu.memory_space<vmem>>)
    %dma_wait3A_1032 = arith.constant 30 : i32
    %dma_wait3A_1033 = arith.constant 0 : i32
    %dma_wait3A_1034 = arith.constant 0 : i32
    %dma_wait3A_1035 = tpu.memref_slice %arg8[%dma_wait3A_1032, %dma_wait3A_1033, %dma_wait3A_1034] : memref<32x8x128xf32, #tpu.memory_space<vmem>> -> memref<1x8x128xf32, #tpu.memory_space<vmem>>
    %dma_wait3A_1036 = tpu.memref_squeeze %dma_wait3A_1035 : memref<1x8x128xf32, #tpu.memory_space<vmem>> -> memref<8x128xf32, #tpu.memory_space<vmem>>
    %dma_wait3A_1037 = tpu.memref_slice %arg2[%multiple_of3A_631, %multiple_of3A_634] : memref<1024x100000xf32, #tpu.memory_space<hbm>> -> memref<8x128xf32, #tpu.memory_space<hbm>>
    %dma_wait3A_1038 = arith.constant 0 : i32
    %dma_wait3A_1039 = arith.constant 0 : i32
    %dma_wait3A_1040 = tpu.memref_slice %arg8[%dma_wait3A_1032, %dma_wait3A_1038, %dma_wait3A_1039] : memref<32x8x128xf32, #tpu.memory_space<vmem>> -> memref<1x8x128xf32, #tpu.memory_space<vmem>>
    %dma_wait3A_1041 = tpu.memref_squeeze %dma_wait3A_1040 : memref<1x8x128xf32, #tpu.memory_space<vmem>> -> memref<8x128xf32, #tpu.memory_space<vmem>>
    %dma_wait3A_1042 = tpu.memref_slice %arg2[%multiple_of3A_631, %multiple_of3A_634] : memref<1024x100000xf32, #tpu.memory_space<hbm>> -> memref<8x128xf32, #tpu.memory_space<hbm>>
    tpu.wait_dma2 semaphore(%arg12 : memref<!tpu.dma_semaphore, #tpu.memory_space<semaphore_mem>>) src(%dma_wait3A_1042 : memref<8x128xf32, #tpu.memory_space<hbm>>) dst(%dma_wait3A_1041 : memref<8x128xf32, #tpu.memory_space<vmem>>)
    %dma_wait3A_1043 = arith.constant 31 : i32
    %dma_wait3A_1044 = arith.constant 0 : i32
    %dma_wait3A_1045 = arith.constant 0 : i32
    %dma_wait3A_1046 = tpu.memref_slice %arg8[%dma_wait3A_1043, %dma_wait3A_1044, %dma_wait3A_1045] : memref<32x8x128xf32, #tpu.memory_space<vmem>> -> memref<1x8x128xf32, #tpu.memory_space<vmem>>
    %dma_wait3A_1047 = tpu.memref_squeeze %dma_wait3A_1046 : memref<1x8x128xf32, #tpu.memory_space<vmem>> -> memref<8x128xf32, #tpu.memory_space<vmem>>
    %dma_wait3A_1048 = tpu.memref_slice %arg2[%multiple_of3A_648, %multiple_of3A_651] : memref<1024x100000xf32, #tpu.memory_space<hbm>> -> memref<8x128xf32, #tpu.memory_space<hbm>>
    %dma_wait3A_1049 = arith.constant 0 : i32
    %dma_wait3A_1050 = arith.constant 0 : i32
    %dma_wait3A_1051 = tpu.memref_slice %arg8[%dma_wait3A_1043, %dma_wait3A_1049, %dma_wait3A_1050] : memref<32x8x128xf32, #tpu.memory_space<vmem>> -> memref<1x8x128xf32, #tpu.memory_space<vmem>>
    %dma_wait3A_1052 = tpu.memref_squeeze %dma_wait3A_1051 : memref<1x8x128xf32, #tpu.memory_space<vmem>> -> memref<8x128xf32, #tpu.memory_space<vmem>>
    %dma_wait3A_1053 = tpu.memref_slice %arg2[%multiple_of3A_648, %multiple_of3A_651] : memref<1024x100000xf32, #tpu.memory_space<hbm>> -> memref<8x128xf32, #tpu.memory_space<hbm>>
    tpu.wait_dma2 semaphore(%arg12 : memref<!tpu.dma_semaphore, #tpu.memory_space<semaphore_mem>>) src(%dma_wait3A_1053 : memref<8x128xf32, #tpu.memory_space<hbm>>) dst(%dma_wait3A_1052 : memref<8x128xf32, #tpu.memory_space<vmem>>)
    %iota3A = tpu.iota {dimensions = array<i32: 0>} : vector<16xi32>
    %add3A_1054 = arith.constant 0 : i32
    %add3A_1055 = vector.broadcast %add3A_1054 : i32 to vector<16xi32>
    %add3A_1056 = arith.addi %add3A_1055, %iota3A : vector<16xi32>
    %get3A_1057 = arith.constant 0 : index
    %get3A_1058 = tpu.vector_load %arg7[%get3A_1057] {strides = array<i32>} : memref<32xi32, #tpu.memory_space<vmem>>, vector<16xi32>,
    %jit3A_1059 = arith.constant 128 : i32
    %div3A_1060 = vector.broadcast %jit3A_1059 : i32 to vector<16xi32>
    %div3A_1061 = arith.divsi %get3A_1058, %div3A_1060 : vector<16xi32>
    %sign3A_1062 = arith.constant 0 : i32
    %sign3A_1063 = vector.broadcast %sign3A_1062 : i32 to vector<16xi32>
    %sign3A_1064 = arith.cmpi sgt, %get3A_1058, %sign3A_1063 : vector<16xi32>
    %sign3A_1065 = arith.extui %sign3A_1064 : vector<16xi1> to vector<16xi32>
    %sign3A_1066 = arith.constant 0 : i32
    %sign3A_1067 = vector.broadcast %sign3A_1066 : i32 to vector<16xi32>
    %sign3A_1068 = arith.cmpi slt, %get3A_1058, %sign3A_1067 : vector<16xi32>
    %sign3A_1069 = arith.extui %sign3A_1068 : vector<16xi1> to vector<16xi32>
    %sign3A_1070 = arith.subi %sign3A_1065, %sign3A_1069 : vector<16xi32>
    %sign3A_1071 = arith.constant 0 : i32
    %sign3A_1072 = arith.cmpi sgt, %jit3A_1059, %sign3A_1071 : i32
    %sign3A_1073 = arith.extui %sign3A_1072 : i1 to i32
    %sign3A_1074 = arith.constant 0 : i32
    %sign3A_1075 = arith.cmpi slt, %jit3A_1059, %sign3A_1074 : i32
    %sign3A_1076 = arith.extui %sign3A_1075 : i1 to i32
    %sign3A_1077 = arith.subi %sign3A_1073, %sign3A_1076 : i32
    %ne3A_1078 = vector.broadcast %sign3A_1077 : i32 to vector<16xi32>
    %ne3A_1079 = arith.cmpi ne, %sign3A_1070, %ne3A_1078 : vector<16xi32>
    %rem3A_1080 = vector.broadcast %jit3A_1059 : i32 to vector<16xi32>
    %rem3A_1081 = arith.remsi %get3A_1058, %rem3A_1080 : vector<16xi32>
    %ne3A_1082 = arith.constant 0 : i32
    %ne3A_1083 = vector.broadcast %ne3A_1082 : i32 to vector<16xi32>
    %ne3A_1084 = arith.cmpi ne, %rem3A_1081, %ne3A_1083 : vector<16xi32>
    %and3A_1085 = arith.andi %ne3A_1079, %ne3A_1084 : vector<16xi1>
    %sub3A_1086 = arith.constant 1 : i32
    %sub3A_1087 = vector.broadcast %sub3A_1086 : i32 to vector<16xi32>
    %sub3A_1088 = arith.subi %div3A_1061, %sub3A_1087 : vector<16xi32>
    %select_n3A_1089 = arith.select %and3A_1085, %sub3A_1088, %div3A_1061 : vector<16xi1>, vector<16xi32>
    %mul3A_1090 = arith.constant 128 : i32
    %mul3A_1091 = vector.broadcast %mul3A_1090 : i32 to vector<16xi32>
    %mul3A_1092 = arith.muli %select_n3A_1089, %mul3A_1091 : vector<16xi32>
    %min3A_1093 = arith.constant 99840 : i32
    %min3A_1094 = vector.broadcast %min3A_1093 : i32 to vector<16xi32>
    %min3A_1095 = arith.minsi %mul3A_1092, %min3A_1094 : vector<16xi32>
    %rem3A_1096 = arith.constant 8 : i32
    %rem3A_1097 = vector.broadcast %rem3A_1096 : i32 to vector<16xi32>
    %rem3A_1098 = arith.remsi %add3A_1056, %rem3A_1097 : vector<16xi32>
    %sub3A_1099 = arith.subi %get3A_1058, %min3A_1095 : vector<16xi32>
    %max3A = arith.constant 0 : i32
    %max3A_1100 = vector.broadcast %max3A : i32 to vector<16xi32>
    %max3A_1101 = arith.maxsi %sub3A_1099, %max3A_1100 : vector<16xi32>
    %min3A_1102 = arith.constant 127 : i32
    %min3A_1103 = vector.broadcast %min3A_1102 : i32 to vector<16xi32>
    %min3A_1104 = arith.minsi %max3A_1101, %min3A_1103 : vector<16xi32>
    %gather3A = tpu.vector_load_idx %arg8[%add3A_1056, %rem3A_1098, %min3A_1104] : memref<32x8x128xf32, #tpu.memory_space<vmem>>[vector<16xi32>, vector<16xi32>, vector<16xi32>], vector<16xf32>,
    %sub3A_1105 = arith.constant 99968 : i32
    %sub3A_1106 = vector.broadcast %sub3A_1105 : i32 to vector<16xi32>
    %sub3A_1107 = arith.subi %get3A_1058, %sub3A_1106 : vector<16xi32>
    %max3A_1108 = arith.constant 0 : i32
    %max3A_1109 = vector.broadcast %max3A_1108 : i32 to vector<16xi32>
    %max3A_1110 = arith.maxsi %sub3A_1107, %max3A_1109 : vector<16xi32>
    %min3A_1111 = arith.constant 127 : i32
    %min3A_1112 = vector.broadcast %min3A_1111 : i32 to vector<16xi32>
    %min3A_1113 = arith.minsi %max3A_1110, %min3A_1112 : vector<16xi32>
    %gather3A_1114 = tpu.vector_load_idx %arg9[%add3A_1056, %min3A_1113] : memref<32x128xf32, #tpu.memory_space<vmem>>[vector<16xi32>, vector<16xi32>], vector<16xf32>,
    %ge3A = arith.constant 99968 : i32
    %ge3A_1115 = vector.broadcast %ge3A : i32 to vector<16xi32>
    %ge3A_1116 = arith.cmpi sge, %get3A_1058, %ge3A_1115 : vector<16xi32>
    %select_n3A_1117 = arith.select %ge3A_1116, %gather3A_1114, %gather3A : vector<16xi1>, vector<16xf32>
    %swap3A = arith.constant 0 : index
    %swap3A_1118 = tpu.vector_load %arg10[%swap3A] {strides = array<i32>} : memref<32xf32, #tpu.memory_space<vmem>>, vector<16xf32>,
    tpu.vector_store %arg10[%swap3A], %select_n3A_1117 {strides = array<i32>} : memref<32xf32, #tpu.memory_space<vmem>>, vector<16xf32>,
    %iota3A_1119 = tpu.iota {dimensions = array<i32: 0>} : vector<16xi32>
    %add3A_1120 = arith.constant 16 : i32
    %add3A_1121 = vector.broadcast %add3A_1120 : i32 to vector<16xi32>
    %add3A_1122 = arith.addi %add3A_1121, %iota3A_1119 : vector<16xi32>
    %get3A_1123 = arith.constant 16 : index
    %get3A_1124 = tpu.vector_load %arg7[%get3A_1123] {strides = array<i32>} : memref<32xi32, #tpu.memory_space<vmem>>, vector<16xi32>,
    %jit3A_1125 = arith.constant 128 : i32
    %div3A_1126 = vector.broadcast %jit3A_1125 : i32 to vector<16xi32>
    %div3A_1127 = arith.divsi %get3A_1124, %div3A_1126 : vector<16xi32>
    %sign3A_1128 = arith.constant 0 : i32
    %sign3A_1129 = vector.broadcast %sign3A_1128 : i32 to vector<16xi32>
    %sign3A_1130 = arith.cmpi sgt, %get3A_1124, %sign3A_1129 : vector<16xi32>
    %sign3A_1131 = arith.extui %sign3A_1130 : vector<16xi1> to vector<16xi32>
    %sign3A_1132 = arith.constant 0 : i32
    %sign3A_1133 = vector.broadcast %sign3A_1132 : i32 to vector<16xi32>
    %sign3A_1134 = arith.cmpi slt, %get3A_1124, %sign3A_1133 : vector<16xi32>
    %sign3A_1135 = arith.extui %sign3A_1134 : vector<16xi1> to vector<16xi32>
    %sign3A_1136 = arith.subi %sign3A_1131, %sign3A_1135 : vector<16xi32>
    %sign3A_1137 = arith.constant 0 : i32
    %sign3A_1138 = arith.cmpi sgt, %jit3A_1125, %sign3A_1137 : i32
    %sign3A_1139 = arith.extui %sign3A_1138 : i1 to i32
    %sign3A_1140 = arith.constant 0 : i32
    %sign3A_1141 = arith.cmpi slt, %jit3A_1125, %sign3A_1140 : i32
    %sign3A_1142 = arith.extui %sign3A_1141 : i1 to i32
    %sign3A_1143 = arith.subi %sign3A_1139, %sign3A_1142 : i32
    %ne3A_1144 = vector.broadcast %sign3A_1143 : i32 to vector<16xi32>
    %ne3A_1145 = arith.cmpi ne, %sign3A_1136, %ne3A_1144 : vector<16xi32>
    %rem3A_1146 = vector.broadcast %jit3A_1125 : i32 to vector<16xi32>
    %rem3A_1147 = arith.remsi %get3A_1124, %rem3A_1146 : vector<16xi32>
    %ne3A_1148 = arith.constant 0 : i32
    %ne3A_1149 = vector.broadcast %ne3A_1148 : i32 to vector<16xi32>
    %ne3A_1150 = arith.cmpi ne, %rem3A_1147, %ne3A_1149 : vector<16xi32>
    %and3A_1151 = arith.andi %ne3A_1145, %ne3A_1150 : vector<16xi1>
    %sub3A_1152 = arith.constant 1 : i32
    %sub3A_1153 = vector.broadcast %sub3A_1152 : i32 to vector<16xi32>
    %sub3A_1154 = arith.subi %div3A_1127, %sub3A_1153 : vector<16xi32>
    %select_n3A_1155 = arith.select %and3A_1151, %sub3A_1154, %div3A_1127 : vector<16xi1>, vector<16xi32>
    %mul3A_1156 = arith.constant 128 : i32
    %mul3A_1157 = vector.broadcast %mul3A_1156 : i32 to vector<16xi32>
    %mul3A_1158 = arith.muli %select_n3A_1155, %mul3A_1157 : vector<16xi32>
    %min3A_1159 = arith.constant 99840 : i32
    %min3A_1160 = vector.broadcast %min3A_1159 : i32 to vector<16xi32>
    %min3A_1161 = arith.minsi %mul3A_1158, %min3A_1160 : vector<16xi32>
    %rem3A_1162 = arith.constant 8 : i32
    %rem3A_1163 = vector.broadcast %rem3A_1162 : i32 to vector<16xi32>
    %rem3A_1164 = arith.remsi %add3A_1122, %rem3A_1163 : vector<16xi32>
    %sub3A_1165 = arith.subi %get3A_1124, %min3A_1161 : vector<16xi32>
    %max3A_1166 = arith.constant 0 : i32
    %max3A_1167 = vector.broadcast %max3A_1166 : i32 to vector<16xi32>
    %max3A_1168 = arith.maxsi %sub3A_1165, %max3A_1167 : vector<16xi32>
    %min3A_1169 = arith.constant 127 : i32
    %min3A_1170 = vector.broadcast %min3A_1169 : i32 to vector<16xi32>
    %min3A_1171 = arith.minsi %max3A_1168, %min3A_1170 : vector<16xi32>
    %gather3A_1172 = tpu.vector_load_idx %arg8[%add3A_1122, %rem3A_1164, %min3A_1171] : memref<32x8x128xf32, #tpu.memory_space<vmem>>[vector<16xi32>, vector<16xi32>, vector<16xi32>], vector<16xf32>,
    %sub3A_1173 = arith.constant 99968 : i32
    %sub3A_1174 = vector.broadcast %sub3A_1173 : i32 to vector<16xi32>
    %sub3A_1175 = arith.subi %get3A_1124, %sub3A_1174 : vector<16xi32>
    %max3A_1176 = arith.constant 0 : i32
    %max3A_1177 = vector.broadcast %max3A_1176 : i32 to vector<16xi32>
    %max3A_1178 = arith.maxsi %sub3A_1175, %max3A_1177 : vector<16xi32>
    %min3A_1179 = arith.constant 127 : i32
    %min3A_1180 = vector.broadcast %min3A_1179 : i32 to vector<16xi32>
    %min3A_1181 = arith.minsi %max3A_1178, %min3A_1180 : vector<16xi32>
    %gather3A_1182 = tpu.vector_load_idx %arg9[%add3A_1122, %min3A_1181] : memref<32x128xf32, #tpu.memory_space<vmem>>[vector<16xi32>, vector<16xi32>], vector<16xf32>,
    %ge3A_1183 = arith.constant 99968 : i32
    %ge3A_1184 = vector.broadcast %ge3A_1183 : i32 to vector<16xi32>
    %ge3A_1185 = arith.cmpi sge, %get3A_1124, %ge3A_1184 : vector<16xi32>
    %select_n3A_1186 = arith.select %ge3A_1185, %gather3A_1182, %gather3A_1172 : vector<16xi1>, vector<16xf32>
    %swap3A_1187 = arith.constant 16 : index
    %swap3A_1188 = tpu.vector_load %arg10[%swap3A_1187] {strides = array<i32>} : memref<32xf32, #tpu.memory_space<vmem>>, vector<16xf32>,
    tpu.vector_store %arg10[%swap3A_1187], %select_n3A_1186 {strides = array<i32>} : memref<32xf32, #tpu.memory_space<vmem>>, vector<16xf32>,
    "tpu.region"() ({
      %run_scoped3A = tpu.sem_alloc : memref<!tpu.dma_semaphore, #tpu.memory_space<semaphore_mem>>
      %dma_start3A_4451 = tpu.memref_slice %arg5[%mul3A_2] : memref<1024xf32, #tpu.memory_space<hbm>> -> memref<32xf32, #tpu.memory_space<hbm>>
      %dma_start3A_4452 = tpu.memref_slice %arg5[%mul3A_2] : memref<1024xf32, #tpu.memory_space<hbm>> -> memref<32xf32, #tpu.memory_space<hbm>>
      tpu.enqueue_dma source(%arg10 : memref<32xf32, #tpu.memory_space<vmem>>) target(%dma_start3A_4452 : memref<32xf32, #tpu.memory_space<hbm>>) target_semaphore(%run_scoped3A : memref<!tpu.dma_semaphore, #tpu.memory_space<semaphore_mem>>)
      %dma_wait3A_4453 = tpu.memref_slice %arg5[%mul3A_2] : memref<1024xf32, #tpu.memory_space<hbm>> -> memref<32xf32, #tpu.memory_space<hbm>>
      %dma_wait3A_4454 = tpu.memref_slice %arg5[%mul3A_2] : memref<1024xf32, #tpu.memory_space<hbm>> -> memref<32xf32, #tpu.memory_space<hbm>>
      tpu.wait_dma2 semaphore(%run_scoped3A : memref<!tpu.dma_semaphore, #tpu.memory_space<semaphore_mem>>) src(%arg10 : memref<32xf32, #tpu.memory_space<vmem>>) dst(%dma_wait3A_4454 : memref<32xf32, #tpu.memory_space<hbm>>)
      tpu.yield
    }) : () -> ()
    %broadcast_in_dim3A = arith.constant 0.000000e+00 : f32
    %broadcast_in_dim3A_1189 = vector.broadcast %broadcast_in_dim3A : f32 to vector<16xf32>
    %broadcast_in_dim3A_1190 = arith.constant 0.000000e+00 : f32
    %broadcast_in_dim3A_1191 = vector.broadcast %broadcast_in_dim3A_1190 : f32 to vector<16xf32>
    %broadcast_in_dim3A_1192 = arith.constant 0.000000e+00 : f32
    %broadcast_in_dim3A_1193 = vector.broadcast %broadcast_in_dim3A_1192 : f32 to vector<16xf32>
    %broadcast_in_dim3A_1194 = arith.constant 0.000000e+00 : f32
    %broadcast_in_dim3A_1195 = vector.broadcast %broadcast_in_dim3A_1194 : f32 to vector<16xf32>
    %broadcast_in_dim3A_1196 = arith.constant 0.000000e+00 : f32
    %broadcast_in_dim3A_1197 = vector.broadcast %broadcast_in_dim3A_1196 : f32 to vector<16xf32>
    %broadcast_in_dim3A_1198 = arith.constant 0.000000e+00 : f32
    %broadcast_in_dim3A_1199 = vector.broadcast %broadcast_in_dim3A_1198 : f32 to vector<16xf32>
    %broadcast_in_dim3A_1200 = arith.constant 0.000000e+00 : f32
    %broadcast_in_dim3A_1201 = vector.broadcast %broadcast_in_dim3A_1200 : f32 to vector<16xf32>
    %broadcast_in_dim3A_1202 = arith.constant 0.000000e+00 : f32
    %broadcast_in_dim3A_1203 = vector.broadcast %broadcast_in_dim3A_1202 : f32 to vector<16xf32>
    %get3A_1204 = arith.constant 0 : i32
    %get3A_1205 = arith.index_cast %get3A_1204 : i32 to index
    %get3A_1206 = arith.constant 0 : index
    %get3A_1207 = tpu.vector_load %arg9[%get3A_1205, %get3A_1206] {strides = array<i32>} : memref<32x128xf32, #tpu.memory_space<vmem>>, vector<16xf32>,
    %mul3A_1208 = arith.constant 1.600000e+01 : f32
    %mul3A_1209 = vector.broadcast %mul3A_1208 : f32 to vector<16xf32>
    %mul3A_1210 = arith.mulf %get3A_1207, %mul3A_1209 : vector<16xf32>
    %sub3A_1211 = arith.constant 1.600000e+01 : f32
    %sub3A_1212 = vector.broadcast %sub3A_1211 : f32 to vector<16xf32>
    %sub3A_1213 = arith.subf %mul3A_1210, %sub3A_1212 : vector<16xf32>
    %exp3A = math.exp %sub3A_1213 : vector<16xf32>
    %add3A_1214 = arith.addf %broadcast_in_dim3A_1189, %exp3A : vector<16xf32>
    %get3A_1215 = arith.constant 0 : i32
    %get3A_1216 = arith.index_cast %get3A_1215 : i32 to index
    %get3A_1217 = arith.constant 16 : index
    %get3A_1218 = tpu.vector_load %arg9[%get3A_1216, %get3A_1217] {strides = array<i32>} : memref<32x128xf32, #tpu.memory_space<vmem>>, vector<16xf32>,
    %mul3A_1219 = arith.constant 1.600000e+01 : f32
    %mul3A_1220 = vector.broadcast %mul3A_1219 : f32 to vector<16xf32>
    %mul3A_1221 = arith.mulf %get3A_1218, %mul3A_1220 : vector<16xf32>
    %sub3A_1222 = arith.constant 1.600000e+01 : f32
    %sub3A_1223 = vector.broadcast %sub3A_1222 : f32 to vector<16xf32>
    %sub3A_1224 = arith.subf %mul3A_1221, %sub3A_1223 : vector<16xf32>
    %exp3A_1225 = math.exp %sub3A_1224 : vector<16xf32>
    %add3A_1226 = arith.addf %add3A_1214, %exp3A_1225 : vector<16xf32>
    %get3A_1227 = arith.constant 0 : i32
    %get3A_1228 = arith.index_cast %get3A_1227 : i32 to index
    %get3A_1229 = arith.constant 32 : index
    %get3A_1230 = tpu.vector_load %arg9[%get3A_1228, %get3A_1229] {strides = array<i32>} : memref<32x128xf32, #tpu.memory_space<vmem>>, vector<16xf32>,
    %mul3A_1231 = arith.constant 1.600000e+01 : f32
    %mul3A_1232 = vector.broadcast %mul3A_1231 : f32 to vector<16xf32>
    %mul3A_1233 = arith.mulf %get3A_1230, %mul3A_1232 : vector<16xf32>
    %sub3A_1234 = arith.constant 1.600000e+01 : f32
    %sub3A_1235 = vector.broadcast %sub3A_1234 : f32 to vector<16xf32>
    %sub3A_1236 = arith.subf %mul3A_1233, %sub3A_1235 : vector<16xf32>
    %exp3A_1237 = math.exp %sub3A_1236 : vector<16xf32>
    %add3A_1238 = arith.addf %add3A_1226, %exp3A_1237 : vector<16xf32>
    %get3A_1239 = arith.constant 0 : i32
    %get3A_1240 = arith.index_cast %get3A_1239 : i32 to index
    %get3A_1241 = arith.constant 48 : index
    %get3A_1242 = tpu.vector_load %arg9[%get3A_1240, %get3A_1241] {strides = array<i32>} : memref<32x128xf32, #tpu.memory_space<vmem>>, vector<16xf32>,
    %mul3A_1243 = arith.constant 1.600000e+01 : f32
    %mul3A_1244 = vector.broadcast %mul3A_1243 : f32 to vector<16xf32>
    %mul3A_1245 = arith.mulf %get3A_1242, %mul3A_1244 : vector<16xf32>
    %sub3A_1246 = arith.constant 1.600000e+01 : f32
    %sub3A_1247 = vector.broadcast %sub3A_1246 : f32 to vector<16xf32>
    %sub3A_1248 = arith.subf %mul3A_1245, %sub3A_1247 : vector<16xf32>
    %exp3A_1249 = math.exp %sub3A_1248 : vector<16xf32>
    %add3A_1250 = arith.addf %add3A_1238, %exp3A_1249 : vector<16xf32>
    %get3A_1251 = arith.constant 0 : i32
    %get3A_1252 = arith.index_cast %get3A_1251 : i32 to index
    %get3A_1253 = arith.constant 64 : index
    %get3A_1254 = tpu.vector_load %arg9[%get3A_1252, %get3A_1253] {strides = array<i32>} : memref<32x128xf32, #tpu.memory_space<vmem>>, vector<16xf32>,
    %mul3A_1255 = arith.constant 1.600000e+01 : f32
    %mul3A_1256 = vector.broadcast %mul3A_1255 : f32 to vector<16xf32>
    %mul3A_1257 = arith.mulf %get3A_1254, %mul3A_1256 : vector<16xf32>
    %sub3A_1258 = arith.constant 1.600000e+01 : f32
    %sub3A_1259 = vector.broadcast %sub3A_1258 : f32 to vector<16xf32>
    %sub3A_1260 = arith.subf %mul3A_1257, %sub3A_1259 : vector<16xf32>
    %exp3A_1261 = math.exp %sub3A_1260 : vector<16xf32>
    %add3A_1262 = arith.addf %add3A_1250, %exp3A_1261 : vector<16xf32>
    %get3A_1263 = arith.constant 0 : i32
    %get3A_1264 = arith.index_cast %get3A_1263 : i32 to index
    %get3A_1265 = arith.constant 80 : index
    %get3A_1266 = tpu.vector_load %arg9[%get3A_1264, %get3A_1265] {strides = array<i32>} : memref<32x128xf32, #tpu.memory_space<vmem>>, vector<16xf32>,
    %mul3A_1267 = arith.constant 1.600000e+01 : f32
    %mul3A_1268 = vector.broadcast %mul3A_1267 : f32 to vector<16xf32>
    %mul3A_1269 = arith.mulf %get3A_1266, %mul3A_1268 : vector<16xf32>
    %sub3A_1270 = arith.constant 1.600000e+01 : f32
    %sub3A_1271 = vector.broadcast %sub3A_1270 : f32 to vector<16xf32>
    %sub3A_1272 = arith.subf %mul3A_1269, %sub3A_1271 : vector<16xf32>
    %exp3A_1273 = math.exp %sub3A_1272 : vector<16xf32>
    %add3A_1274 = arith.addf %add3A_1262, %exp3A_1273 : vector<16xf32>
    %get3A_1275 = arith.constant 0 : i32
    %get3A_1276 = arith.index_cast %get3A_1275 : i32 to index
    %get3A_1277 = arith.constant 96 : index
    %get3A_1278 = tpu.vector_load %arg9[%get3A_1276, %get3A_1277] {strides = array<i32>} : memref<32x128xf32, #tpu.memory_space<vmem>>, vector<16xf32>,
    %mul3A_1279 = arith.constant 1.600000e+01 : f32
    %mul3A_1280 = vector.broadcast %mul3A_1279 : f32 to vector<16xf32>
    %mul3A_1281 = arith.mulf %get3A_1278, %mul3A_1280 : vector<16xf32>
    %sub3A_1282 = arith.constant 1.600000e+01 : f32
    %sub3A_1283 = vector.broadcast %sub3A_1282 : f32 to vector<16xf32>
    %sub3A_1284 = arith.subf %mul3A_1281, %sub3A_1283 : vector<16xf32>
    %exp3A_1285 = math.exp %sub3A_1284 : vector<16xf32>
    %add3A_1286 = arith.addf %add3A_1274, %exp3A_1285 : vector<16xf32>
    %get3A_1287 = arith.constant 0 : i32
    %get3A_1288 = arith.index_cast %get3A_1287 : i32 to index
    %get3A_1289 = arith.constant 112 : index
    %get3A_1290 = tpu.vector_load %arg9[%get3A_1288, %get3A_1289] {strides = array<i32>} : memref<32x128xf32, #tpu.memory_space<vmem>>, vector<16xf32>,
    %mul3A_1291 = arith.constant 1.600000e+01 : f32
    %mul3A_1292 = vector.broadcast %mul3A_1291 : f32 to vector<16xf32>
    %mul3A_1293 = arith.mulf %get3A_1290, %mul3A_1292 : vector<16xf32>
    %sub3A_1294 = arith.constant 1.600000e+01 : f32
    %sub3A_1295 = vector.broadcast %sub3A_1294 : f32 to vector<16xf32>
    %sub3A_1296 = arith.subf %mul3A_1293, %sub3A_1295 : vector<16xf32>
    %exp3A_1297 = math.exp %sub3A_1296 : vector<16xf32>
    %add3A_1298 = arith.addf %add3A_1286, %exp3A_1297 : vector<16xf32>
    %get3A_1299 = arith.constant 1 : i32
    %get3A_1300 = arith.index_cast %get3A_1299 : i32 to index
    %get3A_1301 = arith.constant 0 : index
    %get3A_1302 = tpu.vector_load %arg9[%get3A_1300, %get3A_1301] {strides = array<i32>} : memref<32x128xf32, #tpu.memory_space<vmem>>, vector<16xf32>,
    %mul3A_1303 = arith.constant 1.600000e+01 : f32
    %mul3A_1304 = vector.broadcast %mul3A_1303 : f32 to vector<16xf32>
    %mul3A_1305 = arith.mulf %get3A_1302, %mul3A_1304 : vector<16xf32>
    %sub3A_1306 = arith.constant 1.600000e+01 : f32
    %sub3A_1307 = vector.broadcast %sub3A_1306 : f32 to vector<16xf32>
    %sub3A_1308 = arith.subf %mul3A_1305, %sub3A_1307 : vector<16xf32>
    %exp3A_1309 = math.exp %sub3A_1308 : vector<16xf32>
    %add3A_1310 = arith.addf %broadcast_in_dim3A_1191, %exp3A_1309 : vector<16xf32>
    %get3A_1311 = arith.constant 1 : i32
    %get3A_1312 = arith.index_cast %get3A_1311 : i32 to index
    %get3A_1313 = arith.constant 16 : index
    %get3A_1314 = tpu.vector_load %arg9[%get3A_1312, %get3A_1313] {strides = array<i32>} : memref<32x128xf32, #tpu.memory_space<vmem>>, vector<16xf32>,
    %mul3A_1315 = arith.constant 1.600000e+01 : f32
    %mul3A_1316 = vector.broadcast %mul3A_1315 : f32 to vector<16xf32>
    %mul3A_1317 = arith.mulf %get3A_1314, %mul3A_1316 : vector<16xf32>
    %sub3A_1318 = arith.constant 1.600000e+01 : f32
    %sub3A_1319 = vector.broadcast %sub3A_1318 : f32 to vector<16xf32>
    %sub3A_1320 = arith.subf %mul3A_1317, %sub3A_1319 : vector<16xf32>
    %exp3A_1321 = math.exp %sub3A_1320 : vector<16xf32>
    %add3A_1322 = arith.addf %add3A_1310, %exp3A_1321 : vector<16xf32>
    %get3A_1323 = arith.constant 1 : i32
    %get3A_1324 = arith.index_cast %get3A_1323 : i32 to index
    %get3A_1325 = arith.constant 32 : index
    %get3A_1326 = tpu.vector_load %arg9[%get3A_1324, %get3A_1325] {strides = array<i32>} : memref<32x128xf32, #tpu.memory_space<vmem>>, vector<16xf32>,
    %mul3A_1327 = arith.constant 1.600000e+01 : f32
    %mul3A_1328 = vector.broadcast %mul3A_1327 : f32 to vector<16xf32>
    %mul3A_1329 = arith.mulf %get3A_1326, %mul3A_1328 : vector<16xf32>
    %sub3A_1330 = arith.constant 1.600000e+01 : f32
    %sub3A_1331 = vector.broadcast %sub3A_1330 : f32 to vector<16xf32>
    %sub3A_1332 = arith.subf %mul3A_1329, %sub3A_1331 : vector<16xf32>
    %exp3A_1333 = math.exp %sub3A_1332 : vector<16xf32>
    %add3A_1334 = arith.addf %add3A_1322, %exp3A_1333 : vector<16xf32>
    %get3A_1335 = arith.constant 1 : i32
    %get3A_1336 = arith.index_cast %get3A_1335 : i32 to index
    %get3A_1337 = arith.constant 48 : index
    %get3A_1338 = tpu.vector_load %arg9[%get3A_1336, %get3A_1337] {strides = array<i32>} : memref<32x128xf32, #tpu.memory_space<vmem>>, vector<16xf32>,
    %mul3A_1339 = arith.constant 1.600000e+01 : f32
    %mul3A_1340 = vector.broadcast %mul3A_1339 : f32 to vector<16xf32>
    %mul3A_1341 = arith.mulf %get3A_1338, %mul3A_1340 : vector<16xf32>
    %sub3A_1342 = arith.constant 1.600000e+01 : f32
    %sub3A_1343 = vector.broadcast %sub3A_1342 : f32 to vector<16xf32>
    %sub3A_1344 = arith.subf %mul3A_1341, %sub3A_1343 : vector<16xf32>
    %exp3A_1345 = math.exp %sub3A_1344 : vector<16xf32>
    %add3A_1346 = arith.addf %add3A_1334, %exp3A_1345 : vector<16xf32>
    %get3A_1347 = arith.constant 1 : i32
    %get3A_1348 = arith.index_cast %get3A_1347 : i32 to index
    %get3A_1349 = arith.constant 64 : index
    %get3A_1350 = tpu.vector_load %arg9[%get3A_1348, %get3A_1349] {strides = array<i32>} : memref<32x128xf32, #tpu.memory_space<vmem>>, vector<16xf32>,
    %mul3A_1351 = arith.constant 1.600000e+01 : f32
    %mul3A_1352 = vector.broadcast %mul3A_1351 : f32 to vector<16xf32>
    %mul3A_1353 = arith.mulf %get3A_1350, %mul3A_1352 : vector<16xf32>
    %sub3A_1354 = arith.constant 1.600000e+01 : f32
    %sub3A_1355 = vector.broadcast %sub3A_1354 : f32 to vector<16xf32>
    %sub3A_1356 = arith.subf %mul3A_1353, %sub3A_1355 : vector<16xf32>
    %exp3A_1357 = math.exp %sub3A_1356 : vector<16xf32>
    %add3A_1358 = arith.addf %add3A_1346, %exp3A_1357 : vector<16xf32>
    %get3A_1359 = arith.constant 1 : i32
    %get3A_1360 = arith.index_cast %get3A_1359 : i32 to index
    %get3A_1361 = arith.constant 80 : index
    %get3A_1362 = tpu.vector_load %arg9[%get3A_1360, %get3A_1361] {strides = array<i32>} : memref<32x128xf32, #tpu.memory_space<vmem>>, vector<16xf32>,
    %mul3A_1363 = arith.constant 1.600000e+01 : f32
    %mul3A_1364 = vector.broadcast %mul3A_1363 : f32 to vector<16xf32>
    %mul3A_1365 = arith.mulf %get3A_1362, %mul3A_1364 : vector<16xf32>
    %sub3A_1366 = arith.constant 1.600000e+01 : f32
    %sub3A_1367 = vector.broadcast %sub3A_1366 : f32 to vector<16xf32>
    %sub3A_1368 = arith.subf %mul3A_1365, %sub3A_1367 : vector<16xf32>
    %exp3A_1369 = math.exp %sub3A_1368 : vector<16xf32>
    %add3A_1370 = arith.addf %add3A_1358, %exp3A_1369 : vector<16xf32>
    %get3A_1371 = arith.constant 1 : i32
    %get3A_1372 = arith.index_cast %get3A_1371 : i32 to index
    %get3A_1373 = arith.constant 96 : index
    %get3A_1374 = tpu.vector_load %arg9[%get3A_1372, %get3A_1373] {strides = array<i32>} : memref<32x128xf32, #tpu.memory_space<vmem>>, vector<16xf32>,
    %mul3A_1375 = arith.constant 1.600000e+01 : f32
    %mul3A_1376 = vector.broadcast %mul3A_1375 : f32 to vector<16xf32>
    %mul3A_1377 = arith.mulf %get3A_1374, %mul3A_1376 : vector<16xf32>
    %sub3A_1378 = arith.constant 1.600000e+01 : f32
    %sub3A_1379 = vector.broadcast %sub3A_1378 : f32 to vector<16xf32>
    %sub3A_1380 = arith.subf %mul3A_1377, %sub3A_1379 : vector<16xf32>
    %exp3A_1381 = math.exp %sub3A_1380 : vector<16xf32>
    %add3A_1382 = arith.addf %add3A_1370, %exp3A_1381 : vector<16xf32>
    %get3A_1383 = arith.constant 1 : i32
    %get3A_1384 = arith.index_cast %get3A_1383 : i32 to index
    %get3A_1385 = arith.constant 112 : index
    %get3A_1386 = tpu.vector_load %arg9[%get3A_1384, %get3A_1385] {strides = array<i32>} : memref<32x128xf32, #tpu.memory_space<vmem>>, vector<16xf32>,
    %mul3A_1387 = arith.constant 1.600000e+01 : f32
    %mul3A_1388 = vector.broadcast %mul3A_1387 : f32 to vector<16xf32>
    %mul3A_1389 = arith.mulf %get3A_1386, %mul3A_1388 : vector<16xf32>
    %sub3A_1390 = arith.constant 1.600000e+01 : f32
    %sub3A_1391 = vector.broadcast %sub3A_1390 : f32 to vector<16xf32>
    %sub3A_1392 = arith.subf %mul3A_1389, %sub3A_1391 : vector<16xf32>
    %exp3A_1393 = math.exp %sub3A_1392 : vector<16xf32>
    %add3A_1394 = arith.addf %add3A_1382, %exp3A_1393 : vector<16xf32>
    %get3A_1395 = arith.constant 2 : i32
    %get3A_1396 = arith.index_cast %get3A_1395 : i32 to index
    %get3A_1397 = arith.constant 0 : index
    %get3A_1398 = tpu.vector_load %arg9[%get3A_1396, %get3A_1397] {strides = array<i32>} : memref<32x128xf32, #tpu.memory_space<vmem>>, vector<16xf32>,
    %mul3A_1399 = arith.constant 1.600000e+01 : f32
    %mul3A_1400 = vector.broadcast %mul3A_1399 : f32 to vector<16xf32>
    %mul3A_1401 = arith.mulf %get3A_1398, %mul3A_1400 : vector<16xf32>
    %sub3A_1402 = arith.constant 1.600000e+01 : f32
    %sub3A_1403 = vector.broadcast %sub3A_1402 : f32 to vector<16xf32>
    %sub3A_1404 = arith.subf %mul3A_1401, %sub3A_1403 : vector<16xf32>
    %exp3A_1405 = math.exp %sub3A_1404 : vector<16xf32>
    %add3A_1406 = arith.addf %broadcast_in_dim3A_1193, %exp3A_1405 : vector<16xf32>
    %get3A_1407 = arith.constant 2 : i32
    %get3A_1408 = arith.index_cast %get3A_1407 : i32 to index
    %get3A_1409 = arith.constant 16 : index
    %get3A_1410 = tpu.vector_load %arg9[%get3A_1408, %get3A_1409] {strides = array<i32>} : memref<32x128xf32, #tpu.memory_space<vmem>>, vector<16xf32>,
    %mul3A_1411 = arith.constant 1.600000e+01 : f32
    %mul3A_1412 = vector.broadcast %mul3A_1411 : f32 to vector<16xf32>
    %mul3A_1413 = arith.mulf %get3A_1410, %mul3A_1412 : vector<16xf32>
    %sub3A_1414 = arith.constant 1.600000e+01 : f32
    %sub3A_1415 = vector.broadcast %sub3A_1414 : f32 to vector<16xf32>
    %sub3A_1416 = arith.subf %mul3A_1413, %sub3A_1415 : vector<16xf32>
    %exp3A_1417 = math.exp %sub3A_1416 : vector<16xf32>
    %add3A_1418 = arith.addf %add3A_1406, %exp3A_1417 : vector<16xf32>
    %get3A_1419 = arith.constant 2 : i32
    %get3A_1420 = arith.index_cast %get3A_1419 : i32 to index
    %get3A_1421 = arith.constant 32 : index
    %get3A_1422 = tpu.vector_load %arg9[%get3A_1420, %get3A_1421] {strides = array<i32>} : memref<32x128xf32, #tpu.memory_space<vmem>>, vector<16xf32>,
    %mul3A_1423 = arith.constant 1.600000e+01 : f32
    %mul3A_1424 = vector.broadcast %mul3A_1423 : f32 to vector<16xf32>
    %mul3A_1425 = arith.mulf %get3A_1422, %mul3A_1424 : vector<16xf32>
    %sub3A_1426 = arith.constant 1.600000e+01 : f32
    %sub3A_1427 = vector.broadcast %sub3A_1426 : f32 to vector<16xf32>
    %sub3A_1428 = arith.subf %mul3A_1425, %sub3A_1427 : vector<16xf32>
    %exp3A_1429 = math.exp %sub3A_1428 : vector<16xf32>
    %add3A_1430 = arith.addf %add3A_1418, %exp3A_1429 : vector<16xf32>
    %get3A_1431 = arith.constant 2 : i32
    %get3A_1432 = arith.index_cast %get3A_1431 : i32 to index
    %get3A_1433 = arith.constant 48 : index
    %get3A_1434 = tpu.vector_load %arg9[%get3A_1432, %get3A_1433] {strides = array<i32>} : memref<32x128xf32, #tpu.memory_space<vmem>>, vector<16xf32>,
    %mul3A_1435 = arith.constant 1.600000e+01 : f32
    %mul3A_1436 = vector.broadcast %mul3A_1435 : f32 to vector<16xf32>
    %mul3A_1437 = arith.mulf %get3A_1434, %mul3A_1436 : vector<16xf32>
    %sub3A_1438 = arith.constant 1.600000e+01 : f32
    %sub3A_1439 = vector.broadcast %sub3A_1438 : f32 to vector<16xf32>
    %sub3A_1440 = arith.subf %mul3A_1437, %sub3A_1439 : vector<16xf32>
    %exp3A_1441 = math.exp %sub3A_1440 : vector<16xf32>
    %add3A_1442 = arith.addf %add3A_1430, %exp3A_1441 : vector<16xf32>
    %get3A_1443 = arith.constant 2 : i32
    %get3A_1444 = arith.index_cast %get3A_1443 : i32 to index
    %get3A_1445 = arith.constant 64 : index
    %get3A_1446 = tpu.vector_load %arg9[%get3A_1444, %get3A_1445] {strides = array<i32>} : memref<32x128xf32, #tpu.memory_space<vmem>>, vector<16xf32>,
    %mul3A_1447 = arith.constant 1.600000e+01 : f32
    %mul3A_1448 = vector.broadcast %mul3A_1447 : f32 to vector<16xf32>
    %mul3A_1449 = arith.mulf %get3A_1446, %mul3A_1448 : vector<16xf32>
    %sub3A_1450 = arith.constant 1.600000e+01 : f32
    %sub3A_1451 = vector.broadcast %sub3A_1450 : f32 to vector<16xf32>
    %sub3A_1452 = arith.subf %mul3A_1449, %sub3A_1451 : vector<16xf32>
    %exp3A_1453 = math.exp %sub3A_1452 : vector<16xf32>
    %add3A_1454 = arith.addf %add3A_1442, %exp3A_1453 : vector<16xf32>
    %get3A_1455 = arith.constant 2 : i32
    %get3A_1456 = arith.index_cast %get3A_1455 : i32 to index
    %get3A_1457 = arith.constant 80 : index
    %get3A_1458 = tpu.vector_load %arg9[%get3A_1456, %get3A_1457] {strides = array<i32>} : memref<32x128xf32, #tpu.memory_space<vmem>>, vector<16xf32>,
    %mul3A_1459 = arith.constant 1.600000e+01 : f32
    %mul3A_1460 = vector.broadcast %mul3A_1459 : f32 to vector<16xf32>
    %mul3A_1461 = arith.mulf %get3A_1458, %mul3A_1460 : vector<16xf32>
    %sub3A_1462 = arith.constant 1.600000e+01 : f32
    %sub3A_1463 = vector.broadcast %sub3A_1462 : f32 to vector<16xf32>
    %sub3A_1464 = arith.subf %mul3A_1461, %sub3A_1463 : vector<16xf32>
    %exp3A_1465 = math.exp %sub3A_1464 : vector<16xf32>
    %add3A_1466 = arith.addf %add3A_1454, %exp3A_1465 : vector<16xf32>
    %get3A_1467 = arith.constant 2 : i32
    %get3A_1468 = arith.index_cast %get3A_1467 : i32 to index
    %get3A_1469 = arith.constant 96 : index
    %get3A_1470 = tpu.vector_load %arg9[%get3A_1468, %get3A_1469] {strides = array<i32>} : memref<32x128xf32, #tpu.memory_space<vmem>>, vector<16xf32>,
    %mul3A_1471 = arith.constant 1.600000e+01 : f32
    %mul3A_1472 = vector.broadcast %mul3A_1471 : f32 to vector<16xf32>
    %mul3A_1473 = arith.mulf %get3A_1470, %mul3A_1472 : vector<16xf32>
    %sub3A_1474 = arith.constant 1.600000e+01 : f32
    %sub3A_1475 = vector.broadcast %sub3A_1474 : f32 to vector<16xf32>
    %sub3A_1476 = arith.subf %mul3A_1473, %sub3A_1475 : vector<16xf32>
    %exp3A_1477 = math.exp %sub3A_1476 : vector<16xf32>
    %add3A_1478 = arith.addf %add3A_1466, %exp3A_1477 : vector<16xf32>
    %get3A_1479 = arith.constant 2 : i32
    %get3A_1480 = arith.index_cast %get3A_1479 : i32 to index
    %get3A_1481 = arith.constant 112 : index
    %get3A_1482 = tpu.vector_load %arg9[%get3A_1480, %get3A_1481] {strides = array<i32>} : memref<32x128xf32, #tpu.memory_space<vmem>>, vector<16xf32>,
    %mul3A_1483 = arith.constant 1.600000e+01 : f32
    %mul3A_1484 = vector.broadcast %mul3A_1483 : f32 to vector<16xf32>
    %mul3A_1485 = arith.mulf %get3A_1482, %mul3A_1484 : vector<16xf32>
    %sub3A_1486 = arith.constant 1.600000e+01 : f32
    %sub3A_1487 = vector.broadcast %sub3A_1486 : f32 to vector<16xf32>
    %sub3A_1488 = arith.subf %mul3A_1485, %sub3A_1487 : vector<16xf32>
    %exp3A_1489 = math.exp %sub3A_1488 : vector<16xf32>
    %add3A_1490 = arith.addf %add3A_1478, %exp3A_1489 : vector<16xf32>
    %get3A_1491 = arith.constant 3 : i32
    %get3A_1492 = arith.index_cast %get3A_1491 : i32 to index
    %get3A_1493 = arith.constant 0 : index
    %get3A_1494 = tpu.vector_load %arg9[%get3A_1492, %get3A_1493] {strides = array<i32>} : memref<32x128xf32, #tpu.memory_space<vmem>>, vector<16xf32>,
    %mul3A_1495 = arith.constant 1.600000e+01 : f32
    %mul3A_1496 = vector.broadcast %mul3A_1495 : f32 to vector<16xf32>
    %mul3A_1497 = arith.mulf %get3A_1494, %mul3A_1496 : vector<16xf32>
    %sub3A_1498 = arith.constant 1.600000e+01 : f32
    %sub3A_1499 = vector.broadcast %sub3A_1498 : f32 to vector<16xf32>
    %sub3A_1500 = arith.subf %mul3A_1497, %sub3A_1499 : vector<16xf32>
    %exp3A_1501 = math.exp %sub3A_1500 : vector<16xf32>
    %add3A_1502 = arith.addf %broadcast_in_dim3A_1195, %exp3A_1501 : vector<16xf32>
    %get3A_1503 = arith.constant 3 : i32
    %get3A_1504 = arith.index_cast %get3A_1503 : i32 to index
    %get3A_1505 = arith.constant 16 : index
    %get3A_1506 = tpu.vector_load %arg9[%get3A_1504, %get3A_1505] {strides = array<i32>} : memref<32x128xf32, #tpu.memory_space<vmem>>, vector<16xf32>,
    %mul3A_1507 = arith.constant 1.600000e+01 : f32
    %mul3A_1508 = vector.broadcast %mul3A_1507 : f32 to vector<16xf32>
    %mul3A_1509 = arith.mulf %get3A_1506, %mul3A_1508 : vector<16xf32>
    %sub3A_1510 = arith.constant 1.600000e+01 : f32
    %sub3A_1511 = vector.broadcast %sub3A_1510 : f32 to vector<16xf32>
    %sub3A_1512 = arith.subf %mul3A_1509, %sub3A_1511 : vector<16xf32>
    %exp3A_1513 = math.exp %sub3A_1512 : vector<16xf32>
    %add3A_1514 = arith.addf %add3A_1502, %exp3A_1513 : vector<16xf32>
    %get3A_1515 = arith.constant 3 : i32
    %get3A_1516 = arith.index_cast %get3A_1515 : i32 to index
    %get3A_1517 = arith.constant 32 : index
    %get3A_1518 = tpu.vector_load %arg9[%get3A_1516, %get3A_1517] {strides = array<i32>} : memref<32x128xf32, #tpu.memory_space<vmem>>, vector<16xf32>,
    %mul3A_1519 = arith.constant 1.600000e+01 : f32
    %mul3A_1520 = vector.broadcast %mul3A_1519 : f32 to vector<16xf32>
    %mul3A_1521 = arith.mulf %get3A_1518, %mul3A_1520 : vector<16xf32>
    %sub3A_1522 = arith.constant 1.600000e+01 : f32
    %sub3A_1523 = vector.broadcast %sub3A_1522 : f32 to vector<16xf32>
    %sub3A_1524 = arith.subf %mul3A_1521, %sub3A_1523 : vector<16xf32>
    %exp3A_1525 = math.exp %sub3A_1524 : vector<16xf32>
    %add3A_1526 = arith.addf %add3A_1514, %exp3A_1525 : vector<16xf32>
    %get3A_1527 = arith.constant 3 : i32
    %get3A_1528 = arith.index_cast %get3A_1527 : i32 to index
    %get3A_1529 = arith.constant 48 : index
    %get3A_1530 = tpu.vector_load %arg9[%get3A_1528, %get3A_1529] {strides = array<i32>} : memref<32x128xf32, #tpu.memory_space<vmem>>, vector<16xf32>,
    %mul3A_1531 = arith.constant 1.600000e+01 : f32
    %mul3A_1532 = vector.broadcast %mul3A_1531 : f32 to vector<16xf32>
    %mul3A_1533 = arith.mulf %get3A_1530, %mul3A_1532 : vector<16xf32>
    %sub3A_1534 = arith.constant 1.600000e+01 : f32
    %sub3A_1535 = vector.broadcast %sub3A_1534 : f32 to vector<16xf32>
    %sub3A_1536 = arith.subf %mul3A_1533, %sub3A_1535 : vector<16xf32>
    %exp3A_1537 = math.exp %sub3A_1536 : vector<16xf32>
    %add3A_1538 = arith.addf %add3A_1526, %exp3A_1537 : vector<16xf32>
    %get3A_1539 = arith.constant 3 : i32
    %get3A_1540 = arith.index_cast %get3A_1539 : i32 to index
    %get3A_1541 = arith.constant 64 : index
    %get3A_1542 = tpu.vector_load %arg9[%get3A_1540, %get3A_1541] {strides = array<i32>} : memref<32x128xf32, #tpu.memory_space<vmem>>, vector<16xf32>,
    %mul3A_1543 = arith.constant 1.600000e+01 : f32
    %mul3A_1544 = vector.broadcast %mul3A_1543 : f32 to vector<16xf32>
    %mul3A_1545 = arith.mulf %get3A_1542, %mul3A_1544 : vector<16xf32>
    %sub3A_1546 = arith.constant 1.600000e+01 : f32
    %sub3A_1547 = vector.broadcast %sub3A_1546 : f32 to vector<16xf32>
    %sub3A_1548 = arith.subf %mul3A_1545, %sub3A_1547 : vector<16xf32>
    %exp3A_1549 = math.exp %sub3A_1548 : vector<16xf32>
    %add3A_1550 = arith.addf %add3A_1538, %exp3A_1549 : vector<16xf32>
    %get3A_1551 = arith.constant 3 : i32
    %get3A_1552 = arith.index_cast %get3A_1551 : i32 to index
    %get3A_1553 = arith.constant 80 : index
    %get3A_1554 = tpu.vector_load %arg9[%get3A_1552, %get3A_1553] {strides = array<i32>} : memref<32x128xf32, #tpu.memory_space<vmem>>, vector<16xf32>,
    %mul3A_1555 = arith.constant 1.600000e+01 : f32
    %mul3A_1556 = vector.broadcast %mul3A_1555 : f32 to vector<16xf32>
    %mul3A_1557 = arith.mulf %get3A_1554, %mul3A_1556 : vector<16xf32>
    %sub3A_1558 = arith.constant 1.600000e+01 : f32
    %sub3A_1559 = vector.broadcast %sub3A_1558 : f32 to vector<16xf32>
    %sub3A_1560 = arith.subf %mul3A_1557, %sub3A_1559 : vector<16xf32>
    %exp3A_1561 = math.exp %sub3A_1560 : vector<16xf32>
    %add3A_1562 = arith.addf %add3A_1550, %exp3A_1561 : vector<16xf32>
    %get3A_1563 = arith.constant 3 : i32
    %get3A_1564 = arith.index_cast %get3A_1563 : i32 to index
    %get3A_1565 = arith.constant 96 : index
    %get3A_1566 = tpu.vector_load %arg9[%get3A_1564, %get3A_1565] {strides = array<i32>} : memref<32x128xf32, #tpu.memory_space<vmem>>, vector<16xf32>,
    %mul3A_1567 = arith.constant 1.600000e+01 : f32
    %mul3A_1568 = vector.broadcast %mul3A_1567 : f32 to vector<16xf32>
    %mul3A_1569 = arith.mulf %get3A_1566, %mul3A_1568 : vector<16xf32>
    %sub3A_1570 = arith.constant 1.600000e+01 : f32
    %sub3A_1571 = vector.broadcast %sub3A_1570 : f32 to vector<16xf32>
    %sub3A_1572 = arith.subf %mul3A_1569, %sub3A_1571 : vector<16xf32>
    %exp3A_1573 = math.exp %sub3A_1572 : vector<16xf32>
    %add3A_1574 = arith.addf %add3A_1562, %exp3A_1573 : vector<16xf32>
    %get3A_1575 = arith.constant 3 : i32
    %get3A_1576 = arith.index_cast %get3A_1575 : i32 to index
    %get3A_1577 = arith.constant 112 : index
    %get3A_1578 = tpu.vector_load %arg9[%get3A_1576, %get3A_1577] {strides = array<i32>} : memref<32x128xf32, #tpu.memory_space<vmem>>, vector<16xf32>,
    %mul3A_1579 = arith.constant 1.600000e+01 : f32
    %mul3A_1580 = vector.broadcast %mul3A_1579 : f32 to vector<16xf32>
    %mul3A_1581 = arith.mulf %get3A_1578, %mul3A_1580 : vector<16xf32>
    %sub3A_1582 = arith.constant 1.600000e+01 : f32
    %sub3A_1583 = vector.broadcast %sub3A_1582 : f32 to vector<16xf32>
    %sub3A_1584 = arith.subf %mul3A_1581, %sub3A_1583 : vector<16xf32>
    %exp3A_1585 = math.exp %sub3A_1584 : vector<16xf32>
    %add3A_1586 = arith.addf %add3A_1574, %exp3A_1585 : vector<16xf32>
    %get3A_1587 = arith.constant 4 : i32
    %get3A_1588 = arith.index_cast %get3A_1587 : i32 to index
    %get3A_1589 = arith.constant 0 : index
    %get3A_1590 = tpu.vector_load %arg9[%get3A_1588, %get3A_1589] {strides = array<i32>} : memref<32x128xf32, #tpu.memory_space<vmem>>, vector<16xf32>,
    %mul3A_1591 = arith.constant 1.600000e+01 : f32
    %mul3A_1592 = vector.broadcast %mul3A_1591 : f32 to vector<16xf32>
    %mul3A_1593 = arith.mulf %get3A_1590, %mul3A_1592 : vector<16xf32>
    %sub3A_1594 = arith.constant 1.600000e+01 : f32
    %sub3A_1595 = vector.broadcast %sub3A_1594 : f32 to vector<16xf32>
    %sub3A_1596 = arith.subf %mul3A_1593, %sub3A_1595 : vector<16xf32>
    %exp3A_1597 = math.exp %sub3A_1596 : vector<16xf32>
    %add3A_1598 = arith.addf %broadcast_in_dim3A_1197, %exp3A_1597 : vector<16xf32>
    %get3A_1599 = arith.constant 4 : i32
    %get3A_1600 = arith.index_cast %get3A_1599 : i32 to index
    %get3A_1601 = arith.constant 16 : index
    %get3A_1602 = tpu.vector_load %arg9[%get3A_1600, %get3A_1601] {strides = array<i32>} : memref<32x128xf32, #tpu.memory_space<vmem>>, vector<16xf32>,
    %mul3A_1603 = arith.constant 1.600000e+01 : f32
    %mul3A_1604 = vector.broadcast %mul3A_1603 : f32 to vector<16xf32>
    %mul3A_1605 = arith.mulf %get3A_1602, %mul3A_1604 : vector<16xf32>
    %sub3A_1606 = arith.constant 1.600000e+01 : f32
    %sub3A_1607 = vector.broadcast %sub3A_1606 : f32 to vector<16xf32>
    %sub3A_1608 = arith.subf %mul3A_1605, %sub3A_1607 : vector<16xf32>
    %exp3A_1609 = math.exp %sub3A_1608 : vector<16xf32>
    %add3A_1610 = arith.addf %add3A_1598, %exp3A_1609 : vector<16xf32>
    %get3A_1611 = arith.constant 4 : i32
    %get3A_1612 = arith.index_cast %get3A_1611 : i32 to index
    %get3A_1613 = arith.constant 32 : index
    %get3A_1614 = tpu.vector_load %arg9[%get3A_1612, %get3A_1613] {strides = array<i32>} : memref<32x128xf32, #tpu.memory_space<vmem>>, vector<16xf32>,
    %mul3A_1615 = arith.constant 1.600000e+01 : f32
    %mul3A_1616 = vector.broadcast %mul3A_1615 : f32 to vector<16xf32>
    %mul3A_1617 = arith.mulf %get3A_1614, %mul3A_1616 : vector<16xf32>
    %sub3A_1618 = arith.constant 1.600000e+01 : f32
    %sub3A_1619 = vector.broadcast %sub3A_1618 : f32 to vector<16xf32>
    %sub3A_1620 = arith.subf %mul3A_1617, %sub3A_1619 : vector<16xf32>
    %exp3A_1621 = math.exp %sub3A_1620 : vector<16xf32>
    %add3A_1622 = arith.addf %add3A_1610, %exp3A_1621 : vector<16xf32>
    %get3A_1623 = arith.constant 4 : i32
    %get3A_1624 = arith.index_cast %get3A_1623 : i32 to index
    %get3A_1625 = arith.constant 48 : index
    %get3A_1626 = tpu.vector_load %arg9[%get3A_1624, %get3A_1625] {strides = array<i32>} : memref<32x128xf32, #tpu.memory_space<vmem>>, vector<16xf32>,
    %mul3A_1627 = arith.constant 1.600000e+01 : f32
    %mul3A_1628 = vector.broadcast %mul3A_1627 : f32 to vector<16xf32>
    %mul3A_1629 = arith.mulf %get3A_1626, %mul3A_1628 : vector<16xf32>
    %sub3A_1630 = arith.constant 1.600000e+01 : f32
    %sub3A_1631 = vector.broadcast %sub3A_1630 : f32 to vector<16xf32>
    %sub3A_1632 = arith.subf %mul3A_1629, %sub3A_1631 : vector<16xf32>
    %exp3A_1633 = math.exp %sub3A_1632 : vector<16xf32>
    %add3A_1634 = arith.addf %add3A_1622, %exp3A_1633 : vector<16xf32>
    %get3A_1635 = arith.constant 4 : i32
    %get3A_1636 = arith.index_cast %get3A_1635 : i32 to index
    %get3A_1637 = arith.constant 64 : index
    %get3A_1638 = tpu.vector_load %arg9[%get3A_1636, %get3A_1637] {strides = array<i32>} : memref<32x128xf32, #tpu.memory_space<vmem>>, vector<16xf32>,
    %mul3A_1639 = arith.constant 1.600000e+01 : f32
    %mul3A_1640 = vector.broadcast %mul3A_1639 : f32 to vector<16xf32>
    %mul3A_1641 = arith.mulf %get3A_1638, %mul3A_1640 : vector<16xf32>
    %sub3A_1642 = arith.constant 1.600000e+01 : f32
    %sub3A_1643 = vector.broadcast %sub3A_1642 : f32 to vector<16xf32>
    %sub3A_1644 = arith.subf %mul3A_1641, %sub3A_1643 : vector<16xf32>
    %exp3A_1645 = math.exp %sub3A_1644 : vector<16xf32>
    %add3A_1646 = arith.addf %add3A_1634, %exp3A_1645 : vector<16xf32>
    %get3A_1647 = arith.constant 4 : i32
    %get3A_1648 = arith.index_cast %get3A_1647 : i32 to index
    %get3A_1649 = arith.constant 80 : index
    %get3A_1650 = tpu.vector_load %arg9[%get3A_1648, %get3A_1649] {strides = array<i32>} : memref<32x128xf32, #tpu.memory_space<vmem>>, vector<16xf32>,
    %mul3A_1651 = arith.constant 1.600000e+01 : f32
    %mul3A_1652 = vector.broadcast %mul3A_1651 : f32 to vector<16xf32>
    %mul3A_1653 = arith.mulf %get3A_1650, %mul3A_1652 : vector<16xf32>
    %sub3A_1654 = arith.constant 1.600000e+01 : f32
    %sub3A_1655 = vector.broadcast %sub3A_1654 : f32 to vector<16xf32>
    %sub3A_1656 = arith.subf %mul3A_1653, %sub3A_1655 : vector<16xf32>
    %exp3A_1657 = math.exp %sub3A_1656 : vector<16xf32>
    %add3A_1658 = arith.addf %add3A_1646, %exp3A_1657 : vector<16xf32>
    %get3A_1659 = arith.constant 4 : i32
    %get3A_1660 = arith.index_cast %get3A_1659 : i32 to index
    %get3A_1661 = arith.constant 96 : index
    %get3A_1662 = tpu.vector_load %arg9[%get3A_1660, %get3A_1661] {strides = array<i32>} : memref<32x128xf32, #tpu.memory_space<vmem>>, vector<16xf32>,
    %mul3A_1663 = arith.constant 1.600000e+01 : f32
    %mul3A_1664 = vector.broadcast %mul3A_1663 : f32 to vector<16xf32>
    %mul3A_1665 = arith.mulf %get3A_1662, %mul3A_1664 : vector<16xf32>
    %sub3A_1666 = arith.constant 1.600000e+01 : f32
    %sub3A_1667 = vector.broadcast %sub3A_1666 : f32 to vector<16xf32>
    %sub3A_1668 = arith.subf %mul3A_1665, %sub3A_1667 : vector<16xf32>
    %exp3A_1669 = math.exp %sub3A_1668 : vector<16xf32>
    %add3A_1670 = arith.addf %add3A_1658, %exp3A_1669 : vector<16xf32>
    %get3A_1671 = arith.constant 4 : i32
    %get3A_1672 = arith.index_cast %get3A_1671 : i32 to index
    %get3A_1673 = arith.constant 112 : index
    %get3A_1674 = tpu.vector_load %arg9[%get3A_1672, %get3A_1673] {strides = array<i32>} : memref<32x128xf32, #tpu.memory_space<vmem>>, vector<16xf32>,
    %mul3A_1675 = arith.constant 1.600000e+01 : f32
    %mul3A_1676 = vector.broadcast %mul3A_1675 : f32 to vector<16xf32>
    %mul3A_1677 = arith.mulf %get3A_1674, %mul3A_1676 : vector<16xf32>
    %sub3A_1678 = arith.constant 1.600000e+01 : f32
    %sub3A_1679 = vector.broadcast %sub3A_1678 : f32 to vector<16xf32>
    %sub3A_1680 = arith.subf %mul3A_1677, %sub3A_1679 : vector<16xf32>
    %exp3A_1681 = math.exp %sub3A_1680 : vector<16xf32>
    %add3A_1682 = arith.addf %add3A_1670, %exp3A_1681 : vector<16xf32>
    %get3A_1683 = arith.constant 5 : i32
    %get3A_1684 = arith.index_cast %get3A_1683 : i32 to index
    %get3A_1685 = arith.constant 0 : index
    %get3A_1686 = tpu.vector_load %arg9[%get3A_1684, %get3A_1685] {strides = array<i32>} : memref<32x128xf32, #tpu.memory_space<vmem>>, vector<16xf32>,
    %mul3A_1687 = arith.constant 1.600000e+01 : f32
    %mul3A_1688 = vector.broadcast %mul3A_1687 : f32 to vector<16xf32>
    %mul3A_1689 = arith.mulf %get3A_1686, %mul3A_1688 : vector<16xf32>
    %sub3A_1690 = arith.constant 1.600000e+01 : f32
    %sub3A_1691 = vector.broadcast %sub3A_1690 : f32 to vector<16xf32>
    %sub3A_1692 = arith.subf %mul3A_1689, %sub3A_1691 : vector<16xf32>
    %exp3A_1693 = math.exp %sub3A_1692 : vector<16xf32>
    %add3A_1694 = arith.addf %broadcast_in_dim3A_1199, %exp3A_1693 : vector<16xf32>
    %get3A_1695 = arith.constant 5 : i32
    %get3A_1696 = arith.index_cast %get3A_1695 : i32 to index
    %get3A_1697 = arith.constant 16 : index
    %get3A_1698 = tpu.vector_load %arg9[%get3A_1696, %get3A_1697] {strides = array<i32>} : memref<32x128xf32, #tpu.memory_space<vmem>>, vector<16xf32>,
    %mul3A_1699 = arith.constant 1.600000e+01 : f32
    %mul3A_1700 = vector.broadcast %mul3A_1699 : f32 to vector<16xf32>
    %mul3A_1701 = arith.mulf %get3A_1698, %mul3A_1700 : vector<16xf32>
    %sub3A_1702 = arith.constant 1.600000e+01 : f32
    %sub3A_1703 = vector.broadcast %sub3A_1702 : f32 to vector<16xf32>
    %sub3A_1704 = arith.subf %mul3A_1701, %sub3A_1703 : vector<16xf32>
    %exp3A_1705 = math.exp %sub3A_1704 : vector<16xf32>
    %add3A_1706 = arith.addf %add3A_1694, %exp3A_1705 : vector<16xf32>
    %get3A_1707 = arith.constant 5 : i32
    %get3A_1708 = arith.index_cast %get3A_1707 : i32 to index
    %get3A_1709 = arith.constant 32 : index
    %get3A_1710 = tpu.vector_load %arg9[%get3A_1708, %get3A_1709] {strides = array<i32>} : memref<32x128xf32, #tpu.memory_space<vmem>>, vector<16xf32>,
    %mul3A_1711 = arith.constant 1.600000e+01 : f32
    %mul3A_1712 = vector.broadcast %mul3A_1711 : f32 to vector<16xf32>
    %mul3A_1713 = arith.mulf %get3A_1710, %mul3A_1712 : vector<16xf32>
    %sub3A_1714 = arith.constant 1.600000e+01 : f32
    %sub3A_1715 = vector.broadcast %sub3A_1714 : f32 to vector<16xf32>
    %sub3A_1716 = arith.subf %mul3A_1713, %sub3A_1715 : vector<16xf32>
    %exp3A_1717 = math.exp %sub3A_1716 : vector<16xf32>
    %add3A_1718 = arith.addf %add3A_1706, %exp3A_1717 : vector<16xf32>
    %get3A_1719 = arith.constant 5 : i32
    %get3A_1720 = arith.index_cast %get3A_1719 : i32 to index
    %get3A_1721 = arith.constant 48 : index
    %get3A_1722 = tpu.vector_load %arg9[%get3A_1720, %get3A_1721] {strides = array<i32>} : memref<32x128xf32, #tpu.memory_space<vmem>>, vector<16xf32>,
    %mul3A_1723 = arith.constant 1.600000e+01 : f32
    %mul3A_1724 = vector.broadcast %mul3A_1723 : f32 to vector<16xf32>
    %mul3A_1725 = arith.mulf %get3A_1722, %mul3A_1724 : vector<16xf32>
    %sub3A_1726 = arith.constant 1.600000e+01 : f32
    %sub3A_1727 = vector.broadcast %sub3A_1726 : f32 to vector<16xf32>
    %sub3A_1728 = arith.subf %mul3A_1725, %sub3A_1727 : vector<16xf32>
    %exp3A_1729 = math.exp %sub3A_1728 : vector<16xf32>
    %add3A_1730 = arith.addf %add3A_1718, %exp3A_1729 : vector<16xf32>
    %get3A_1731 = arith.constant 5 : i32
    %get3A_1732 = arith.index_cast %get3A_1731 : i32 to index
    %get3A_1733 = arith.constant 64 : index
    %get3A_1734 = tpu.vector_load %arg9[%get3A_1732, %get3A_1733] {strides = array<i32>} : memref<32x128xf32, #tpu.memory_space<vmem>>, vector<16xf32>,
    %mul3A_1735 = arith.constant 1.600000e+01 : f32
    %mul3A_1736 = vector.broadcast %mul3A_1735 : f32 to vector<16xf32>
    %mul3A_1737 = arith.mulf %get3A_1734, %mul3A_1736 : vector<16xf32>
    %sub3A_1738 = arith.constant 1.600000e+01 : f32
    %sub3A_1739 = vector.broadcast %sub3A_1738 : f32 to vector<16xf32>
    %sub3A_1740 = arith.subf %mul3A_1737, %sub3A_1739 : vector<16xf32>
    %exp3A_1741 = math.exp %sub3A_1740 : vector<16xf32>
    %add3A_1742 = arith.addf %add3A_1730, %exp3A_1741 : vector<16xf32>
    %get3A_1743 = arith.constant 5 : i32
    %get3A_1744 = arith.index_cast %get3A_1743 : i32 to index
    %get3A_1745 = arith.constant 80 : index
    %get3A_1746 = tpu.vector_load %arg9[%get3A_1744, %get3A_1745] {strides = array<i32>} : memref<32x128xf32, #tpu.memory_space<vmem>>, vector<16xf32>,
    %mul3A_1747 = arith.constant 1.600000e+01 : f32
    %mul3A_1748 = vector.broadcast %mul3A_1747 : f32 to vector<16xf32>
    %mul3A_1749 = arith.mulf %get3A_1746, %mul3A_1748 : vector<16xf32>
    %sub3A_1750 = arith.constant 1.600000e+01 : f32
    %sub3A_1751 = vector.broadcast %sub3A_1750 : f32 to vector<16xf32>
    %sub3A_1752 = arith.subf %mul3A_1749, %sub3A_1751 : vector<16xf32>
    %exp3A_1753 = math.exp %sub3A_1752 : vector<16xf32>
    %add3A_1754 = arith.addf %add3A_1742, %exp3A_1753 : vector<16xf32>
    %get3A_1755 = arith.constant 5 : i32
    %get3A_1756 = arith.index_cast %get3A_1755 : i32 to index
    %get3A_1757 = arith.constant 96 : index
    %get3A_1758 = tpu.vector_load %arg9[%get3A_1756, %get3A_1757] {strides = array<i32>} : memref<32x128xf32, #tpu.memory_space<vmem>>, vector<16xf32>,
    %mul3A_1759 = arith.constant 1.600000e+01 : f32
    %mul3A_1760 = vector.broadcast %mul3A_1759 : f32 to vector<16xf32>
    %mul3A_1761 = arith.mulf %get3A_1758, %mul3A_1760 : vector<16xf32>
    %sub3A_1762 = arith.constant 1.600000e+01 : f32
    %sub3A_1763 = vector.broadcast %sub3A_1762 : f32 to vector<16xf32>
    %sub3A_1764 = arith.subf %mul3A_1761, %sub3A_1763 : vector<16xf32>
    %exp3A_1765 = math.exp %sub3A_1764 : vector<16xf32>
    %add3A_1766 = arith.addf %add3A_1754, %exp3A_1765 : vector<16xf32>
    %get3A_1767 = arith.constant 5 : i32
    %get3A_1768 = arith.index_cast %get3A_1767 : i32 to index
    %get3A_1769 = arith.constant 112 : index
    %get3A_1770 = tpu.vector_load %arg9[%get3A_1768, %get3A_1769] {strides = array<i32>} : memref<32x128xf32, #tpu.memory_space<vmem>>, vector<16xf32>,
    %mul3A_1771 = arith.constant 1.600000e+01 : f32
    %mul3A_1772 = vector.broadcast %mul3A_1771 : f32 to vector<16xf32>
    %mul3A_1773 = arith.mulf %get3A_1770, %mul3A_1772 : vector<16xf32>
    %sub3A_1774 = arith.constant 1.600000e+01 : f32
    %sub3A_1775 = vector.broadcast %sub3A_1774 : f32 to vector<16xf32>
    %sub3A_1776 = arith.subf %mul3A_1773, %sub3A_1775 : vector<16xf32>
    %exp3A_1777 = math.exp %sub3A_1776 : vector<16xf32>
    %add3A_1778 = arith.addf %add3A_1766, %exp3A_1777 : vector<16xf32>
    %get3A_1779 = arith.constant 6 : i32
    %get3A_1780 = arith.index_cast %get3A_1779 : i32 to index
    %get3A_1781 = arith.constant 0 : index
    %get3A_1782 = tpu.vector_load %arg9[%get3A_1780, %get3A_1781] {strides = array<i32>} : memref<32x128xf32, #tpu.memory_space<vmem>>, vector<16xf32>,
    %mul3A_1783 = arith.constant 1.600000e+01 : f32
    %mul3A_1784 = vector.broadcast %mul3A_1783 : f32 to vector<16xf32>
    %mul3A_1785 = arith.mulf %get3A_1782, %mul3A_1784 : vector<16xf32>
    %sub3A_1786 = arith.constant 1.600000e+01 : f32
    %sub3A_1787 = vector.broadcast %sub3A_1786 : f32 to vector<16xf32>
    %sub3A_1788 = arith.subf %mul3A_1785, %sub3A_1787 : vector<16xf32>
    %exp3A_1789 = math.exp %sub3A_1788 : vector<16xf32>
    %add3A_1790 = arith.addf %broadcast_in_dim3A_1201, %exp3A_1789 : vector<16xf32>
    %get3A_1791 = arith.constant 6 : i32
    %get3A_1792 = arith.index_cast %get3A_1791 : i32 to index
    %get3A_1793 = arith.constant 16 : index
    %get3A_1794 = tpu.vector_load %arg9[%get3A_1792, %get3A_1793] {strides = array<i32>} : memref<32x128xf32, #tpu.memory_space<vmem>>, vector<16xf32>,
    %mul3A_1795 = arith.constant 1.600000e+01 : f32
    %mul3A_1796 = vector.broadcast %mul3A_1795 : f32 to vector<16xf32>
    %mul3A_1797 = arith.mulf %get3A_1794, %mul3A_1796 : vector<16xf32>
    %sub3A_1798 = arith.constant 1.600000e+01 : f32
    %sub3A_1799 = vector.broadcast %sub3A_1798 : f32 to vector<16xf32>
    %sub3A_1800 = arith.subf %mul3A_1797, %sub3A_1799 : vector<16xf32>
    %exp3A_1801 = math.exp %sub3A_1800 : vector<16xf32>
    %add3A_1802 = arith.addf %add3A_1790, %exp3A_1801 : vector<16xf32>
    %get3A_1803 = arith.constant 6 : i32
    %get3A_1804 = arith.index_cast %get3A_1803 : i32 to index
    %get3A_1805 = arith.constant 32 : index
    %get3A_1806 = tpu.vector_load %arg9[%get3A_1804, %get3A_1805] {strides = array<i32>} : memref<32x128xf32, #tpu.memory_space<vmem>>, vector<16xf32>,
    %mul3A_1807 = arith.constant 1.600000e+01 : f32
    %mul3A_1808 = vector.broadcast %mul3A_1807 : f32 to vector<16xf32>
    %mul3A_1809 = arith.mulf %get3A_1806, %mul3A_1808 : vector<16xf32>
    %sub3A_1810 = arith.constant 1.600000e+01 : f32
    %sub3A_1811 = vector.broadcast %sub3A_1810 : f32 to vector<16xf32>
    %sub3A_1812 = arith.subf %mul3A_1809, %sub3A_1811 : vector<16xf32>
    %exp3A_1813 = math.exp %sub3A_1812 : vector<16xf32>
    %add3A_1814 = arith.addf %add3A_1802, %exp3A_1813 : vector<16xf32>
    %get3A_1815 = arith.constant 6 : i32
    %get3A_1816 = arith.index_cast %get3A_1815 : i32 to index
    %get3A_1817 = arith.constant 48 : index
    %get3A_1818 = tpu.vector_load %arg9[%get3A_1816, %get3A_1817] {strides = array<i32>} : memref<32x128xf32, #tpu.memory_space<vmem>>, vector<16xf32>,
    %mul3A_1819 = arith.constant 1.600000e+01 : f32
    %mul3A_1820 = vector.broadcast %mul3A_1819 : f32 to vector<16xf32>
    %mul3A_1821 = arith.mulf %get3A_1818, %mul3A_1820 : vector<16xf32>
    %sub3A_1822 = arith.constant 1.600000e+01 : f32
    %sub3A_1823 = vector.broadcast %sub3A_1822 : f32 to vector<16xf32>
    %sub3A_1824 = arith.subf %mul3A_1821, %sub3A_1823 : vector<16xf32>
    %exp3A_1825 = math.exp %sub3A_1824 : vector<16xf32>
    %add3A_1826 = arith.addf %add3A_1814, %exp3A_1825 : vector<16xf32>
    %get3A_1827 = arith.constant 6 : i32
    %get3A_1828 = arith.index_cast %get3A_1827 : i32 to index
    %get3A_1829 = arith.constant 64 : index
    %get3A_1830 = tpu.vector_load %arg9[%get3A_1828, %get3A_1829] {strides = array<i32>} : memref<32x128xf32, #tpu.memory_space<vmem>>, vector<16xf32>,
    %mul3A_1831 = arith.constant 1.600000e+01 : f32
    %mul3A_1832 = vector.broadcast %mul3A_1831 : f32 to vector<16xf32>
    %mul3A_1833 = arith.mulf %get3A_1830, %mul3A_1832 : vector<16xf32>
    %sub3A_1834 = arith.constant 1.600000e+01 : f32
    %sub3A_1835 = vector.broadcast %sub3A_1834 : f32 to vector<16xf32>
    %sub3A_1836 = arith.subf %mul3A_1833, %sub3A_1835 : vector<16xf32>
    %exp3A_1837 = math.exp %sub3A_1836 : vector<16xf32>
    %add3A_1838 = arith.addf %add3A_1826, %exp3A_1837 : vector<16xf32>
    %get3A_1839 = arith.constant 6 : i32
    %get3A_1840 = arith.index_cast %get3A_1839 : i32 to index
    %get3A_1841 = arith.constant 80 : index
    %get3A_1842 = tpu.vector_load %arg9[%get3A_1840, %get3A_1841] {strides = array<i32>} : memref<32x128xf32, #tpu.memory_space<vmem>>, vector<16xf32>,
    %mul3A_1843 = arith.constant 1.600000e+01 : f32
    %mul3A_1844 = vector.broadcast %mul3A_1843 : f32 to vector<16xf32>
    %mul3A_1845 = arith.mulf %get3A_1842, %mul3A_1844 : vector<16xf32>
    %sub3A_1846 = arith.constant 1.600000e+01 : f32
    %sub3A_1847 = vector.broadcast %sub3A_1846 : f32 to vector<16xf32>
    %sub3A_1848 = arith.subf %mul3A_1845, %sub3A_1847 : vector<16xf32>
    %exp3A_1849 = math.exp %sub3A_1848 : vector<16xf32>
    %add3A_1850 = arith.addf %add3A_1838, %exp3A_1849 : vector<16xf32>
    %get3A_1851 = arith.constant 6 : i32
    %get3A_1852 = arith.index_cast %get3A_1851 : i32 to index
    %get3A_1853 = arith.constant 96 : index
    %get3A_1854 = tpu.vector_load %arg9[%get3A_1852, %get3A_1853] {strides = array<i32>} : memref<32x128xf32, #tpu.memory_space<vmem>>, vector<16xf32>,
    %mul3A_1855 = arith.constant 1.600000e+01 : f32
    %mul3A_1856 = vector.broadcast %mul3A_1855 : f32 to vector<16xf32>
    %mul3A_1857 = arith.mulf %get3A_1854, %mul3A_1856 : vector<16xf32>
    %sub3A_1858 = arith.constant 1.600000e+01 : f32
    %sub3A_1859 = vector.broadcast %sub3A_1858 : f32 to vector<16xf32>
    %sub3A_1860 = arith.subf %mul3A_1857, %sub3A_1859 : vector<16xf32>
    %exp3A_1861 = math.exp %sub3A_1860 : vector<16xf32>
    %add3A_1862 = arith.addf %add3A_1850, %exp3A_1861 : vector<16xf32>
    %get3A_1863 = arith.constant 6 : i32
    %get3A_1864 = arith.index_cast %get3A_1863 : i32 to index
    %get3A_1865 = arith.constant 112 : index
    %get3A_1866 = tpu.vector_load %arg9[%get3A_1864, %get3A_1865] {strides = array<i32>} : memref<32x128xf32, #tpu.memory_space<vmem>>, vector<16xf32>,
    %mul3A_1867 = arith.constant 1.600000e+01 : f32
    %mul3A_1868 = vector.broadcast %mul3A_1867 : f32 to vector<16xf32>
    %mul3A_1869 = arith.mulf %get3A_1866, %mul3A_1868 : vector<16xf32>
    %sub3A_1870 = arith.constant 1.600000e+01 : f32
    %sub3A_1871 = vector.broadcast %sub3A_1870 : f32 to vector<16xf32>
    %sub3A_1872 = arith.subf %mul3A_1869, %sub3A_1871 : vector<16xf32>
    %exp3A_1873 = math.exp %sub3A_1872 : vector<16xf32>
    %add3A_1874 = arith.addf %add3A_1862, %exp3A_1873 : vector<16xf32>
    %get3A_1875 = arith.constant 7 : i32
    %get3A_1876 = arith.index_cast %get3A_1875 : i32 to index
    %get3A_1877 = arith.constant 0 : index
    %get3A_1878 = tpu.vector_load %arg9[%get3A_1876, %get3A_1877] {strides = array<i32>} : memref<32x128xf32, #tpu.memory_space<vmem>>, vector<16xf32>,
    %mul3A_1879 = arith.constant 1.600000e+01 : f32
    %mul3A_1880 = vector.broadcast %mul3A_1879 : f32 to vector<16xf32>
    %mul3A_1881 = arith.mulf %get3A_1878, %mul3A_1880 : vector<16xf32>
    %sub3A_1882 = arith.constant 1.600000e+01 : f32
    %sub3A_1883 = vector.broadcast %sub3A_1882 : f32 to vector<16xf32>
    %sub3A_1884 = arith.subf %mul3A_1881, %sub3A_1883 : vector<16xf32>
    %exp3A_1885 = math.exp %sub3A_1884 : vector<16xf32>
    %add3A_1886 = arith.addf %broadcast_in_dim3A_1203, %exp3A_1885 : vector<16xf32>
    %get3A_1887 = arith.constant 7 : i32
    %get3A_1888 = arith.index_cast %get3A_1887 : i32 to index
    %get3A_1889 = arith.constant 16 : index
    %get3A_1890 = tpu.vector_load %arg9[%get3A_1888, %get3A_1889] {strides = array<i32>} : memref<32x128xf32, #tpu.memory_space<vmem>>, vector<16xf32>,
    %mul3A_1891 = arith.constant 1.600000e+01 : f32
    %mul3A_1892 = vector.broadcast %mul3A_1891 : f32 to vector<16xf32>
    %mul3A_1893 = arith.mulf %get3A_1890, %mul3A_1892 : vector<16xf32>
    %sub3A_1894 = arith.constant 1.600000e+01 : f32
    %sub3A_1895 = vector.broadcast %sub3A_1894 : f32 to vector<16xf32>
    %sub3A_1896 = arith.subf %mul3A_1893, %sub3A_1895 : vector<16xf32>
    %exp3A_1897 = math.exp %sub3A_1896 : vector<16xf32>
    %add3A_1898 = arith.addf %add3A_1886, %exp3A_1897 : vector<16xf32>
    %get3A_1899 = arith.constant 7 : i32
    %get3A_1900 = arith.index_cast %get3A_1899 : i32 to index
    %get3A_1901 = arith.constant 32 : index
    %get3A_1902 = tpu.vector_load %arg9[%get3A_1900, %get3A_1901] {strides = array<i32>} : memref<32x128xf32, #tpu.memory_space<vmem>>, vector<16xf32>,
    %mul3A_1903 = arith.constant 1.600000e+01 : f32
    %mul3A_1904 = vector.broadcast %mul3A_1903 : f32 to vector<16xf32>
    %mul3A_1905 = arith.mulf %get3A_1902, %mul3A_1904 : vector<16xf32>
    %sub3A_1906 = arith.constant 1.600000e+01 : f32
    %sub3A_1907 = vector.broadcast %sub3A_1906 : f32 to vector<16xf32>
    %sub3A_1908 = arith.subf %mul3A_1905, %sub3A_1907 : vector<16xf32>
    %exp3A_1909 = math.exp %sub3A_1908 : vector<16xf32>
    %add3A_1910 = arith.addf %add3A_1898, %exp3A_1909 : vector<16xf32>
    %get3A_1911 = arith.constant 7 : i32
    %get3A_1912 = arith.index_cast %get3A_1911 : i32 to index
    %get3A_1913 = arith.constant 48 : index
    %get3A_1914 = tpu.vector_load %arg9[%get3A_1912, %get3A_1913] {strides = array<i32>} : memref<32x128xf32, #tpu.memory_space<vmem>>, vector<16xf32>,
    %mul3A_1915 = arith.constant 1.600000e+01 : f32
    %mul3A_1916 = vector.broadcast %mul3A_1915 : f32 to vector<16xf32>
    %mul3A_1917 = arith.mulf %get3A_1914, %mul3A_1916 : vector<16xf32>
    %sub3A_1918 = arith.constant 1.600000e+01 : f32
    %sub3A_1919 = vector.broadcast %sub3A_1918 : f32 to vector<16xf32>
    %sub3A_1920 = arith.subf %mul3A_1917, %sub3A_1919 : vector<16xf32>
    %exp3A_1921 = math.exp %sub3A_1920 : vector<16xf32>
    %add3A_1922 = arith.addf %add3A_1910, %exp3A_1921 : vector<16xf32>
    %get3A_1923 = arith.constant 7 : i32
    %get3A_1924 = arith.index_cast %get3A_1923 : i32 to index
    %get3A_1925 = arith.constant 64 : index
    %get3A_1926 = tpu.vector_load %arg9[%get3A_1924, %get3A_1925] {strides = array<i32>} : memref<32x128xf32, #tpu.memory_space<vmem>>, vector<16xf32>,
    %mul3A_1927 = arith.constant 1.600000e+01 : f32
    %mul3A_1928 = vector.broadcast %mul3A_1927 : f32 to vector<16xf32>
    %mul3A_1929 = arith.mulf %get3A_1926, %mul3A_1928 : vector<16xf32>
    %sub3A_1930 = arith.constant 1.600000e+01 : f32
    %sub3A_1931 = vector.broadcast %sub3A_1930 : f32 to vector<16xf32>
    %sub3A_1932 = arith.subf %mul3A_1929, %sub3A_1931 : vector<16xf32>
    %exp3A_1933 = math.exp %sub3A_1932 : vector<16xf32>
    %add3A_1934 = arith.addf %add3A_1922, %exp3A_1933 : vector<16xf32>
    %get3A_1935 = arith.constant 7 : i32
    %get3A_1936 = arith.index_cast %get3A_1935 : i32 to index
    %get3A_1937 = arith.constant 80 : index
    %get3A_1938 = tpu.vector_load %arg9[%get3A_1936, %get3A_1937] {strides = array<i32>} : memref<32x128xf32, #tpu.memory_space<vmem>>, vector<16xf32>,
    %mul3A_1939 = arith.constant 1.600000e+01 : f32
    %mul3A_1940 = vector.broadcast %mul3A_1939 : f32 to vector<16xf32>
    %mul3A_1941 = arith.mulf %get3A_1938, %mul3A_1940 : vector<16xf32>
    %sub3A_1942 = arith.constant 1.600000e+01 : f32
    %sub3A_1943 = vector.broadcast %sub3A_1942 : f32 to vector<16xf32>
    %sub3A_1944 = arith.subf %mul3A_1941, %sub3A_1943 : vector<16xf32>
    %exp3A_1945 = math.exp %sub3A_1944 : vector<16xf32>
    %add3A_1946 = arith.addf %add3A_1934, %exp3A_1945 : vector<16xf32>
    %get3A_1947 = arith.constant 7 : i32
    %get3A_1948 = arith.index_cast %get3A_1947 : i32 to index
    %get3A_1949 = arith.constant 96 : index
    %get3A_1950 = tpu.vector_load %arg9[%get3A_1948, %get3A_1949] {strides = array<i32>} : memref<32x128xf32, #tpu.memory_space<vmem>>, vector<16xf32>,
    %mul3A_1951 = arith.constant 1.600000e+01 : f32
    %mul3A_1952 = vector.broadcast %mul3A_1951 : f32 to vector<16xf32>
    %mul3A_1953 = arith.mulf %get3A_1950, %mul3A_1952 : vector<16xf32>
    %sub3A_1954 = arith.constant 1.600000e+01 : f32
    %sub3A_1955 = vector.broadcast %sub3A_1954 : f32 to vector<16xf32>
    %sub3A_1956 = arith.subf %mul3A_1953, %sub3A_1955 : vector<16xf32>
    %exp3A_1957 = math.exp %sub3A_1956 : vector<16xf32>
    %add3A_1958 = arith.addf %add3A_1946, %exp3A_1957 : vector<16xf32>
    %get3A_1959 = arith.constant 7 : i32
    %get3A_1960 = arith.index_cast %get3A_1959 : i32 to index
    %get3A_1961 = arith.constant 112 : index
    %get3A_1962 = tpu.vector_load %arg9[%get3A_1960, %get3A_1961] {strides = array<i32>} : memref<32x128xf32, #tpu.memory_space<vmem>>, vector<16xf32>,
    %mul3A_1963 = arith.constant 1.600000e+01 : f32
    %mul3A_1964 = vector.broadcast %mul3A_1963 : f32 to vector<16xf32>
    %mul3A_1965 = arith.mulf %get3A_1962, %mul3A_1964 : vector<16xf32>
    %sub3A_1966 = arith.constant 1.600000e+01 : f32
    %sub3A_1967 = vector.broadcast %sub3A_1966 : f32 to vector<16xf32>
    %sub3A_1968 = arith.subf %mul3A_1965, %sub3A_1967 : vector<16xf32>
    %exp3A_1969 = math.exp %sub3A_1968 : vector<16xf32>
    %add3A_1970 = arith.addf %add3A_1958, %exp3A_1969 : vector<16xf32>
    %swap3A_1971 = arith.constant 0 : i32
    %swap3A_1972 = arith.index_cast %swap3A_1971 : i32 to index
    %swap3A_1973 = arith.constant 0 : index
    %swap3A_1974 = tpu.vector_load %arg11[%swap3A_1972, %swap3A_1973] {strides = array<i32>} : memref<32x16xf32, #tpu.memory_space<vmem>>, vector<16xf32>,
    tpu.vector_store %arg11[%swap3A_1972, %swap3A_1973], %add3A_1298 {strides = array<i32>} : memref<32x16xf32, #tpu.memory_space<vmem>>, vector<16xf32>,
    %swap3A_1975 = arith.constant 1 : i32
    %swap3A_1976 = arith.index_cast %swap3A_1975 : i32 to index
    %swap3A_1977 = arith.constant 0 : index
    %swap3A_1978 = tpu.vector_load %arg11[%swap3A_1976, %swap3A_1977] {strides = array<i32>} : memref<32x16xf32, #tpu.memory_space<vmem>>, vector<16xf32>,
    tpu.vector_store %arg11[%swap3A_1976, %swap3A_1977], %add3A_1394 {strides = array<i32>} : memref<32x16xf32, #tpu.memory_space<vmem>>, vector<16xf32>,
    %swap3A_1979 = arith.constant 2 : i32
    %swap3A_1980 = arith.index_cast %swap3A_1979 : i32 to index
    %swap3A_1981 = arith.constant 0 : index
    %swap3A_1982 = tpu.vector_load %arg11[%swap3A_1980, %swap3A_1981] {strides = array<i32>} : memref<32x16xf32, #tpu.memory_space<vmem>>, vector<16xf32>,
    tpu.vector_store %arg11[%swap3A_1980, %swap3A_1981], %add3A_1490 {strides = array<i32>} : memref<32x16xf32, #tpu.memory_space<vmem>>, vector<16xf32>,
    %swap3A_1983 = arith.constant 3 : i32
    %swap3A_1984 = arith.index_cast %swap3A_1983 : i32 to index
    %swap3A_1985 = arith.constant 0 : index
    %swap3A_1986 = tpu.vector_load %arg11[%swap3A_1984, %swap3A_1985] {strides = array<i32>} : memref<32x16xf32, #tpu.memory_space<vmem>>, vector<16xf32>,
    tpu.vector_store %arg11[%swap3A_1984, %swap3A_1985], %add3A_1586 {strides = array<i32>} : memref<32x16xf32, #tpu.memory_space<vmem>>, vector<16xf32>,
    %swap3A_1987 = arith.constant 4 : i32
    %swap3A_1988 = arith.index_cast %swap3A_1987 : i32 to index
    %swap3A_1989 = arith.constant 0 : index
    %swap3A_1990 = tpu.vector_load %arg11[%swap3A_1988, %swap3A_1989] {strides = array<i32>} : memref<32x16xf32, #tpu.memory_space<vmem>>, vector<16xf32>,
    tpu.vector_store %arg11[%swap3A_1988, %swap3A_1989], %add3A_1682 {strides = array<i32>} : memref<32x16xf32, #tpu.memory_space<vmem>>, vector<16xf32>,
    %swap3A_1991 = arith.constant 5 : i32
    %swap3A_1992 = arith.index_cast %swap3A_1991 : i32 to index
    %swap3A_1993 = arith.constant 0 : index
    %swap3A_1994 = tpu.vector_load %arg11[%swap3A_1992, %swap3A_1993] {strides = array<i32>} : memref<32x16xf32, #tpu.memory_space<vmem>>, vector<16xf32>,
    tpu.vector_store %arg11[%swap3A_1992, %swap3A_1993], %add3A_1778 {strides = array<i32>} : memref<32x16xf32, #tpu.memory_space<vmem>>, vector<16xf32>,
    %swap3A_1995 = arith.constant 6 : i32
    %swap3A_1996 = arith.index_cast %swap3A_1995 : i32 to index
    %swap3A_1997 = arith.constant 0 : index
    %swap3A_1998 = tpu.vector_load %arg11[%swap3A_1996, %swap3A_1997] {strides = array<i32>} : memref<32x16xf32, #tpu.memory_space<vmem>>, vector<16xf32>,
    tpu.vector_store %arg11[%swap3A_1996, %swap3A_1997], %add3A_1874 {strides = array<i32>} : memref<32x16xf32, #tpu.memory_space<vmem>>, vector<16xf32>,
    %swap3A_1999 = arith.constant 7 : i32
    %swap3A_2000 = arith.index_cast %swap3A_1999 : i32 to index
    %swap3A_2001 = arith.constant 0 : index
    %swap3A_2002 = tpu.vector_load %arg11[%swap3A_2000, %swap3A_2001] {strides = array<i32>} : memref<32x16xf32, #tpu.memory_space<vmem>>, vector<16xf32>,
    tpu.vector_store %arg11[%swap3A_2000, %swap3A_2001], %add3A_1970 {strides = array<i32>} : memref<32x16xf32, #tpu.memory_space<vmem>>, vector<16xf32>,
    %broadcast_in_dim3A_2003 = arith.constant 0.000000e+00 : f32
    %broadcast_in_dim3A_2004 = vector.broadcast %broadcast_in_dim3A_2003 : f32 to vector<16xf32>
    %broadcast_in_dim3A_2005 = arith.constant 0.000000e+00 : f32
    %broadcast_in_dim3A_2006 = vector.broadcast %broadcast_in_dim3A_2005 : f32 to vector<16xf32>
    %broadcast_in_dim3A_2007 = arith.constant 0.000000e+00 : f32
    %broadcast_in_dim3A_2008 = vector.broadcast %broadcast_in_dim3A_2007 : f32 to vector<16xf32>
    %broadcast_in_dim3A_2009 = arith.constant 0.000000e+00 : f32
    %broadcast_in_dim3A_2010 = vector.broadcast %broadcast_in_dim3A_2009 : f32 to vector<16xf32>
    %broadcast_in_dim3A_2011 = arith.constant 0.000000e+00 : f32
    %broadcast_in_dim3A_2012 = vector.broadcast %broadcast_in_dim3A_2011 : f32 to vector<16xf32>
    %broadcast_in_dim3A_2013 = arith.constant 0.000000e+00 : f32
    %broadcast_in_dim3A_2014 = vector.broadcast %broadcast_in_dim3A_2013 : f32 to vector<16xf32>
    %broadcast_in_dim3A_2015 = arith.constant 0.000000e+00 : f32
    %broadcast_in_dim3A_2016 = vector.broadcast %broadcast_in_dim3A_2015 : f32 to vector<16xf32>
    %broadcast_in_dim3A_2017 = arith.constant 0.000000e+00 : f32
    %broadcast_in_dim3A_2018 = vector.broadcast %broadcast_in_dim3A_2017 : f32 to vector<16xf32>
    %get3A_2019 = arith.constant 8 : i32
    %get3A_2020 = arith.index_cast %get3A_2019 : i32 to index
    %get3A_2021 = arith.constant 0 : index
    %get3A_2022 = tpu.vector_load %arg9[%get3A_2020, %get3A_2021] {strides = array<i32>} : memref<32x128xf32, #tpu.memory_space<vmem>>, vector<16xf32>,
    %mul3A_2023 = arith.constant 1.600000e+01 : f32
    %mul3A_2024 = vector.broadcast %mul3A_2023 : f32 to vector<16xf32>
    %mul3A_2025 = arith.mulf %get3A_2022, %mul3A_2024 : vector<16xf32>
    %sub3A_2026 = arith.constant 1.600000e+01 : f32
    %sub3A_2027 = vector.broadcast %sub3A_2026 : f32 to vector<16xf32>
    %sub3A_2028 = arith.subf %mul3A_2025, %sub3A_2027 : vector<16xf32>
    %exp3A_2029 = math.exp %sub3A_2028 : vector<16xf32>
    %add3A_2030 = arith.addf %broadcast_in_dim3A_2004, %exp3A_2029 : vector<16xf32>
    %get3A_2031 = arith.constant 8 : i32
    %get3A_2032 = arith.index_cast %get3A_2031 : i32 to index
    %get3A_2033 = arith.constant 16 : index
    %get3A_2034 = tpu.vector_load %arg9[%get3A_2032, %get3A_2033] {strides = array<i32>} : memref<32x128xf32, #tpu.memory_space<vmem>>, vector<16xf32>,
    %mul3A_2035 = arith.constant 1.600000e+01 : f32
    %mul3A_2036 = vector.broadcast %mul3A_2035 : f32 to vector<16xf32>
    %mul3A_2037 = arith.mulf %get3A_2034, %mul3A_2036 : vector<16xf32>
    %sub3A_2038 = arith.constant 1.600000e+01 : f32
    %sub3A_2039 = vector.broadcast %sub3A_2038 : f32 to vector<16xf32>
    %sub3A_2040 = arith.subf %mul3A_2037, %sub3A_2039 : vector<16xf32>
    %exp3A_2041 = math.exp %sub3A_2040 : vector<16xf32>
    %add3A_2042 = arith.addf %add3A_2030, %exp3A_2041 : vector<16xf32>
    %get3A_2043 = arith.constant 8 : i32
    %get3A_2044 = arith.index_cast %get3A_2043 : i32 to index
    %get3A_2045 = arith.constant 32 : index
    %get3A_2046 = tpu.vector_load %arg9[%get3A_2044, %get3A_2045] {strides = array<i32>} : memref<32x128xf32, #tpu.memory_space<vmem>>, vector<16xf32>,
    %mul3A_2047 = arith.constant 1.600000e+01 : f32
    %mul3A_2048 = vector.broadcast %mul3A_2047 : f32 to vector<16xf32>
    %mul3A_2049 = arith.mulf %get3A_2046, %mul3A_2048 : vector<16xf32>
    %sub3A_2050 = arith.constant 1.600000e+01 : f32
    %sub3A_2051 = vector.broadcast %sub3A_2050 : f32 to vector<16xf32>
    %sub3A_2052 = arith.subf %mul3A_2049, %sub3A_2051 : vector<16xf32>
    %exp3A_2053 = math.exp %sub3A_2052 : vector<16xf32>
    %add3A_2054 = arith.addf %add3A_2042, %exp3A_2053 : vector<16xf32>
    %get3A_2055 = arith.constant 8 : i32
    %get3A_2056 = arith.index_cast %get3A_2055 : i32 to index
    %get3A_2057 = arith.constant 48 : index
    %get3A_2058 = tpu.vector_load %arg9[%get3A_2056, %get3A_2057] {strides = array<i32>} : memref<32x128xf32, #tpu.memory_space<vmem>>, vector<16xf32>,
    %mul3A_2059 = arith.constant 1.600000e+01 : f32
    %mul3A_2060 = vector.broadcast %mul3A_2059 : f32 to vector<16xf32>
    %mul3A_2061 = arith.mulf %get3A_2058, %mul3A_2060 : vector<16xf32>
    %sub3A_2062 = arith.constant 1.600000e+01 : f32
    %sub3A_2063 = vector.broadcast %sub3A_2062 : f32 to vector<16xf32>
    %sub3A_2064 = arith.subf %mul3A_2061, %sub3A_2063 : vector<16xf32>
    %exp3A_2065 = math.exp %sub3A_2064 : vector<16xf32>
    %add3A_2066 = arith.addf %add3A_2054, %exp3A_2065 : vector<16xf32>
    %get3A_2067 = arith.constant 8 : i32
    %get3A_2068 = arith.index_cast %get3A_2067 : i32 to index
    %get3A_2069 = arith.constant 64 : index
    %get3A_2070 = tpu.vector_load %arg9[%get3A_2068, %get3A_2069] {strides = array<i32>} : memref<32x128xf32, #tpu.memory_space<vmem>>, vector<16xf32>,
    %mul3A_2071 = arith.constant 1.600000e+01 : f32
    %mul3A_2072 = vector.broadcast %mul3A_2071 : f32 to vector<16xf32>
    %mul3A_2073 = arith.mulf %get3A_2070, %mul3A_2072 : vector<16xf32>
    %sub3A_2074 = arith.constant 1.600000e+01 : f32
    %sub3A_2075 = vector.broadcast %sub3A_2074 : f32 to vector<16xf32>
    %sub3A_2076 = arith.subf %mul3A_2073, %sub3A_2075 : vector<16xf32>
    %exp3A_2077 = math.exp %sub3A_2076 : vector<16xf32>
    %add3A_2078 = arith.addf %add3A_2066, %exp3A_2077 : vector<16xf32>
    %get3A_2079 = arith.constant 8 : i32
    %get3A_2080 = arith.index_cast %get3A_2079 : i32 to index
    %get3A_2081 = arith.constant 80 : index
    %get3A_2082 = tpu.vector_load %arg9[%get3A_2080, %get3A_2081] {strides = array<i32>} : memref<32x128xf32, #tpu.memory_space<vmem>>, vector<16xf32>,
    %mul3A_2083 = arith.constant 1.600000e+01 : f32
    %mul3A_2084 = vector.broadcast %mul3A_2083 : f32 to vector<16xf32>
    %mul3A_2085 = arith.mulf %get3A_2082, %mul3A_2084 : vector<16xf32>
    %sub3A_2086 = arith.constant 1.600000e+01 : f32
    %sub3A_2087 = vector.broadcast %sub3A_2086 : f32 to vector<16xf32>
    %sub3A_2088 = arith.subf %mul3A_2085, %sub3A_2087 : vector<16xf32>
    %exp3A_2089 = math.exp %sub3A_2088 : vector<16xf32>
    %add3A_2090 = arith.addf %add3A_2078, %exp3A_2089 : vector<16xf32>
    %get3A_2091 = arith.constant 8 : i32
    %get3A_2092 = arith.index_cast %get3A_2091 : i32 to index
    %get3A_2093 = arith.constant 96 : index
    %get3A_2094 = tpu.vector_load %arg9[%get3A_2092, %get3A_2093] {strides = array<i32>} : memref<32x128xf32, #tpu.memory_space<vmem>>, vector<16xf32>,
    %mul3A_2095 = arith.constant 1.600000e+01 : f32
    %mul3A_2096 = vector.broadcast %mul3A_2095 : f32 to vector<16xf32>
    %mul3A_2097 = arith.mulf %get3A_2094, %mul3A_2096 : vector<16xf32>
    %sub3A_2098 = arith.constant 1.600000e+01 : f32
    %sub3A_2099 = vector.broadcast %sub3A_2098 : f32 to vector<16xf32>
    %sub3A_2100 = arith.subf %mul3A_2097, %sub3A_2099 : vector<16xf32>
    %exp3A_2101 = math.exp %sub3A_2100 : vector<16xf32>
    %add3A_2102 = arith.addf %add3A_2090, %exp3A_2101 : vector<16xf32>
    %get3A_2103 = arith.constant 8 : i32
    %get3A_2104 = arith.index_cast %get3A_2103 : i32 to index
    %get3A_2105 = arith.constant 112 : index
    %get3A_2106 = tpu.vector_load %arg9[%get3A_2104, %get3A_2105] {strides = array<i32>} : memref<32x128xf32, #tpu.memory_space<vmem>>, vector<16xf32>,
    %mul3A_2107 = arith.constant 1.600000e+01 : f32
    %mul3A_2108 = vector.broadcast %mul3A_2107 : f32 to vector<16xf32>
    %mul3A_2109 = arith.mulf %get3A_2106, %mul3A_2108 : vector<16xf32>
    %sub3A_2110 = arith.constant 1.600000e+01 : f32
    %sub3A_2111 = vector.broadcast %sub3A_2110 : f32 to vector<16xf32>
    %sub3A_2112 = arith.subf %mul3A_2109, %sub3A_2111 : vector<16xf32>
    %exp3A_2113 = math.exp %sub3A_2112 : vector<16xf32>
    %add3A_2114 = arith.addf %add3A_2102, %exp3A_2113 : vector<16xf32>
    %get3A_2115 = arith.constant 9 : i32
    %get3A_2116 = arith.index_cast %get3A_2115 : i32 to index
    %get3A_2117 = arith.constant 0 : index
    %get3A_2118 = tpu.vector_load %arg9[%get3A_2116, %get3A_2117] {strides = array<i32>} : memref<32x128xf32, #tpu.memory_space<vmem>>, vector<16xf32>,
    %mul3A_2119 = arith.constant 1.600000e+01 : f32
    %mul3A_2120 = vector.broadcast %mul3A_2119 : f32 to vector<16xf32>
    %mul3A_2121 = arith.mulf %get3A_2118, %mul3A_2120 : vector<16xf32>
    %sub3A_2122 = arith.constant 1.600000e+01 : f32
    %sub3A_2123 = vector.broadcast %sub3A_2122 : f32 to vector<16xf32>
    %sub3A_2124 = arith.subf %mul3A_2121, %sub3A_2123 : vector<16xf32>
    %exp3A_2125 = math.exp %sub3A_2124 : vector<16xf32>
    %add3A_2126 = arith.addf %broadcast_in_dim3A_2006, %exp3A_2125 : vector<16xf32>
    %get3A_2127 = arith.constant 9 : i32
    %get3A_2128 = arith.index_cast %get3A_2127 : i32 to index
    %get3A_2129 = arith.constant 16 : index
    %get3A_2130 = tpu.vector_load %arg9[%get3A_2128, %get3A_2129] {strides = array<i32>} : memref<32x128xf32, #tpu.memory_space<vmem>>, vector<16xf32>,
    %mul3A_2131 = arith.constant 1.600000e+01 : f32
    %mul3A_2132 = vector.broadcast %mul3A_2131 : f32 to vector<16xf32>
    %mul3A_2133 = arith.mulf %get3A_2130, %mul3A_2132 : vector<16xf32>
    %sub3A_2134 = arith.constant 1.600000e+01 : f32
    %sub3A_2135 = vector.broadcast %sub3A_2134 : f32 to vector<16xf32>
    %sub3A_2136 = arith.subf %mul3A_2133, %sub3A_2135 : vector<16xf32>
    %exp3A_2137 = math.exp %sub3A_2136 : vector<16xf32>
    %add3A_2138 = arith.addf %add3A_2126, %exp3A_2137 : vector<16xf32>
    %get3A_2139 = arith.constant 9 : i32
    %get3A_2140 = arith.index_cast %get3A_2139 : i32 to index
    %get3A_2141 = arith.constant 32 : index
    %get3A_2142 = tpu.vector_load %arg9[%get3A_2140, %get3A_2141] {strides = array<i32>} : memref<32x128xf32, #tpu.memory_space<vmem>>, vector<16xf32>,
    %mul3A_2143 = arith.constant 1.600000e+01 : f32
    %mul3A_2144 = vector.broadcast %mul3A_2143 : f32 to vector<16xf32>
    %mul3A_2145 = arith.mulf %get3A_2142, %mul3A_2144 : vector<16xf32>
    %sub3A_2146 = arith.constant 1.600000e+01 : f32
    %sub3A_2147 = vector.broadcast %sub3A_2146 : f32 to vector<16xf32>
    %sub3A_2148 = arith.subf %mul3A_2145, %sub3A_2147 : vector<16xf32>
    %exp3A_2149 = math.exp %sub3A_2148 : vector<16xf32>
    %add3A_2150 = arith.addf %add3A_2138, %exp3A_2149 : vector<16xf32>
    %get3A_2151 = arith.constant 9 : i32
    %get3A_2152 = arith.index_cast %get3A_2151 : i32 to index
    %get3A_2153 = arith.constant 48 : index
    %get3A_2154 = tpu.vector_load %arg9[%get3A_2152, %get3A_2153] {strides = array<i32>} : memref<32x128xf32, #tpu.memory_space<vmem>>, vector<16xf32>,
    %mul3A_2155 = arith.constant 1.600000e+01 : f32
    %mul3A_2156 = vector.broadcast %mul3A_2155 : f32 to vector<16xf32>
    %mul3A_2157 = arith.mulf %get3A_2154, %mul3A_2156 : vector<16xf32>
    %sub3A_2158 = arith.constant 1.600000e+01 : f32
    %sub3A_2159 = vector.broadcast %sub3A_2158 : f32 to vector<16xf32>
    %sub3A_2160 = arith.subf %mul3A_2157, %sub3A_2159 : vector<16xf32>
    %exp3A_2161 = math.exp %sub3A_2160 : vector<16xf32>
    %add3A_2162 = arith.addf %add3A_2150, %exp3A_2161 : vector<16xf32>
    %get3A_2163 = arith.constant 9 : i32
    %get3A_2164 = arith.index_cast %get3A_2163 : i32 to index
    %get3A_2165 = arith.constant 64 : index
    %get3A_2166 = tpu.vector_load %arg9[%get3A_2164, %get3A_2165] {strides = array<i32>} : memref<32x128xf32, #tpu.memory_space<vmem>>, vector<16xf32>,
    %mul3A_2167 = arith.constant 1.600000e+01 : f32
    %mul3A_2168 = vector.broadcast %mul3A_2167 : f32 to vector<16xf32>
    %mul3A_2169 = arith.mulf %get3A_2166, %mul3A_2168 : vector<16xf32>
    %sub3A_2170 = arith.constant 1.600000e+01 : f32
    %sub3A_2171 = vector.broadcast %sub3A_2170 : f32 to vector<16xf32>
    %sub3A_2172 = arith.subf %mul3A_2169, %sub3A_2171 : vector<16xf32>
    %exp3A_2173 = math.exp %sub3A_2172 : vector<16xf32>
    %add3A_2174 = arith.addf %add3A_2162, %exp3A_2173 : vector<16xf32>
    %get3A_2175 = arith.constant 9 : i32
    %get3A_2176 = arith.index_cast %get3A_2175 : i32 to index
    %get3A_2177 = arith.constant 80 : index
    %get3A_2178 = tpu.vector_load %arg9[%get3A_2176, %get3A_2177] {strides = array<i32>} : memref<32x128xf32, #tpu.memory_space<vmem>>, vector<16xf32>,
    %mul3A_2179 = arith.constant 1.600000e+01 : f32
    %mul3A_2180 = vector.broadcast %mul3A_2179 : f32 to vector<16xf32>
    %mul3A_2181 = arith.mulf %get3A_2178, %mul3A_2180 : vector<16xf32>
    %sub3A_2182 = arith.constant 1.600000e+01 : f32
    %sub3A_2183 = vector.broadcast %sub3A_2182 : f32 to vector<16xf32>
    %sub3A_2184 = arith.subf %mul3A_2181, %sub3A_2183 : vector<16xf32>
    %exp3A_2185 = math.exp %sub3A_2184 : vector<16xf32>
    %add3A_2186 = arith.addf %add3A_2174, %exp3A_2185 : vector<16xf32>
    %get3A_2187 = arith.constant 9 : i32
    %get3A_2188 = arith.index_cast %get3A_2187 : i32 to index
    %get3A_2189 = arith.constant 96 : index
    %get3A_2190 = tpu.vector_load %arg9[%get3A_2188, %get3A_2189] {strides = array<i32>} : memref<32x128xf32, #tpu.memory_space<vmem>>, vector<16xf32>,
    %mul3A_2191 = arith.constant 1.600000e+01 : f32
    %mul3A_2192 = vector.broadcast %mul3A_2191 : f32 to vector<16xf32>
    %mul3A_2193 = arith.mulf %get3A_2190, %mul3A_2192 : vector<16xf32>
    %sub3A_2194 = arith.constant 1.600000e+01 : f32
    %sub3A_2195 = vector.broadcast %sub3A_2194 : f32 to vector<16xf32>
    %sub3A_2196 = arith.subf %mul3A_2193, %sub3A_2195 : vector<16xf32>
    %exp3A_2197 = math.exp %sub3A_2196 : vector<16xf32>
    %add3A_2198 = arith.addf %add3A_2186, %exp3A_2197 : vector<16xf32>
    %get3A_2199 = arith.constant 9 : i32
    %get3A_2200 = arith.index_cast %get3A_2199 : i32 to index
    %get3A_2201 = arith.constant 112 : index
    %get3A_2202 = tpu.vector_load %arg9[%get3A_2200, %get3A_2201] {strides = array<i32>} : memref<32x128xf32, #tpu.memory_space<vmem>>, vector<16xf32>,
    %mul3A_2203 = arith.constant 1.600000e+01 : f32
    %mul3A_2204 = vector.broadcast %mul3A_2203 : f32 to vector<16xf32>
    %mul3A_2205 = arith.mulf %get3A_2202, %mul3A_2204 : vector<16xf32>
    %sub3A_2206 = arith.constant 1.600000e+01 : f32
    %sub3A_2207 = vector.broadcast %sub3A_2206 : f32 to vector<16xf32>
    %sub3A_2208 = arith.subf %mul3A_2205, %sub3A_2207 : vector<16xf32>
    %exp3A_2209 = math.exp %sub3A_2208 : vector<16xf32>
    %add3A_2210 = arith.addf %add3A_2198, %exp3A_2209 : vector<16xf32>
    %get3A_2211 = arith.constant 10 : i32
    %get3A_2212 = arith.index_cast %get3A_2211 : i32 to index
    %get3A_2213 = arith.constant 0 : index
    %get3A_2214 = tpu.vector_load %arg9[%get3A_2212, %get3A_2213] {strides = array<i32>} : memref<32x128xf32, #tpu.memory_space<vmem>>, vector<16xf32>,
    %mul3A_2215 = arith.constant 1.600000e+01 : f32
    %mul3A_2216 = vector.broadcast %mul3A_2215 : f32 to vector<16xf32>
    %mul3A_2217 = arith.mulf %get3A_2214, %mul3A_2216 : vector<16xf32>
    %sub3A_2218 = arith.constant 1.600000e+01 : f32
    %sub3A_2219 = vector.broadcast %sub3A_2218 : f32 to vector<16xf32>
    %sub3A_2220 = arith.subf %mul3A_2217, %sub3A_2219 : vector<16xf32>
    %exp3A_2221 = math.exp %sub3A_2220 : vector<16xf32>
    %add3A_2222 = arith.addf %broadcast_in_dim3A_2008, %exp3A_2221 : vector<16xf32>
    %get3A_2223 = arith.constant 10 : i32
    %get3A_2224 = arith.index_cast %get3A_2223 : i32 to index
    %get3A_2225 = arith.constant 16 : index
    %get3A_2226 = tpu.vector_load %arg9[%get3A_2224, %get3A_2225] {strides = array<i32>} : memref<32x128xf32, #tpu.memory_space<vmem>>, vector<16xf32>,
    %mul3A_2227 = arith.constant 1.600000e+01 : f32
    %mul3A_2228 = vector.broadcast %mul3A_2227 : f32 to vector<16xf32>
    %mul3A_2229 = arith.mulf %get3A_2226, %mul3A_2228 : vector<16xf32>
    %sub3A_2230 = arith.constant 1.600000e+01 : f32
    %sub3A_2231 = vector.broadcast %sub3A_2230 : f32 to vector<16xf32>
    %sub3A_2232 = arith.subf %mul3A_2229, %sub3A_2231 : vector<16xf32>
    %exp3A_2233 = math.exp %sub3A_2232 : vector<16xf32>
    %add3A_2234 = arith.addf %add3A_2222, %exp3A_2233 : vector<16xf32>
    %get3A_2235 = arith.constant 10 : i32
    %get3A_2236 = arith.index_cast %get3A_2235 : i32 to index
    %get3A_2237 = arith.constant 32 : index
    %get3A_2238 = tpu.vector_load %arg9[%get3A_2236, %get3A_2237] {strides = array<i32>} : memref<32x128xf32, #tpu.memory_space<vmem>>, vector<16xf32>,
    %mul3A_2239 = arith.constant 1.600000e+01 : f32
    %mul3A_2240 = vector.broadcast %mul3A_2239 : f32 to vector<16xf32>
    %mul3A_2241 = arith.mulf %get3A_2238, %mul3A_2240 : vector<16xf32>
    %sub3A_2242 = arith.constant 1.600000e+01 : f32
    %sub3A_2243 = vector.broadcast %sub3A_2242 : f32 to vector<16xf32>
    %sub3A_2244 = arith.subf %mul3A_2241, %sub3A_2243 : vector<16xf32>
    %exp3A_2245 = math.exp %sub3A_2244 : vector<16xf32>
    %add3A_2246 = arith.addf %add3A_2234, %exp3A_2245 : vector<16xf32>
    %get3A_2247 = arith.constant 10 : i32
    %get3A_2248 = arith.index_cast %get3A_2247 : i32 to index
    %get3A_2249 = arith.constant 48 : index
    %get3A_2250 = tpu.vector_load %arg9[%get3A_2248, %get3A_2249] {strides = array<i32>} : memref<32x128xf32, #tpu.memory_space<vmem>>, vector<16xf32>,
    %mul3A_2251 = arith.constant 1.600000e+01 : f32
    %mul3A_2252 = vector.broadcast %mul3A_2251 : f32 to vector<16xf32>
    %mul3A_2253 = arith.mulf %get3A_2250, %mul3A_2252 : vector<16xf32>
    %sub3A_2254 = arith.constant 1.600000e+01 : f32
    %sub3A_2255 = vector.broadcast %sub3A_2254 : f32 to vector<16xf32>
    %sub3A_2256 = arith.subf %mul3A_2253, %sub3A_2255 : vector<16xf32>
    %exp3A_2257 = math.exp %sub3A_2256 : vector<16xf32>
    %add3A_2258 = arith.addf %add3A_2246, %exp3A_2257 : vector<16xf32>
    %get3A_2259 = arith.constant 10 : i32
    %get3A_2260 = arith.index_cast %get3A_2259 : i32 to index
    %get3A_2261 = arith.constant 64 : index
    %get3A_2262 = tpu.vector_load %arg9[%get3A_2260, %get3A_2261] {strides = array<i32>} : memref<32x128xf32, #tpu.memory_space<vmem>>, vector<16xf32>,
    %mul3A_2263 = arith.constant 1.600000e+01 : f32
    %mul3A_2264 = vector.broadcast %mul3A_2263 : f32 to vector<16xf32>
    %mul3A_2265 = arith.mulf %get3A_2262, %mul3A_2264 : vector<16xf32>
    %sub3A_2266 = arith.constant 1.600000e+01 : f32
    %sub3A_2267 = vector.broadcast %sub3A_2266 : f32 to vector<16xf32>
    %sub3A_2268 = arith.subf %mul3A_2265, %sub3A_2267 : vector<16xf32>
    %exp3A_2269 = math.exp %sub3A_2268 : vector<16xf32>
    %add3A_2270 = arith.addf %add3A_2258, %exp3A_2269 : vector<16xf32>
    %get3A_2271 = arith.constant 10 : i32
    %get3A_2272 = arith.index_cast %get3A_2271 : i32 to index
    %get3A_2273 = arith.constant 80 : index
    %get3A_2274 = tpu.vector_load %arg9[%get3A_2272, %get3A_2273] {strides = array<i32>} : memref<32x128xf32, #tpu.memory_space<vmem>>, vector<16xf32>,
    %mul3A_2275 = arith.constant 1.600000e+01 : f32
    %mul3A_2276 = vector.broadcast %mul3A_2275 : f32 to vector<16xf32>
    %mul3A_2277 = arith.mulf %get3A_2274, %mul3A_2276 : vector<16xf32>
    %sub3A_2278 = arith.constant 1.600000e+01 : f32
    %sub3A_2279 = vector.broadcast %sub3A_2278 : f32 to vector<16xf32>
    %sub3A_2280 = arith.subf %mul3A_2277, %sub3A_2279 : vector<16xf32>
    %exp3A_2281 = math.exp %sub3A_2280 : vector<16xf32>
    %add3A_2282 = arith.addf %add3A_2270, %exp3A_2281 : vector<16xf32>
    %get3A_2283 = arith.constant 10 : i32
    %get3A_2284 = arith.index_cast %get3A_2283 : i32 to index
    %get3A_2285 = arith.constant 96 : index
    %get3A_2286 = tpu.vector_load %arg9[%get3A_2284, %get3A_2285] {strides = array<i32>} : memref<32x128xf32, #tpu.memory_space<vmem>>, vector<16xf32>,
    %mul3A_2287 = arith.constant 1.600000e+01 : f32
    %mul3A_2288 = vector.broadcast %mul3A_2287 : f32 to vector<16xf32>
    %mul3A_2289 = arith.mulf %get3A_2286, %mul3A_2288 : vector<16xf32>
    %sub3A_2290 = arith.constant 1.600000e+01 : f32
    %sub3A_2291 = vector.broadcast %sub3A_2290 : f32 to vector<16xf32>
    %sub3A_2292 = arith.subf %mul3A_2289, %sub3A_2291 : vector<16xf32>
    %exp3A_2293 = math.exp %sub3A_2292 : vector<16xf32>
    %add3A_2294 = arith.addf %add3A_2282, %exp3A_2293 : vector<16xf32>
    %get3A_2295 = arith.constant 10 : i32
    %get3A_2296 = arith.index_cast %get3A_2295 : i32 to index
    %get3A_2297 = arith.constant 112 : index
    %get3A_2298 = tpu.vector_load %arg9[%get3A_2296, %get3A_2297] {strides = array<i32>} : memref<32x128xf32, #tpu.memory_space<vmem>>, vector<16xf32>,
    %mul3A_2299 = arith.constant 1.600000e+01 : f32
    %mul3A_2300 = vector.broadcast %mul3A_2299 : f32 to vector<16xf32>
    %mul3A_2301 = arith.mulf %get3A_2298, %mul3A_2300 : vector<16xf32>
    %sub3A_2302 = arith.constant 1.600000e+01 : f32
    %sub3A_2303 = vector.broadcast %sub3A_2302 : f32 to vector<16xf32>
    %sub3A_2304 = arith.subf %mul3A_2301, %sub3A_2303 : vector<16xf32>
    %exp3A_2305 = math.exp %sub3A_2304 : vector<16xf32>
    %add3A_2306 = arith.addf %add3A_2294, %exp3A_2305 : vector<16xf32>
    %get3A_2307 = arith.constant 11 : i32
    %get3A_2308 = arith.index_cast %get3A_2307 : i32 to index
    %get3A_2309 = arith.constant 0 : index
    %get3A_2310 = tpu.vector_load %arg9[%get3A_2308, %get3A_2309] {strides = array<i32>} : memref<32x128xf32, #tpu.memory_space<vmem>>, vector<16xf32>,
    %mul3A_2311 = arith.constant 1.600000e+01 : f32
    %mul3A_2312 = vector.broadcast %mul3A_2311 : f32 to vector<16xf32>
    %mul3A_2313 = arith.mulf %get3A_2310, %mul3A_2312 : vector<16xf32>
    %sub3A_2314 = arith.constant 1.600000e+01 : f32
    %sub3A_2315 = vector.broadcast %sub3A_2314 : f32 to vector<16xf32>
    %sub3A_2316 = arith.subf %mul3A_2313, %sub3A_2315 : vector<16xf32>
    %exp3A_2317 = math.exp %sub3A_2316 : vector<16xf32>
    %add3A_2318 = arith.addf %broadcast_in_dim3A_2010, %exp3A_2317 : vector<16xf32>
    %get3A_2319 = arith.constant 11 : i32
    %get3A_2320 = arith.index_cast %get3A_2319 : i32 to index
    %get3A_2321 = arith.constant 16 : index
    %get3A_2322 = tpu.vector_load %arg9[%get3A_2320, %get3A_2321] {strides = array<i32>} : memref<32x128xf32, #tpu.memory_space<vmem>>, vector<16xf32>,
    %mul3A_2323 = arith.constant 1.600000e+01 : f32
    %mul3A_2324 = vector.broadcast %mul3A_2323 : f32 to vector<16xf32>
    %mul3A_2325 = arith.mulf %get3A_2322, %mul3A_2324 : vector<16xf32>
    %sub3A_2326 = arith.constant 1.600000e+01 : f32
    %sub3A_2327 = vector.broadcast %sub3A_2326 : f32 to vector<16xf32>
    %sub3A_2328 = arith.subf %mul3A_2325, %sub3A_2327 : vector<16xf32>
    %exp3A_2329 = math.exp %sub3A_2328 : vector<16xf32>
    %add3A_2330 = arith.addf %add3A_2318, %exp3A_2329 : vector<16xf32>
    %get3A_2331 = arith.constant 11 : i32
    %get3A_2332 = arith.index_cast %get3A_2331 : i32 to index
    %get3A_2333 = arith.constant 32 : index
    %get3A_2334 = tpu.vector_load %arg9[%get3A_2332, %get3A_2333] {strides = array<i32>} : memref<32x128xf32, #tpu.memory_space<vmem>>, vector<16xf32>,
    %mul3A_2335 = arith.constant 1.600000e+01 : f32
    %mul3A_2336 = vector.broadcast %mul3A_2335 : f32 to vector<16xf32>
    %mul3A_2337 = arith.mulf %get3A_2334, %mul3A_2336 : vector<16xf32>
    %sub3A_2338 = arith.constant 1.600000e+01 : f32
    %sub3A_2339 = vector.broadcast %sub3A_2338 : f32 to vector<16xf32>
    %sub3A_2340 = arith.subf %mul3A_2337, %sub3A_2339 : vector<16xf32>
    %exp3A_2341 = math.exp %sub3A_2340 : vector<16xf32>
    %add3A_2342 = arith.addf %add3A_2330, %exp3A_2341 : vector<16xf32>
    %get3A_2343 = arith.constant 11 : i32
    %get3A_2344 = arith.index_cast %get3A_2343 : i32 to index
    %get3A_2345 = arith.constant 48 : index
    %get3A_2346 = tpu.vector_load %arg9[%get3A_2344, %get3A_2345] {strides = array<i32>} : memref<32x128xf32, #tpu.memory_space<vmem>>, vector<16xf32>,
    %mul3A_2347 = arith.constant 1.600000e+01 : f32
    %mul3A_2348 = vector.broadcast %mul3A_2347 : f32 to vector<16xf32>
    %mul3A_2349 = arith.mulf %get3A_2346, %mul3A_2348 : vector<16xf32>
    %sub3A_2350 = arith.constant 1.600000e+01 : f32
    %sub3A_2351 = vector.broadcast %sub3A_2350 : f32 to vector<16xf32>
    %sub3A_2352 = arith.subf %mul3A_2349, %sub3A_2351 : vector<16xf32>
    %exp3A_2353 = math.exp %sub3A_2352 : vector<16xf32>
    %add3A_2354 = arith.addf %add3A_2342, %exp3A_2353 : vector<16xf32>
    %get3A_2355 = arith.constant 11 : i32
    %get3A_2356 = arith.index_cast %get3A_2355 : i32 to index
    %get3A_2357 = arith.constant 64 : index
    %get3A_2358 = tpu.vector_load %arg9[%get3A_2356, %get3A_2357] {strides = array<i32>} : memref<32x128xf32, #tpu.memory_space<vmem>>, vector<16xf32>,
    %mul3A_2359 = arith.constant 1.600000e+01 : f32
    %mul3A_2360 = vector.broadcast %mul3A_2359 : f32 to vector<16xf32>
    %mul3A_2361 = arith.mulf %get3A_2358, %mul3A_2360 : vector<16xf32>
    %sub3A_2362 = arith.constant 1.600000e+01 : f32
    %sub3A_2363 = vector.broadcast %sub3A_2362 : f32 to vector<16xf32>
    %sub3A_2364 = arith.subf %mul3A_2361, %sub3A_2363 : vector<16xf32>
    %exp3A_2365 = math.exp %sub3A_2364 : vector<16xf32>
    %add3A_2366 = arith.addf %add3A_2354, %exp3A_2365 : vector<16xf32>
    %get3A_2367 = arith.constant 11 : i32
    %get3A_2368 = arith.index_cast %get3A_2367 : i32 to index
    %get3A_2369 = arith.constant 80 : index
    %get3A_2370 = tpu.vector_load %arg9[%get3A_2368, %get3A_2369] {strides = array<i32>} : memref<32x128xf32, #tpu.memory_space<vmem>>, vector<16xf32>,
    %mul3A_2371 = arith.constant 1.600000e+01 : f32
    %mul3A_2372 = vector.broadcast %mul3A_2371 : f32 to vector<16xf32>
    %mul3A_2373 = arith.mulf %get3A_2370, %mul3A_2372 : vector<16xf32>
    %sub3A_2374 = arith.constant 1.600000e+01 : f32
    %sub3A_2375 = vector.broadcast %sub3A_2374 : f32 to vector<16xf32>
    %sub3A_2376 = arith.subf %mul3A_2373, %sub3A_2375 : vector<16xf32>
    %exp3A_2377 = math.exp %sub3A_2376 : vector<16xf32>
    %add3A_2378 = arith.addf %add3A_2366, %exp3A_2377 : vector<16xf32>
    %get3A_2379 = arith.constant 11 : i32
    %get3A_2380 = arith.index_cast %get3A_2379 : i32 to index
    %get3A_2381 = arith.constant 96 : index
    %get3A_2382 = tpu.vector_load %arg9[%get3A_2380, %get3A_2381] {strides = array<i32>} : memref<32x128xf32, #tpu.memory_space<vmem>>, vector<16xf32>,
    %mul3A_2383 = arith.constant 1.600000e+01 : f32
    %mul3A_2384 = vector.broadcast %mul3A_2383 : f32 to vector<16xf32>
    %mul3A_2385 = arith.mulf %get3A_2382, %mul3A_2384 : vector<16xf32>
    %sub3A_2386 = arith.constant 1.600000e+01 : f32
    %sub3A_2387 = vector.broadcast %sub3A_2386 : f32 to vector<16xf32>
    %sub3A_2388 = arith.subf %mul3A_2385, %sub3A_2387 : vector<16xf32>
    %exp3A_2389 = math.exp %sub3A_2388 : vector<16xf32>
    %add3A_2390 = arith.addf %add3A_2378, %exp3A_2389 : vector<16xf32>
    %get3A_2391 = arith.constant 11 : i32
    %get3A_2392 = arith.index_cast %get3A_2391 : i32 to index
    %get3A_2393 = arith.constant 112 : index
    %get3A_2394 = tpu.vector_load %arg9[%get3A_2392, %get3A_2393] {strides = array<i32>} : memref<32x128xf32, #tpu.memory_space<vmem>>, vector<16xf32>,
    %mul3A_2395 = arith.constant 1.600000e+01 : f32
    %mul3A_2396 = vector.broadcast %mul3A_2395 : f32 to vector<16xf32>
    %mul3A_2397 = arith.mulf %get3A_2394, %mul3A_2396 : vector<16xf32>
    %sub3A_2398 = arith.constant 1.600000e+01 : f32
    %sub3A_2399 = vector.broadcast %sub3A_2398 : f32 to vector<16xf32>
    %sub3A_2400 = arith.subf %mul3A_2397, %sub3A_2399 : vector<16xf32>
    %exp3A_2401 = math.exp %sub3A_2400 : vector<16xf32>
    %add3A_2402 = arith.addf %add3A_2390, %exp3A_2401 : vector<16xf32>
    %get3A_2403 = arith.constant 12 : i32
    %get3A_2404 = arith.index_cast %get3A_2403 : i32 to index
    %get3A_2405 = arith.constant 0 : index
    %get3A_2406 = tpu.vector_load %arg9[%get3A_2404, %get3A_2405] {strides = array<i32>} : memref<32x128xf32, #tpu.memory_space<vmem>>, vector<16xf32>,
    %mul3A_2407 = arith.constant 1.600000e+01 : f32
    %mul3A_2408 = vector.broadcast %mul3A_2407 : f32 to vector<16xf32>
    %mul3A_2409 = arith.mulf %get3A_2406, %mul3A_2408 : vector<16xf32>
    %sub3A_2410 = arith.constant 1.600000e+01 : f32
    %sub3A_2411 = vector.broadcast %sub3A_2410 : f32 to vector<16xf32>
    %sub3A_2412 = arith.subf %mul3A_2409, %sub3A_2411 : vector<16xf32>
    %exp3A_2413 = math.exp %sub3A_2412 : vector<16xf32>
    %add3A_2414 = arith.addf %broadcast_in_dim3A_2012, %exp3A_2413 : vector<16xf32>
    %get3A_2415 = arith.constant 12 : i32
    %get3A_2416 = arith.index_cast %get3A_2415 : i32 to index
    %get3A_2417 = arith.constant 16 : index
    %get3A_2418 = tpu.vector_load %arg9[%get3A_2416, %get3A_2417] {strides = array<i32>} : memref<32x128xf32, #tpu.memory_space<vmem>>, vector<16xf32>,
    %mul3A_2419 = arith.constant 1.600000e+01 : f32
    %mul3A_2420 = vector.broadcast %mul3A_2419 : f32 to vector<16xf32>
    %mul3A_2421 = arith.mulf %get3A_2418, %mul3A_2420 : vector<16xf32>
    %sub3A_2422 = arith.constant 1.600000e+01 : f32
    %sub3A_2423 = vector.broadcast %sub3A_2422 : f32 to vector<16xf32>
    %sub3A_2424 = arith.subf %mul3A_2421, %sub3A_2423 : vector<16xf32>
    %exp3A_2425 = math.exp %sub3A_2424 : vector<16xf32>
    %add3A_2426 = arith.addf %add3A_2414, %exp3A_2425 : vector<16xf32>
    %get3A_2427 = arith.constant 12 : i32
    %get3A_2428 = arith.index_cast %get3A_2427 : i32 to index
    %get3A_2429 = arith.constant 32 : index
    %get3A_2430 = tpu.vector_load %arg9[%get3A_2428, %get3A_2429] {strides = array<i32>} : memref<32x128xf32, #tpu.memory_space<vmem>>, vector<16xf32>,
    %mul3A_2431 = arith.constant 1.600000e+01 : f32
    %mul3A_2432 = vector.broadcast %mul3A_2431 : f32 to vector<16xf32>
    %mul3A_2433 = arith.mulf %get3A_2430, %mul3A_2432 : vector<16xf32>
    %sub3A_2434 = arith.constant 1.600000e+01 : f32
    %sub3A_2435 = vector.broadcast %sub3A_2434 : f32 to vector<16xf32>
    %sub3A_2436 = arith.subf %mul3A_2433, %sub3A_2435 : vector<16xf32>
    %exp3A_2437 = math.exp %sub3A_2436 : vector<16xf32>
    %add3A_2438 = arith.addf %add3A_2426, %exp3A_2437 : vector<16xf32>
    %get3A_2439 = arith.constant 12 : i32
    %get3A_2440 = arith.index_cast %get3A_2439 : i32 to index
    %get3A_2441 = arith.constant 48 : index
    %get3A_2442 = tpu.vector_load %arg9[%get3A_2440, %get3A_2441] {strides = array<i32>} : memref<32x128xf32, #tpu.memory_space<vmem>>, vector<16xf32>,
    %mul3A_2443 = arith.constant 1.600000e+01 : f32
    %mul3A_2444 = vector.broadcast %mul3A_2443 : f32 to vector<16xf32>
    %mul3A_2445 = arith.mulf %get3A_2442, %mul3A_2444 : vector<16xf32>
    %sub3A_2446 = arith.constant 1.600000e+01 : f32
    %sub3A_2447 = vector.broadcast %sub3A_2446 : f32 to vector<16xf32>
    %sub3A_2448 = arith.subf %mul3A_2445, %sub3A_2447 : vector<16xf32>
    %exp3A_2449 = math.exp %sub3A_2448 : vector<16xf32>
    %add3A_2450 = arith.addf %add3A_2438, %exp3A_2449 : vector<16xf32>
    %get3A_2451 = arith.constant 12 : i32
    %get3A_2452 = arith.index_cast %get3A_2451 : i32 to index
    %get3A_2453 = arith.constant 64 : index
    %get3A_2454 = tpu.vector_load %arg9[%get3A_2452, %get3A_2453] {strides = array<i32>} : memref<32x128xf32, #tpu.memory_space<vmem>>, vector<16xf32>,
    %mul3A_2455 = arith.constant 1.600000e+01 : f32
    %mul3A_2456 = vector.broadcast %mul3A_2455 : f32 to vector<16xf32>
    %mul3A_2457 = arith.mulf %get3A_2454, %mul3A_2456 : vector<16xf32>
    %sub3A_2458 = arith.constant 1.600000e+01 : f32
    %sub3A_2459 = vector.broadcast %sub3A_2458 : f32 to vector<16xf32>
    %sub3A_2460 = arith.subf %mul3A_2457, %sub3A_2459 : vector<16xf32>
    %exp3A_2461 = math.exp %sub3A_2460 : vector<16xf32>
    %add3A_2462 = arith.addf %add3A_2450, %exp3A_2461 : vector<16xf32>
    %get3A_2463 = arith.constant 12 : i32
    %get3A_2464 = arith.index_cast %get3A_2463 : i32 to index
    %get3A_2465 = arith.constant 80 : index
    %get3A_2466 = tpu.vector_load %arg9[%get3A_2464, %get3A_2465] {strides = array<i32>} : memref<32x128xf32, #tpu.memory_space<vmem>>, vector<16xf32>,
    %mul3A_2467 = arith.constant 1.600000e+01 : f32
    %mul3A_2468 = vector.broadcast %mul3A_2467 : f32 to vector<16xf32>
    %mul3A_2469 = arith.mulf %get3A_2466, %mul3A_2468 : vector<16xf32>
    %sub3A_2470 = arith.constant 1.600000e+01 : f32
    %sub3A_2471 = vector.broadcast %sub3A_2470 : f32 to vector<16xf32>
    %sub3A_2472 = arith.subf %mul3A_2469, %sub3A_2471 : vector<16xf32>
    %exp3A_2473 = math.exp %sub3A_2472 : vector<16xf32>
    %add3A_2474 = arith.addf %add3A_2462, %exp3A_2473 : vector<16xf32>
    %get3A_2475 = arith.constant 12 : i32
    %get3A_2476 = arith.index_cast %get3A_2475 : i32 to index
    %get3A_2477 = arith.constant 96 : index
    %get3A_2478 = tpu.vector_load %arg9[%get3A_2476, %get3A_2477] {strides = array<i32>} : memref<32x128xf32, #tpu.memory_space<vmem>>, vector<16xf32>,
    %mul3A_2479 = arith.constant 1.600000e+01 : f32
    %mul3A_2480 = vector.broadcast %mul3A_2479 : f32 to vector<16xf32>
    %mul3A_2481 = arith.mulf %get3A_2478, %mul3A_2480 : vector<16xf32>
    %sub3A_2482 = arith.constant 1.600000e+01 : f32
    %sub3A_2483 = vector.broadcast %sub3A_2482 : f32 to vector<16xf32>
    %sub3A_2484 = arith.subf %mul3A_2481, %sub3A_2483 : vector<16xf32>
    %exp3A_2485 = math.exp %sub3A_2484 : vector<16xf32>
    %add3A_2486 = arith.addf %add3A_2474, %exp3A_2485 : vector<16xf32>
    %get3A_2487 = arith.constant 12 : i32
    %get3A_2488 = arith.index_cast %get3A_2487 : i32 to index
    %get3A_2489 = arith.constant 112 : index
    %get3A_2490 = tpu.vector_load %arg9[%get3A_2488, %get3A_2489] {strides = array<i32>} : memref<32x128xf32, #tpu.memory_space<vmem>>, vector<16xf32>,
    %mul3A_2491 = arith.constant 1.600000e+01 : f32
    %mul3A_2492 = vector.broadcast %mul3A_2491 : f32 to vector<16xf32>
    %mul3A_2493 = arith.mulf %get3A_2490, %mul3A_2492 : vector<16xf32>
    %sub3A_2494 = arith.constant 1.600000e+01 : f32
    %sub3A_2495 = vector.broadcast %sub3A_2494 : f32 to vector<16xf32>
    %sub3A_2496 = arith.subf %mul3A_2493, %sub3A_2495 : vector<16xf32>
    %exp3A_2497 = math.exp %sub3A_2496 : vector<16xf32>
    %add3A_2498 = arith.addf %add3A_2486, %exp3A_2497 : vector<16xf32>
    %get3A_2499 = arith.constant 13 : i32
    %get3A_2500 = arith.index_cast %get3A_2499 : i32 to index
    %get3A_2501 = arith.constant 0 : index
    %get3A_2502 = tpu.vector_load %arg9[%get3A_2500, %get3A_2501] {strides = array<i32>} : memref<32x128xf32, #tpu.memory_space<vmem>>, vector<16xf32>,
    %mul3A_2503 = arith.constant 1.600000e+01 : f32
    %mul3A_2504 = vector.broadcast %mul3A_2503 : f32 to vector<16xf32>
    %mul3A_2505 = arith.mulf %get3A_2502, %mul3A_2504 : vector<16xf32>
    %sub3A_2506 = arith.constant 1.600000e+01 : f32
    %sub3A_2507 = vector.broadcast %sub3A_2506 : f32 to vector<16xf32>
    %sub3A_2508 = arith.subf %mul3A_2505, %sub3A_2507 : vector<16xf32>
    %exp3A_2509 = math.exp %sub3A_2508 : vector<16xf32>
    %add3A_2510 = arith.addf %broadcast_in_dim3A_2014, %exp3A_2509 : vector<16xf32>
    %get3A_2511 = arith.constant 13 : i32
    %get3A_2512 = arith.index_cast %get3A_2511 : i32 to index
    %get3A_2513 = arith.constant 16 : index
    %get3A_2514 = tpu.vector_load %arg9[%get3A_2512, %get3A_2513] {strides = array<i32>} : memref<32x128xf32, #tpu.memory_space<vmem>>, vector<16xf32>,
    %mul3A_2515 = arith.constant 1.600000e+01 : f32
    %mul3A_2516 = vector.broadcast %mul3A_2515 : f32 to vector<16xf32>
    %mul3A_2517 = arith.mulf %get3A_2514, %mul3A_2516 : vector<16xf32>
    %sub3A_2518 = arith.constant 1.600000e+01 : f32
    %sub3A_2519 = vector.broadcast %sub3A_2518 : f32 to vector<16xf32>
    %sub3A_2520 = arith.subf %mul3A_2517, %sub3A_2519 : vector<16xf32>
    %exp3A_2521 = math.exp %sub3A_2520 : vector<16xf32>
    %add3A_2522 = arith.addf %add3A_2510, %exp3A_2521 : vector<16xf32>
    %get3A_2523 = arith.constant 13 : i32
    %get3A_2524 = arith.index_cast %get3A_2523 : i32 to index
    %get3A_2525 = arith.constant 32 : index
    %get3A_2526 = tpu.vector_load %arg9[%get3A_2524, %get3A_2525] {strides = array<i32>} : memref<32x128xf32, #tpu.memory_space<vmem>>, vector<16xf32>,
    %mul3A_2527 = arith.constant 1.600000e+01 : f32
    %mul3A_2528 = vector.broadcast %mul3A_2527 : f32 to vector<16xf32>
    %mul3A_2529 = arith.mulf %get3A_2526, %mul3A_2528 : vector<16xf32>
    %sub3A_2530 = arith.constant 1.600000e+01 : f32
    %sub3A_2531 = vector.broadcast %sub3A_2530 : f32 to vector<16xf32>
    %sub3A_2532 = arith.subf %mul3A_2529, %sub3A_2531 : vector<16xf32>
    %exp3A_2533 = math.exp %sub3A_2532 : vector<16xf32>
    %add3A_2534 = arith.addf %add3A_2522, %exp3A_2533 : vector<16xf32>
    %get3A_2535 = arith.constant 13 : i32
    %get3A_2536 = arith.index_cast %get3A_2535 : i32 to index
    %get3A_2537 = arith.constant 48 : index
    %get3A_2538 = tpu.vector_load %arg9[%get3A_2536, %get3A_2537] {strides = array<i32>} : memref<32x128xf32, #tpu.memory_space<vmem>>, vector<16xf32>,
    %mul3A_2539 = arith.constant 1.600000e+01 : f32
    %mul3A_2540 = vector.broadcast %mul3A_2539 : f32 to vector<16xf32>
    %mul3A_2541 = arith.mulf %get3A_2538, %mul3A_2540 : vector<16xf32>
    %sub3A_2542 = arith.constant 1.600000e+01 : f32
    %sub3A_2543 = vector.broadcast %sub3A_2542 : f32 to vector<16xf32>
    %sub3A_2544 = arith.subf %mul3A_2541, %sub3A_2543 : vector<16xf32>
    %exp3A_2545 = math.exp %sub3A_2544 : vector<16xf32>
    %add3A_2546 = arith.addf %add3A_2534, %exp3A_2545 : vector<16xf32>
    %get3A_2547 = arith.constant 13 : i32
    %get3A_2548 = arith.index_cast %get3A_2547 : i32 to index
    %get3A_2549 = arith.constant 64 : index
    %get3A_2550 = tpu.vector_load %arg9[%get3A_2548, %get3A_2549] {strides = array<i32>} : memref<32x128xf32, #tpu.memory_space<vmem>>, vector<16xf32>,
    %mul3A_2551 = arith.constant 1.600000e+01 : f32
    %mul3A_2552 = vector.broadcast %mul3A_2551 : f32 to vector<16xf32>
    %mul3A_2553 = arith.mulf %get3A_2550, %mul3A_2552 : vector<16xf32>
    %sub3A_2554 = arith.constant 1.600000e+01 : f32
    %sub3A_2555 = vector.broadcast %sub3A_2554 : f32 to vector<16xf32>
    %sub3A_2556 = arith.subf %mul3A_2553, %sub3A_2555 : vector<16xf32>
    %exp3A_2557 = math.exp %sub3A_2556 : vector<16xf32>
    %add3A_2558 = arith.addf %add3A_2546, %exp3A_2557 : vector<16xf32>
    %get3A_2559 = arith.constant 13 : i32
    %get3A_2560 = arith.index_cast %get3A_2559 : i32 to index
    %get3A_2561 = arith.constant 80 : index
    %get3A_2562 = tpu.vector_load %arg9[%get3A_2560, %get3A_2561] {strides = array<i32>} : memref<32x128xf32, #tpu.memory_space<vmem>>, vector<16xf32>,
    %mul3A_2563 = arith.constant 1.600000e+01 : f32
    %mul3A_2564 = vector.broadcast %mul3A_2563 : f32 to vector<16xf32>
    %mul3A_2565 = arith.mulf %get3A_2562, %mul3A_2564 : vector<16xf32>
    %sub3A_2566 = arith.constant 1.600000e+01 : f32
    %sub3A_2567 = vector.broadcast %sub3A_2566 : f32 to vector<16xf32>
    %sub3A_2568 = arith.subf %mul3A_2565, %sub3A_2567 : vector<16xf32>
    %exp3A_2569 = math.exp %sub3A_2568 : vector<16xf32>
    %add3A_2570 = arith.addf %add3A_2558, %exp3A_2569 : vector<16xf32>
    %get3A_2571 = arith.constant 13 : i32
    %get3A_2572 = arith.index_cast %get3A_2571 : i32 to index
    %get3A_2573 = arith.constant 96 : index
    %get3A_2574 = tpu.vector_load %arg9[%get3A_2572, %get3A_2573] {strides = array<i32>} : memref<32x128xf32, #tpu.memory_space<vmem>>, vector<16xf32>,
    %mul3A_2575 = arith.constant 1.600000e+01 : f32
    %mul3A_2576 = vector.broadcast %mul3A_2575 : f32 to vector<16xf32>
    %mul3A_2577 = arith.mulf %get3A_2574, %mul3A_2576 : vector<16xf32>
    %sub3A_2578 = arith.constant 1.600000e+01 : f32
    %sub3A_2579 = vector.broadcast %sub3A_2578 : f32 to vector<16xf32>
    %sub3A_2580 = arith.subf %mul3A_2577, %sub3A_2579 : vector<16xf32>
    %exp3A_2581 = math.exp %sub3A_2580 : vector<16xf32>
    %add3A_2582 = arith.addf %add3A_2570, %exp3A_2581 : vector<16xf32>
    %get3A_2583 = arith.constant 13 : i32
    %get3A_2584 = arith.index_cast %get3A_2583 : i32 to index
    %get3A_2585 = arith.constant 112 : index
    %get3A_2586 = tpu.vector_load %arg9[%get3A_2584, %get3A_2585] {strides = array<i32>} : memref<32x128xf32, #tpu.memory_space<vmem>>, vector<16xf32>,
    %mul3A_2587 = arith.constant 1.600000e+01 : f32
    %mul3A_2588 = vector.broadcast %mul3A_2587 : f32 to vector<16xf32>
    %mul3A_2589 = arith.mulf %get3A_2586, %mul3A_2588 : vector<16xf32>
    %sub3A_2590 = arith.constant 1.600000e+01 : f32
    %sub3A_2591 = vector.broadcast %sub3A_2590 : f32 to vector<16xf32>
    %sub3A_2592 = arith.subf %mul3A_2589, %sub3A_2591 : vector<16xf32>
    %exp3A_2593 = math.exp %sub3A_2592 : vector<16xf32>
    %add3A_2594 = arith.addf %add3A_2582, %exp3A_2593 : vector<16xf32>
    %get3A_2595 = arith.constant 14 : i32
    %get3A_2596 = arith.index_cast %get3A_2595 : i32 to index
    %get3A_2597 = arith.constant 0 : index
    %get3A_2598 = tpu.vector_load %arg9[%get3A_2596, %get3A_2597] {strides = array<i32>} : memref<32x128xf32, #tpu.memory_space<vmem>>, vector<16xf32>,
    %mul3A_2599 = arith.constant 1.600000e+01 : f32
    %mul3A_2600 = vector.broadcast %mul3A_2599 : f32 to vector<16xf32>
    %mul3A_2601 = arith.mulf %get3A_2598, %mul3A_2600 : vector<16xf32>
    %sub3A_2602 = arith.constant 1.600000e+01 : f32
    %sub3A_2603 = vector.broadcast %sub3A_2602 : f32 to vector<16xf32>
    %sub3A_2604 = arith.subf %mul3A_2601, %sub3A_2603 : vector<16xf32>
    %exp3A_2605 = math.exp %sub3A_2604 : vector<16xf32>
    %add3A_2606 = arith.addf %broadcast_in_dim3A_2016, %exp3A_2605 : vector<16xf32>
    %get3A_2607 = arith.constant 14 : i32
    %get3A_2608 = arith.index_cast %get3A_2607 : i32 to index
    %get3A_2609 = arith.constant 16 : index
    %get3A_2610 = tpu.vector_load %arg9[%get3A_2608, %get3A_2609] {strides = array<i32>} : memref<32x128xf32, #tpu.memory_space<vmem>>, vector<16xf32>,
    %mul3A_2611 = arith.constant 1.600000e+01 : f32
    %mul3A_2612 = vector.broadcast %mul3A_2611 : f32 to vector<16xf32>
    %mul3A_2613 = arith.mulf %get3A_2610, %mul3A_2612 : vector<16xf32>
    %sub3A_2614 = arith.constant 1.600000e+01 : f32
    %sub3A_2615 = vector.broadcast %sub3A_2614 : f32 to vector<16xf32>
    %sub3A_2616 = arith.subf %mul3A_2613, %sub3A_2615 : vector<16xf32>
    %exp3A_2617 = math.exp %sub3A_2616 : vector<16xf32>
    %add3A_2618 = arith.addf %add3A_2606, %exp3A_2617 : vector<16xf32>
    %get3A_2619 = arith.constant 14 : i32
    %get3A_2620 = arith.index_cast %get3A_2619 : i32 to index
    %get3A_2621 = arith.constant 32 : index
    %get3A_2622 = tpu.vector_load %arg9[%get3A_2620, %get3A_2621] {strides = array<i32>} : memref<32x128xf32, #tpu.memory_space<vmem>>, vector<16xf32>,
    %mul3A_2623 = arith.constant 1.600000e+01 : f32
    %mul3A_2624 = vector.broadcast %mul3A_2623 : f32 to vector<16xf32>
    %mul3A_2625 = arith.mulf %get3A_2622, %mul3A_2624 : vector<16xf32>
    %sub3A_2626 = arith.constant 1.600000e+01 : f32
    %sub3A_2627 = vector.broadcast %sub3A_2626 : f32 to vector<16xf32>
    %sub3A_2628 = arith.subf %mul3A_2625, %sub3A_2627 : vector<16xf32>
    %exp3A_2629 = math.exp %sub3A_2628 : vector<16xf32>
    %add3A_2630 = arith.addf %add3A_2618, %exp3A_2629 : vector<16xf32>
    %get3A_2631 = arith.constant 14 : i32
    %get3A_2632 = arith.index_cast %get3A_2631 : i32 to index
    %get3A_2633 = arith.constant 48 : index
    %get3A_2634 = tpu.vector_load %arg9[%get3A_2632, %get3A_2633] {strides = array<i32>} : memref<32x128xf32, #tpu.memory_space<vmem>>, vector<16xf32>,
    %mul3A_2635 = arith.constant 1.600000e+01 : f32
    %mul3A_2636 = vector.broadcast %mul3A_2635 : f32 to vector<16xf32>
    %mul3A_2637 = arith.mulf %get3A_2634, %mul3A_2636 : vector<16xf32>
    %sub3A_2638 = arith.constant 1.600000e+01 : f32
    %sub3A_2639 = vector.broadcast %sub3A_2638 : f32 to vector<16xf32>
    %sub3A_2640 = arith.subf %mul3A_2637, %sub3A_2639 : vector<16xf32>
    %exp3A_2641 = math.exp %sub3A_2640 : vector<16xf32>
    %add3A_2642 = arith.addf %add3A_2630, %exp3A_2641 : vector<16xf32>
    %get3A_2643 = arith.constant 14 : i32
    %get3A_2644 = arith.index_cast %get3A_2643 : i32 to index
    %get3A_2645 = arith.constant 64 : index
    %get3A_2646 = tpu.vector_load %arg9[%get3A_2644, %get3A_2645] {strides = array<i32>} : memref<32x128xf32, #tpu.memory_space<vmem>>, vector<16xf32>,
    %mul3A_2647 = arith.constant 1.600000e+01 : f32
    %mul3A_2648 = vector.broadcast %mul3A_2647 : f32 to vector<16xf32>
    %mul3A_2649 = arith.mulf %get3A_2646, %mul3A_2648 : vector<16xf32>
    %sub3A_2650 = arith.constant 1.600000e+01 : f32
    %sub3A_2651 = vector.broadcast %sub3A_2650 : f32 to vector<16xf32>
    %sub3A_2652 = arith.subf %mul3A_2649, %sub3A_2651 : vector<16xf32>
    %exp3A_2653 = math.exp %sub3A_2652 : vector<16xf32>
    %add3A_2654 = arith.addf %add3A_2642, %exp3A_2653 : vector<16xf32>
    %get3A_2655 = arith.constant 14 : i32
    %get3A_2656 = arith.index_cast %get3A_2655 : i32 to index
    %get3A_2657 = arith.constant 80 : index
    %get3A_2658 = tpu.vector_load %arg9[%get3A_2656, %get3A_2657] {strides = array<i32>} : memref<32x128xf32, #tpu.memory_space<vmem>>, vector<16xf32>,
    %mul3A_2659 = arith.constant 1.600000e+01 : f32
    %mul3A_2660 = vector.broadcast %mul3A_2659 : f32 to vector<16xf32>
    %mul3A_2661 = arith.mulf %get3A_2658, %mul3A_2660 : vector<16xf32>
    %sub3A_2662 = arith.constant 1.600000e+01 : f32
    %sub3A_2663 = vector.broadcast %sub3A_2662 : f32 to vector<16xf32>
    %sub3A_2664 = arith.subf %mul3A_2661, %sub3A_2663 : vector<16xf32>
    %exp3A_2665 = math.exp %sub3A_2664 : vector<16xf32>
    %add3A_2666 = arith.addf %add3A_2654, %exp3A_2665 : vector<16xf32>
    %get3A_2667 = arith.constant 14 : i32
    %get3A_2668 = arith.index_cast %get3A_2667 : i32 to index
    %get3A_2669 = arith.constant 96 : index
    %get3A_2670 = tpu.vector_load %arg9[%get3A_2668, %get3A_2669] {strides = array<i32>} : memref<32x128xf32, #tpu.memory_space<vmem>>, vector<16xf32>,
    %mul3A_2671 = arith.constant 1.600000e+01 : f32
    %mul3A_2672 = vector.broadcast %mul3A_2671 : f32 to vector<16xf32>
    %mul3A_2673 = arith.mulf %get3A_2670, %mul3A_2672 : vector<16xf32>
    %sub3A_2674 = arith.constant 1.600000e+01 : f32
    %sub3A_2675 = vector.broadcast %sub3A_2674 : f32 to vector<16xf32>
    %sub3A_2676 = arith.subf %mul3A_2673, %sub3A_2675 : vector<16xf32>
    %exp3A_2677 = math.exp %sub3A_2676 : vector<16xf32>
    %add3A_2678 = arith.addf %add3A_2666, %exp3A_2677 : vector<16xf32>
    %get3A_2679 = arith.constant 14 : i32
    %get3A_2680 = arith.index_cast %get3A_2679 : i32 to index
    %get3A_2681 = arith.constant 112 : index
    %get3A_2682 = tpu.vector_load %arg9[%get3A_2680, %get3A_2681] {strides = array<i32>} : memref<32x128xf32, #tpu.memory_space<vmem>>, vector<16xf32>,
    %mul3A_2683 = arith.constant 1.600000e+01 : f32
    %mul3A_2684 = vector.broadcast %mul3A_2683 : f32 to vector<16xf32>
    %mul3A_2685 = arith.mulf %get3A_2682, %mul3A_2684 : vector<16xf32>
    %sub3A_2686 = arith.constant 1.600000e+01 : f32
    %sub3A_2687 = vector.broadcast %sub3A_2686 : f32 to vector<16xf32>
    %sub3A_2688 = arith.subf %mul3A_2685, %sub3A_2687 : vector<16xf32>
    %exp3A_2689 = math.exp %sub3A_2688 : vector<16xf32>
    %add3A_2690 = arith.addf %add3A_2678, %exp3A_2689 : vector<16xf32>
    %get3A_2691 = arith.constant 15 : i32
    %get3A_2692 = arith.index_cast %get3A_2691 : i32 to index
    %get3A_2693 = arith.constant 0 : index
    %get3A_2694 = tpu.vector_load %arg9[%get3A_2692, %get3A_2693] {strides = array<i32>} : memref<32x128xf32, #tpu.memory_space<vmem>>, vector<16xf32>,
    %mul3A_2695 = arith.constant 1.600000e+01 : f32
    %mul3A_2696 = vector.broadcast %mul3A_2695 : f32 to vector<16xf32>
    %mul3A_2697 = arith.mulf %get3A_2694, %mul3A_2696 : vector<16xf32>
    %sub3A_2698 = arith.constant 1.600000e+01 : f32
    %sub3A_2699 = vector.broadcast %sub3A_2698 : f32 to vector<16xf32>
    %sub3A_2700 = arith.subf %mul3A_2697, %sub3A_2699 : vector<16xf32>
    %exp3A_2701 = math.exp %sub3A_2700 : vector<16xf32>
    %add3A_2702 = arith.addf %broadcast_in_dim3A_2018, %exp3A_2701 : vector<16xf32>
    %get3A_2703 = arith.constant 15 : i32
    %get3A_2704 = arith.index_cast %get3A_2703 : i32 to index
    %get3A_2705 = arith.constant 16 : index
    %get3A_2706 = tpu.vector_load %arg9[%get3A_2704, %get3A_2705] {strides = array<i32>} : memref<32x128xf32, #tpu.memory_space<vmem>>, vector<16xf32>,
    %mul3A_2707 = arith.constant 1.600000e+01 : f32
    %mul3A_2708 = vector.broadcast %mul3A_2707 : f32 to vector<16xf32>
    %mul3A_2709 = arith.mulf %get3A_2706, %mul3A_2708 : vector<16xf32>
    %sub3A_2710 = arith.constant 1.600000e+01 : f32
    %sub3A_2711 = vector.broadcast %sub3A_2710 : f32 to vector<16xf32>
    %sub3A_2712 = arith.subf %mul3A_2709, %sub3A_2711 : vector<16xf32>
    %exp3A_2713 = math.exp %sub3A_2712 : vector<16xf32>
    %add3A_2714 = arith.addf %add3A_2702, %exp3A_2713 : vector<16xf32>
    %get3A_2715 = arith.constant 15 : i32
    %get3A_2716 = arith.index_cast %get3A_2715 : i32 to index
    %get3A_2717 = arith.constant 32 : index
    %get3A_2718 = tpu.vector_load %arg9[%get3A_2716, %get3A_2717] {strides = array<i32>} : memref<32x128xf32, #tpu.memory_space<vmem>>, vector<16xf32>,
    %mul3A_2719 = arith.constant 1.600000e+01 : f32
    %mul3A_2720 = vector.broadcast %mul3A_2719 : f32 to vector<16xf32>
    %mul3A_2721 = arith.mulf %get3A_2718, %mul3A_2720 : vector<16xf32>
    %sub3A_2722 = arith.constant 1.600000e+01 : f32
    %sub3A_2723 = vector.broadcast %sub3A_2722 : f32 to vector<16xf32>
    %sub3A_2724 = arith.subf %mul3A_2721, %sub3A_2723 : vector<16xf32>
    %exp3A_2725 = math.exp %sub3A_2724 : vector<16xf32>
    %add3A_2726 = arith.addf %add3A_2714, %exp3A_2725 : vector<16xf32>
    %get3A_2727 = arith.constant 15 : i32
    %get3A_2728 = arith.index_cast %get3A_2727 : i32 to index
    %get3A_2729 = arith.constant 48 : index
    %get3A_2730 = tpu.vector_load %arg9[%get3A_2728, %get3A_2729] {strides = array<i32>} : memref<32x128xf32, #tpu.memory_space<vmem>>, vector<16xf32>,
    %mul3A_2731 = arith.constant 1.600000e+01 : f32
    %mul3A_2732 = vector.broadcast %mul3A_2731 : f32 to vector<16xf32>
    %mul3A_2733 = arith.mulf %get3A_2730, %mul3A_2732 : vector<16xf32>
    %sub3A_2734 = arith.constant 1.600000e+01 : f32
    %sub3A_2735 = vector.broadcast %sub3A_2734 : f32 to vector<16xf32>
    %sub3A_2736 = arith.subf %mul3A_2733, %sub3A_2735 : vector<16xf32>
    %exp3A_2737 = math.exp %sub3A_2736 : vector<16xf32>
    %add3A_2738 = arith.addf %add3A_2726, %exp3A_2737 : vector<16xf32>
    %get3A_2739 = arith.constant 15 : i32
    %get3A_2740 = arith.index_cast %get3A_2739 : i32 to index
    %get3A_2741 = arith.constant 64 : index
    %get3A_2742 = tpu.vector_load %arg9[%get3A_2740, %get3A_2741] {strides = array<i32>} : memref<32x128xf32, #tpu.memory_space<vmem>>, vector<16xf32>,
    %mul3A_2743 = arith.constant 1.600000e+01 : f32
    %mul3A_2744 = vector.broadcast %mul3A_2743 : f32 to vector<16xf32>
    %mul3A_2745 = arith.mulf %get3A_2742, %mul3A_2744 : vector<16xf32>
    %sub3A_2746 = arith.constant 1.600000e+01 : f32
    %sub3A_2747 = vector.broadcast %sub3A_2746 : f32 to vector<16xf32>
    %sub3A_2748 = arith.subf %mul3A_2745, %sub3A_2747 : vector<16xf32>
    %exp3A_2749 = math.exp %sub3A_2748 : vector<16xf32>
    %add3A_2750 = arith.addf %add3A_2738, %exp3A_2749 : vector<16xf32>
    %get3A_2751 = arith.constant 15 : i32
    %get3A_2752 = arith.index_cast %get3A_2751 : i32 to index
    %get3A_2753 = arith.constant 80 : index
    %get3A_2754 = tpu.vector_load %arg9[%get3A_2752, %get3A_2753] {strides = array<i32>} : memref<32x128xf32, #tpu.memory_space<vmem>>, vector<16xf32>,
    %mul3A_2755 = arith.constant 1.600000e+01 : f32
    %mul3A_2756 = vector.broadcast %mul3A_2755 : f32 to vector<16xf32>
    %mul3A_2757 = arith.mulf %get3A_2754, %mul3A_2756 : vector<16xf32>
    %sub3A_2758 = arith.constant 1.600000e+01 : f32
    %sub3A_2759 = vector.broadcast %sub3A_2758 : f32 to vector<16xf32>
    %sub3A_2760 = arith.subf %mul3A_2757, %sub3A_2759 : vector<16xf32>
    %exp3A_2761 = math.exp %sub3A_2760 : vector<16xf32>
    %add3A_2762 = arith.addf %add3A_2750, %exp3A_2761 : vector<16xf32>
    %get3A_2763 = arith.constant 15 : i32
    %get3A_2764 = arith.index_cast %get3A_2763 : i32 to index
    %get3A_2765 = arith.constant 96 : index
    %get3A_2766 = tpu.vector_load %arg9[%get3A_2764, %get3A_2765] {strides = array<i32>} : memref<32x128xf32, #tpu.memory_space<vmem>>, vector<16xf32>,
    %mul3A_2767 = arith.constant 1.600000e+01 : f32
    %mul3A_2768 = vector.broadcast %mul3A_2767 : f32 to vector<16xf32>
    %mul3A_2769 = arith.mulf %get3A_2766, %mul3A_2768 : vector<16xf32>
    %sub3A_2770 = arith.constant 1.600000e+01 : f32
    %sub3A_2771 = vector.broadcast %sub3A_2770 : f32 to vector<16xf32>
    %sub3A_2772 = arith.subf %mul3A_2769, %sub3A_2771 : vector<16xf32>
    %exp3A_2773 = math.exp %sub3A_2772 : vector<16xf32>
    %add3A_2774 = arith.addf %add3A_2762, %exp3A_2773 : vector<16xf32>
    %get3A_2775 = arith.constant 15 : i32
    %get3A_2776 = arith.index_cast %get3A_2775 : i32 to index
    %get3A_2777 = arith.constant 112 : index
    %get3A_2778 = tpu.vector_load %arg9[%get3A_2776, %get3A_2777] {strides = array<i32>} : memref<32x128xf32, #tpu.memory_space<vmem>>, vector<16xf32>,
    %mul3A_2779 = arith.constant 1.600000e+01 : f32
    %mul3A_2780 = vector.broadcast %mul3A_2779 : f32 to vector<16xf32>
    %mul3A_2781 = arith.mulf %get3A_2778, %mul3A_2780 : vector<16xf32>
    %sub3A_2782 = arith.constant 1.600000e+01 : f32
    %sub3A_2783 = vector.broadcast %sub3A_2782 : f32 to vector<16xf32>
    %sub3A_2784 = arith.subf %mul3A_2781, %sub3A_2783 : vector<16xf32>
    %exp3A_2785 = math.exp %sub3A_2784 : vector<16xf32>
    %add3A_2786 = arith.addf %add3A_2774, %exp3A_2785 : vector<16xf32>
    %swap3A_2787 = arith.constant 8 : i32
    %swap3A_2788 = arith.index_cast %swap3A_2787 : i32 to index
    %swap3A_2789 = arith.constant 0 : index
    %swap3A_2790 = tpu.vector_load %arg11[%swap3A_2788, %swap3A_2789] {strides = array<i32>} : memref<32x16xf32, #tpu.memory_space<vmem>>, vector<16xf32>,
    tpu.vector_store %arg11[%swap3A_2788, %swap3A_2789], %add3A_2114 {strides = array<i32>} : memref<32x16xf32, #tpu.memory_space<vmem>>, vector<16xf32>,
    %swap3A_2791 = arith.constant 9 : i32
    %swap3A_2792 = arith.index_cast %swap3A_2791 : i32 to index
    %swap3A_2793 = arith.constant 0 : index
    %swap3A_2794 = tpu.vector_load %arg11[%swap3A_2792, %swap3A_2793] {strides = array<i32>} : memref<32x16xf32, #tpu.memory_space<vmem>>, vector<16xf32>,
    tpu.vector_store %arg11[%swap3A_2792, %swap3A_2793], %add3A_2210 {strides = array<i32>} : memref<32x16xf32, #tpu.memory_space<vmem>>, vector<16xf32>,
    %swap3A_2795 = arith.constant 10 : i32
    %swap3A_2796 = arith.index_cast %swap3A_2795 : i32 to index
    %swap3A_2797 = arith.constant 0 : index
    %swap3A_2798 = tpu.vector_load %arg11[%swap3A_2796, %swap3A_2797] {strides = array<i32>} : memref<32x16xf32, #tpu.memory_space<vmem>>, vector<16xf32>,
    tpu.vector_store %arg11[%swap3A_2796, %swap3A_2797], %add3A_2306 {strides = array<i32>} : memref<32x16xf32, #tpu.memory_space<vmem>>, vector<16xf32>,
    %swap3A_2799 = arith.constant 11 : i32
    %swap3A_2800 = arith.index_cast %swap3A_2799 : i32 to index
    %swap3A_2801 = arith.constant 0 : index
    %swap3A_2802 = tpu.vector_load %arg11[%swap3A_2800, %swap3A_2801] {strides = array<i32>} : memref<32x16xf32, #tpu.memory_space<vmem>>, vector<16xf32>,
    tpu.vector_store %arg11[%swap3A_2800, %swap3A_2801], %add3A_2402 {strides = array<i32>} : memref<32x16xf32, #tpu.memory_space<vmem>>, vector<16xf32>,
    %swap3A_2803 = arith.constant 12 : i32
    %swap3A_2804 = arith.index_cast %swap3A_2803 : i32 to index
    %swap3A_2805 = arith.constant 0 : index
    %swap3A_2806 = tpu.vector_load %arg11[%swap3A_2804, %swap3A_2805] {strides = array<i32>} : memref<32x16xf32, #tpu.memory_space<vmem>>, vector<16xf32>,
    tpu.vector_store %arg11[%swap3A_2804, %swap3A_2805], %add3A_2498 {strides = array<i32>} : memref<32x16xf32, #tpu.memory_space<vmem>>, vector<16xf32>,
    %swap3A_2807 = arith.constant 13 : i32
    %swap3A_2808 = arith.index_cast %swap3A_2807 : i32 to index
    %swap3A_2809 = arith.constant 0 : index
    %swap3A_2810 = tpu.vector_load %arg11[%swap3A_2808, %swap3A_2809] {strides = array<i32>} : memref<32x16xf32, #tpu.memory_space<vmem>>, vector<16xf32>,
    tpu.vector_store %arg11[%swap3A_2808, %swap3A_2809], %add3A_2594 {strides = array<i32>} : memref<32x16xf32, #tpu.memory_space<vmem>>, vector<16xf32>,
    %swap3A_2811 = arith.constant 14 : i32
    %swap3A_2812 = arith.index_cast %swap3A_2811 : i32 to index
    %swap3A_2813 = arith.constant 0 : index
    %swap3A_2814 = tpu.vector_load %arg11[%swap3A_2812, %swap3A_2813] {strides = array<i32>} : memref<32x16xf32, #tpu.memory_space<vmem>>, vector<16xf32>,
    tpu.vector_store %arg11[%swap3A_2812, %swap3A_2813], %add3A_2690 {strides = array<i32>} : memref<32x16xf32, #tpu.memory_space<vmem>>, vector<16xf32>,
    %swap3A_2815 = arith.constant 15 : i32
    %swap3A_2816 = arith.index_cast %swap3A_2815 : i32 to index
    %swap3A_2817 = arith.constant 0 : index
    %swap3A_2818 = tpu.vector_load %arg11[%swap3A_2816, %swap3A_2817] {strides = array<i32>} : memref<32x16xf32, #tpu.memory_space<vmem>>, vector<16xf32>,
    tpu.vector_store %arg11[%swap3A_2816, %swap3A_2817], %add3A_2786 {strides = array<i32>} : memref<32x16xf32, #tpu.memory_space<vmem>>, vector<16xf32>,
    %broadcast_in_dim3A_2819 = arith.constant 0.000000e+00 : f32
    %broadcast_in_dim3A_2820 = vector.broadcast %broadcast_in_dim3A_2819 : f32 to vector<16xf32>
    %broadcast_in_dim3A_2821 = arith.constant 0.000000e+00 : f32
    %broadcast_in_dim3A_2822 = vector.broadcast %broadcast_in_dim3A_2821 : f32 to vector<16xf32>
    %broadcast_in_dim3A_2823 = arith.constant 0.000000e+00 : f32
    %broadcast_in_dim3A_2824 = vector.broadcast %broadcast_in_dim3A_2823 : f32 to vector<16xf32>
    %broadcast_in_dim3A_2825 = arith.constant 0.000000e+00 : f32
    %broadcast_in_dim3A_2826 = vector.broadcast %broadcast_in_dim3A_2825 : f32 to vector<16xf32>
    %broadcast_in_dim3A_2827 = arith.constant 0.000000e+00 : f32
    %broadcast_in_dim3A_2828 = vector.broadcast %broadcast_in_dim3A_2827 : f32 to vector<16xf32>
    %broadcast_in_dim3A_2829 = arith.constant 0.000000e+00 : f32
    %broadcast_in_dim3A_2830 = vector.broadcast %broadcast_in_dim3A_2829 : f32 to vector<16xf32>
    %broadcast_in_dim3A_2831 = arith.constant 0.000000e+00 : f32
    %broadcast_in_dim3A_2832 = vector.broadcast %broadcast_in_dim3A_2831 : f32 to vector<16xf32>
    %broadcast_in_dim3A_2833 = arith.constant 0.000000e+00 : f32
    %broadcast_in_dim3A_2834 = vector.broadcast %broadcast_in_dim3A_2833 : f32 to vector<16xf32>
    %get3A_2835 = arith.constant 16 : i32
    %get3A_2836 = arith.index_cast %get3A_2835 : i32 to index
    %get3A_2837 = arith.constant 0 : index
    %get3A_2838 = tpu.vector_load %arg9[%get3A_2836, %get3A_2837] {strides = array<i32>} : memref<32x128xf32, #tpu.memory_space<vmem>>, vector<16xf32>,
    %mul3A_2839 = arith.constant 1.600000e+01 : f32
    %mul3A_2840 = vector.broadcast %mul3A_2839 : f32 to vector<16xf32>
    %mul3A_2841 = arith.mulf %get3A_2838, %mul3A_2840 : vector<16xf32>
    %sub3A_2842 = arith.constant 1.600000e+01 : f32
    %sub3A_2843 = vector.broadcast %sub3A_2842 : f32 to vector<16xf32>
    %sub3A_2844 = arith.subf %mul3A_2841, %sub3A_2843 : vector<16xf32>
    %exp3A_2845 = math.exp %sub3A_2844 : vector<16xf32>
    %add3A_2846 = arith.addf %broadcast_in_dim3A_2820, %exp3A_2845 : vector<16xf32>
    %get3A_2847 = arith.constant 16 : i32
    %get3A_2848 = arith.index_cast %get3A_2847 : i32 to index
    %get3A_2849 = arith.constant 16 : index
    %get3A_2850 = tpu.vector_load %arg9[%get3A_2848, %get3A_2849] {strides = array<i32>} : memref<32x128xf32, #tpu.memory_space<vmem>>, vector<16xf32>,
    %mul3A_2851 = arith.constant 1.600000e+01 : f32
    %mul3A_2852 = vector.broadcast %mul3A_2851 : f32 to vector<16xf32>
    %mul3A_2853 = arith.mulf %get3A_2850, %mul3A_2852 : vector<16xf32>
    %sub3A_2854 = arith.constant 1.600000e+01 : f32
    %sub3A_2855 = vector.broadcast %sub3A_2854 : f32 to vector<16xf32>
    %sub3A_2856 = arith.subf %mul3A_2853, %sub3A_2855 : vector<16xf32>
    %exp3A_2857 = math.exp %sub3A_2856 : vector<16xf32>
    %add3A_2858 = arith.addf %add3A_2846, %exp3A_2857 : vector<16xf32>
    %get3A_2859 = arith.constant 16 : i32
    %get3A_2860 = arith.index_cast %get3A_2859 : i32 to index
    %get3A_2861 = arith.constant 32 : index
    %get3A_2862 = tpu.vector_load %arg9[%get3A_2860, %get3A_2861] {strides = array<i32>} : memref<32x128xf32, #tpu.memory_space<vmem>>, vector<16xf32>,
    %mul3A_2863 = arith.constant 1.600000e+01 : f32
    %mul3A_2864 = vector.broadcast %mul3A_2863 : f32 to vector<16xf32>
    %mul3A_2865 = arith.mulf %get3A_2862, %mul3A_2864 : vector<16xf32>
    %sub3A_2866 = arith.constant 1.600000e+01 : f32
    %sub3A_2867 = vector.broadcast %sub3A_2866 : f32 to vector<16xf32>
    %sub3A_2868 = arith.subf %mul3A_2865, %sub3A_2867 : vector<16xf32>
    %exp3A_2869 = math.exp %sub3A_2868 : vector<16xf32>
    %add3A_2870 = arith.addf %add3A_2858, %exp3A_2869 : vector<16xf32>
    %get3A_2871 = arith.constant 16 : i32
    %get3A_2872 = arith.index_cast %get3A_2871 : i32 to index
    %get3A_2873 = arith.constant 48 : index
    %get3A_2874 = tpu.vector_load %arg9[%get3A_2872, %get3A_2873] {strides = array<i32>} : memref<32x128xf32, #tpu.memory_space<vmem>>, vector<16xf32>,
    %mul3A_2875 = arith.constant 1.600000e+01 : f32
    %mul3A_2876 = vector.broadcast %mul3A_2875 : f32 to vector<16xf32>
    %mul3A_2877 = arith.mulf %get3A_2874, %mul3A_2876 : vector<16xf32>
    %sub3A_2878 = arith.constant 1.600000e+01 : f32
    %sub3A_2879 = vector.broadcast %sub3A_2878 : f32 to vector<16xf32>
    %sub3A_2880 = arith.subf %mul3A_2877, %sub3A_2879 : vector<16xf32>
    %exp3A_2881 = math.exp %sub3A_2880 : vector<16xf32>
    %add3A_2882 = arith.addf %add3A_2870, %exp3A_2881 : vector<16xf32>
    %get3A_2883 = arith.constant 16 : i32
    %get3A_2884 = arith.index_cast %get3A_2883 : i32 to index
    %get3A_2885 = arith.constant 64 : index
    %get3A_2886 = tpu.vector_load %arg9[%get3A_2884, %get3A_2885] {strides = array<i32>} : memref<32x128xf32, #tpu.memory_space<vmem>>, vector<16xf32>,
    %mul3A_2887 = arith.constant 1.600000e+01 : f32
    %mul3A_2888 = vector.broadcast %mul3A_2887 : f32 to vector<16xf32>
    %mul3A_2889 = arith.mulf %get3A_2886, %mul3A_2888 : vector<16xf32>
    %sub3A_2890 = arith.constant 1.600000e+01 : f32
    %sub3A_2891 = vector.broadcast %sub3A_2890 : f32 to vector<16xf32>
    %sub3A_2892 = arith.subf %mul3A_2889, %sub3A_2891 : vector<16xf32>
    %exp3A_2893 = math.exp %sub3A_2892 : vector<16xf32>
    %add3A_2894 = arith.addf %add3A_2882, %exp3A_2893 : vector<16xf32>
    %get3A_2895 = arith.constant 16 : i32
    %get3A_2896 = arith.index_cast %get3A_2895 : i32 to index
    %get3A_2897 = arith.constant 80 : index
    %get3A_2898 = tpu.vector_load %arg9[%get3A_2896, %get3A_2897] {strides = array<i32>} : memref<32x128xf32, #tpu.memory_space<vmem>>, vector<16xf32>,
    %mul3A_2899 = arith.constant 1.600000e+01 : f32
    %mul3A_2900 = vector.broadcast %mul3A_2899 : f32 to vector<16xf32>
    %mul3A_2901 = arith.mulf %get3A_2898, %mul3A_2900 : vector<16xf32>
    %sub3A_2902 = arith.constant 1.600000e+01 : f32
    %sub3A_2903 = vector.broadcast %sub3A_2902 : f32 to vector<16xf32>
    %sub3A_2904 = arith.subf %mul3A_2901, %sub3A_2903 : vector<16xf32>
    %exp3A_2905 = math.exp %sub3A_2904 : vector<16xf32>
    %add3A_2906 = arith.addf %add3A_2894, %exp3A_2905 : vector<16xf32>
    %get3A_2907 = arith.constant 16 : i32
    %get3A_2908 = arith.index_cast %get3A_2907 : i32 to index
    %get3A_2909 = arith.constant 96 : index
    %get3A_2910 = tpu.vector_load %arg9[%get3A_2908, %get3A_2909] {strides = array<i32>} : memref<32x128xf32, #tpu.memory_space<vmem>>, vector<16xf32>,
    %mul3A_2911 = arith.constant 1.600000e+01 : f32
    %mul3A_2912 = vector.broadcast %mul3A_2911 : f32 to vector<16xf32>
    %mul3A_2913 = arith.mulf %get3A_2910, %mul3A_2912 : vector<16xf32>
    %sub3A_2914 = arith.constant 1.600000e+01 : f32
    %sub3A_2915 = vector.broadcast %sub3A_2914 : f32 to vector<16xf32>
    %sub3A_2916 = arith.subf %mul3A_2913, %sub3A_2915 : vector<16xf32>
    %exp3A_2917 = math.exp %sub3A_2916 : vector<16xf32>
    %add3A_2918 = arith.addf %add3A_2906, %exp3A_2917 : vector<16xf32>
    %get3A_2919 = arith.constant 16 : i32
    %get3A_2920 = arith.index_cast %get3A_2919 : i32 to index
    %get3A_2921 = arith.constant 112 : index
    %get3A_2922 = tpu.vector_load %arg9[%get3A_2920, %get3A_2921] {strides = array<i32>} : memref<32x128xf32, #tpu.memory_space<vmem>>, vector<16xf32>,
    %mul3A_2923 = arith.constant 1.600000e+01 : f32
    %mul3A_2924 = vector.broadcast %mul3A_2923 : f32 to vector<16xf32>
    %mul3A_2925 = arith.mulf %get3A_2922, %mul3A_2924 : vector<16xf32>
    %sub3A_2926 = arith.constant 1.600000e+01 : f32
    %sub3A_2927 = vector.broadcast %sub3A_2926 : f32 to vector<16xf32>
    %sub3A_2928 = arith.subf %mul3A_2925, %sub3A_2927 : vector<16xf32>
    %exp3A_2929 = math.exp %sub3A_2928 : vector<16xf32>
    %add3A_2930 = arith.addf %add3A_2918, %exp3A_2929 : vector<16xf32>
    %get3A_2931 = arith.constant 17 : i32
    %get3A_2932 = arith.index_cast %get3A_2931 : i32 to index
    %get3A_2933 = arith.constant 0 : index
    %get3A_2934 = tpu.vector_load %arg9[%get3A_2932, %get3A_2933] {strides = array<i32>} : memref<32x128xf32, #tpu.memory_space<vmem>>, vector<16xf32>,
    %mul3A_2935 = arith.constant 1.600000e+01 : f32
    %mul3A_2936 = vector.broadcast %mul3A_2935 : f32 to vector<16xf32>
    %mul3A_2937 = arith.mulf %get3A_2934, %mul3A_2936 : vector<16xf32>
    %sub3A_2938 = arith.constant 1.600000e+01 : f32
    %sub3A_2939 = vector.broadcast %sub3A_2938 : f32 to vector<16xf32>
    %sub3A_2940 = arith.subf %mul3A_2937, %sub3A_2939 : vector<16xf32>
    %exp3A_2941 = math.exp %sub3A_2940 : vector<16xf32>
    %add3A_2942 = arith.addf %broadcast_in_dim3A_2822, %exp3A_2941 : vector<16xf32>
    %get3A_2943 = arith.constant 17 : i32
    %get3A_2944 = arith.index_cast %get3A_2943 : i32 to index
    %get3A_2945 = arith.constant 16 : index
    %get3A_2946 = tpu.vector_load %arg9[%get3A_2944, %get3A_2945] {strides = array<i32>} : memref<32x128xf32, #tpu.memory_space<vmem>>, vector<16xf32>,
    %mul3A_2947 = arith.constant 1.600000e+01 : f32
    %mul3A_2948 = vector.broadcast %mul3A_2947 : f32 to vector<16xf32>
    %mul3A_2949 = arith.mulf %get3A_2946, %mul3A_2948 : vector<16xf32>
    %sub3A_2950 = arith.constant 1.600000e+01 : f32
    %sub3A_2951 = vector.broadcast %sub3A_2950 : f32 to vector<16xf32>
    %sub3A_2952 = arith.subf %mul3A_2949, %sub3A_2951 : vector<16xf32>
    %exp3A_2953 = math.exp %sub3A_2952 : vector<16xf32>
    %add3A_2954 = arith.addf %add3A_2942, %exp3A_2953 : vector<16xf32>
    %get3A_2955 = arith.constant 17 : i32
    %get3A_2956 = arith.index_cast %get3A_2955 : i32 to index
    %get3A_2957 = arith.constant 32 : index
    %get3A_2958 = tpu.vector_load %arg9[%get3A_2956, %get3A_2957] {strides = array<i32>} : memref<32x128xf32, #tpu.memory_space<vmem>>, vector<16xf32>,
    %mul3A_2959 = arith.constant 1.600000e+01 : f32
    %mul3A_2960 = vector.broadcast %mul3A_2959 : f32 to vector<16xf32>
    %mul3A_2961 = arith.mulf %get3A_2958, %mul3A_2960 : vector<16xf32>
    %sub3A_2962 = arith.constant 1.600000e+01 : f32
    %sub3A_2963 = vector.broadcast %sub3A_2962 : f32 to vector<16xf32>
    %sub3A_2964 = arith.subf %mul3A_2961, %sub3A_2963 : vector<16xf32>
    %exp3A_2965 = math.exp %sub3A_2964 : vector<16xf32>
    %add3A_2966 = arith.addf %add3A_2954, %exp3A_2965 : vector<16xf32>
    %get3A_2967 = arith.constant 17 : i32
    %get3A_2968 = arith.index_cast %get3A_2967 : i32 to index
    %get3A_2969 = arith.constant 48 : index
    %get3A_2970 = tpu.vector_load %arg9[%get3A_2968, %get3A_2969] {strides = array<i32>} : memref<32x128xf32, #tpu.memory_space<vmem>>, vector<16xf32>,
    %mul3A_2971 = arith.constant 1.600000e+01 : f32
    %mul3A_2972 = vector.broadcast %mul3A_2971 : f32 to vector<16xf32>
    %mul3A_2973 = arith.mulf %get3A_2970, %mul3A_2972 : vector<16xf32>
    %sub3A_2974 = arith.constant 1.600000e+01 : f32
    %sub3A_2975 = vector.broadcast %sub3A_2974 : f32 to vector<16xf32>
    %sub3A_2976 = arith.subf %mul3A_2973, %sub3A_2975 : vector<16xf32>
    %exp3A_2977 = math.exp %sub3A_2976 : vector<16xf32>
    %add3A_2978 = arith.addf %add3A_2966, %exp3A_2977 : vector<16xf32>
    %get3A_2979 = arith.constant 17 : i32
    %get3A_2980 = arith.index_cast %get3A_2979 : i32 to index
    %get3A_2981 = arith.constant 64 : index
    %get3A_2982 = tpu.vector_load %arg9[%get3A_2980, %get3A_2981] {strides = array<i32>} : memref<32x128xf32, #tpu.memory_space<vmem>>, vector<16xf32>,
    %mul3A_2983 = arith.constant 1.600000e+01 : f32
    %mul3A_2984 = vector.broadcast %mul3A_2983 : f32 to vector<16xf32>
    %mul3A_2985 = arith.mulf %get3A_2982, %mul3A_2984 : vector<16xf32>
    %sub3A_2986 = arith.constant 1.600000e+01 : f32
    %sub3A_2987 = vector.broadcast %sub3A_2986 : f32 to vector<16xf32>
    %sub3A_2988 = arith.subf %mul3A_2985, %sub3A_2987 : vector<16xf32>
    %exp3A_2989 = math.exp %sub3A_2988 : vector<16xf32>
    %add3A_2990 = arith.addf %add3A_2978, %exp3A_2989 : vector<16xf32>
    %get3A_2991 = arith.constant 17 : i32
    %get3A_2992 = arith.index_cast %get3A_2991 : i32 to index
    %get3A_2993 = arith.constant 80 : index
    %get3A_2994 = tpu.vector_load %arg9[%get3A_2992, %get3A_2993] {strides = array<i32>} : memref<32x128xf32, #tpu.memory_space<vmem>>, vector<16xf32>,
    %mul3A_2995 = arith.constant 1.600000e+01 : f32
    %mul3A_2996 = vector.broadcast %mul3A_2995 : f32 to vector<16xf32>
    %mul3A_2997 = arith.mulf %get3A_2994, %mul3A_2996 : vector<16xf32>
    %sub3A_2998 = arith.constant 1.600000e+01 : f32
    %sub3A_2999 = vector.broadcast %sub3A_2998 : f32 to vector<16xf32>
    %sub3A_3000 = arith.subf %mul3A_2997, %sub3A_2999 : vector<16xf32>
    %exp3A_3001 = math.exp %sub3A_3000 : vector<16xf32>
    %add3A_3002 = arith.addf %add3A_2990, %exp3A_3001 : vector<16xf32>
    %get3A_3003 = arith.constant 17 : i32
    %get3A_3004 = arith.index_cast %get3A_3003 : i32 to index
    %get3A_3005 = arith.constant 96 : index
    %get3A_3006 = tpu.vector_load %arg9[%get3A_3004, %get3A_3005] {strides = array<i32>} : memref<32x128xf32, #tpu.memory_space<vmem>>, vector<16xf32>,
    %mul3A_3007 = arith.constant 1.600000e+01 : f32
    %mul3A_3008 = vector.broadcast %mul3A_3007 : f32 to vector<16xf32>
    %mul3A_3009 = arith.mulf %get3A_3006, %mul3A_3008 : vector<16xf32>
    %sub3A_3010 = arith.constant 1.600000e+01 : f32
    %sub3A_3011 = vector.broadcast %sub3A_3010 : f32 to vector<16xf32>
    %sub3A_3012 = arith.subf %mul3A_3009, %sub3A_3011 : vector<16xf32>
    %exp3A_3013 = math.exp %sub3A_3012 : vector<16xf32>
    %add3A_3014 = arith.addf %add3A_3002, %exp3A_3013 : vector<16xf32>
    %get3A_3015 = arith.constant 17 : i32
    %get3A_3016 = arith.index_cast %get3A_3015 : i32 to index
    %get3A_3017 = arith.constant 112 : index
    %get3A_3018 = tpu.vector_load %arg9[%get3A_3016, %get3A_3017] {strides = array<i32>} : memref<32x128xf32, #tpu.memory_space<vmem>>, vector<16xf32>,
    %mul3A_3019 = arith.constant 1.600000e+01 : f32
    %mul3A_3020 = vector.broadcast %mul3A_3019 : f32 to vector<16xf32>
    %mul3A_3021 = arith.mulf %get3A_3018, %mul3A_3020 : vector<16xf32>
    %sub3A_3022 = arith.constant 1.600000e+01 : f32
    %sub3A_3023 = vector.broadcast %sub3A_3022 : f32 to vector<16xf32>
    %sub3A_3024 = arith.subf %mul3A_3021, %sub3A_3023 : vector<16xf32>
    %exp3A_3025 = math.exp %sub3A_3024 : vector<16xf32>
    %add3A_3026 = arith.addf %add3A_3014, %exp3A_3025 : vector<16xf32>
    %get3A_3027 = arith.constant 18 : i32
    %get3A_3028 = arith.index_cast %get3A_3027 : i32 to index
    %get3A_3029 = arith.constant 0 : index
    %get3A_3030 = tpu.vector_load %arg9[%get3A_3028, %get3A_3029] {strides = array<i32>} : memref<32x128xf32, #tpu.memory_space<vmem>>, vector<16xf32>,
    %mul3A_3031 = arith.constant 1.600000e+01 : f32
    %mul3A_3032 = vector.broadcast %mul3A_3031 : f32 to vector<16xf32>
    %mul3A_3033 = arith.mulf %get3A_3030, %mul3A_3032 : vector<16xf32>
    %sub3A_3034 = arith.constant 1.600000e+01 : f32
    %sub3A_3035 = vector.broadcast %sub3A_3034 : f32 to vector<16xf32>
    %sub3A_3036 = arith.subf %mul3A_3033, %sub3A_3035 : vector<16xf32>
    %exp3A_3037 = math.exp %sub3A_3036 : vector<16xf32>
    %add3A_3038 = arith.addf %broadcast_in_dim3A_2824, %exp3A_3037 : vector<16xf32>
    %get3A_3039 = arith.constant 18 : i32
    %get3A_3040 = arith.index_cast %get3A_3039 : i32 to index
    %get3A_3041 = arith.constant 16 : index
    %get3A_3042 = tpu.vector_load %arg9[%get3A_3040, %get3A_3041] {strides = array<i32>} : memref<32x128xf32, #tpu.memory_space<vmem>>, vector<16xf32>,
    %mul3A_3043 = arith.constant 1.600000e+01 : f32
    %mul3A_3044 = vector.broadcast %mul3A_3043 : f32 to vector<16xf32>
    %mul3A_3045 = arith.mulf %get3A_3042, %mul3A_3044 : vector<16xf32>
    %sub3A_3046 = arith.constant 1.600000e+01 : f32
    %sub3A_3047 = vector.broadcast %sub3A_3046 : f32 to vector<16xf32>
    %sub3A_3048 = arith.subf %mul3A_3045, %sub3A_3047 : vector<16xf32>
    %exp3A_3049 = math.exp %sub3A_3048 : vector<16xf32>
    %add3A_3050 = arith.addf %add3A_3038, %exp3A_3049 : vector<16xf32>
    %get3A_3051 = arith.constant 18 : i32
    %get3A_3052 = arith.index_cast %get3A_3051 : i32 to index
    %get3A_3053 = arith.constant 32 : index
    %get3A_3054 = tpu.vector_load %arg9[%get3A_3052, %get3A_3053] {strides = array<i32>} : memref<32x128xf32, #tpu.memory_space<vmem>>, vector<16xf32>,
    %mul3A_3055 = arith.constant 1.600000e+01 : f32
    %mul3A_3056 = vector.broadcast %mul3A_3055 : f32 to vector<16xf32>
    %mul3A_3057 = arith.mulf %get3A_3054, %mul3A_3056 : vector<16xf32>
    %sub3A_3058 = arith.constant 1.600000e+01 : f32
    %sub3A_3059 = vector.broadcast %sub3A_3058 : f32 to vector<16xf32>
    %sub3A_3060 = arith.subf %mul3A_3057, %sub3A_3059 : vector<16xf32>
    %exp3A_3061 = math.exp %sub3A_3060 : vector<16xf32>
    %add3A_3062 = arith.addf %add3A_3050, %exp3A_3061 : vector<16xf32>
    %get3A_3063 = arith.constant 18 : i32
    %get3A_3064 = arith.index_cast %get3A_3063 : i32 to index
    %get3A_3065 = arith.constant 48 : index
    %get3A_3066 = tpu.vector_load %arg9[%get3A_3064, %get3A_3065] {strides = array<i32>} : memref<32x128xf32, #tpu.memory_space<vmem>>, vector<16xf32>,
    %mul3A_3067 = arith.constant 1.600000e+01 : f32
    %mul3A_3068 = vector.broadcast %mul3A_3067 : f32 to vector<16xf32>
    %mul3A_3069 = arith.mulf %get3A_3066, %mul3A_3068 : vector<16xf32>
    %sub3A_3070 = arith.constant 1.600000e+01 : f32
    %sub3A_3071 = vector.broadcast %sub3A_3070 : f32 to vector<16xf32>
    %sub3A_3072 = arith.subf %mul3A_3069, %sub3A_3071 : vector<16xf32>
    %exp3A_3073 = math.exp %sub3A_3072 : vector<16xf32>
    %add3A_3074 = arith.addf %add3A_3062, %exp3A_3073 : vector<16xf32>
    %get3A_3075 = arith.constant 18 : i32
    %get3A_3076 = arith.index_cast %get3A_3075 : i32 to index
    %get3A_3077 = arith.constant 64 : index
    %get3A_3078 = tpu.vector_load %arg9[%get3A_3076, %get3A_3077] {strides = array<i32>} : memref<32x128xf32, #tpu.memory_space<vmem>>, vector<16xf32>,
    %mul3A_3079 = arith.constant 1.600000e+01 : f32
    %mul3A_3080 = vector.broadcast %mul3A_3079 : f32 to vector<16xf32>
    %mul3A_3081 = arith.mulf %get3A_3078, %mul3A_3080 : vector<16xf32>
    %sub3A_3082 = arith.constant 1.600000e+01 : f32
    %sub3A_3083 = vector.broadcast %sub3A_3082 : f32 to vector<16xf32>
    %sub3A_3084 = arith.subf %mul3A_3081, %sub3A_3083 : vector<16xf32>
    %exp3A_3085 = math.exp %sub3A_3084 : vector<16xf32>
    %add3A_3086 = arith.addf %add3A_3074, %exp3A_3085 : vector<16xf32>
    %get3A_3087 = arith.constant 18 : i32
    %get3A_3088 = arith.index_cast %get3A_3087 : i32 to index
    %get3A_3089 = arith.constant 80 : index
    %get3A_3090 = tpu.vector_load %arg9[%get3A_3088, %get3A_3089] {strides = array<i32>} : memref<32x128xf32, #tpu.memory_space<vmem>>, vector<16xf32>,
    %mul3A_3091 = arith.constant 1.600000e+01 : f32
    %mul3A_3092 = vector.broadcast %mul3A_3091 : f32 to vector<16xf32>
    %mul3A_3093 = arith.mulf %get3A_3090, %mul3A_3092 : vector<16xf32>
    %sub3A_3094 = arith.constant 1.600000e+01 : f32
    %sub3A_3095 = vector.broadcast %sub3A_3094 : f32 to vector<16xf32>
    %sub3A_3096 = arith.subf %mul3A_3093, %sub3A_3095 : vector<16xf32>
    %exp3A_3097 = math.exp %sub3A_3096 : vector<16xf32>
    %add3A_3098 = arith.addf %add3A_3086, %exp3A_3097 : vector<16xf32>
    %get3A_3099 = arith.constant 18 : i32
    %get3A_3100 = arith.index_cast %get3A_3099 : i32 to index
    %get3A_3101 = arith.constant 96 : index
    %get3A_3102 = tpu.vector_load %arg9[%get3A_3100, %get3A_3101] {strides = array<i32>} : memref<32x128xf32, #tpu.memory_space<vmem>>, vector<16xf32>,
    %mul3A_3103 = arith.constant 1.600000e+01 : f32
    %mul3A_3104 = vector.broadcast %mul3A_3103 : f32 to vector<16xf32>
    %mul3A_3105 = arith.mulf %get3A_3102, %mul3A_3104 : vector<16xf32>
    %sub3A_3106 = arith.constant 1.600000e+01 : f32
    %sub3A_3107 = vector.broadcast %sub3A_3106 : f32 to vector<16xf32>
    %sub3A_3108 = arith.subf %mul3A_3105, %sub3A_3107 : vector<16xf32>
    %exp3A_3109 = math.exp %sub3A_3108 : vector<16xf32>
    %add3A_3110 = arith.addf %add3A_3098, %exp3A_3109 : vector<16xf32>
    %get3A_3111 = arith.constant 18 : i32
    %get3A_3112 = arith.index_cast %get3A_3111 : i32 to index
    %get3A_3113 = arith.constant 112 : index
    %get3A_3114 = tpu.vector_load %arg9[%get3A_3112, %get3A_3113] {strides = array<i32>} : memref<32x128xf32, #tpu.memory_space<vmem>>, vector<16xf32>,
    %mul3A_3115 = arith.constant 1.600000e+01 : f32
    %mul3A_3116 = vector.broadcast %mul3A_3115 : f32 to vector<16xf32>
    %mul3A_3117 = arith.mulf %get3A_3114, %mul3A_3116 : vector<16xf32>
    %sub3A_3118 = arith.constant 1.600000e+01 : f32
    %sub3A_3119 = vector.broadcast %sub3A_3118 : f32 to vector<16xf32>
    %sub3A_3120 = arith.subf %mul3A_3117, %sub3A_3119 : vector<16xf32>
    %exp3A_3121 = math.exp %sub3A_3120 : vector<16xf32>
    %add3A_3122 = arith.addf %add3A_3110, %exp3A_3121 : vector<16xf32>
    %get3A_3123 = arith.constant 19 : i32
    %get3A_3124 = arith.index_cast %get3A_3123 : i32 to index
    %get3A_3125 = arith.constant 0 : index
    %get3A_3126 = tpu.vector_load %arg9[%get3A_3124, %get3A_3125] {strides = array<i32>} : memref<32x128xf32, #tpu.memory_space<vmem>>, vector<16xf32>,
    %mul3A_3127 = arith.constant 1.600000e+01 : f32
    %mul3A_3128 = vector.broadcast %mul3A_3127 : f32 to vector<16xf32>
    %mul3A_3129 = arith.mulf %get3A_3126, %mul3A_3128 : vector<16xf32>
    %sub3A_3130 = arith.constant 1.600000e+01 : f32
    %sub3A_3131 = vector.broadcast %sub3A_3130 : f32 to vector<16xf32>
    %sub3A_3132 = arith.subf %mul3A_3129, %sub3A_3131 : vector<16xf32>
    %exp3A_3133 = math.exp %sub3A_3132 : vector<16xf32>
    %add3A_3134 = arith.addf %broadcast_in_dim3A_2826, %exp3A_3133 : vector<16xf32>
    %get3A_3135 = arith.constant 19 : i32
    %get3A_3136 = arith.index_cast %get3A_3135 : i32 to index
    %get3A_3137 = arith.constant 16 : index
    %get3A_3138 = tpu.vector_load %arg9[%get3A_3136, %get3A_3137] {strides = array<i32>} : memref<32x128xf32, #tpu.memory_space<vmem>>, vector<16xf32>,
    %mul3A_3139 = arith.constant 1.600000e+01 : f32
    %mul3A_3140 = vector.broadcast %mul3A_3139 : f32 to vector<16xf32>
    %mul3A_3141 = arith.mulf %get3A_3138, %mul3A_3140 : vector<16xf32>
    %sub3A_3142 = arith.constant 1.600000e+01 : f32
    %sub3A_3143 = vector.broadcast %sub3A_3142 : f32 to vector<16xf32>
    %sub3A_3144 = arith.subf %mul3A_3141, %sub3A_3143 : vector<16xf32>
    %exp3A_3145 = math.exp %sub3A_3144 : vector<16xf32>
    %add3A_3146 = arith.addf %add3A_3134, %exp3A_3145 : vector<16xf32>
    %get3A_3147 = arith.constant 19 : i32
    %get3A_3148 = arith.index_cast %get3A_3147 : i32 to index
    %get3A_3149 = arith.constant 32 : index
    %get3A_3150 = tpu.vector_load %arg9[%get3A_3148, %get3A_3149] {strides = array<i32>} : memref<32x128xf32, #tpu.memory_space<vmem>>, vector<16xf32>,
    %mul3A_3151 = arith.constant 1.600000e+01 : f32
    %mul3A_3152 = vector.broadcast %mul3A_3151 : f32 to vector<16xf32>
    %mul3A_3153 = arith.mulf %get3A_3150, %mul3A_3152 : vector<16xf32>
    %sub3A_3154 = arith.constant 1.600000e+01 : f32
    %sub3A_3155 = vector.broadcast %sub3A_3154 : f32 to vector<16xf32>
    %sub3A_3156 = arith.subf %mul3A_3153, %sub3A_3155 : vector<16xf32>
    %exp3A_3157 = math.exp %sub3A_3156 : vector<16xf32>
    %add3A_3158 = arith.addf %add3A_3146, %exp3A_3157 : vector<16xf32>
    %get3A_3159 = arith.constant 19 : i32
    %get3A_3160 = arith.index_cast %get3A_3159 : i32 to index
    %get3A_3161 = arith.constant 48 : index
    %get3A_3162 = tpu.vector_load %arg9[%get3A_3160, %get3A_3161] {strides = array<i32>} : memref<32x128xf32, #tpu.memory_space<vmem>>, vector<16xf32>,
    %mul3A_3163 = arith.constant 1.600000e+01 : f32
    %mul3A_3164 = vector.broadcast %mul3A_3163 : f32 to vector<16xf32>
    %mul3A_3165 = arith.mulf %get3A_3162, %mul3A_3164 : vector<16xf32>
    %sub3A_3166 = arith.constant 1.600000e+01 : f32
    %sub3A_3167 = vector.broadcast %sub3A_3166 : f32 to vector<16xf32>
    %sub3A_3168 = arith.subf %mul3A_3165, %sub3A_3167 : vector<16xf32>
    %exp3A_3169 = math.exp %sub3A_3168 : vector<16xf32>
    %add3A_3170 = arith.addf %add3A_3158, %exp3A_3169 : vector<16xf32>
    %get3A_3171 = arith.constant 19 : i32
    %get3A_3172 = arith.index_cast %get3A_3171 : i32 to index
    %get3A_3173 = arith.constant 64 : index
    %get3A_3174 = tpu.vector_load %arg9[%get3A_3172, %get3A_3173] {strides = array<i32>} : memref<32x128xf32, #tpu.memory_space<vmem>>, vector<16xf32>,
    %mul3A_3175 = arith.constant 1.600000e+01 : f32
    %mul3A_3176 = vector.broadcast %mul3A_3175 : f32 to vector<16xf32>
    %mul3A_3177 = arith.mulf %get3A_3174, %mul3A_3176 : vector<16xf32>
    %sub3A_3178 = arith.constant 1.600000e+01 : f32
    %sub3A_3179 = vector.broadcast %sub3A_3178 : f32 to vector<16xf32>
    %sub3A_3180 = arith.subf %mul3A_3177, %sub3A_3179 : vector<16xf32>
    %exp3A_3181 = math.exp %sub3A_3180 : vector<16xf32>
    %add3A_3182 = arith.addf %add3A_3170, %exp3A_3181 : vector<16xf32>
    %get3A_3183 = arith.constant 19 : i32
    %get3A_3184 = arith.index_cast %get3A_3183 : i32 to index
    %get3A_3185 = arith.constant 80 : index
    %get3A_3186 = tpu.vector_load %arg9[%get3A_3184, %get3A_3185] {strides = array<i32>} : memref<32x128xf32, #tpu.memory_space<vmem>>, vector<16xf32>,
    %mul3A_3187 = arith.constant 1.600000e+01 : f32
    %mul3A_3188 = vector.broadcast %mul3A_3187 : f32 to vector<16xf32>
    %mul3A_3189 = arith.mulf %get3A_3186, %mul3A_3188 : vector<16xf32>
    %sub3A_3190 = arith.constant 1.600000e+01 : f32
    %sub3A_3191 = vector.broadcast %sub3A_3190 : f32 to vector<16xf32>
    %sub3A_3192 = arith.subf %mul3A_3189, %sub3A_3191 : vector<16xf32>
    %exp3A_3193 = math.exp %sub3A_3192 : vector<16xf32>
    %add3A_3194 = arith.addf %add3A_3182, %exp3A_3193 : vector<16xf32>
    %get3A_3195 = arith.constant 19 : i32
    %get3A_3196 = arith.index_cast %get3A_3195 : i32 to index
    %get3A_3197 = arith.constant 96 : index
    %get3A_3198 = tpu.vector_load %arg9[%get3A_3196, %get3A_3197] {strides = array<i32>} : memref<32x128xf32, #tpu.memory_space<vmem>>, vector<16xf32>,
    %mul3A_3199 = arith.constant 1.600000e+01 : f32
    %mul3A_3200 = vector.broadcast %mul3A_3199 : f32 to vector<16xf32>
    %mul3A_3201 = arith.mulf %get3A_3198, %mul3A_3200 : vector<16xf32>
    %sub3A_3202 = arith.constant 1.600000e+01 : f32
    %sub3A_3203 = vector.broadcast %sub3A_3202 : f32 to vector<16xf32>
    %sub3A_3204 = arith.subf %mul3A_3201, %sub3A_3203 : vector<16xf32>
    %exp3A_3205 = math.exp %sub3A_3204 : vector<16xf32>
    %add3A_3206 = arith.addf %add3A_3194, %exp3A_3205 : vector<16xf32>
    %get3A_3207 = arith.constant 19 : i32
    %get3A_3208 = arith.index_cast %get3A_3207 : i32 to index
    %get3A_3209 = arith.constant 112 : index
    %get3A_3210 = tpu.vector_load %arg9[%get3A_3208, %get3A_3209] {strides = array<i32>} : memref<32x128xf32, #tpu.memory_space<vmem>>, vector<16xf32>,
    %mul3A_3211 = arith.constant 1.600000e+01 : f32
    %mul3A_3212 = vector.broadcast %mul3A_3211 : f32 to vector<16xf32>
    %mul3A_3213 = arith.mulf %get3A_3210, %mul3A_3212 : vector<16xf32>
    %sub3A_3214 = arith.constant 1.600000e+01 : f32
    %sub3A_3215 = vector.broadcast %sub3A_3214 : f32 to vector<16xf32>
    %sub3A_3216 = arith.subf %mul3A_3213, %sub3A_3215 : vector<16xf32>
    %exp3A_3217 = math.exp %sub3A_3216 : vector<16xf32>
    %add3A_3218 = arith.addf %add3A_3206, %exp3A_3217 : vector<16xf32>
    %get3A_3219 = arith.constant 20 : i32
    %get3A_3220 = arith.index_cast %get3A_3219 : i32 to index
    %get3A_3221 = arith.constant 0 : index
    %get3A_3222 = tpu.vector_load %arg9[%get3A_3220, %get3A_3221] {strides = array<i32>} : memref<32x128xf32, #tpu.memory_space<vmem>>, vector<16xf32>,
    %mul3A_3223 = arith.constant 1.600000e+01 : f32
    %mul3A_3224 = vector.broadcast %mul3A_3223 : f32 to vector<16xf32>
    %mul3A_3225 = arith.mulf %get3A_3222, %mul3A_3224 : vector<16xf32>
    %sub3A_3226 = arith.constant 1.600000e+01 : f32
    %sub3A_3227 = vector.broadcast %sub3A_3226 : f32 to vector<16xf32>
    %sub3A_3228 = arith.subf %mul3A_3225, %sub3A_3227 : vector<16xf32>
    %exp3A_3229 = math.exp %sub3A_3228 : vector<16xf32>
    %add3A_3230 = arith.addf %broadcast_in_dim3A_2828, %exp3A_3229 : vector<16xf32>
    %get3A_3231 = arith.constant 20 : i32
    %get3A_3232 = arith.index_cast %get3A_3231 : i32 to index
    %get3A_3233 = arith.constant 16 : index
    %get3A_3234 = tpu.vector_load %arg9[%get3A_3232, %get3A_3233] {strides = array<i32>} : memref<32x128xf32, #tpu.memory_space<vmem>>, vector<16xf32>,
    %mul3A_3235 = arith.constant 1.600000e+01 : f32
    %mul3A_3236 = vector.broadcast %mul3A_3235 : f32 to vector<16xf32>
    %mul3A_3237 = arith.mulf %get3A_3234, %mul3A_3236 : vector<16xf32>
    %sub3A_3238 = arith.constant 1.600000e+01 : f32
    %sub3A_3239 = vector.broadcast %sub3A_3238 : f32 to vector<16xf32>
    %sub3A_3240 = arith.subf %mul3A_3237, %sub3A_3239 : vector<16xf32>
    %exp3A_3241 = math.exp %sub3A_3240 : vector<16xf32>
    %add3A_3242 = arith.addf %add3A_3230, %exp3A_3241 : vector<16xf32>
    %get3A_3243 = arith.constant 20 : i32
    %get3A_3244 = arith.index_cast %get3A_3243 : i32 to index
    %get3A_3245 = arith.constant 32 : index
    %get3A_3246 = tpu.vector_load %arg9[%get3A_3244, %get3A_3245] {strides = array<i32>} : memref<32x128xf32, #tpu.memory_space<vmem>>, vector<16xf32>,
    %mul3A_3247 = arith.constant 1.600000e+01 : f32
    %mul3A_3248 = vector.broadcast %mul3A_3247 : f32 to vector<16xf32>
    %mul3A_3249 = arith.mulf %get3A_3246, %mul3A_3248 : vector<16xf32>
    %sub3A_3250 = arith.constant 1.600000e+01 : f32
    %sub3A_3251 = vector.broadcast %sub3A_3250 : f32 to vector<16xf32>
    %sub3A_3252 = arith.subf %mul3A_3249, %sub3A_3251 : vector<16xf32>
    %exp3A_3253 = math.exp %sub3A_3252 : vector<16xf32>
    %add3A_3254 = arith.addf %add3A_3242, %exp3A_3253 : vector<16xf32>
    %get3A_3255 = arith.constant 20 : i32
    %get3A_3256 = arith.index_cast %get3A_3255 : i32 to index
    %get3A_3257 = arith.constant 48 : index
    %get3A_3258 = tpu.vector_load %arg9[%get3A_3256, %get3A_3257] {strides = array<i32>} : memref<32x128xf32, #tpu.memory_space<vmem>>, vector<16xf32>,
    %mul3A_3259 = arith.constant 1.600000e+01 : f32
    %mul3A_3260 = vector.broadcast %mul3A_3259 : f32 to vector<16xf32>
    %mul3A_3261 = arith.mulf %get3A_3258, %mul3A_3260 : vector<16xf32>
    %sub3A_3262 = arith.constant 1.600000e+01 : f32
    %sub3A_3263 = vector.broadcast %sub3A_3262 : f32 to vector<16xf32>
    %sub3A_3264 = arith.subf %mul3A_3261, %sub3A_3263 : vector<16xf32>
    %exp3A_3265 = math.exp %sub3A_3264 : vector<16xf32>
    %add3A_3266 = arith.addf %add3A_3254, %exp3A_3265 : vector<16xf32>
    %get3A_3267 = arith.constant 20 : i32
    %get3A_3268 = arith.index_cast %get3A_3267 : i32 to index
    %get3A_3269 = arith.constant 64 : index
    %get3A_3270 = tpu.vector_load %arg9[%get3A_3268, %get3A_3269] {strides = array<i32>} : memref<32x128xf32, #tpu.memory_space<vmem>>, vector<16xf32>,
    %mul3A_3271 = arith.constant 1.600000e+01 : f32
    %mul3A_3272 = vector.broadcast %mul3A_3271 : f32 to vector<16xf32>
    %mul3A_3273 = arith.mulf %get3A_3270, %mul3A_3272 : vector<16xf32>
    %sub3A_3274 = arith.constant 1.600000e+01 : f32
    %sub3A_3275 = vector.broadcast %sub3A_3274 : f32 to vector<16xf32>
    %sub3A_3276 = arith.subf %mul3A_3273, %sub3A_3275 : vector<16xf32>
    %exp3A_3277 = math.exp %sub3A_3276 : vector<16xf32>
    %add3A_3278 = arith.addf %add3A_3266, %exp3A_3277 : vector<16xf32>
    %get3A_3279 = arith.constant 20 : i32
    %get3A_3280 = arith.index_cast %get3A_3279 : i32 to index
    %get3A_3281 = arith.constant 80 : index
    %get3A_3282 = tpu.vector_load %arg9[%get3A_3280, %get3A_3281] {strides = array<i32>} : memref<32x128xf32, #tpu.memory_space<vmem>>, vector<16xf32>,
    %mul3A_3283 = arith.constant 1.600000e+01 : f32
    %mul3A_3284 = vector.broadcast %mul3A_3283 : f32 to vector<16xf32>
    %mul3A_3285 = arith.mulf %get3A_3282, %mul3A_3284 : vector<16xf32>
    %sub3A_3286 = arith.constant 1.600000e+01 : f32
    %sub3A_3287 = vector.broadcast %sub3A_3286 : f32 to vector<16xf32>
    %sub3A_3288 = arith.subf %mul3A_3285, %sub3A_3287 : vector<16xf32>
    %exp3A_3289 = math.exp %sub3A_3288 : vector<16xf32>
    %add3A_3290 = arith.addf %add3A_3278, %exp3A_3289 : vector<16xf32>
    %get3A_3291 = arith.constant 20 : i32
    %get3A_3292 = arith.index_cast %get3A_3291 : i32 to index
    %get3A_3293 = arith.constant 96 : index
    %get3A_3294 = tpu.vector_load %arg9[%get3A_3292, %get3A_3293] {strides = array<i32>} : memref<32x128xf32, #tpu.memory_space<vmem>>, vector<16xf32>,
    %mul3A_3295 = arith.constant 1.600000e+01 : f32
    %mul3A_3296 = vector.broadcast %mul3A_3295 : f32 to vector<16xf32>
    %mul3A_3297 = arith.mulf %get3A_3294, %mul3A_3296 : vector<16xf32>
    %sub3A_3298 = arith.constant 1.600000e+01 : f32
    %sub3A_3299 = vector.broadcast %sub3A_3298 : f32 to vector<16xf32>
    %sub3A_3300 = arith.subf %mul3A_3297, %sub3A_3299 : vector<16xf32>
    %exp3A_3301 = math.exp %sub3A_3300 : vector<16xf32>
    %add3A_3302 = arith.addf %add3A_3290, %exp3A_3301 : vector<16xf32>
    %get3A_3303 = arith.constant 20 : i32
    %get3A_3304 = arith.index_cast %get3A_3303 : i32 to index
    %get3A_3305 = arith.constant 112 : index
    %get3A_3306 = tpu.vector_load %arg9[%get3A_3304, %get3A_3305] {strides = array<i32>} : memref<32x128xf32, #tpu.memory_space<vmem>>, vector<16xf32>,
    %mul3A_3307 = arith.constant 1.600000e+01 : f32
    %mul3A_3308 = vector.broadcast %mul3A_3307 : f32 to vector<16xf32>
    %mul3A_3309 = arith.mulf %get3A_3306, %mul3A_3308 : vector<16xf32>
    %sub3A_3310 = arith.constant 1.600000e+01 : f32
    %sub3A_3311 = vector.broadcast %sub3A_3310 : f32 to vector<16xf32>
    %sub3A_3312 = arith.subf %mul3A_3309, %sub3A_3311 : vector<16xf32>
    %exp3A_3313 = math.exp %sub3A_3312 : vector<16xf32>
    %add3A_3314 = arith.addf %add3A_3302, %exp3A_3313 : vector<16xf32>
    %get3A_3315 = arith.constant 21 : i32
    %get3A_3316 = arith.index_cast %get3A_3315 : i32 to index
    %get3A_3317 = arith.constant 0 : index
    %get3A_3318 = tpu.vector_load %arg9[%get3A_3316, %get3A_3317] {strides = array<i32>} : memref<32x128xf32, #tpu.memory_space<vmem>>, vector<16xf32>,
    %mul3A_3319 = arith.constant 1.600000e+01 : f32
    %mul3A_3320 = vector.broadcast %mul3A_3319 : f32 to vector<16xf32>
    %mul3A_3321 = arith.mulf %get3A_3318, %mul3A_3320 : vector<16xf32>
    %sub3A_3322 = arith.constant 1.600000e+01 : f32
    %sub3A_3323 = vector.broadcast %sub3A_3322 : f32 to vector<16xf32>
    %sub3A_3324 = arith.subf %mul3A_3321, %sub3A_3323 : vector<16xf32>
    %exp3A_3325 = math.exp %sub3A_3324 : vector<16xf32>
    %add3A_3326 = arith.addf %broadcast_in_dim3A_2830, %exp3A_3325 : vector<16xf32>
    %get3A_3327 = arith.constant 21 : i32
    %get3A_3328 = arith.index_cast %get3A_3327 : i32 to index
    %get3A_3329 = arith.constant 16 : index
    %get3A_3330 = tpu.vector_load %arg9[%get3A_3328, %get3A_3329] {strides = array<i32>} : memref<32x128xf32, #tpu.memory_space<vmem>>, vector<16xf32>,
    %mul3A_3331 = arith.constant 1.600000e+01 : f32
    %mul3A_3332 = vector.broadcast %mul3A_3331 : f32 to vector<16xf32>
    %mul3A_3333 = arith.mulf %get3A_3330, %mul3A_3332 : vector<16xf32>
    %sub3A_3334 = arith.constant 1.600000e+01 : f32
    %sub3A_3335 = vector.broadcast %sub3A_3334 : f32 to vector<16xf32>
    %sub3A_3336 = arith.subf %mul3A_3333, %sub3A_3335 : vector<16xf32>
    %exp3A_3337 = math.exp %sub3A_3336 : vector<16xf32>
    %add3A_3338 = arith.addf %add3A_3326, %exp3A_3337 : vector<16xf32>
    %get3A_3339 = arith.constant 21 : i32
    %get3A_3340 = arith.index_cast %get3A_3339 : i32 to index
    %get3A_3341 = arith.constant 32 : index
    %get3A_3342 = tpu.vector_load %arg9[%get3A_3340, %get3A_3341] {strides = array<i32>} : memref<32x128xf32, #tpu.memory_space<vmem>>, vector<16xf32>,
    %mul3A_3343 = arith.constant 1.600000e+01 : f32
    %mul3A_3344 = vector.broadcast %mul3A_3343 : f32 to vector<16xf32>
    %mul3A_3345 = arith.mulf %get3A_3342, %mul3A_3344 : vector<16xf32>
    %sub3A_3346 = arith.constant 1.600000e+01 : f32
    %sub3A_3347 = vector.broadcast %sub3A_3346 : f32 to vector<16xf32>
    %sub3A_3348 = arith.subf %mul3A_3345, %sub3A_3347 : vector<16xf32>
    %exp3A_3349 = math.exp %sub3A_3348 : vector<16xf32>
    %add3A_3350 = arith.addf %add3A_3338, %exp3A_3349 : vector<16xf32>
    %get3A_3351 = arith.constant 21 : i32
    %get3A_3352 = arith.index_cast %get3A_3351 : i32 to index
    %get3A_3353 = arith.constant 48 : index
    %get3A_3354 = tpu.vector_load %arg9[%get3A_3352, %get3A_3353] {strides = array<i32>} : memref<32x128xf32, #tpu.memory_space<vmem>>, vector<16xf32>,
    %mul3A_3355 = arith.constant 1.600000e+01 : f32
    %mul3A_3356 = vector.broadcast %mul3A_3355 : f32 to vector<16xf32>
    %mul3A_3357 = arith.mulf %get3A_3354, %mul3A_3356 : vector<16xf32>
    %sub3A_3358 = arith.constant 1.600000e+01 : f32
    %sub3A_3359 = vector.broadcast %sub3A_3358 : f32 to vector<16xf32>
    %sub3A_3360 = arith.subf %mul3A_3357, %sub3A_3359 : vector<16xf32>
    %exp3A_3361 = math.exp %sub3A_3360 : vector<16xf32>
    %add3A_3362 = arith.addf %add3A_3350, %exp3A_3361 : vector<16xf32>
    %get3A_3363 = arith.constant 21 : i32
    %get3A_3364 = arith.index_cast %get3A_3363 : i32 to index
    %get3A_3365 = arith.constant 64 : index
    %get3A_3366 = tpu.vector_load %arg9[%get3A_3364, %get3A_3365] {strides = array<i32>} : memref<32x128xf32, #tpu.memory_space<vmem>>, vector<16xf32>,
    %mul3A_3367 = arith.constant 1.600000e+01 : f32
    %mul3A_3368 = vector.broadcast %mul3A_3367 : f32 to vector<16xf32>
    %mul3A_3369 = arith.mulf %get3A_3366, %mul3A_3368 : vector<16xf32>
    %sub3A_3370 = arith.constant 1.600000e+01 : f32
    %sub3A_3371 = vector.broadcast %sub3A_3370 : f32 to vector<16xf32>
    %sub3A_3372 = arith.subf %mul3A_3369, %sub3A_3371 : vector<16xf32>
    %exp3A_3373 = math.exp %sub3A_3372 : vector<16xf32>
    %add3A_3374 = arith.addf %add3A_3362, %exp3A_3373 : vector<16xf32>
    %get3A_3375 = arith.constant 21 : i32
    %get3A_3376 = arith.index_cast %get3A_3375 : i32 to index
    %get3A_3377 = arith.constant 80 : index
    %get3A_3378 = tpu.vector_load %arg9[%get3A_3376, %get3A_3377] {strides = array<i32>} : memref<32x128xf32, #tpu.memory_space<vmem>>, vector<16xf32>,
    %mul3A_3379 = arith.constant 1.600000e+01 : f32
    %mul3A_3380 = vector.broadcast %mul3A_3379 : f32 to vector<16xf32>
    %mul3A_3381 = arith.mulf %get3A_3378, %mul3A_3380 : vector<16xf32>
    %sub3A_3382 = arith.constant 1.600000e+01 : f32
    %sub3A_3383 = vector.broadcast %sub3A_3382 : f32 to vector<16xf32>
    %sub3A_3384 = arith.subf %mul3A_3381, %sub3A_3383 : vector<16xf32>
    %exp3A_3385 = math.exp %sub3A_3384 : vector<16xf32>
    %add3A_3386 = arith.addf %add3A_3374, %exp3A_3385 : vector<16xf32>
    %get3A_3387 = arith.constant 21 : i32
    %get3A_3388 = arith.index_cast %get3A_3387 : i32 to index
    %get3A_3389 = arith.constant 96 : index
    %get3A_3390 = tpu.vector_load %arg9[%get3A_3388, %get3A_3389] {strides = array<i32>} : memref<32x128xf32, #tpu.memory_space<vmem>>, vector<16xf32>,
    %mul3A_3391 = arith.constant 1.600000e+01 : f32
    %mul3A_3392 = vector.broadcast %mul3A_3391 : f32 to vector<16xf32>
    %mul3A_3393 = arith.mulf %get3A_3390, %mul3A_3392 : vector<16xf32>
    %sub3A_3394 = arith.constant 1.600000e+01 : f32
    %sub3A_3395 = vector.broadcast %sub3A_3394 : f32 to vector<16xf32>
    %sub3A_3396 = arith.subf %mul3A_3393, %sub3A_3395 : vector<16xf32>
    %exp3A_3397 = math.exp %sub3A_3396 : vector<16xf32>
    %add3A_3398 = arith.addf %add3A_3386, %exp3A_3397 : vector<16xf32>
    %get3A_3399 = arith.constant 21 : i32
    %get3A_3400 = arith.index_cast %get3A_3399 : i32 to index
    %get3A_3401 = arith.constant 112 : index
    %get3A_3402 = tpu.vector_load %arg9[%get3A_3400, %get3A_3401] {strides = array<i32>} : memref<32x128xf32, #tpu.memory_space<vmem>>, vector<16xf32>,
    %mul3A_3403 = arith.constant 1.600000e+01 : f32
    %mul3A_3404 = vector.broadcast %mul3A_3403 : f32 to vector<16xf32>
    %mul3A_3405 = arith.mulf %get3A_3402, %mul3A_3404 : vector<16xf32>
    %sub3A_3406 = arith.constant 1.600000e+01 : f32
    %sub3A_3407 = vector.broadcast %sub3A_3406 : f32 to vector<16xf32>
    %sub3A_3408 = arith.subf %mul3A_3405, %sub3A_3407 : vector<16xf32>
    %exp3A_3409 = math.exp %sub3A_3408 : vector<16xf32>
    %add3A_3410 = arith.addf %add3A_3398, %exp3A_3409 : vector<16xf32>
    %get3A_3411 = arith.constant 22 : i32
    %get3A_3412 = arith.index_cast %get3A_3411 : i32 to index
    %get3A_3413 = arith.constant 0 : index
    %get3A_3414 = tpu.vector_load %arg9[%get3A_3412, %get3A_3413] {strides = array<i32>} : memref<32x128xf32, #tpu.memory_space<vmem>>, vector<16xf32>,
    %mul3A_3415 = arith.constant 1.600000e+01 : f32
    %mul3A_3416 = vector.broadcast %mul3A_3415 : f32 to vector<16xf32>
    %mul3A_3417 = arith.mulf %get3A_3414, %mul3A_3416 : vector<16xf32>
    %sub3A_3418 = arith.constant 1.600000e+01 : f32
    %sub3A_3419 = vector.broadcast %sub3A_3418 : f32 to vector<16xf32>
    %sub3A_3420 = arith.subf %mul3A_3417, %sub3A_3419 : vector<16xf32>
    %exp3A_3421 = math.exp %sub3A_3420 : vector<16xf32>
    %add3A_3422 = arith.addf %broadcast_in_dim3A_2832, %exp3A_3421 : vector<16xf32>
    %get3A_3423 = arith.constant 22 : i32
    %get3A_3424 = arith.index_cast %get3A_3423 : i32 to index
    %get3A_3425 = arith.constant 16 : index
    %get3A_3426 = tpu.vector_load %arg9[%get3A_3424, %get3A_3425] {strides = array<i32>} : memref<32x128xf32, #tpu.memory_space<vmem>>, vector<16xf32>,
    %mul3A_3427 = arith.constant 1.600000e+01 : f32
    %mul3A_3428 = vector.broadcast %mul3A_3427 : f32 to vector<16xf32>
    %mul3A_3429 = arith.mulf %get3A_3426, %mul3A_3428 : vector<16xf32>
    %sub3A_3430 = arith.constant 1.600000e+01 : f32
    %sub3A_3431 = vector.broadcast %sub3A_3430 : f32 to vector<16xf32>
    %sub3A_3432 = arith.subf %mul3A_3429, %sub3A_3431 : vector<16xf32>
    %exp3A_3433 = math.exp %sub3A_3432 : vector<16xf32>
    %add3A_3434 = arith.addf %add3A_3422, %exp3A_3433 : vector<16xf32>
    %get3A_3435 = arith.constant 22 : i32
    %get3A_3436 = arith.index_cast %get3A_3435 : i32 to index
    %get3A_3437 = arith.constant 32 : index
    %get3A_3438 = tpu.vector_load %arg9[%get3A_3436, %get3A_3437] {strides = array<i32>} : memref<32x128xf32, #tpu.memory_space<vmem>>, vector<16xf32>,
    %mul3A_3439 = arith.constant 1.600000e+01 : f32
    %mul3A_3440 = vector.broadcast %mul3A_3439 : f32 to vector<16xf32>
    %mul3A_3441 = arith.mulf %get3A_3438, %mul3A_3440 : vector<16xf32>
    %sub3A_3442 = arith.constant 1.600000e+01 : f32
    %sub3A_3443 = vector.broadcast %sub3A_3442 : f32 to vector<16xf32>
    %sub3A_3444 = arith.subf %mul3A_3441, %sub3A_3443 : vector<16xf32>
    %exp3A_3445 = math.exp %sub3A_3444 : vector<16xf32>
    %add3A_3446 = arith.addf %add3A_3434, %exp3A_3445 : vector<16xf32>
    %get3A_3447 = arith.constant 22 : i32
    %get3A_3448 = arith.index_cast %get3A_3447 : i32 to index
    %get3A_3449 = arith.constant 48 : index
    %get3A_3450 = tpu.vector_load %arg9[%get3A_3448, %get3A_3449] {strides = array<i32>} : memref<32x128xf32, #tpu.memory_space<vmem>>, vector<16xf32>,
    %mul3A_3451 = arith.constant 1.600000e+01 : f32
    %mul3A_3452 = vector.broadcast %mul3A_3451 : f32 to vector<16xf32>
    %mul3A_3453 = arith.mulf %get3A_3450, %mul3A_3452 : vector<16xf32>
    %sub3A_3454 = arith.constant 1.600000e+01 : f32
    %sub3A_3455 = vector.broadcast %sub3A_3454 : f32 to vector<16xf32>
    %sub3A_3456 = arith.subf %mul3A_3453, %sub3A_3455 : vector<16xf32>
    %exp3A_3457 = math.exp %sub3A_3456 : vector<16xf32>
    %add3A_3458 = arith.addf %add3A_3446, %exp3A_3457 : vector<16xf32>
    %get3A_3459 = arith.constant 22 : i32
    %get3A_3460 = arith.index_cast %get3A_3459 : i32 to index
    %get3A_3461 = arith.constant 64 : index
    %get3A_3462 = tpu.vector_load %arg9[%get3A_3460, %get3A_3461] {strides = array<i32>} : memref<32x128xf32, #tpu.memory_space<vmem>>, vector<16xf32>,
    %mul3A_3463 = arith.constant 1.600000e+01 : f32
    %mul3A_3464 = vector.broadcast %mul3A_3463 : f32 to vector<16xf32>
    %mul3A_3465 = arith.mulf %get3A_3462, %mul3A_3464 : vector<16xf32>
    %sub3A_3466 = arith.constant 1.600000e+01 : f32
    %sub3A_3467 = vector.broadcast %sub3A_3466 : f32 to vector<16xf32>
    %sub3A_3468 = arith.subf %mul3A_3465, %sub3A_3467 : vector<16xf32>
    %exp3A_3469 = math.exp %sub3A_3468 : vector<16xf32>
    %add3A_3470 = arith.addf %add3A_3458, %exp3A_3469 : vector<16xf32>
    %get3A_3471 = arith.constant 22 : i32
    %get3A_3472 = arith.index_cast %get3A_3471 : i32 to index
    %get3A_3473 = arith.constant 80 : index
    %get3A_3474 = tpu.vector_load %arg9[%get3A_3472, %get3A_3473] {strides = array<i32>} : memref<32x128xf32, #tpu.memory_space<vmem>>, vector<16xf32>,
    %mul3A_3475 = arith.constant 1.600000e+01 : f32
    %mul3A_3476 = vector.broadcast %mul3A_3475 : f32 to vector<16xf32>
    %mul3A_3477 = arith.mulf %get3A_3474, %mul3A_3476 : vector<16xf32>
    %sub3A_3478 = arith.constant 1.600000e+01 : f32
    %sub3A_3479 = vector.broadcast %sub3A_3478 : f32 to vector<16xf32>
    %sub3A_3480 = arith.subf %mul3A_3477, %sub3A_3479 : vector<16xf32>
    %exp3A_3481 = math.exp %sub3A_3480 : vector<16xf32>
    %add3A_3482 = arith.addf %add3A_3470, %exp3A_3481 : vector<16xf32>
    %get3A_3483 = arith.constant 22 : i32
    %get3A_3484 = arith.index_cast %get3A_3483 : i32 to index
    %get3A_3485 = arith.constant 96 : index
    %get3A_3486 = tpu.vector_load %arg9[%get3A_3484, %get3A_3485] {strides = array<i32>} : memref<32x128xf32, #tpu.memory_space<vmem>>, vector<16xf32>,
    %mul3A_3487 = arith.constant 1.600000e+01 : f32
    %mul3A_3488 = vector.broadcast %mul3A_3487 : f32 to vector<16xf32>
    %mul3A_3489 = arith.mulf %get3A_3486, %mul3A_3488 : vector<16xf32>
    %sub3A_3490 = arith.constant 1.600000e+01 : f32
    %sub3A_3491 = vector.broadcast %sub3A_3490 : f32 to vector<16xf32>
    %sub3A_3492 = arith.subf %mul3A_3489, %sub3A_3491 : vector<16xf32>
    %exp3A_3493 = math.exp %sub3A_3492 : vector<16xf32>
    %add3A_3494 = arith.addf %add3A_3482, %exp3A_3493 : vector<16xf32>
    %get3A_3495 = arith.constant 22 : i32
    %get3A_3496 = arith.index_cast %get3A_3495 : i32 to index
    %get3A_3497 = arith.constant 112 : index
    %get3A_3498 = tpu.vector_load %arg9[%get3A_3496, %get3A_3497] {strides = array<i32>} : memref<32x128xf32, #tpu.memory_space<vmem>>, vector<16xf32>,
    %mul3A_3499 = arith.constant 1.600000e+01 : f32
    %mul3A_3500 = vector.broadcast %mul3A_3499 : f32 to vector<16xf32>
    %mul3A_3501 = arith.mulf %get3A_3498, %mul3A_3500 : vector<16xf32>
    %sub3A_3502 = arith.constant 1.600000e+01 : f32
    %sub3A_3503 = vector.broadcast %sub3A_3502 : f32 to vector<16xf32>
    %sub3A_3504 = arith.subf %mul3A_3501, %sub3A_3503 : vector<16xf32>
    %exp3A_3505 = math.exp %sub3A_3504 : vector<16xf32>
    %add3A_3506 = arith.addf %add3A_3494, %exp3A_3505 : vector<16xf32>
    %get3A_3507 = arith.constant 23 : i32
    %get3A_3508 = arith.index_cast %get3A_3507 : i32 to index
    %get3A_3509 = arith.constant 0 : index
    %get3A_3510 = tpu.vector_load %arg9[%get3A_3508, %get3A_3509] {strides = array<i32>} : memref<32x128xf32, #tpu.memory_space<vmem>>, vector<16xf32>,
    %mul3A_3511 = arith.constant 1.600000e+01 : f32
    %mul3A_3512 = vector.broadcast %mul3A_3511 : f32 to vector<16xf32>
    %mul3A_3513 = arith.mulf %get3A_3510, %mul3A_3512 : vector<16xf32>
    %sub3A_3514 = arith.constant 1.600000e+01 : f32
    %sub3A_3515 = vector.broadcast %sub3A_3514 : f32 to vector<16xf32>
    %sub3A_3516 = arith.subf %mul3A_3513, %sub3A_3515 : vector<16xf32>
    %exp3A_3517 = math.exp %sub3A_3516 : vector<16xf32>
    %add3A_3518 = arith.addf %broadcast_in_dim3A_2834, %exp3A_3517 : vector<16xf32>
    %get3A_3519 = arith.constant 23 : i32
    %get3A_3520 = arith.index_cast %get3A_3519 : i32 to index
    %get3A_3521 = arith.constant 16 : index
    %get3A_3522 = tpu.vector_load %arg9[%get3A_3520, %get3A_3521] {strides = array<i32>} : memref<32x128xf32, #tpu.memory_space<vmem>>, vector<16xf32>,
    %mul3A_3523 = arith.constant 1.600000e+01 : f32
    %mul3A_3524 = vector.broadcast %mul3A_3523 : f32 to vector<16xf32>
    %mul3A_3525 = arith.mulf %get3A_3522, %mul3A_3524 : vector<16xf32>
    %sub3A_3526 = arith.constant 1.600000e+01 : f32
    %sub3A_3527 = vector.broadcast %sub3A_3526 : f32 to vector<16xf32>
    %sub3A_3528 = arith.subf %mul3A_3525, %sub3A_3527 : vector<16xf32>
    %exp3A_3529 = math.exp %sub3A_3528 : vector<16xf32>
    %add3A_3530 = arith.addf %add3A_3518, %exp3A_3529 : vector<16xf32>
    %get3A_3531 = arith.constant 23 : i32
    %get3A_3532 = arith.index_cast %get3A_3531 : i32 to index
    %get3A_3533 = arith.constant 32 : index
    %get3A_3534 = tpu.vector_load %arg9[%get3A_3532, %get3A_3533] {strides = array<i32>} : memref<32x128xf32, #tpu.memory_space<vmem>>, vector<16xf32>,
    %mul3A_3535 = arith.constant 1.600000e+01 : f32
    %mul3A_3536 = vector.broadcast %mul3A_3535 : f32 to vector<16xf32>
    %mul3A_3537 = arith.mulf %get3A_3534, %mul3A_3536 : vector<16xf32>
    %sub3A_3538 = arith.constant 1.600000e+01 : f32
    %sub3A_3539 = vector.broadcast %sub3A_3538 : f32 to vector<16xf32>
    %sub3A_3540 = arith.subf %mul3A_3537, %sub3A_3539 : vector<16xf32>
    %exp3A_3541 = math.exp %sub3A_3540 : vector<16xf32>
    %add3A_3542 = arith.addf %add3A_3530, %exp3A_3541 : vector<16xf32>
    %get3A_3543 = arith.constant 23 : i32
    %get3A_3544 = arith.index_cast %get3A_3543 : i32 to index
    %get3A_3545 = arith.constant 48 : index
    %get3A_3546 = tpu.vector_load %arg9[%get3A_3544, %get3A_3545] {strides = array<i32>} : memref<32x128xf32, #tpu.memory_space<vmem>>, vector<16xf32>,
    %mul3A_3547 = arith.constant 1.600000e+01 : f32
    %mul3A_3548 = vector.broadcast %mul3A_3547 : f32 to vector<16xf32>
    %mul3A_3549 = arith.mulf %get3A_3546, %mul3A_3548 : vector<16xf32>
    %sub3A_3550 = arith.constant 1.600000e+01 : f32
    %sub3A_3551 = vector.broadcast %sub3A_3550 : f32 to vector<16xf32>
    %sub3A_3552 = arith.subf %mul3A_3549, %sub3A_3551 : vector<16xf32>
    %exp3A_3553 = math.exp %sub3A_3552 : vector<16xf32>
    %add3A_3554 = arith.addf %add3A_3542, %exp3A_3553 : vector<16xf32>
    %get3A_3555 = arith.constant 23 : i32
    %get3A_3556 = arith.index_cast %get3A_3555 : i32 to index
    %get3A_3557 = arith.constant 64 : index
    %get3A_3558 = tpu.vector_load %arg9[%get3A_3556, %get3A_3557] {strides = array<i32>} : memref<32x128xf32, #tpu.memory_space<vmem>>, vector<16xf32>,
    %mul3A_3559 = arith.constant 1.600000e+01 : f32
    %mul3A_3560 = vector.broadcast %mul3A_3559 : f32 to vector<16xf32>
    %mul3A_3561 = arith.mulf %get3A_3558, %mul3A_3560 : vector<16xf32>
    %sub3A_3562 = arith.constant 1.600000e+01 : f32
    %sub3A_3563 = vector.broadcast %sub3A_3562 : f32 to vector<16xf32>
    %sub3A_3564 = arith.subf %mul3A_3561, %sub3A_3563 : vector<16xf32>
    %exp3A_3565 = math.exp %sub3A_3564 : vector<16xf32>
    %add3A_3566 = arith.addf %add3A_3554, %exp3A_3565 : vector<16xf32>
    %get3A_3567 = arith.constant 23 : i32
    %get3A_3568 = arith.index_cast %get3A_3567 : i32 to index
    %get3A_3569 = arith.constant 80 : index
    %get3A_3570 = tpu.vector_load %arg9[%get3A_3568, %get3A_3569] {strides = array<i32>} : memref<32x128xf32, #tpu.memory_space<vmem>>, vector<16xf32>,
    %mul3A_3571 = arith.constant 1.600000e+01 : f32
    %mul3A_3572 = vector.broadcast %mul3A_3571 : f32 to vector<16xf32>
    %mul3A_3573 = arith.mulf %get3A_3570, %mul3A_3572 : vector<16xf32>
    %sub3A_3574 = arith.constant 1.600000e+01 : f32
    %sub3A_3575 = vector.broadcast %sub3A_3574 : f32 to vector<16xf32>
    %sub3A_3576 = arith.subf %mul3A_3573, %sub3A_3575 : vector<16xf32>
    %exp3A_3577 = math.exp %sub3A_3576 : vector<16xf32>
    %add3A_3578 = arith.addf %add3A_3566, %exp3A_3577 : vector<16xf32>
    %get3A_3579 = arith.constant 23 : i32
    %get3A_3580 = arith.index_cast %get3A_3579 : i32 to index
    %get3A_3581 = arith.constant 96 : index
    %get3A_3582 = tpu.vector_load %arg9[%get3A_3580, %get3A_3581] {strides = array<i32>} : memref<32x128xf32, #tpu.memory_space<vmem>>, vector<16xf32>,
    %mul3A_3583 = arith.constant 1.600000e+01 : f32
    %mul3A_3584 = vector.broadcast %mul3A_3583 : f32 to vector<16xf32>
    %mul3A_3585 = arith.mulf %get3A_3582, %mul3A_3584 : vector<16xf32>
    %sub3A_3586 = arith.constant 1.600000e+01 : f32
    %sub3A_3587 = vector.broadcast %sub3A_3586 : f32 to vector<16xf32>
    %sub3A_3588 = arith.subf %mul3A_3585, %sub3A_3587 : vector<16xf32>
    %exp3A_3589 = math.exp %sub3A_3588 : vector<16xf32>
    %add3A_3590 = arith.addf %add3A_3578, %exp3A_3589 : vector<16xf32>
    %get3A_3591 = arith.constant 23 : i32
    %get3A_3592 = arith.index_cast %get3A_3591 : i32 to index
    %get3A_3593 = arith.constant 112 : index
    %get3A_3594 = tpu.vector_load %arg9[%get3A_3592, %get3A_3593] {strides = array<i32>} : memref<32x128xf32, #tpu.memory_space<vmem>>, vector<16xf32>,
    %mul3A_3595 = arith.constant 1.600000e+01 : f32
    %mul3A_3596 = vector.broadcast %mul3A_3595 : f32 to vector<16xf32>
    %mul3A_3597 = arith.mulf %get3A_3594, %mul3A_3596 : vector<16xf32>
    %sub3A_3598 = arith.constant 1.600000e+01 : f32
    %sub3A_3599 = vector.broadcast %sub3A_3598 : f32 to vector<16xf32>
    %sub3A_3600 = arith.subf %mul3A_3597, %sub3A_3599 : vector<16xf32>
    %exp3A_3601 = math.exp %sub3A_3600 : vector<16xf32>
    %add3A_3602 = arith.addf %add3A_3590, %exp3A_3601 : vector<16xf32>
    %swap3A_3603 = arith.constant 16 : i32
    %swap3A_3604 = arith.index_cast %swap3A_3603 : i32 to index
    %swap3A_3605 = arith.constant 0 : index
    %swap3A_3606 = tpu.vector_load %arg11[%swap3A_3604, %swap3A_3605] {strides = array<i32>} : memref<32x16xf32, #tpu.memory_space<vmem>>, vector<16xf32>,
    tpu.vector_store %arg11[%swap3A_3604, %swap3A_3605], %add3A_2930 {strides = array<i32>} : memref<32x16xf32, #tpu.memory_space<vmem>>, vector<16xf32>,
    %swap3A_3607 = arith.constant 17 : i32
    %swap3A_3608 = arith.index_cast %swap3A_3607 : i32 to index
    %swap3A_3609 = arith.constant 0 : index
    %swap3A_3610 = tpu.vector_load %arg11[%swap3A_3608, %swap3A_3609] {strides = array<i32>} : memref<32x16xf32, #tpu.memory_space<vmem>>, vector<16xf32>,
    tpu.vector_store %arg11[%swap3A_3608, %swap3A_3609], %add3A_3026 {strides = array<i32>} : memref<32x16xf32, #tpu.memory_space<vmem>>, vector<16xf32>,
    %swap3A_3611 = arith.constant 18 : i32
    %swap3A_3612 = arith.index_cast %swap3A_3611 : i32 to index
    %swap3A_3613 = arith.constant 0 : index
    %swap3A_3614 = tpu.vector_load %arg11[%swap3A_3612, %swap3A_3613] {strides = array<i32>} : memref<32x16xf32, #tpu.memory_space<vmem>>, vector<16xf32>,
    tpu.vector_store %arg11[%swap3A_3612, %swap3A_3613], %add3A_3122 {strides = array<i32>} : memref<32x16xf32, #tpu.memory_space<vmem>>, vector<16xf32>,
    %swap3A_3615 = arith.constant 19 : i32
    %swap3A_3616 = arith.index_cast %swap3A_3615 : i32 to index
    %swap3A_3617 = arith.constant 0 : index
    %swap3A_3618 = tpu.vector_load %arg11[%swap3A_3616, %swap3A_3617] {strides = array<i32>} : memref<32x16xf32, #tpu.memory_space<vmem>>, vector<16xf32>,
    tpu.vector_store %arg11[%swap3A_3616, %swap3A_3617], %add3A_3218 {strides = array<i32>} : memref<32x16xf32, #tpu.memory_space<vmem>>, vector<16xf32>,
    %swap3A_3619 = arith.constant 20 : i32
    %swap3A_3620 = arith.index_cast %swap3A_3619 : i32 to index
    %swap3A_3621 = arith.constant 0 : index
    %swap3A_3622 = tpu.vector_load %arg11[%swap3A_3620, %swap3A_3621] {strides = array<i32>} : memref<32x16xf32, #tpu.memory_space<vmem>>, vector<16xf32>,
    tpu.vector_store %arg11[%swap3A_3620, %swap3A_3621], %add3A_3314 {strides = array<i32>} : memref<32x16xf32, #tpu.memory_space<vmem>>, vector<16xf32>,
    %swap3A_3623 = arith.constant 21 : i32
    %swap3A_3624 = arith.index_cast %swap3A_3623 : i32 to index
    %swap3A_3625 = arith.constant 0 : index
    %swap3A_3626 = tpu.vector_load %arg11[%swap3A_3624, %swap3A_3625] {strides = array<i32>} : memref<32x16xf32, #tpu.memory_space<vmem>>, vector<16xf32>,
    tpu.vector_store %arg11[%swap3A_3624, %swap3A_3625], %add3A_3410 {strides = array<i32>} : memref<32x16xf32, #tpu.memory_space<vmem>>, vector<16xf32>,
    %swap3A_3627 = arith.constant 22 : i32
    %swap3A_3628 = arith.index_cast %swap3A_3627 : i32 to index
    %swap3A_3629 = arith.constant 0 : index
    %swap3A_3630 = tpu.vector_load %arg11[%swap3A_3628, %swap3A_3629] {strides = array<i32>} : memref<32x16xf32, #tpu.memory_space<vmem>>, vector<16xf32>,
    tpu.vector_store %arg11[%swap3A_3628, %swap3A_3629], %add3A_3506 {strides = array<i32>} : memref<32x16xf32, #tpu.memory_space<vmem>>, vector<16xf32>,
    %swap3A_3631 = arith.constant 23 : i32
    %swap3A_3632 = arith.index_cast %swap3A_3631 : i32 to index
    %swap3A_3633 = arith.constant 0 : index
    %swap3A_3634 = tpu.vector_load %arg11[%swap3A_3632, %swap3A_3633] {strides = array<i32>} : memref<32x16xf32, #tpu.memory_space<vmem>>, vector<16xf32>,
    tpu.vector_store %arg11[%swap3A_3632, %swap3A_3633], %add3A_3602 {strides = array<i32>} : memref<32x16xf32, #tpu.memory_space<vmem>>, vector<16xf32>,
    %broadcast_in_dim3A_3635 = arith.constant 0.000000e+00 : f32
    %broadcast_in_dim3A_3636 = vector.broadcast %broadcast_in_dim3A_3635 : f32 to vector<16xf32>
    %broadcast_in_dim3A_3637 = arith.constant 0.000000e+00 : f32
    %broadcast_in_dim3A_3638 = vector.broadcast %broadcast_in_dim3A_3637 : f32 to vector<16xf32>
    %broadcast_in_dim3A_3639 = arith.constant 0.000000e+00 : f32
    %broadcast_in_dim3A_3640 = vector.broadcast %broadcast_in_dim3A_3639 : f32 to vector<16xf32>
    %broadcast_in_dim3A_3641 = arith.constant 0.000000e+00 : f32
    %broadcast_in_dim3A_3642 = vector.broadcast %broadcast_in_dim3A_3641 : f32 to vector<16xf32>
    %broadcast_in_dim3A_3643 = arith.constant 0.000000e+00 : f32
    %broadcast_in_dim3A_3644 = vector.broadcast %broadcast_in_dim3A_3643 : f32 to vector<16xf32>
    %broadcast_in_dim3A_3645 = arith.constant 0.000000e+00 : f32
    %broadcast_in_dim3A_3646 = vector.broadcast %broadcast_in_dim3A_3645 : f32 to vector<16xf32>
    %broadcast_in_dim3A_3647 = arith.constant 0.000000e+00 : f32
    %broadcast_in_dim3A_3648 = vector.broadcast %broadcast_in_dim3A_3647 : f32 to vector<16xf32>
    %broadcast_in_dim3A_3649 = arith.constant 0.000000e+00 : f32
    %broadcast_in_dim3A_3650 = vector.broadcast %broadcast_in_dim3A_3649 : f32 to vector<16xf32>
    %get3A_3651 = arith.constant 24 : i32
    %get3A_3652 = arith.index_cast %get3A_3651 : i32 to index
    %get3A_3653 = arith.constant 0 : index
    %get3A_3654 = tpu.vector_load %arg9[%get3A_3652, %get3A_3653] {strides = array<i32>} : memref<32x128xf32, #tpu.memory_space<vmem>>, vector<16xf32>,
    %mul3A_3655 = arith.constant 1.600000e+01 : f32
    %mul3A_3656 = vector.broadcast %mul3A_3655 : f32 to vector<16xf32>
    %mul3A_3657 = arith.mulf %get3A_3654, %mul3A_3656 : vector<16xf32>
    %sub3A_3658 = arith.constant 1.600000e+01 : f32
    %sub3A_3659 = vector.broadcast %sub3A_3658 : f32 to vector<16xf32>
    %sub3A_3660 = arith.subf %mul3A_3657, %sub3A_3659 : vector<16xf32>
    %exp3A_3661 = math.exp %sub3A_3660 : vector<16xf32>
    %add3A_3662 = arith.addf %broadcast_in_dim3A_3636, %exp3A_3661 : vector<16xf32>
    %get3A_3663 = arith.constant 24 : i32
    %get3A_3664 = arith.index_cast %get3A_3663 : i32 to index
    %get3A_3665 = arith.constant 16 : index
    %get3A_3666 = tpu.vector_load %arg9[%get3A_3664, %get3A_3665] {strides = array<i32>} : memref<32x128xf32, #tpu.memory_space<vmem>>, vector<16xf32>,
    %mul3A_3667 = arith.constant 1.600000e+01 : f32
    %mul3A_3668 = vector.broadcast %mul3A_3667 : f32 to vector<16xf32>
    %mul3A_3669 = arith.mulf %get3A_3666, %mul3A_3668 : vector<16xf32>
    %sub3A_3670 = arith.constant 1.600000e+01 : f32
    %sub3A_3671 = vector.broadcast %sub3A_3670 : f32 to vector<16xf32>
    %sub3A_3672 = arith.subf %mul3A_3669, %sub3A_3671 : vector<16xf32>
    %exp3A_3673 = math.exp %sub3A_3672 : vector<16xf32>
    %add3A_3674 = arith.addf %add3A_3662, %exp3A_3673 : vector<16xf32>
    %get3A_3675 = arith.constant 24 : i32
    %get3A_3676 = arith.index_cast %get3A_3675 : i32 to index
    %get3A_3677 = arith.constant 32 : index
    %get3A_3678 = tpu.vector_load %arg9[%get3A_3676, %get3A_3677] {strides = array<i32>} : memref<32x128xf32, #tpu.memory_space<vmem>>, vector<16xf32>,
    %mul3A_3679 = arith.constant 1.600000e+01 : f32
    %mul3A_3680 = vector.broadcast %mul3A_3679 : f32 to vector<16xf32>
    %mul3A_3681 = arith.mulf %get3A_3678, %mul3A_3680 : vector<16xf32>
    %sub3A_3682 = arith.constant 1.600000e+01 : f32
    %sub3A_3683 = vector.broadcast %sub3A_3682 : f32 to vector<16xf32>
    %sub3A_3684 = arith.subf %mul3A_3681, %sub3A_3683 : vector<16xf32>
    %exp3A_3685 = math.exp %sub3A_3684 : vector<16xf32>
    %add3A_3686 = arith.addf %add3A_3674, %exp3A_3685 : vector<16xf32>
    %get3A_3687 = arith.constant 24 : i32
    %get3A_3688 = arith.index_cast %get3A_3687 : i32 to index
    %get3A_3689 = arith.constant 48 : index
    %get3A_3690 = tpu.vector_load %arg9[%get3A_3688, %get3A_3689] {strides = array<i32>} : memref<32x128xf32, #tpu.memory_space<vmem>>, vector<16xf32>,
    %mul3A_3691 = arith.constant 1.600000e+01 : f32
    %mul3A_3692 = vector.broadcast %mul3A_3691 : f32 to vector<16xf32>
    %mul3A_3693 = arith.mulf %get3A_3690, %mul3A_3692 : vector<16xf32>
    %sub3A_3694 = arith.constant 1.600000e+01 : f32
    %sub3A_3695 = vector.broadcast %sub3A_3694 : f32 to vector<16xf32>
    %sub3A_3696 = arith.subf %mul3A_3693, %sub3A_3695 : vector<16xf32>
    %exp3A_3697 = math.exp %sub3A_3696 : vector<16xf32>
    %add3A_3698 = arith.addf %add3A_3686, %exp3A_3697 : vector<16xf32>
    %get3A_3699 = arith.constant 24 : i32
    %get3A_3700 = arith.index_cast %get3A_3699 : i32 to index
    %get3A_3701 = arith.constant 64 : index
    %get3A_3702 = tpu.vector_load %arg9[%get3A_3700, %get3A_3701] {strides = array<i32>} : memref<32x128xf32, #tpu.memory_space<vmem>>, vector<16xf32>,
    %mul3A_3703 = arith.constant 1.600000e+01 : f32
    %mul3A_3704 = vector.broadcast %mul3A_3703 : f32 to vector<16xf32>
    %mul3A_3705 = arith.mulf %get3A_3702, %mul3A_3704 : vector<16xf32>
    %sub3A_3706 = arith.constant 1.600000e+01 : f32
    %sub3A_3707 = vector.broadcast %sub3A_3706 : f32 to vector<16xf32>
    %sub3A_3708 = arith.subf %mul3A_3705, %sub3A_3707 : vector<16xf32>
    %exp3A_3709 = math.exp %sub3A_3708 : vector<16xf32>
    %add3A_3710 = arith.addf %add3A_3698, %exp3A_3709 : vector<16xf32>
    %get3A_3711 = arith.constant 24 : i32
    %get3A_3712 = arith.index_cast %get3A_3711 : i32 to index
    %get3A_3713 = arith.constant 80 : index
    %get3A_3714 = tpu.vector_load %arg9[%get3A_3712, %get3A_3713] {strides = array<i32>} : memref<32x128xf32, #tpu.memory_space<vmem>>, vector<16xf32>,
    %mul3A_3715 = arith.constant 1.600000e+01 : f32
    %mul3A_3716 = vector.broadcast %mul3A_3715 : f32 to vector<16xf32>
    %mul3A_3717 = arith.mulf %get3A_3714, %mul3A_3716 : vector<16xf32>
    %sub3A_3718 = arith.constant 1.600000e+01 : f32
    %sub3A_3719 = vector.broadcast %sub3A_3718 : f32 to vector<16xf32>
    %sub3A_3720 = arith.subf %mul3A_3717, %sub3A_3719 : vector<16xf32>
    %exp3A_3721 = math.exp %sub3A_3720 : vector<16xf32>
    %add3A_3722 = arith.addf %add3A_3710, %exp3A_3721 : vector<16xf32>
    %get3A_3723 = arith.constant 24 : i32
    %get3A_3724 = arith.index_cast %get3A_3723 : i32 to index
    %get3A_3725 = arith.constant 96 : index
    %get3A_3726 = tpu.vector_load %arg9[%get3A_3724, %get3A_3725] {strides = array<i32>} : memref<32x128xf32, #tpu.memory_space<vmem>>, vector<16xf32>,
    %mul3A_3727 = arith.constant 1.600000e+01 : f32
    %mul3A_3728 = vector.broadcast %mul3A_3727 : f32 to vector<16xf32>
    %mul3A_3729 = arith.mulf %get3A_3726, %mul3A_3728 : vector<16xf32>
    %sub3A_3730 = arith.constant 1.600000e+01 : f32
    %sub3A_3731 = vector.broadcast %sub3A_3730 : f32 to vector<16xf32>
    %sub3A_3732 = arith.subf %mul3A_3729, %sub3A_3731 : vector<16xf32>
    %exp3A_3733 = math.exp %sub3A_3732 : vector<16xf32>
    %add3A_3734 = arith.addf %add3A_3722, %exp3A_3733 : vector<16xf32>
    %get3A_3735 = arith.constant 24 : i32
    %get3A_3736 = arith.index_cast %get3A_3735 : i32 to index
    %get3A_3737 = arith.constant 112 : index
    %get3A_3738 = tpu.vector_load %arg9[%get3A_3736, %get3A_3737] {strides = array<i32>} : memref<32x128xf32, #tpu.memory_space<vmem>>, vector<16xf32>,
    %mul3A_3739 = arith.constant 1.600000e+01 : f32
    %mul3A_3740 = vector.broadcast %mul3A_3739 : f32 to vector<16xf32>
    %mul3A_3741 = arith.mulf %get3A_3738, %mul3A_3740 : vector<16xf32>
    %sub3A_3742 = arith.constant 1.600000e+01 : f32
    %sub3A_3743 = vector.broadcast %sub3A_3742 : f32 to vector<16xf32>
    %sub3A_3744 = arith.subf %mul3A_3741, %sub3A_3743 : vector<16xf32>
    %exp3A_3745 = math.exp %sub3A_3744 : vector<16xf32>
    %add3A_3746 = arith.addf %add3A_3734, %exp3A_3745 : vector<16xf32>
    %get3A_3747 = arith.constant 25 : i32
    %get3A_3748 = arith.index_cast %get3A_3747 : i32 to index
    %get3A_3749 = arith.constant 0 : index
    %get3A_3750 = tpu.vector_load %arg9[%get3A_3748, %get3A_3749] {strides = array<i32>} : memref<32x128xf32, #tpu.memory_space<vmem>>, vector<16xf32>,
    %mul3A_3751 = arith.constant 1.600000e+01 : f32
    %mul3A_3752 = vector.broadcast %mul3A_3751 : f32 to vector<16xf32>
    %mul3A_3753 = arith.mulf %get3A_3750, %mul3A_3752 : vector<16xf32>
    %sub3A_3754 = arith.constant 1.600000e+01 : f32
    %sub3A_3755 = vector.broadcast %sub3A_3754 : f32 to vector<16xf32>
    %sub3A_3756 = arith.subf %mul3A_3753, %sub3A_3755 : vector<16xf32>
    %exp3A_3757 = math.exp %sub3A_3756 : vector<16xf32>
    %add3A_3758 = arith.addf %broadcast_in_dim3A_3638, %exp3A_3757 : vector<16xf32>
    %get3A_3759 = arith.constant 25 : i32
    %get3A_3760 = arith.index_cast %get3A_3759 : i32 to index
    %get3A_3761 = arith.constant 16 : index
    %get3A_3762 = tpu.vector_load %arg9[%get3A_3760, %get3A_3761] {strides = array<i32>} : memref<32x128xf32, #tpu.memory_space<vmem>>, vector<16xf32>,
    %mul3A_3763 = arith.constant 1.600000e+01 : f32
    %mul3A_3764 = vector.broadcast %mul3A_3763 : f32 to vector<16xf32>
    %mul3A_3765 = arith.mulf %get3A_3762, %mul3A_3764 : vector<16xf32>
    %sub3A_3766 = arith.constant 1.600000e+01 : f32
    %sub3A_3767 = vector.broadcast %sub3A_3766 : f32 to vector<16xf32>
    %sub3A_3768 = arith.subf %mul3A_3765, %sub3A_3767 : vector<16xf32>
    %exp3A_3769 = math.exp %sub3A_3768 : vector<16xf32>
    %add3A_3770 = arith.addf %add3A_3758, %exp3A_3769 : vector<16xf32>
    %get3A_3771 = arith.constant 25 : i32
    %get3A_3772 = arith.index_cast %get3A_3771 : i32 to index
    %get3A_3773 = arith.constant 32 : index
    %get3A_3774 = tpu.vector_load %arg9[%get3A_3772, %get3A_3773] {strides = array<i32>} : memref<32x128xf32, #tpu.memory_space<vmem>>, vector<16xf32>,
    %mul3A_3775 = arith.constant 1.600000e+01 : f32
    %mul3A_3776 = vector.broadcast %mul3A_3775 : f32 to vector<16xf32>
    %mul3A_3777 = arith.mulf %get3A_3774, %mul3A_3776 : vector<16xf32>
    %sub3A_3778 = arith.constant 1.600000e+01 : f32
    %sub3A_3779 = vector.broadcast %sub3A_3778 : f32 to vector<16xf32>
    %sub3A_3780 = arith.subf %mul3A_3777, %sub3A_3779 : vector<16xf32>
    %exp3A_3781 = math.exp %sub3A_3780 : vector<16xf32>
    %add3A_3782 = arith.addf %add3A_3770, %exp3A_3781 : vector<16xf32>
    %get3A_3783 = arith.constant 25 : i32
    %get3A_3784 = arith.index_cast %get3A_3783 : i32 to index
    %get3A_3785 = arith.constant 48 : index
    %get3A_3786 = tpu.vector_load %arg9[%get3A_3784, %get3A_3785] {strides = array<i32>} : memref<32x128xf32, #tpu.memory_space<vmem>>, vector<16xf32>,
    %mul3A_3787 = arith.constant 1.600000e+01 : f32
    %mul3A_3788 = vector.broadcast %mul3A_3787 : f32 to vector<16xf32>
    %mul3A_3789 = arith.mulf %get3A_3786, %mul3A_3788 : vector<16xf32>
    %sub3A_3790 = arith.constant 1.600000e+01 : f32
    %sub3A_3791 = vector.broadcast %sub3A_3790 : f32 to vector<16xf32>
    %sub3A_3792 = arith.subf %mul3A_3789, %sub3A_3791 : vector<16xf32>
    %exp3A_3793 = math.exp %sub3A_3792 : vector<16xf32>
    %add3A_3794 = arith.addf %add3A_3782, %exp3A_3793 : vector<16xf32>
    %get3A_3795 = arith.constant 25 : i32
    %get3A_3796 = arith.index_cast %get3A_3795 : i32 to index
    %get3A_3797 = arith.constant 64 : index
    %get3A_3798 = tpu.vector_load %arg9[%get3A_3796, %get3A_3797] {strides = array<i32>} : memref<32x128xf32, #tpu.memory_space<vmem>>, vector<16xf32>,
    %mul3A_3799 = arith.constant 1.600000e+01 : f32
    %mul3A_3800 = vector.broadcast %mul3A_3799 : f32 to vector<16xf32>
    %mul3A_3801 = arith.mulf %get3A_3798, %mul3A_3800 : vector<16xf32>
    %sub3A_3802 = arith.constant 1.600000e+01 : f32
    %sub3A_3803 = vector.broadcast %sub3A_3802 : f32 to vector<16xf32>
    %sub3A_3804 = arith.subf %mul3A_3801, %sub3A_3803 : vector<16xf32>
    %exp3A_3805 = math.exp %sub3A_3804 : vector<16xf32>
    %add3A_3806 = arith.addf %add3A_3794, %exp3A_3805 : vector<16xf32>
    %get3A_3807 = arith.constant 25 : i32
    %get3A_3808 = arith.index_cast %get3A_3807 : i32 to index
    %get3A_3809 = arith.constant 80 : index
    %get3A_3810 = tpu.vector_load %arg9[%get3A_3808, %get3A_3809] {strides = array<i32>} : memref<32x128xf32, #tpu.memory_space<vmem>>, vector<16xf32>,
    %mul3A_3811 = arith.constant 1.600000e+01 : f32
    %mul3A_3812 = vector.broadcast %mul3A_3811 : f32 to vector<16xf32>
    %mul3A_3813 = arith.mulf %get3A_3810, %mul3A_3812 : vector<16xf32>
    %sub3A_3814 = arith.constant 1.600000e+01 : f32
    %sub3A_3815 = vector.broadcast %sub3A_3814 : f32 to vector<16xf32>
    %sub3A_3816 = arith.subf %mul3A_3813, %sub3A_3815 : vector<16xf32>
    %exp3A_3817 = math.exp %sub3A_3816 : vector<16xf32>
    %add3A_3818 = arith.addf %add3A_3806, %exp3A_3817 : vector<16xf32>
    %get3A_3819 = arith.constant 25 : i32
    %get3A_3820 = arith.index_cast %get3A_3819 : i32 to index
    %get3A_3821 = arith.constant 96 : index
    %get3A_3822 = tpu.vector_load %arg9[%get3A_3820, %get3A_3821] {strides = array<i32>} : memref<32x128xf32, #tpu.memory_space<vmem>>, vector<16xf32>,
    %mul3A_3823 = arith.constant 1.600000e+01 : f32
    %mul3A_3824 = vector.broadcast %mul3A_3823 : f32 to vector<16xf32>
    %mul3A_3825 = arith.mulf %get3A_3822, %mul3A_3824 : vector<16xf32>
    %sub3A_3826 = arith.constant 1.600000e+01 : f32
    %sub3A_3827 = vector.broadcast %sub3A_3826 : f32 to vector<16xf32>
    %sub3A_3828 = arith.subf %mul3A_3825, %sub3A_3827 : vector<16xf32>
    %exp3A_3829 = math.exp %sub3A_3828 : vector<16xf32>
    %add3A_3830 = arith.addf %add3A_3818, %exp3A_3829 : vector<16xf32>
    %get3A_3831 = arith.constant 25 : i32
    %get3A_3832 = arith.index_cast %get3A_3831 : i32 to index
    %get3A_3833 = arith.constant 112 : index
    %get3A_3834 = tpu.vector_load %arg9[%get3A_3832, %get3A_3833] {strides = array<i32>} : memref<32x128xf32, #tpu.memory_space<vmem>>, vector<16xf32>,
    %mul3A_3835 = arith.constant 1.600000e+01 : f32
    %mul3A_3836 = vector.broadcast %mul3A_3835 : f32 to vector<16xf32>
    %mul3A_3837 = arith.mulf %get3A_3834, %mul3A_3836 : vector<16xf32>
    %sub3A_3838 = arith.constant 1.600000e+01 : f32
    %sub3A_3839 = vector.broadcast %sub3A_3838 : f32 to vector<16xf32>
    %sub3A_3840 = arith.subf %mul3A_3837, %sub3A_3839 : vector<16xf32>
    %exp3A_3841 = math.exp %sub3A_3840 : vector<16xf32>
    %add3A_3842 = arith.addf %add3A_3830, %exp3A_3841 : vector<16xf32>
    %get3A_3843 = arith.constant 26 : i32
    %get3A_3844 = arith.index_cast %get3A_3843 : i32 to index
    %get3A_3845 = arith.constant 0 : index
    %get3A_3846 = tpu.vector_load %arg9[%get3A_3844, %get3A_3845] {strides = array<i32>} : memref<32x128xf32, #tpu.memory_space<vmem>>, vector<16xf32>,
    %mul3A_3847 = arith.constant 1.600000e+01 : f32
    %mul3A_3848 = vector.broadcast %mul3A_3847 : f32 to vector<16xf32>
    %mul3A_3849 = arith.mulf %get3A_3846, %mul3A_3848 : vector<16xf32>
    %sub3A_3850 = arith.constant 1.600000e+01 : f32
    %sub3A_3851 = vector.broadcast %sub3A_3850 : f32 to vector<16xf32>
    %sub3A_3852 = arith.subf %mul3A_3849, %sub3A_3851 : vector<16xf32>
    %exp3A_3853 = math.exp %sub3A_3852 : vector<16xf32>
    %add3A_3854 = arith.addf %broadcast_in_dim3A_3640, %exp3A_3853 : vector<16xf32>
    %get3A_3855 = arith.constant 26 : i32
    %get3A_3856 = arith.index_cast %get3A_3855 : i32 to index
    %get3A_3857 = arith.constant 16 : index
    %get3A_3858 = tpu.vector_load %arg9[%get3A_3856, %get3A_3857] {strides = array<i32>} : memref<32x128xf32, #tpu.memory_space<vmem>>, vector<16xf32>,
    %mul3A_3859 = arith.constant 1.600000e+01 : f32
    %mul3A_3860 = vector.broadcast %mul3A_3859 : f32 to vector<16xf32>
    %mul3A_3861 = arith.mulf %get3A_3858, %mul3A_3860 : vector<16xf32>
    %sub3A_3862 = arith.constant 1.600000e+01 : f32
    %sub3A_3863 = vector.broadcast %sub3A_3862 : f32 to vector<16xf32>
    %sub3A_3864 = arith.subf %mul3A_3861, %sub3A_3863 : vector<16xf32>
    %exp3A_3865 = math.exp %sub3A_3864 : vector<16xf32>
    %add3A_3866 = arith.addf %add3A_3854, %exp3A_3865 : vector<16xf32>
    %get3A_3867 = arith.constant 26 : i32
    %get3A_3868 = arith.index_cast %get3A_3867 : i32 to index
    %get3A_3869 = arith.constant 32 : index
    %get3A_3870 = tpu.vector_load %arg9[%get3A_3868, %get3A_3869] {strides = array<i32>} : memref<32x128xf32, #tpu.memory_space<vmem>>, vector<16xf32>,
    %mul3A_3871 = arith.constant 1.600000e+01 : f32
    %mul3A_3872 = vector.broadcast %mul3A_3871 : f32 to vector<16xf32>
    %mul3A_3873 = arith.mulf %get3A_3870, %mul3A_3872 : vector<16xf32>
    %sub3A_3874 = arith.constant 1.600000e+01 : f32
    %sub3A_3875 = vector.broadcast %sub3A_3874 : f32 to vector<16xf32>
    %sub3A_3876 = arith.subf %mul3A_3873, %sub3A_3875 : vector<16xf32>
    %exp3A_3877 = math.exp %sub3A_3876 : vector<16xf32>
    %add3A_3878 = arith.addf %add3A_3866, %exp3A_3877 : vector<16xf32>
    %get3A_3879 = arith.constant 26 : i32
    %get3A_3880 = arith.index_cast %get3A_3879 : i32 to index
    %get3A_3881 = arith.constant 48 : index
    %get3A_3882 = tpu.vector_load %arg9[%get3A_3880, %get3A_3881] {strides = array<i32>} : memref<32x128xf32, #tpu.memory_space<vmem>>, vector<16xf32>,
    %mul3A_3883 = arith.constant 1.600000e+01 : f32
    %mul3A_3884 = vector.broadcast %mul3A_3883 : f32 to vector<16xf32>
    %mul3A_3885 = arith.mulf %get3A_3882, %mul3A_3884 : vector<16xf32>
    %sub3A_3886 = arith.constant 1.600000e+01 : f32
    %sub3A_3887 = vector.broadcast %sub3A_3886 : f32 to vector<16xf32>
    %sub3A_3888 = arith.subf %mul3A_3885, %sub3A_3887 : vector<16xf32>
    %exp3A_3889 = math.exp %sub3A_3888 : vector<16xf32>
    %add3A_3890 = arith.addf %add3A_3878, %exp3A_3889 : vector<16xf32>
    %get3A_3891 = arith.constant 26 : i32
    %get3A_3892 = arith.index_cast %get3A_3891 : i32 to index
    %get3A_3893 = arith.constant 64 : index
    %get3A_3894 = tpu.vector_load %arg9[%get3A_3892, %get3A_3893] {strides = array<i32>} : memref<32x128xf32, #tpu.memory_space<vmem>>, vector<16xf32>,
    %mul3A_3895 = arith.constant 1.600000e+01 : f32
    %mul3A_3896 = vector.broadcast %mul3A_3895 : f32 to vector<16xf32>
    %mul3A_3897 = arith.mulf %get3A_3894, %mul3A_3896 : vector<16xf32>
    %sub3A_3898 = arith.constant 1.600000e+01 : f32
    %sub3A_3899 = vector.broadcast %sub3A_3898 : f32 to vector<16xf32>
    %sub3A_3900 = arith.subf %mul3A_3897, %sub3A_3899 : vector<16xf32>
    %exp3A_3901 = math.exp %sub3A_3900 : vector<16xf32>
    %add3A_3902 = arith.addf %add3A_3890, %exp3A_3901 : vector<16xf32>
    %get3A_3903 = arith.constant 26 : i32
    %get3A_3904 = arith.index_cast %get3A_3903 : i32 to index
    %get3A_3905 = arith.constant 80 : index
    %get3A_3906 = tpu.vector_load %arg9[%get3A_3904, %get3A_3905] {strides = array<i32>} : memref<32x128xf32, #tpu.memory_space<vmem>>, vector<16xf32>,
    %mul3A_3907 = arith.constant 1.600000e+01 : f32
    %mul3A_3908 = vector.broadcast %mul3A_3907 : f32 to vector<16xf32>
    %mul3A_3909 = arith.mulf %get3A_3906, %mul3A_3908 : vector<16xf32>
    %sub3A_3910 = arith.constant 1.600000e+01 : f32
    %sub3A_3911 = vector.broadcast %sub3A_3910 : f32 to vector<16xf32>
    %sub3A_3912 = arith.subf %mul3A_3909, %sub3A_3911 : vector<16xf32>
    %exp3A_3913 = math.exp %sub3A_3912 : vector<16xf32>
    %add3A_3914 = arith.addf %add3A_3902, %exp3A_3913 : vector<16xf32>
    %get3A_3915 = arith.constant 26 : i32
    %get3A_3916 = arith.index_cast %get3A_3915 : i32 to index
    %get3A_3917 = arith.constant 96 : index
    %get3A_3918 = tpu.vector_load %arg9[%get3A_3916, %get3A_3917] {strides = array<i32>} : memref<32x128xf32, #tpu.memory_space<vmem>>, vector<16xf32>,
    %mul3A_3919 = arith.constant 1.600000e+01 : f32
    %mul3A_3920 = vector.broadcast %mul3A_3919 : f32 to vector<16xf32>
    %mul3A_3921 = arith.mulf %get3A_3918, %mul3A_3920 : vector<16xf32>
    %sub3A_3922 = arith.constant 1.600000e+01 : f32
    %sub3A_3923 = vector.broadcast %sub3A_3922 : f32 to vector<16xf32>
    %sub3A_3924 = arith.subf %mul3A_3921, %sub3A_3923 : vector<16xf32>
    %exp3A_3925 = math.exp %sub3A_3924 : vector<16xf32>
    %add3A_3926 = arith.addf %add3A_3914, %exp3A_3925 : vector<16xf32>
    %get3A_3927 = arith.constant 26 : i32
    %get3A_3928 = arith.index_cast %get3A_3927 : i32 to index
    %get3A_3929 = arith.constant 112 : index
    %get3A_3930 = tpu.vector_load %arg9[%get3A_3928, %get3A_3929] {strides = array<i32>} : memref<32x128xf32, #tpu.memory_space<vmem>>, vector<16xf32>,
    %mul3A_3931 = arith.constant 1.600000e+01 : f32
    %mul3A_3932 = vector.broadcast %mul3A_3931 : f32 to vector<16xf32>
    %mul3A_3933 = arith.mulf %get3A_3930, %mul3A_3932 : vector<16xf32>
    %sub3A_3934 = arith.constant 1.600000e+01 : f32
    %sub3A_3935 = vector.broadcast %sub3A_3934 : f32 to vector<16xf32>
    %sub3A_3936 = arith.subf %mul3A_3933, %sub3A_3935 : vector<16xf32>
    %exp3A_3937 = math.exp %sub3A_3936 : vector<16xf32>
    %add3A_3938 = arith.addf %add3A_3926, %exp3A_3937 : vector<16xf32>
    %get3A_3939 = arith.constant 27 : i32
    %get3A_3940 = arith.index_cast %get3A_3939 : i32 to index
    %get3A_3941 = arith.constant 0 : index
    %get3A_3942 = tpu.vector_load %arg9[%get3A_3940, %get3A_3941] {strides = array<i32>} : memref<32x128xf32, #tpu.memory_space<vmem>>, vector<16xf32>,
    %mul3A_3943 = arith.constant 1.600000e+01 : f32
    %mul3A_3944 = vector.broadcast %mul3A_3943 : f32 to vector<16xf32>
    %mul3A_3945 = arith.mulf %get3A_3942, %mul3A_3944 : vector<16xf32>
    %sub3A_3946 = arith.constant 1.600000e+01 : f32
    %sub3A_3947 = vector.broadcast %sub3A_3946 : f32 to vector<16xf32>
    %sub3A_3948 = arith.subf %mul3A_3945, %sub3A_3947 : vector<16xf32>
    %exp3A_3949 = math.exp %sub3A_3948 : vector<16xf32>
    %add3A_3950 = arith.addf %broadcast_in_dim3A_3642, %exp3A_3949 : vector<16xf32>
    %get3A_3951 = arith.constant 27 : i32
    %get3A_3952 = arith.index_cast %get3A_3951 : i32 to index
    %get3A_3953 = arith.constant 16 : index
    %get3A_3954 = tpu.vector_load %arg9[%get3A_3952, %get3A_3953] {strides = array<i32>} : memref<32x128xf32, #tpu.memory_space<vmem>>, vector<16xf32>,
    %mul3A_3955 = arith.constant 1.600000e+01 : f32
    %mul3A_3956 = vector.broadcast %mul3A_3955 : f32 to vector<16xf32>
    %mul3A_3957 = arith.mulf %get3A_3954, %mul3A_3956 : vector<16xf32>
    %sub3A_3958 = arith.constant 1.600000e+01 : f32
    %sub3A_3959 = vector.broadcast %sub3A_3958 : f32 to vector<16xf32>
    %sub3A_3960 = arith.subf %mul3A_3957, %sub3A_3959 : vector<16xf32>
    %exp3A_3961 = math.exp %sub3A_3960 : vector<16xf32>
    %add3A_3962 = arith.addf %add3A_3950, %exp3A_3961 : vector<16xf32>
    %get3A_3963 = arith.constant 27 : i32
    %get3A_3964 = arith.index_cast %get3A_3963 : i32 to index
    %get3A_3965 = arith.constant 32 : index
    %get3A_3966 = tpu.vector_load %arg9[%get3A_3964, %get3A_3965] {strides = array<i32>} : memref<32x128xf32, #tpu.memory_space<vmem>>, vector<16xf32>,
    %mul3A_3967 = arith.constant 1.600000e+01 : f32
    %mul3A_3968 = vector.broadcast %mul3A_3967 : f32 to vector<16xf32>
    %mul3A_3969 = arith.mulf %get3A_3966, %mul3A_3968 : vector<16xf32>
    %sub3A_3970 = arith.constant 1.600000e+01 : f32
    %sub3A_3971 = vector.broadcast %sub3A_3970 : f32 to vector<16xf32>
    %sub3A_3972 = arith.subf %mul3A_3969, %sub3A_3971 : vector<16xf32>
    %exp3A_3973 = math.exp %sub3A_3972 : vector<16xf32>
    %add3A_3974 = arith.addf %add3A_3962, %exp3A_3973 : vector<16xf32>
    %get3A_3975 = arith.constant 27 : i32
    %get3A_3976 = arith.index_cast %get3A_3975 : i32 to index
    %get3A_3977 = arith.constant 48 : index
    %get3A_3978 = tpu.vector_load %arg9[%get3A_3976, %get3A_3977] {strides = array<i32>} : memref<32x128xf32, #tpu.memory_space<vmem>>, vector<16xf32>,
    %mul3A_3979 = arith.constant 1.600000e+01 : f32
    %mul3A_3980 = vector.broadcast %mul3A_3979 : f32 to vector<16xf32>
    %mul3A_3981 = arith.mulf %get3A_3978, %mul3A_3980 : vector<16xf32>
    %sub3A_3982 = arith.constant 1.600000e+01 : f32
    %sub3A_3983 = vector.broadcast %sub3A_3982 : f32 to vector<16xf32>
    %sub3A_3984 = arith.subf %mul3A_3981, %sub3A_3983 : vector<16xf32>
    %exp3A_3985 = math.exp %sub3A_3984 : vector<16xf32>
    %add3A_3986 = arith.addf %add3A_3974, %exp3A_3985 : vector<16xf32>
    %get3A_3987 = arith.constant 27 : i32
    %get3A_3988 = arith.index_cast %get3A_3987 : i32 to index
    %get3A_3989 = arith.constant 64 : index
    %get3A_3990 = tpu.vector_load %arg9[%get3A_3988, %get3A_3989] {strides = array<i32>} : memref<32x128xf32, #tpu.memory_space<vmem>>, vector<16xf32>,
    %mul3A_3991 = arith.constant 1.600000e+01 : f32
    %mul3A_3992 = vector.broadcast %mul3A_3991 : f32 to vector<16xf32>
    %mul3A_3993 = arith.mulf %get3A_3990, %mul3A_3992 : vector<16xf32>
    %sub3A_3994 = arith.constant 1.600000e+01 : f32
    %sub3A_3995 = vector.broadcast %sub3A_3994 : f32 to vector<16xf32>
    %sub3A_3996 = arith.subf %mul3A_3993, %sub3A_3995 : vector<16xf32>
    %exp3A_3997 = math.exp %sub3A_3996 : vector<16xf32>
    %add3A_3998 = arith.addf %add3A_3986, %exp3A_3997 : vector<16xf32>
    %get3A_3999 = arith.constant 27 : i32
    %get3A_4000 = arith.index_cast %get3A_3999 : i32 to index
    %get3A_4001 = arith.constant 80 : index
    %get3A_4002 = tpu.vector_load %arg9[%get3A_4000, %get3A_4001] {strides = array<i32>} : memref<32x128xf32, #tpu.memory_space<vmem>>, vector<16xf32>,
    %mul3A_4003 = arith.constant 1.600000e+01 : f32
    %mul3A_4004 = vector.broadcast %mul3A_4003 : f32 to vector<16xf32>
    %mul3A_4005 = arith.mulf %get3A_4002, %mul3A_4004 : vector<16xf32>
    %sub3A_4006 = arith.constant 1.600000e+01 : f32
    %sub3A_4007 = vector.broadcast %sub3A_4006 : f32 to vector<16xf32>
    %sub3A_4008 = arith.subf %mul3A_4005, %sub3A_4007 : vector<16xf32>
    %exp3A_4009 = math.exp %sub3A_4008 : vector<16xf32>
    %add3A_4010 = arith.addf %add3A_3998, %exp3A_4009 : vector<16xf32>
    %get3A_4011 = arith.constant 27 : i32
    %get3A_4012 = arith.index_cast %get3A_4011 : i32 to index
    %get3A_4013 = arith.constant 96 : index
    %get3A_4014 = tpu.vector_load %arg9[%get3A_4012, %get3A_4013] {strides = array<i32>} : memref<32x128xf32, #tpu.memory_space<vmem>>, vector<16xf32>,
    %mul3A_4015 = arith.constant 1.600000e+01 : f32
    %mul3A_4016 = vector.broadcast %mul3A_4015 : f32 to vector<16xf32>
    %mul3A_4017 = arith.mulf %get3A_4014, %mul3A_4016 : vector<16xf32>
    %sub3A_4018 = arith.constant 1.600000e+01 : f32
    %sub3A_4019 = vector.broadcast %sub3A_4018 : f32 to vector<16xf32>
    %sub3A_4020 = arith.subf %mul3A_4017, %sub3A_4019 : vector<16xf32>
    %exp3A_4021 = math.exp %sub3A_4020 : vector<16xf32>
    %add3A_4022 = arith.addf %add3A_4010, %exp3A_4021 : vector<16xf32>
    %get3A_4023 = arith.constant 27 : i32
    %get3A_4024 = arith.index_cast %get3A_4023 : i32 to index
    %get3A_4025 = arith.constant 112 : index
    %get3A_4026 = tpu.vector_load %arg9[%get3A_4024, %get3A_4025] {strides = array<i32>} : memref<32x128xf32, #tpu.memory_space<vmem>>, vector<16xf32>,
    %mul3A_4027 = arith.constant 1.600000e+01 : f32
    %mul3A_4028 = vector.broadcast %mul3A_4027 : f32 to vector<16xf32>
    %mul3A_4029 = arith.mulf %get3A_4026, %mul3A_4028 : vector<16xf32>
    %sub3A_4030 = arith.constant 1.600000e+01 : f32
    %sub3A_4031 = vector.broadcast %sub3A_4030 : f32 to vector<16xf32>
    %sub3A_4032 = arith.subf %mul3A_4029, %sub3A_4031 : vector<16xf32>
    %exp3A_4033 = math.exp %sub3A_4032 : vector<16xf32>
    %add3A_4034 = arith.addf %add3A_4022, %exp3A_4033 : vector<16xf32>
    %get3A_4035 = arith.constant 28 : i32
    %get3A_4036 = arith.index_cast %get3A_4035 : i32 to index
    %get3A_4037 = arith.constant 0 : index
    %get3A_4038 = tpu.vector_load %arg9[%get3A_4036, %get3A_4037] {strides = array<i32>} : memref<32x128xf32, #tpu.memory_space<vmem>>, vector<16xf32>,
    %mul3A_4039 = arith.constant 1.600000e+01 : f32
    %mul3A_4040 = vector.broadcast %mul3A_4039 : f32 to vector<16xf32>
    %mul3A_4041 = arith.mulf %get3A_4038, %mul3A_4040 : vector<16xf32>
    %sub3A_4042 = arith.constant 1.600000e+01 : f32
    %sub3A_4043 = vector.broadcast %sub3A_4042 : f32 to vector<16xf32>
    %sub3A_4044 = arith.subf %mul3A_4041, %sub3A_4043 : vector<16xf32>
    %exp3A_4045 = math.exp %sub3A_4044 : vector<16xf32>
    %add3A_4046 = arith.addf %broadcast_in_dim3A_3644, %exp3A_4045 : vector<16xf32>
    %get3A_4047 = arith.constant 28 : i32
    %get3A_4048 = arith.index_cast %get3A_4047 : i32 to index
    %get3A_4049 = arith.constant 16 : index
    %get3A_4050 = tpu.vector_load %arg9[%get3A_4048, %get3A_4049] {strides = array<i32>} : memref<32x128xf32, #tpu.memory_space<vmem>>, vector<16xf32>,
    %mul3A_4051 = arith.constant 1.600000e+01 : f32
    %mul3A_4052 = vector.broadcast %mul3A_4051 : f32 to vector<16xf32>
    %mul3A_4053 = arith.mulf %get3A_4050, %mul3A_4052 : vector<16xf32>
    %sub3A_4054 = arith.constant 1.600000e+01 : f32
    %sub3A_4055 = vector.broadcast %sub3A_4054 : f32 to vector<16xf32>
    %sub3A_4056 = arith.subf %mul3A_4053, %sub3A_4055 : vector<16xf32>
    %exp3A_4057 = math.exp %sub3A_4056 : vector<16xf32>
    %add3A_4058 = arith.addf %add3A_4046, %exp3A_4057 : vector<16xf32>
    %get3A_4059 = arith.constant 28 : i32
    %get3A_4060 = arith.index_cast %get3A_4059 : i32 to index
    %get3A_4061 = arith.constant 32 : index
    %get3A_4062 = tpu.vector_load %arg9[%get3A_4060, %get3A_4061] {strides = array<i32>} : memref<32x128xf32, #tpu.memory_space<vmem>>, vector<16xf32>,
    %mul3A_4063 = arith.constant 1.600000e+01 : f32
    %mul3A_4064 = vector.broadcast %mul3A_4063 : f32 to vector<16xf32>
    %mul3A_4065 = arith.mulf %get3A_4062, %mul3A_4064 : vector<16xf32>
    %sub3A_4066 = arith.constant 1.600000e+01 : f32
    %sub3A_4067 = vector.broadcast %sub3A_4066 : f32 to vector<16xf32>
    %sub3A_4068 = arith.subf %mul3A_4065, %sub3A_4067 : vector<16xf32>
    %exp3A_4069 = math.exp %sub3A_4068 : vector<16xf32>
    %add3A_4070 = arith.addf %add3A_4058, %exp3A_4069 : vector<16xf32>
    %get3A_4071 = arith.constant 28 : i32
    %get3A_4072 = arith.index_cast %get3A_4071 : i32 to index
    %get3A_4073 = arith.constant 48 : index
    %get3A_4074 = tpu.vector_load %arg9[%get3A_4072, %get3A_4073] {strides = array<i32>} : memref<32x128xf32, #tpu.memory_space<vmem>>, vector<16xf32>,
    %mul3A_4075 = arith.constant 1.600000e+01 : f32
    %mul3A_4076 = vector.broadcast %mul3A_4075 : f32 to vector<16xf32>
    %mul3A_4077 = arith.mulf %get3A_4074, %mul3A_4076 : vector<16xf32>
    %sub3A_4078 = arith.constant 1.600000e+01 : f32
    %sub3A_4079 = vector.broadcast %sub3A_4078 : f32 to vector<16xf32>
    %sub3A_4080 = arith.subf %mul3A_4077, %sub3A_4079 : vector<16xf32>
    %exp3A_4081 = math.exp %sub3A_4080 : vector<16xf32>
    %add3A_4082 = arith.addf %add3A_4070, %exp3A_4081 : vector<16xf32>
    %get3A_4083 = arith.constant 28 : i32
    %get3A_4084 = arith.index_cast %get3A_4083 : i32 to index
    %get3A_4085 = arith.constant 64 : index
    %get3A_4086 = tpu.vector_load %arg9[%get3A_4084, %get3A_4085] {strides = array<i32>} : memref<32x128xf32, #tpu.memory_space<vmem>>, vector<16xf32>,
    %mul3A_4087 = arith.constant 1.600000e+01 : f32
    %mul3A_4088 = vector.broadcast %mul3A_4087 : f32 to vector<16xf32>
    %mul3A_4089 = arith.mulf %get3A_4086, %mul3A_4088 : vector<16xf32>
    %sub3A_4090 = arith.constant 1.600000e+01 : f32
    %sub3A_4091 = vector.broadcast %sub3A_4090 : f32 to vector<16xf32>
    %sub3A_4092 = arith.subf %mul3A_4089, %sub3A_4091 : vector<16xf32>
    %exp3A_4093 = math.exp %sub3A_4092 : vector<16xf32>
    %add3A_4094 = arith.addf %add3A_4082, %exp3A_4093 : vector<16xf32>
    %get3A_4095 = arith.constant 28 : i32
    %get3A_4096 = arith.index_cast %get3A_4095 : i32 to index
    %get3A_4097 = arith.constant 80 : index
    %get3A_4098 = tpu.vector_load %arg9[%get3A_4096, %get3A_4097] {strides = array<i32>} : memref<32x128xf32, #tpu.memory_space<vmem>>, vector<16xf32>,
    %mul3A_4099 = arith.constant 1.600000e+01 : f32
    %mul3A_4100 = vector.broadcast %mul3A_4099 : f32 to vector<16xf32>
    %mul3A_4101 = arith.mulf %get3A_4098, %mul3A_4100 : vector<16xf32>
    %sub3A_4102 = arith.constant 1.600000e+01 : f32
    %sub3A_4103 = vector.broadcast %sub3A_4102 : f32 to vector<16xf32>
    %sub3A_4104 = arith.subf %mul3A_4101, %sub3A_4103 : vector<16xf32>
    %exp3A_4105 = math.exp %sub3A_4104 : vector<16xf32>
    %add3A_4106 = arith.addf %add3A_4094, %exp3A_4105 : vector<16xf32>
    %get3A_4107 = arith.constant 28 : i32
    %get3A_4108 = arith.index_cast %get3A_4107 : i32 to index
    %get3A_4109 = arith.constant 96 : index
    %get3A_4110 = tpu.vector_load %arg9[%get3A_4108, %get3A_4109] {strides = array<i32>} : memref<32x128xf32, #tpu.memory_space<vmem>>, vector<16xf32>,
    %mul3A_4111 = arith.constant 1.600000e+01 : f32
    %mul3A_4112 = vector.broadcast %mul3A_4111 : f32 to vector<16xf32>
    %mul3A_4113 = arith.mulf %get3A_4110, %mul3A_4112 : vector<16xf32>
    %sub3A_4114 = arith.constant 1.600000e+01 : f32
    %sub3A_4115 = vector.broadcast %sub3A_4114 : f32 to vector<16xf32>
    %sub3A_4116 = arith.subf %mul3A_4113, %sub3A_4115 : vector<16xf32>
    %exp3A_4117 = math.exp %sub3A_4116 : vector<16xf32>
    %add3A_4118 = arith.addf %add3A_4106, %exp3A_4117 : vector<16xf32>
    %get3A_4119 = arith.constant 28 : i32
    %get3A_4120 = arith.index_cast %get3A_4119 : i32 to index
    %get3A_4121 = arith.constant 112 : index
    %get3A_4122 = tpu.vector_load %arg9[%get3A_4120, %get3A_4121] {strides = array<i32>} : memref<32x128xf32, #tpu.memory_space<vmem>>, vector<16xf32>,
    %mul3A_4123 = arith.constant 1.600000e+01 : f32
    %mul3A_4124 = vector.broadcast %mul3A_4123 : f32 to vector<16xf32>
    %mul3A_4125 = arith.mulf %get3A_4122, %mul3A_4124 : vector<16xf32>
    %sub3A_4126 = arith.constant 1.600000e+01 : f32
    %sub3A_4127 = vector.broadcast %sub3A_4126 : f32 to vector<16xf32>
    %sub3A_4128 = arith.subf %mul3A_4125, %sub3A_4127 : vector<16xf32>
    %exp3A_4129 = math.exp %sub3A_4128 : vector<16xf32>
    %add3A_4130 = arith.addf %add3A_4118, %exp3A_4129 : vector<16xf32>
    %get3A_4131 = arith.constant 29 : i32
    %get3A_4132 = arith.index_cast %get3A_4131 : i32 to index
    %get3A_4133 = arith.constant 0 : index
    %get3A_4134 = tpu.vector_load %arg9[%get3A_4132, %get3A_4133] {strides = array<i32>} : memref<32x128xf32, #tpu.memory_space<vmem>>, vector<16xf32>,
    %mul3A_4135 = arith.constant 1.600000e+01 : f32
    %mul3A_4136 = vector.broadcast %mul3A_4135 : f32 to vector<16xf32>
    %mul3A_4137 = arith.mulf %get3A_4134, %mul3A_4136 : vector<16xf32>
    %sub3A_4138 = arith.constant 1.600000e+01 : f32
    %sub3A_4139 = vector.broadcast %sub3A_4138 : f32 to vector<16xf32>
    %sub3A_4140 = arith.subf %mul3A_4137, %sub3A_4139 : vector<16xf32>
    %exp3A_4141 = math.exp %sub3A_4140 : vector<16xf32>
    %add3A_4142 = arith.addf %broadcast_in_dim3A_3646, %exp3A_4141 : vector<16xf32>
    %get3A_4143 = arith.constant 29 : i32
    %get3A_4144 = arith.index_cast %get3A_4143 : i32 to index
    %get3A_4145 = arith.constant 16 : index
    %get3A_4146 = tpu.vector_load %arg9[%get3A_4144, %get3A_4145] {strides = array<i32>} : memref<32x128xf32, #tpu.memory_space<vmem>>, vector<16xf32>,
    %mul3A_4147 = arith.constant 1.600000e+01 : f32
    %mul3A_4148 = vector.broadcast %mul3A_4147 : f32 to vector<16xf32>
    %mul3A_4149 = arith.mulf %get3A_4146, %mul3A_4148 : vector<16xf32>
    %sub3A_4150 = arith.constant 1.600000e+01 : f32
    %sub3A_4151 = vector.broadcast %sub3A_4150 : f32 to vector<16xf32>
    %sub3A_4152 = arith.subf %mul3A_4149, %sub3A_4151 : vector<16xf32>
    %exp3A_4153 = math.exp %sub3A_4152 : vector<16xf32>
    %add3A_4154 = arith.addf %add3A_4142, %exp3A_4153 : vector<16xf32>
    %get3A_4155 = arith.constant 29 : i32
    %get3A_4156 = arith.index_cast %get3A_4155 : i32 to index
    %get3A_4157 = arith.constant 32 : index
    %get3A_4158 = tpu.vector_load %arg9[%get3A_4156, %get3A_4157] {strides = array<i32>} : memref<32x128xf32, #tpu.memory_space<vmem>>, vector<16xf32>,
    %mul3A_4159 = arith.constant 1.600000e+01 : f32
    %mul3A_4160 = vector.broadcast %mul3A_4159 : f32 to vector<16xf32>
    %mul3A_4161 = arith.mulf %get3A_4158, %mul3A_4160 : vector<16xf32>
    %sub3A_4162 = arith.constant 1.600000e+01 : f32
    %sub3A_4163 = vector.broadcast %sub3A_4162 : f32 to vector<16xf32>
    %sub3A_4164 = arith.subf %mul3A_4161, %sub3A_4163 : vector<16xf32>
    %exp3A_4165 = math.exp %sub3A_4164 : vector<16xf32>
    %add3A_4166 = arith.addf %add3A_4154, %exp3A_4165 : vector<16xf32>
    %get3A_4167 = arith.constant 29 : i32
    %get3A_4168 = arith.index_cast %get3A_4167 : i32 to index
    %get3A_4169 = arith.constant 48 : index
    %get3A_4170 = tpu.vector_load %arg9[%get3A_4168, %get3A_4169] {strides = array<i32>} : memref<32x128xf32, #tpu.memory_space<vmem>>, vector<16xf32>,
    %mul3A_4171 = arith.constant 1.600000e+01 : f32
    %mul3A_4172 = vector.broadcast %mul3A_4171 : f32 to vector<16xf32>
    %mul3A_4173 = arith.mulf %get3A_4170, %mul3A_4172 : vector<16xf32>
    %sub3A_4174 = arith.constant 1.600000e+01 : f32
    %sub3A_4175 = vector.broadcast %sub3A_4174 : f32 to vector<16xf32>
    %sub3A_4176 = arith.subf %mul3A_4173, %sub3A_4175 : vector<16xf32>
    %exp3A_4177 = math.exp %sub3A_4176 : vector<16xf32>
    %add3A_4178 = arith.addf %add3A_4166, %exp3A_4177 : vector<16xf32>
    %get3A_4179 = arith.constant 29 : i32
    %get3A_4180 = arith.index_cast %get3A_4179 : i32 to index
    %get3A_4181 = arith.constant 64 : index
    %get3A_4182 = tpu.vector_load %arg9[%get3A_4180, %get3A_4181] {strides = array<i32>} : memref<32x128xf32, #tpu.memory_space<vmem>>, vector<16xf32>,
    %mul3A_4183 = arith.constant 1.600000e+01 : f32
    %mul3A_4184 = vector.broadcast %mul3A_4183 : f32 to vector<16xf32>
    %mul3A_4185 = arith.mulf %get3A_4182, %mul3A_4184 : vector<16xf32>
    %sub3A_4186 = arith.constant 1.600000e+01 : f32
    %sub3A_4187 = vector.broadcast %sub3A_4186 : f32 to vector<16xf32>
    %sub3A_4188 = arith.subf %mul3A_4185, %sub3A_4187 : vector<16xf32>
    %exp3A_4189 = math.exp %sub3A_4188 : vector<16xf32>
    %add3A_4190 = arith.addf %add3A_4178, %exp3A_4189 : vector<16xf32>
    %get3A_4191 = arith.constant 29 : i32
    %get3A_4192 = arith.index_cast %get3A_4191 : i32 to index
    %get3A_4193 = arith.constant 80 : index
    %get3A_4194 = tpu.vector_load %arg9[%get3A_4192, %get3A_4193] {strides = array<i32>} : memref<32x128xf32, #tpu.memory_space<vmem>>, vector<16xf32>,
    %mul3A_4195 = arith.constant 1.600000e+01 : f32
    %mul3A_4196 = vector.broadcast %mul3A_4195 : f32 to vector<16xf32>
    %mul3A_4197 = arith.mulf %get3A_4194, %mul3A_4196 : vector<16xf32>
    %sub3A_4198 = arith.constant 1.600000e+01 : f32
    %sub3A_4199 = vector.broadcast %sub3A_4198 : f32 to vector<16xf32>
    %sub3A_4200 = arith.subf %mul3A_4197, %sub3A_4199 : vector<16xf32>
    %exp3A_4201 = math.exp %sub3A_4200 : vector<16xf32>
    %add3A_4202 = arith.addf %add3A_4190, %exp3A_4201 : vector<16xf32>
    %get3A_4203 = arith.constant 29 : i32
    %get3A_4204 = arith.index_cast %get3A_4203 : i32 to index
    %get3A_4205 = arith.constant 96 : index
    %get3A_4206 = tpu.vector_load %arg9[%get3A_4204, %get3A_4205] {strides = array<i32>} : memref<32x128xf32, #tpu.memory_space<vmem>>, vector<16xf32>,
    %mul3A_4207 = arith.constant 1.600000e+01 : f32
    %mul3A_4208 = vector.broadcast %mul3A_4207 : f32 to vector<16xf32>
    %mul3A_4209 = arith.mulf %get3A_4206, %mul3A_4208 : vector<16xf32>
    %sub3A_4210 = arith.constant 1.600000e+01 : f32
    %sub3A_4211 = vector.broadcast %sub3A_4210 : f32 to vector<16xf32>
    %sub3A_4212 = arith.subf %mul3A_4209, %sub3A_4211 : vector<16xf32>
    %exp3A_4213 = math.exp %sub3A_4212 : vector<16xf32>
    %add3A_4214 = arith.addf %add3A_4202, %exp3A_4213 : vector<16xf32>
    %get3A_4215 = arith.constant 29 : i32
    %get3A_4216 = arith.index_cast %get3A_4215 : i32 to index
    %get3A_4217 = arith.constant 112 : index
    %get3A_4218 = tpu.vector_load %arg9[%get3A_4216, %get3A_4217] {strides = array<i32>} : memref<32x128xf32, #tpu.memory_space<vmem>>, vector<16xf32>,
    %mul3A_4219 = arith.constant 1.600000e+01 : f32
    %mul3A_4220 = vector.broadcast %mul3A_4219 : f32 to vector<16xf32>
    %mul3A_4221 = arith.mulf %get3A_4218, %mul3A_4220 : vector<16xf32>
    %sub3A_4222 = arith.constant 1.600000e+01 : f32
    %sub3A_4223 = vector.broadcast %sub3A_4222 : f32 to vector<16xf32>
    %sub3A_4224 = arith.subf %mul3A_4221, %sub3A_4223 : vector<16xf32>
    %exp3A_4225 = math.exp %sub3A_4224 : vector<16xf32>
    %add3A_4226 = arith.addf %add3A_4214, %exp3A_4225 : vector<16xf32>
    %get3A_4227 = arith.constant 30 : i32
    %get3A_4228 = arith.index_cast %get3A_4227 : i32 to index
    %get3A_4229 = arith.constant 0 : index
    %get3A_4230 = tpu.vector_load %arg9[%get3A_4228, %get3A_4229] {strides = array<i32>} : memref<32x128xf32, #tpu.memory_space<vmem>>, vector<16xf32>,
    %mul3A_4231 = arith.constant 1.600000e+01 : f32
    %mul3A_4232 = vector.broadcast %mul3A_4231 : f32 to vector<16xf32>
    %mul3A_4233 = arith.mulf %get3A_4230, %mul3A_4232 : vector<16xf32>
    %sub3A_4234 = arith.constant 1.600000e+01 : f32
    %sub3A_4235 = vector.broadcast %sub3A_4234 : f32 to vector<16xf32>
    %sub3A_4236 = arith.subf %mul3A_4233, %sub3A_4235 : vector<16xf32>
    %exp3A_4237 = math.exp %sub3A_4236 : vector<16xf32>
    %add3A_4238 = arith.addf %broadcast_in_dim3A_3648, %exp3A_4237 : vector<16xf32>
    %get3A_4239 = arith.constant 30 : i32
    %get3A_4240 = arith.index_cast %get3A_4239 : i32 to index
    %get3A_4241 = arith.constant 16 : index
    %get3A_4242 = tpu.vector_load %arg9[%get3A_4240, %get3A_4241] {strides = array<i32>} : memref<32x128xf32, #tpu.memory_space<vmem>>, vector<16xf32>,
    %mul3A_4243 = arith.constant 1.600000e+01 : f32
    %mul3A_4244 = vector.broadcast %mul3A_4243 : f32 to vector<16xf32>
    %mul3A_4245 = arith.mulf %get3A_4242, %mul3A_4244 : vector<16xf32>
    %sub3A_4246 = arith.constant 1.600000e+01 : f32
    %sub3A_4247 = vector.broadcast %sub3A_4246 : f32 to vector<16xf32>
    %sub3A_4248 = arith.subf %mul3A_4245, %sub3A_4247 : vector<16xf32>
    %exp3A_4249 = math.exp %sub3A_4248 : vector<16xf32>
    %add3A_4250 = arith.addf %add3A_4238, %exp3A_4249 : vector<16xf32>
    %get3A_4251 = arith.constant 30 : i32
    %get3A_4252 = arith.index_cast %get3A_4251 : i32 to index
    %get3A_4253 = arith.constant 32 : index
    %get3A_4254 = tpu.vector_load %arg9[%get3A_4252, %get3A_4253] {strides = array<i32>} : memref<32x128xf32, #tpu.memory_space<vmem>>, vector<16xf32>,
    %mul3A_4255 = arith.constant 1.600000e+01 : f32
    %mul3A_4256 = vector.broadcast %mul3A_4255 : f32 to vector<16xf32>
    %mul3A_4257 = arith.mulf %get3A_4254, %mul3A_4256 : vector<16xf32>
    %sub3A_4258 = arith.constant 1.600000e+01 : f32
    %sub3A_4259 = vector.broadcast %sub3A_4258 : f32 to vector<16xf32>
    %sub3A_4260 = arith.subf %mul3A_4257, %sub3A_4259 : vector<16xf32>
    %exp3A_4261 = math.exp %sub3A_4260 : vector<16xf32>
    %add3A_4262 = arith.addf %add3A_4250, %exp3A_4261 : vector<16xf32>
    %get3A_4263 = arith.constant 30 : i32
    %get3A_4264 = arith.index_cast %get3A_4263 : i32 to index
    %get3A_4265 = arith.constant 48 : index
    %get3A_4266 = tpu.vector_load %arg9[%get3A_4264, %get3A_4265] {strides = array<i32>} : memref<32x128xf32, #tpu.memory_space<vmem>>, vector<16xf32>,
    %mul3A_4267 = arith.constant 1.600000e+01 : f32
    %mul3A_4268 = vector.broadcast %mul3A_4267 : f32 to vector<16xf32>
    %mul3A_4269 = arith.mulf %get3A_4266, %mul3A_4268 : vector<16xf32>
    %sub3A_4270 = arith.constant 1.600000e+01 : f32
    %sub3A_4271 = vector.broadcast %sub3A_4270 : f32 to vector<16xf32>
    %sub3A_4272 = arith.subf %mul3A_4269, %sub3A_4271 : vector<16xf32>
    %exp3A_4273 = math.exp %sub3A_4272 : vector<16xf32>
    %add3A_4274 = arith.addf %add3A_4262, %exp3A_4273 : vector<16xf32>
    %get3A_4275 = arith.constant 30 : i32
    %get3A_4276 = arith.index_cast %get3A_4275 : i32 to index
    %get3A_4277 = arith.constant 64 : index
    %get3A_4278 = tpu.vector_load %arg9[%get3A_4276, %get3A_4277] {strides = array<i32>} : memref<32x128xf32, #tpu.memory_space<vmem>>, vector<16xf32>,
    %mul3A_4279 = arith.constant 1.600000e+01 : f32
    %mul3A_4280 = vector.broadcast %mul3A_4279 : f32 to vector<16xf32>
    %mul3A_4281 = arith.mulf %get3A_4278, %mul3A_4280 : vector<16xf32>
    %sub3A_4282 = arith.constant 1.600000e+01 : f32
    %sub3A_4283 = vector.broadcast %sub3A_4282 : f32 to vector<16xf32>
    %sub3A_4284 = arith.subf %mul3A_4281, %sub3A_4283 : vector<16xf32>
    %exp3A_4285 = math.exp %sub3A_4284 : vector<16xf32>
    %add3A_4286 = arith.addf %add3A_4274, %exp3A_4285 : vector<16xf32>
    %get3A_4287 = arith.constant 30 : i32
    %get3A_4288 = arith.index_cast %get3A_4287 : i32 to index
    %get3A_4289 = arith.constant 80 : index
    %get3A_4290 = tpu.vector_load %arg9[%get3A_4288, %get3A_4289] {strides = array<i32>} : memref<32x128xf32, #tpu.memory_space<vmem>>, vector<16xf32>,
    %mul3A_4291 = arith.constant 1.600000e+01 : f32
    %mul3A_4292 = vector.broadcast %mul3A_4291 : f32 to vector<16xf32>
    %mul3A_4293 = arith.mulf %get3A_4290, %mul3A_4292 : vector<16xf32>
    %sub3A_4294 = arith.constant 1.600000e+01 : f32
    %sub3A_4295 = vector.broadcast %sub3A_4294 : f32 to vector<16xf32>
    %sub3A_4296 = arith.subf %mul3A_4293, %sub3A_4295 : vector<16xf32>
    %exp3A_4297 = math.exp %sub3A_4296 : vector<16xf32>
    %add3A_4298 = arith.addf %add3A_4286, %exp3A_4297 : vector<16xf32>
    %get3A_4299 = arith.constant 30 : i32
    %get3A_4300 = arith.index_cast %get3A_4299 : i32 to index
    %get3A_4301 = arith.constant 96 : index
    %get3A_4302 = tpu.vector_load %arg9[%get3A_4300, %get3A_4301] {strides = array<i32>} : memref<32x128xf32, #tpu.memory_space<vmem>>, vector<16xf32>,
    %mul3A_4303 = arith.constant 1.600000e+01 : f32
    %mul3A_4304 = vector.broadcast %mul3A_4303 : f32 to vector<16xf32>
    %mul3A_4305 = arith.mulf %get3A_4302, %mul3A_4304 : vector<16xf32>
    %sub3A_4306 = arith.constant 1.600000e+01 : f32
    %sub3A_4307 = vector.broadcast %sub3A_4306 : f32 to vector<16xf32>
    %sub3A_4308 = arith.subf %mul3A_4305, %sub3A_4307 : vector<16xf32>
    %exp3A_4309 = math.exp %sub3A_4308 : vector<16xf32>
    %add3A_4310 = arith.addf %add3A_4298, %exp3A_4309 : vector<16xf32>
    %get3A_4311 = arith.constant 30 : i32
    %get3A_4312 = arith.index_cast %get3A_4311 : i32 to index
    %get3A_4313 = arith.constant 112 : index
    %get3A_4314 = tpu.vector_load %arg9[%get3A_4312, %get3A_4313] {strides = array<i32>} : memref<32x128xf32, #tpu.memory_space<vmem>>, vector<16xf32>,
    %mul3A_4315 = arith.constant 1.600000e+01 : f32
    %mul3A_4316 = vector.broadcast %mul3A_4315 : f32 to vector<16xf32>
    %mul3A_4317 = arith.mulf %get3A_4314, %mul3A_4316 : vector<16xf32>
    %sub3A_4318 = arith.constant 1.600000e+01 : f32
    %sub3A_4319 = vector.broadcast %sub3A_4318 : f32 to vector<16xf32>
    %sub3A_4320 = arith.subf %mul3A_4317, %sub3A_4319 : vector<16xf32>
    %exp3A_4321 = math.exp %sub3A_4320 : vector<16xf32>
    %add3A_4322 = arith.addf %add3A_4310, %exp3A_4321 : vector<16xf32>
    %get3A_4323 = arith.constant 31 : i32
    %get3A_4324 = arith.index_cast %get3A_4323 : i32 to index
    %get3A_4325 = arith.constant 0 : index
    %get3A_4326 = tpu.vector_load %arg9[%get3A_4324, %get3A_4325] {strides = array<i32>} : memref<32x128xf32, #tpu.memory_space<vmem>>, vector<16xf32>,
    %mul3A_4327 = arith.constant 1.600000e+01 : f32
    %mul3A_4328 = vector.broadcast %mul3A_4327 : f32 to vector<16xf32>
    %mul3A_4329 = arith.mulf %get3A_4326, %mul3A_4328 : vector<16xf32>
    %sub3A_4330 = arith.constant 1.600000e+01 : f32
    %sub3A_4331 = vector.broadcast %sub3A_4330 : f32 to vector<16xf32>
    %sub3A_4332 = arith.subf %mul3A_4329, %sub3A_4331 : vector<16xf32>
    %exp3A_4333 = math.exp %sub3A_4332 : vector<16xf32>
    %add3A_4334 = arith.addf %broadcast_in_dim3A_3650, %exp3A_4333 : vector<16xf32>
    %get3A_4335 = arith.constant 31 : i32
    %get3A_4336 = arith.index_cast %get3A_4335 : i32 to index
    %get3A_4337 = arith.constant 16 : index
    %get3A_4338 = tpu.vector_load %arg9[%get3A_4336, %get3A_4337] {strides = array<i32>} : memref<32x128xf32, #tpu.memory_space<vmem>>, vector<16xf32>,
    %mul3A_4339 = arith.constant 1.600000e+01 : f32
    %mul3A_4340 = vector.broadcast %mul3A_4339 : f32 to vector<16xf32>
    %mul3A_4341 = arith.mulf %get3A_4338, %mul3A_4340 : vector<16xf32>
    %sub3A_4342 = arith.constant 1.600000e+01 : f32
    %sub3A_4343 = vector.broadcast %sub3A_4342 : f32 to vector<16xf32>
    %sub3A_4344 = arith.subf %mul3A_4341, %sub3A_4343 : vector<16xf32>
    %exp3A_4345 = math.exp %sub3A_4344 : vector<16xf32>
    %add3A_4346 = arith.addf %add3A_4334, %exp3A_4345 : vector<16xf32>
    %get3A_4347 = arith.constant 31 : i32
    %get3A_4348 = arith.index_cast %get3A_4347 : i32 to index
    %get3A_4349 = arith.constant 32 : index
    %get3A_4350 = tpu.vector_load %arg9[%get3A_4348, %get3A_4349] {strides = array<i32>} : memref<32x128xf32, #tpu.memory_space<vmem>>, vector<16xf32>,
    %mul3A_4351 = arith.constant 1.600000e+01 : f32
    %mul3A_4352 = vector.broadcast %mul3A_4351 : f32 to vector<16xf32>
    %mul3A_4353 = arith.mulf %get3A_4350, %mul3A_4352 : vector<16xf32>
    %sub3A_4354 = arith.constant 1.600000e+01 : f32
    %sub3A_4355 = vector.broadcast %sub3A_4354 : f32 to vector<16xf32>
    %sub3A_4356 = arith.subf %mul3A_4353, %sub3A_4355 : vector<16xf32>
    %exp3A_4357 = math.exp %sub3A_4356 : vector<16xf32>
    %add3A_4358 = arith.addf %add3A_4346, %exp3A_4357 : vector<16xf32>
    %get3A_4359 = arith.constant 31 : i32
    %get3A_4360 = arith.index_cast %get3A_4359 : i32 to index
    %get3A_4361 = arith.constant 48 : index
    %get3A_4362 = tpu.vector_load %arg9[%get3A_4360, %get3A_4361] {strides = array<i32>} : memref<32x128xf32, #tpu.memory_space<vmem>>, vector<16xf32>,
    %mul3A_4363 = arith.constant 1.600000e+01 : f32
    %mul3A_4364 = vector.broadcast %mul3A_4363 : f32 to vector<16xf32>
    %mul3A_4365 = arith.mulf %get3A_4362, %mul3A_4364 : vector<16xf32>
    %sub3A_4366 = arith.constant 1.600000e+01 : f32
    %sub3A_4367 = vector.broadcast %sub3A_4366 : f32 to vector<16xf32>
    %sub3A_4368 = arith.subf %mul3A_4365, %sub3A_4367 : vector<16xf32>
    %exp3A_4369 = math.exp %sub3A_4368 : vector<16xf32>
    %add3A_4370 = arith.addf %add3A_4358, %exp3A_4369 : vector<16xf32>
    %get3A_4371 = arith.constant 31 : i32
    %get3A_4372 = arith.index_cast %get3A_4371 : i32 to index
    %get3A_4373 = arith.constant 64 : index
    %get3A_4374 = tpu.vector_load %arg9[%get3A_4372, %get3A_4373] {strides = array<i32>} : memref<32x128xf32, #tpu.memory_space<vmem>>, vector<16xf32>,
    %mul3A_4375 = arith.constant 1.600000e+01 : f32
    %mul3A_4376 = vector.broadcast %mul3A_4375 : f32 to vector<16xf32>
    %mul3A_4377 = arith.mulf %get3A_4374, %mul3A_4376 : vector<16xf32>
    %sub3A_4378 = arith.constant 1.600000e+01 : f32
    %sub3A_4379 = vector.broadcast %sub3A_4378 : f32 to vector<16xf32>
    %sub3A_4380 = arith.subf %mul3A_4377, %sub3A_4379 : vector<16xf32>
    %exp3A_4381 = math.exp %sub3A_4380 : vector<16xf32>
    %add3A_4382 = arith.addf %add3A_4370, %exp3A_4381 : vector<16xf32>
    %get3A_4383 = arith.constant 31 : i32
    %get3A_4384 = arith.index_cast %get3A_4383 : i32 to index
    %get3A_4385 = arith.constant 80 : index
    %get3A_4386 = tpu.vector_load %arg9[%get3A_4384, %get3A_4385] {strides = array<i32>} : memref<32x128xf32, #tpu.memory_space<vmem>>, vector<16xf32>,
    %mul3A_4387 = arith.constant 1.600000e+01 : f32
    %mul3A_4388 = vector.broadcast %mul3A_4387 : f32 to vector<16xf32>
    %mul3A_4389 = arith.mulf %get3A_4386, %mul3A_4388 : vector<16xf32>
    %sub3A_4390 = arith.constant 1.600000e+01 : f32
    %sub3A_4391 = vector.broadcast %sub3A_4390 : f32 to vector<16xf32>
    %sub3A_4392 = arith.subf %mul3A_4389, %sub3A_4391 : vector<16xf32>
    %exp3A_4393 = math.exp %sub3A_4392 : vector<16xf32>
    %add3A_4394 = arith.addf %add3A_4382, %exp3A_4393 : vector<16xf32>
    %get3A_4395 = arith.constant 31 : i32
    %get3A_4396 = arith.index_cast %get3A_4395 : i32 to index
    %get3A_4397 = arith.constant 96 : index
    %get3A_4398 = tpu.vector_load %arg9[%get3A_4396, %get3A_4397] {strides = array<i32>} : memref<32x128xf32, #tpu.memory_space<vmem>>, vector<16xf32>,
    %mul3A_4399 = arith.constant 1.600000e+01 : f32
    %mul3A_4400 = vector.broadcast %mul3A_4399 : f32 to vector<16xf32>
    %mul3A_4401 = arith.mulf %get3A_4398, %mul3A_4400 : vector<16xf32>
    %sub3A_4402 = arith.constant 1.600000e+01 : f32
    %sub3A_4403 = vector.broadcast %sub3A_4402 : f32 to vector<16xf32>
    %sub3A_4404 = arith.subf %mul3A_4401, %sub3A_4403 : vector<16xf32>
    %exp3A_4405 = math.exp %sub3A_4404 : vector<16xf32>
    %add3A_4406 = arith.addf %add3A_4394, %exp3A_4405 : vector<16xf32>
    %get3A_4407 = arith.constant 31 : i32
    %get3A_4408 = arith.index_cast %get3A_4407 : i32 to index
    %get3A_4409 = arith.constant 112 : index
    %get3A_4410 = tpu.vector_load %arg9[%get3A_4408, %get3A_4409] {strides = array<i32>} : memref<32x128xf32, #tpu.memory_space<vmem>>, vector<16xf32>,
    %mul3A_4411 = arith.constant 1.600000e+01 : f32
    %mul3A_4412 = vector.broadcast %mul3A_4411 : f32 to vector<16xf32>
    %mul3A_4413 = arith.mulf %get3A_4410, %mul3A_4412 : vector<16xf32>
    %sub3A_4414 = arith.constant 1.600000e+01 : f32
    %sub3A_4415 = vector.broadcast %sub3A_4414 : f32 to vector<16xf32>
    %sub3A_4416 = arith.subf %mul3A_4413, %sub3A_4415 : vector<16xf32>
    %exp3A_4417 = math.exp %sub3A_4416 : vector<16xf32>
    %add3A_4418 = arith.addf %add3A_4406, %exp3A_4417 : vector<16xf32>
    %swap3A_4419 = arith.constant 24 : i32
    %swap3A_4420 = arith.index_cast %swap3A_4419 : i32 to index
    %swap3A_4421 = arith.constant 0 : index
    %swap3A_4422 = tpu.vector_load %arg11[%swap3A_4420, %swap3A_4421] {strides = array<i32>} : memref<32x16xf32, #tpu.memory_space<vmem>>, vector<16xf32>,
    tpu.vector_store %arg11[%swap3A_4420, %swap3A_4421], %add3A_3746 {strides = array<i32>} : memref<32x16xf32, #tpu.memory_space<vmem>>, vector<16xf32>,
    %swap3A_4423 = arith.constant 25 : i32
    %swap3A_4424 = arith.index_cast %swap3A_4423 : i32 to index
    %swap3A_4425 = arith.constant 0 : index
    %swap3A_4426 = tpu.vector_load %arg11[%swap3A_4424, %swap3A_4425] {strides = array<i32>} : memref<32x16xf32, #tpu.memory_space<vmem>>, vector<16xf32>,
    tpu.vector_store %arg11[%swap3A_4424, %swap3A_4425], %add3A_3842 {strides = array<i32>} : memref<32x16xf32, #tpu.memory_space<vmem>>, vector<16xf32>,
    %swap3A_4427 = arith.constant 26 : i32
    %swap3A_4428 = arith.index_cast %swap3A_4427 : i32 to index
    %swap3A_4429 = arith.constant 0 : index
    %swap3A_4430 = tpu.vector_load %arg11[%swap3A_4428, %swap3A_4429] {strides = array<i32>} : memref<32x16xf32, #tpu.memory_space<vmem>>, vector<16xf32>,
    tpu.vector_store %arg11[%swap3A_4428, %swap3A_4429], %add3A_3938 {strides = array<i32>} : memref<32x16xf32, #tpu.memory_space<vmem>>, vector<16xf32>,
    %swap3A_4431 = arith.constant 27 : i32
    %swap3A_4432 = arith.index_cast %swap3A_4431 : i32 to index
    %swap3A_4433 = arith.constant 0 : index
    %swap3A_4434 = tpu.vector_load %arg11[%swap3A_4432, %swap3A_4433] {strides = array<i32>} : memref<32x16xf32, #tpu.memory_space<vmem>>, vector<16xf32>,
    tpu.vector_store %arg11[%swap3A_4432, %swap3A_4433], %add3A_4034 {strides = array<i32>} : memref<32x16xf32, #tpu.memory_space<vmem>>, vector<16xf32>,
    %swap3A_4435 = arith.constant 28 : i32
    %swap3A_4436 = arith.index_cast %swap3A_4435 : i32 to index
    %swap3A_4437 = arith.constant 0 : index
    %swap3A_4438 = tpu.vector_load %arg11[%swap3A_4436, %swap3A_4437] {strides = array<i32>} : memref<32x16xf32, #tpu.memory_space<vmem>>, vector<16xf32>,
    tpu.vector_store %arg11[%swap3A_4436, %swap3A_4437], %add3A_4130 {strides = array<i32>} : memref<32x16xf32, #tpu.memory_space<vmem>>, vector<16xf32>,
    %swap3A_4439 = arith.constant 29 : i32
    %swap3A_4440 = arith.index_cast %swap3A_4439 : i32 to index
    %swap3A_4441 = arith.constant 0 : index
    %swap3A_4442 = tpu.vector_load %arg11[%swap3A_4440, %swap3A_4441] {strides = array<i32>} : memref<32x16xf32, #tpu.memory_space<vmem>>, vector<16xf32>,
    tpu.vector_store %arg11[%swap3A_4440, %swap3A_4441], %add3A_4226 {strides = array<i32>} : memref<32x16xf32, #tpu.memory_space<vmem>>, vector<16xf32>,
    %swap3A_4443 = arith.constant 30 : i32
    %swap3A_4444 = arith.index_cast %swap3A_4443 : i32 to index
    %swap3A_4445 = arith.constant 0 : index
    %swap3A_4446 = tpu.vector_load %arg11[%swap3A_4444, %swap3A_4445] {strides = array<i32>} : memref<32x16xf32, #tpu.memory_space<vmem>>, vector<16xf32>,
    tpu.vector_store %arg11[%swap3A_4444, %swap3A_4445], %add3A_4322 {strides = array<i32>} : memref<32x16xf32, #tpu.memory_space<vmem>>, vector<16xf32>,
    %swap3A_4447 = arith.constant 31 : i32
    %swap3A_4448 = arith.index_cast %swap3A_4447 : i32 to index
    %swap3A_4449 = arith.constant 0 : index
    %swap3A_4450 = tpu.vector_load %arg11[%swap3A_4448, %swap3A_4449] {strides = array<i32>} : memref<32x16xf32, #tpu.memory_space<vmem>>, vector<16xf32>,
    tpu.vector_store %arg11[%swap3A_4448, %swap3A_4449], %add3A_4418 {strides = array<i32>} : memref<32x16xf32, #tpu.memory_space<vmem>>, vector<16xf32>,
    "tpu.region"() ({
      %run_scoped3A = tpu.sem_alloc : memref<!tpu.dma_semaphore, #tpu.memory_space<semaphore_mem>>
      %dma_start3A_4451 = arith.constant 0 : i32
      %dma_start3A_4452 = tpu.memref_slice %arg6[%mul3A_2, %dma_start3A_4451] : memref<1024x16xf32, #tpu.memory_space<hbm>> -> memref<32x16xf32, #tpu.memory_space<hbm>>
      %dma_start3A_4453 = arith.constant 0 : i32
      %dma_start3A_4454 = tpu.memref_slice %arg6[%mul3A_2, %dma_start3A_4453] : memref<1024x16xf32, #tpu.memory_space<hbm>> -> memref<32x16xf32, #tpu.memory_space<hbm>>
      tpu.enqueue_dma source(%arg11 : memref<32x16xf32, #tpu.memory_space<vmem>>) target(%dma_start3A_4454 : memref<32x16xf32, #tpu.memory_space<hbm>>) target_semaphore(%run_scoped3A : memref<!tpu.dma_semaphore, #tpu.memory_space<semaphore_mem>>)
      %dma_wait3A_4455 = arith.constant 0 : i32
      %dma_wait3A_4456 = tpu.memref_slice %arg6[%mul3A_2, %dma_wait3A_4455] : memref<1024x16xf32, #tpu.memory_space<hbm>> -> memref<32x16xf32, #tpu.memory_space<hbm>>
      %dma_wait3A_4457 = arith.constant 0 : i32
      %dma_wait3A_4458 = tpu.memref_slice %arg6[%mul3A_2, %dma_wait3A_4457] : memref<1024x16xf32, #tpu.memory_space<hbm>> -> memref<32x16xf32, #tpu.memory_space<hbm>>
      tpu.wait_dma2 semaphore(%run_scoped3A : memref<!tpu.dma_semaphore, #tpu.memory_space<semaphore_mem>>) src(%arg11 : memref<32x16xf32, #tpu.memory_space<vmem>>) dst(%dma_wait3A_4458 : memref<32x16xf32, #tpu.memory_space<hbm>>)
      tpu.yield
    }) : () -> ()
    return
  }
}

module attributes {stable_mosaic.version = 14 : i64} {
  func.func @_lse_body(%arg0: i32, %arg1: memref<32x99968xf32, #tpu.memory_space<vmem>>, %arg2: memref<32x1xf32, #tpu.memory_space<vmem>>) attributes {dimension_semantics = [#tpu.dimension_semantics<arbitrary>], iteration_bounds = array<i64: 32>, scalar_prefetch = 0 : i64, scratch_operands = 0 : i64, tpu.core_type = #tpu.core_type<tc>, window_params = [{transform_indices = @transform_0, window_bounds = array<i64: 32, 99968>}, {transform_indices = @transform_1, window_bounds = array<i64: 32, 1>}]} {
    %get3A = arith.constant 0 : index
    %get3A_0 = arith.constant 0 : index
    %get3A_1 = vector.load %arg1[%get3A, %get3A_0] : memref<32x99968xf32, #tpu.memory_space<vmem>>, vector<32x99968xf32>
    %mul3A = arith.constant 1.600000e+01 : f32
    %mul3A_2 = vector.broadcast %mul3A : f32 to vector<32x99968xf32>
    %mul3A_3 = arith.mulf %get3A_1, %mul3A_2 : vector<32x99968xf32>
    %sub3A = arith.constant 1.600000e+01 : f32
    %sub3A_4 = vector.broadcast %sub3A : f32 to vector<32x99968xf32>
    %sub3A_5 = arith.subf %mul3A_3, %sub3A_4 : vector<32x99968xf32>
    %exp3A = math.exp %sub3A_5 : vector<32x99968xf32>
    %reduce_sum3A = arith.constant dense<0.000000e+00> : vector<32xf32>
    %reduce_sum3A_6 = vector.multi_reduction <add>, %exp3A, %reduce_sum3A [1] : vector<32x99968xf32> to vector<32xf32>
    %broadcast_in_dim3A = vector.shape_cast %reduce_sum3A_6 : vector<32xf32> to vector<32x1xf32>
    %swap3A = arith.constant 0 : index
    %swap3A_7 = arith.constant 0 : index
    %swap3A_8 = vector.load %arg2[%swap3A, %swap3A_7] : memref<32x1xf32, #tpu.memory_space<vmem>>, vector<32x1xf32>
    tpu.vector_store %arg2[%swap3A, %swap3A_7], %broadcast_in_dim3A {strides = array<i32>} : memref<32x1xf32, #tpu.memory_space<vmem>>, vector<32x1xf32>,
    return
  }
  func.func @transform_0(%arg0: i32) -> (i32, i32) {
    %c0_i32 = arith.constant 0 : i32
    %c0_i32_0 = arith.constant 0 : i32
    return %arg0, %c0_i32 : i32, i32
  }
  func.func @transform_1(%arg0: i32) -> (i32, i32) {
    %c0_i32 = arith.constant 0 : i32
    %c0_i32_0 = arith.constant 0 : i32
    return %arg0, %c0_i32 : i32, i32
  }
}

module attributes {stable_mosaic.version = 14 : i64} {
  func.func @_combine_body(%arg0: memref<1024x1xf32, #tpu.memory_space<vmem>>, %arg1: memref<1024x16xf32, #tpu.memory_space<vmem>>, %arg2: memref<1024x1xf32, #tpu.memory_space<vmem>>, %arg3: memref<1x1xf32, #tpu.memory_space<vmem>>) attributes {dimension_semantics = [], scalar_prefetch = 0 : i64, scratch_operands = 0 : i64, tpu.core_type = #tpu.core_type<tc>} {
    %get3A = arith.constant 0 : index
    %get3A_0 = arith.constant 0 : index
    %get3A_1 = vector.load %arg0[%get3A, %get3A_0] : memref<1024x1xf32, #tpu.memory_space<vmem>>, vector<1024x1xf32>
    %get3A_2 = arith.constant 0 : index
    %get3A_3 = arith.constant 0 : index
    %get3A_4 = vector.load %arg1[%get3A_2, %get3A_3] : memref<1024x16xf32, #tpu.memory_space<vmem>>, vector<1024x16xf32>
    %reduce_sum3A = arith.constant dense<0.000000e+00> : vector<1024xf32>
    %reduce_sum3A_5 = vector.multi_reduction <add>, %get3A_4, %reduce_sum3A [1] : vector<1024x16xf32> to vector<1024xf32>
    %broadcast_in_dim3A = vector.shape_cast %reduce_sum3A_5 : vector<1024xf32> to vector<1024x1xf32>
    %add3A = arith.addf %get3A_1, %broadcast_in_dim3A : vector<1024x1xf32>
    %get3A_6 = arith.constant 0 : index
    %get3A_7 = arith.constant 0 : index
    %get3A_8 = vector.load %arg2[%get3A_6, %get3A_7] : memref<1024x1xf32, #tpu.memory_space<vmem>>, vector<1024x1xf32>
    %mul3A = arith.mulf %get3A_8, %get3A_8 : vector<1024x1xf32>
    %sub3A = arith.constant 1.000000e+00 : f32
    %sub3A_9 = vector.broadcast %sub3A : f32 to vector<1024x1xf32>
    %sub3A_10 = arith.subf %sub3A_9, %mul3A : vector<1024x1xf32>
    %sqrt3A = math.sqrt %sub3A_10 : vector<1024x1xf32>
    %mul3A_11 = arith.constant 0.995004177 : f32
    %mul3A_12 = vector.broadcast %mul3A_11 : f32 to vector<1024x1xf32>
    %mul3A_13 = arith.mulf %get3A_8, %mul3A_12 : vector<1024x1xf32>
    %mul3A_14 = arith.constant 0.0998334139 : f32
    %mul3A_15 = vector.broadcast %mul3A_14 : f32 to vector<1024x1xf32>
    %mul3A_16 = arith.mulf %sqrt3A, %mul3A_15 : vector<1024x1xf32>
    %sub3A_17 = arith.subf %mul3A_13, %mul3A_16 : vector<1024x1xf32>
    %sub3A_18 = arith.constant 0.0099833412 : f32
    %sub3A_19 = vector.broadcast %sub3A_18 : f32 to vector<1024x1xf32>
    %sub3A_20 = arith.subf %get3A_8, %sub3A_19 : vector<1024x1xf32>
    %sub3A_21 = arith.constant -0.995004177 : f32
    %sub3A_22 = vector.broadcast %sub3A_21 : f32 to vector<1024x1xf32>
    %sub3A_23 = arith.subf %get3A_8, %sub3A_22 : vector<1024x1xf32>
    %gt3A = arith.constant 0.000000e+00 : f32
    %gt3A_24 = vector.broadcast %gt3A : f32 to vector<1024x1xf32>
    %gt3A_25 = arith.cmpf ogt, %sub3A_23, %gt3A_24 : vector<1024x1xf32>
    %select_n3A = arith.select %gt3A_25, %sub3A_17, %sub3A_20 : vector<1024x1xi1>, vector<1024x1xf32>
    %mul3A_26 = arith.constant 1.600000e+01 : f32
    %mul3A_27 = vector.broadcast %mul3A_26 : f32 to vector<1024x1xf32>
    %mul3A_28 = arith.mulf %mul3A_27, %get3A_8 : vector<1024x1xf32>
    %sub3A_29 = arith.constant 1.600000e+01 : f32
    %sub3A_30 = vector.broadcast %sub3A_29 : f32 to vector<1024x1xf32>
    %sub3A_31 = arith.subf %mul3A_28, %sub3A_30 : vector<1024x1xf32>
    %exp3A = math.exp %sub3A_31 : vector<1024x1xf32>
    %sub3A_32 = arith.subf %add3A, %exp3A : vector<1024x1xf32>
    %mul3A_33 = arith.constant 1.600000e+01 : f32
    %mul3A_34 = vector.broadcast %mul3A_33 : f32 to vector<1024x1xf32>
    %mul3A_35 = arith.mulf %mul3A_34, %select_n3A : vector<1024x1xf32>
    %sub3A_36 = arith.constant 1.600000e+01 : f32
    %sub3A_37 = vector.broadcast %sub3A_36 : f32 to vector<1024x1xf32>
    %sub3A_38 = arith.subf %mul3A_35, %sub3A_37 : vector<1024x1xf32>
    %exp3A_39 = math.exp %sub3A_38 : vector<1024x1xf32>
    %add3A_40 = arith.addf %sub3A_32, %exp3A_39 : vector<1024x1xf32>
    %log3A = math.log %add3A_40 : vector<1024x1xf32>
    %add3A_41 = arith.constant 1.600000e+01 : f32
    %add3A_42 = vector.broadcast %add3A_41 : f32 to vector<1024x1xf32>
    %add3A_43 = arith.addf %add3A_42, %log3A : vector<1024x1xf32>
    %mul3A_44 = arith.constant 1.600000e+01 : f32
    %mul3A_45 = vector.broadcast %mul3A_44 : f32 to vector<1024x1xf32>
    %mul3A_46 = arith.mulf %mul3A_45, %select_n3A : vector<1024x1xf32>
    %sub3A_47 = arith.subf %add3A_43, %mul3A_46 : vector<1024x1xf32>
    %reduce_sum3A_48 = vector.shape_cast %sub3A_47 : vector<1024x1xf32> to vector<1x1024x1xf32>
    %reduce_sum3A_49 = arith.constant dense<0.000000e+00> : vector<1xf32>
    %reduce_sum3A_50 = vector.multi_reduction <add>, %reduce_sum3A_48, %reduce_sum3A_49 [1, 2] : vector<1x1024x1xf32> to vector<1xf32>
    %reduce_sum3A_51 = vector.shape_cast %reduce_sum3A_50 : vector<1xf32> to vector<1x1x1xf32>
    %reduce_sum3A_52 = vector.extract %reduce_sum3A_51[0, 0, 0] : f32 from vector<1x1x1xf32>
    %broadcast_in_dim3A_53 = vector.broadcast %reduce_sum3A_52 : f32 to vector<1x1xf32>
    %div3A = arith.constant 1.024000e+03 : f32
    %div3A_54 = vector.broadcast %div3A : f32 to vector<1x1xf32>
    %div3A_55 = arith.divf %broadcast_in_dim3A_53, %div3A_54 : vector<1x1xf32>
    %swap3A = arith.constant 0 : index
    %swap3A_56 = arith.constant 0 : index
    %swap3A_57 = vector.load %arg3[%swap3A, %swap3A_56] : memref<1x1xf32, #tpu.memory_space<vmem>>, vector<1x1xf32>
    tpu.vector_store %arg3[%swap3A, %swap3A_56], %div3A_55 {strides = array<i32>} : memref<1x1xf32, #tpu.memory_space<vmem>>, vector<1x1xf32>,
    return
  }
}

</mosaic_0001>

<sc_bundles>
// kernel: kernel.5.cloned.1.call-start
scs
__scs_entry_jumppad:
0x0: {  	(pc) =	sbr.rel $0x88, $3  }
0x1: {  	(tag) =	ssettag $0x0;
	lr =	simm.s32 $0x1  }
0x2: {  	[smem:$0x3F9F] =	sst lr;
	_ =	strace $0xD0000000  }
0x3: {  	_ = 	snop  }
0x4: {  	_ = 	snop  }
0x5: {  	_ = 	snop  }
0x6: {  	_ = 	snop  }
0x7: {  	_ = 	snop  }
__scs_overlays_trampoline_lowered:
0x8: {  	[smem:$0x3FAE] =	sst s0  }
0x9: {  	[smem:$0x3FAF] =	sst s1  }
0xa: {  	[smem:$0x3FB0] =	sst s2  }
0xb: {  	[smem:$0x3FB1] =	sst s3  }
0xc: {  	[smem:$0x3FB2] =	sst s4  }
0xd: {  	[smem:$0x3FB3] =	sst s5  }
0xe: {  	[smem:$0x3FB4] =	sst s6  }
0xf: {  	[smem:$0x3FB5] =	sst s7  }
0x10: {  	[smem:$0x3FB6] =	sst s8  }
0x11: {  	[smem:$0x3FB7] =	sst s9;
	s0 =	simm.s32 @!p0 $0x0  }
0x12: {  	s1 =	sld [smem:$0x3F9D];
	s0 =	simm.s32 @p0 $0x1  }
0x13: {  	[smem:$0x3FB8] =	sst s0;
	s0 =	simm.s32 @!p1 $0x0  }
0x14: {  	s2 =	sld [smem:$0x3F9C];
	s0 =	simm.s32 @p1 $0x1  }
0x15: {  	[smem:$0x3FB9] =	sst s0;
	s0 =	simm.s32 @!p2 $0x0  }
0x16: {  	s3 =	sld [smem:$0x3FDB];
	s0 =	simm.s32 @p2 $0x1  }
0x17: {  	s4 =	simm.s32 $0x1BF5;
	[smem:$0x3FBB] =	sst s0  }
0x18: {  	s0 =	sld [smem:$0x3F9E];
	_ =	swait.ge [sflag:s4], $0x0  }
0x19: {  	s7 =	sld [smem:$0x3F9F]  }
0x1a: {  	s8 =	sadd.s32 $0xFFFFE003, lr  }
0x1b: {  	s9 =	sadd.s32 $0xFFFFFEF7, lr;
	s5 =	simm.s32 $0xFFFFFFFF;
	p2 =	slt.u32 s8, $0xFFFFF086  }
0x1c: {  	p1 =	slt.u32 s9, $0xF7A;
	s5 =	simm.s32 @!p2 $0x0  }
0x1d: {  	s5 =	simm.s32 @p1 $0x1;
	p0 =	seq.s32 s7, s2  }
0x1e: {  	s7 =	smul.u32 @!p0 $0xF7A, s2;
	p2 =	seq.s32 @!p0 s5, $0x0  }
0x1f: {  	s9 =	smul.u32 $0xF7A, s1;
	s8 =	simm.s32 @!p0 $0x1BF5;
	p2 =	por !p2, p0  }
0x20: {  	[sflag:s8] =	ssyncset.s32 @!p0 $0xFFFFF086;
	s6 =	sadd.s32 @!p0 s3, s7;
	s7 =	simm.s32 @!p0 $0x108  }
0x21: {  	s3 =	sadd.s32 s3, s9;
	s6 =	sadd.s32 @!p0 $0x88, s6;
	s7 =	simm.s32 @p2 $0x1082  }
0x22: {  	[simem:s7], [sflag:s8] =	dma.local @!p0 [hbm:s6], $0xF7A  }
0x23: {  	s9 =	sor.u32 $0xD0000000, s2;
	s6 =	simm.s32 $0x108;
	_ =	swait.ge @!p0 [sflag:s8], $0x0  }
0x24: {  	s3 =	sadd.s32 $0x88, s3;
	s6 =	simm.s32 @!p1 $0x1082;
	[sflag:s4] =	ssyncset.s32 $0xFFFFF086  }
0x25: {  	[simem:s6], [sflag:s4] =	dma.local [hbm:s3], $0xF7A  }
0x26: {  	[smem:$0x3F9F] =	sst s1;
	(tag) =	ssettag s2;
	_ =	strace s9  }
0x27: {  	s1 =	sld [smem:$0x3FAF]  }
0x28: {  	s2 =	sld [smem:$0x3FB0]  }
0x29: {  	s4 =	sld [smem:$0x3FB2]  }
0x2a: {  	p0 =	seq.s32 s5, $0x0;
	s5 =	sld [smem:$0x3FB3]  }
0x2b: {  	s6 =	sld [smem:$0x3FB4]  }
0x2c: {  	s7 =	sld [smem:$0x3FB5]  }
0x2d: {  	s3 =	simm.s32 $0x108;
	s8 =	sld [smem:$0x3FB6]  }
0x2e: {  	s3 =	simm.s32 @!p0 $0x1082;
	s9 =	sld [smem:$0x3FB7]  }
0x2f: {  	lr =	sadd.s32 s0, s3;
	s0 =	sld [smem:$0x3FAE]  }
0x30: {  	s3 =	sld [smem:$0x3FB1]  }
0x31: {  	[smem:$0x3FBA] =	sst s10  }
0x32: {  	s10 =	sld [smem:$0x3FB8];
	_ =	sdelay $0x3  }
0x33: {  	p0 =	seq.s32 s10, $0x1;
	s10 =	sld [smem:$0x3FBA];
	_ =	sdelay $0x3  }
0x34: {  	[smem:$0x3FBA] =	sst s10  }
0x35: {  	s10 =	sld [smem:$0x3FB9];
	_ =	sdelay $0x3  }
0x36: {  	p1 =	seq.s32 s10, $0x1;
	s10 =	sld [smem:$0x3FBA];
	_ =	sdelay $0x3  }
0x37: {  	[smem:$0x3FBA] =	sst s10  }
0x38: {  	s10 =	sld [smem:$0x3FBB]  }
0x39: {  	_ = 	snop;
	(pc) =	sbr.ind lr, $3  }
0x3a: {  	_ = 	snop  }
0x3b: {  	_ = 	snop  }
0x3c: {  	p2 =	seq.s32 s10, $0x1;
	s10 =	sld [smem:$0x3FBA]  }
0x3d: {  	_ =	shalt  }
0x3e: {  	_ =	shalt  }
0x3f: {  	_ =	shalt  }
0x40: {  	_ =	shalt  }
0x41: {  	_ =	shalt  }
0x42: {  	_ =	shalt  }
0x43: {  	_ =	shalt  }
0x44: {  	_ =	shalt  }
0x45: {  	_ =	shalt  }
0x46: {  	_ =	shalt  }
0x47: {  	_ =	shalt  }
0x48: {  	_ =	shalt  }
0x49: {  	_ =	shalt  }
0x4a: {  	_ =	shalt  }
0x4b: {  	_ =	shalt  }
0x4c: {  	_ =	shalt  }
0x4d: {  	_ =	shalt  }
0x4e: {  	_ =	shalt  }
0x4f: {  	_ =	shalt  }
0x50: {  	_ =	shalt  }
0x51: {  	_ =	shalt  }
0x52: {  	_ =	shalt  }
0x53: {  	_ =	shalt  }
0x54: {  	_ =	shalt  }
0x55: {  	_ =	shalt  }
0x56: {  	_ =	shalt  }
0x57: {  	_ =	shalt  }
0x58: {  	_ =	shalt  }
0x59: {  	_ =	shalt  }
0x5a: {  	_ =	shalt  }
0x5b: {  	_ =	shalt  }
0x5c: {  	_ =	shalt  }
0x5d: {  	_ =	shalt  }
0x5e: {  	_ =	shalt  }
0x5f: {  	_ =	shalt  }
0x60: {  	_ =	shalt  }
0x61: {  	_ =	shalt  }
0x62: {  	_ =	shalt  }
0x63: {  	_ =	shalt  }
0x64: {  	_ =	shalt  }
0x65: {  	_ =	shalt  }
0x66: {  	_ =	shalt  }
0x67: {  	_ =	shalt  }
0x68: {  	_ =	shalt  }
0x69: {  	_ =	shalt  }
0x6a: {  	_ =	shalt  }
0x6b: {  	_ =	shalt  }
0x6c: {  	_ =	shalt  }
0x6d: {  	_ =	shalt  }
0x6e: {  	_ =	shalt  }
0x6f: {  	_ =	shalt  }
0x70: {  	_ =	shalt  }
0x71: {  	_ =	shalt  }
0x72: {  	_ =	shalt  }
0x73: {  	_ =	shalt  }
0x74: {  	_ =	shalt  }
0x75: {  	_ =	shalt  }
0x76: {  	_ =	shalt  }
0x77: {  	_ =	shalt  }
0x78: {  	_ =	shalt  }
0x79: {  	_ =	shalt  }
0x7a: {  	_ =	shalt  }
0x7b: {  	_ =	shalt  }
0x7c: {  	_ =	shalt  }
0x7d: {  	_ =	shalt  }
0x7e: {  	_ =	shalt  }
0x7f: {  	_ =	shalt  }
0x80: {  	_ =	shalt  }
0x81: {  	_ =	shalt  }
0x82: {  	_ =	shalt  }
0x83: {  	_ =	shalt  }
0x84: {  	_ =	shalt  }
0x85: {  	_ =	shalt  }
0x86: {  	_ =	shalt  }
0x87: {  	_ =	shalt  }
.Lfunc_end0:
.L_simem_size_0:
called_computation_lowered:
.L_overlay_start_0:
0x88: {  	s2 =	sld [smem:$0x3FD9]  }
0x89: {  	s3 =	sld [smem:$0x3FFE];
	_ =	sdelay $0x1  }
0x8a: {  	s1 =	srdreg.scid  }
0x8b: {  	s0 =	sand.u32 $0x1, s1  }
0x8c: {  	s17 =	sshll.u32 s0, $0xA;
	s2 =	sadd.s32 s3, s2  }
0x8d: {  	s2 =	sadd.s32 s2, s17  }
0x8e: {  	[smem:$0x3FC6] =	sst s2  }
0x8f: {  	_ = 	snop  }
0x90: {  	s2 =	sld [smem:$0x3FC8];
	(tm) =	ssettm $0x1  }
0x91: {  	s18 =	sld [smem:$0x3FFB];
	_ =	sdelay $0x3  }
0x92: {  	_ =	strace s18  }
0x93: {  	s3 =	sld [smem:$0x3FFC];
	_ =	sdelay $0x3  }
0x94: {  	_ =	strace s3  }
0x95: {  	s3 =	sld [smem:$0x3FFD];
	_ =	sdelay $0x3  }
0x96: {  	_ =	strace s3  }
0x97: {  	_ =	strace $0x8FFFFFFF  }
0x98: {  	s19 =	sld [smem:$0x3FDB];
	_ =	sdelay $0x1  }
0x99: {  	s4 =	simm.s32 $_scs_section_size  }
0x9a: {  	s5 =	simm.s32 $_size__tile_overlayer_lowered;
	s6 =	simm.s32 $_tile_overlayer_lowered  }
0x9b: {  	s22 =	simm.s32 $0x1BFF;
	s21 =	sshll.u32 s6, $0x1;
	s3 =	sadd.s32 s4, s19  }
0x9c: {  	s7 =	simm.s32 $0x0;
	s20 =	sshll.u32 s5, $0x1;
	s5 =	sadd.s32 s21, s3  }
0x9d: {  	[timem:s7], [sflag:s22] =	dma.local [hbm:s5], s20  }
0x9e: {  	_ =	swait.ge [sflag:s22], s20  }
0x9f: {  	s4 =	ssub.s32 $0x0, s20;
	[sflag:s22] =	ssyncset.done $0x0  }
0xa0: {  	[sflag:s22] =	ssyncadd.s32 s4;
	_ =	sdelay $0x1  }
0xa1: {  	s23 =	simm.s32 $0x1B8B  }
0xa2: {  	_ =	swait.ge [sflag:s23], $0x1  }
0xa3: {  	[sflag:s23] =	ssyncset.done $0x0  }
0xa4: {  	s25 =	simm.s32 $0x1B8E;
	s24 =	sld [smem:$0x3FFE];
	[sflag:s23] =	ssyncadd.s32 $0xFFFFFFFF  }
0xa5: {  	s26 =	simm.s32 $execute0_lowered;
	[smem:$0x3FD2] =	sst s25  }
0xa6: {  	s5 =	sshll.u32 s26, $0x1;
	_ =	strace $0x80000046;
	[dreg:$0x1] =	wrdreg $0xFFFFFFFF  }
0xa7: {  	s28 =	simm.s32 $_size_execute0_lowered;
	s3 =	sadd.s32 s3, s5;
	[dreg:$0x0] =	wrdreg $0x0  }
0xa8: {  	s5 =	sshll.u32 s28, $0x1;
	[dreg:$0x2] =	wrdreg s3  }
0xa9: {  	[dreg:$0x3] =	wrdreg s5  }
0xaa: {  	[dreg:$0x4] =	wrdreg $0xC0  }
0xab: {  	_ =	task [dreg:s7], $0x5FFFF  }
0xac: {  	[dreg:$0x1] =	wrdreg $0xFFFFFFFF  }
0xad: {  	[dreg:$0x0] =	wrdreg $0x60  }
0xae: {  	[dreg:$0x2] =	wrdreg s24  }
0xaf: {  	[dreg:$0x3] =	wrdreg s2  }
0xb0: {  	[dreg:$0x4] =	wrdreg $0x9  }
0xb1: {  	_ =	task.clear_ibuf [dreg:s7], $0x5FFFF;
	_ =	strace $0x90000046  }
0xb2: {  	s29 =	simm.s32 $0x9;
	_ =	strace $0x80000048  }
0xb3: {  	_ =	swait.ge [sflag:s29], $0x1  }
0xb4: {  	[sflag:s29] =	ssyncadd.s32 $0xFFFFFFFF  }
0xb5: {  	_ =	strace $0x90000048  }
0xb6: {  	_ =	sfence  }
0xb7: {  	s30 =	sld [smem:$0x0];
	_ =	sdelay $0x2  }
0xb8: {  	s31 =	sshll.u32 s1, $0xD;
	s1 =	sshrl.u32 s1, $0x2  }
0xb9: {  	s3 =	sand.u32 $0x4000, s31;
	s1 =	sadd.s32 s1, s30  }
0xba: {  	s0 =	sor.u32 s3, s0;
	s1 =	sshll.u32 s1, $0x11  }
0xbb: {  	s0 =	sor.u32 s1, s0  }
0xbc: {  	s0 =	sadd.s32 $0x8F2B, s0  }
0xbd: {  	[sflag:s0] =	ssyncadd.remote.s32 $0x1  }
0xbe: {  	_ =	sfence.sel $0xFFFF  }
0xbf: {  	[dreg:$0x0] =	wrdreg $0xFFFFFFFF;
	(pc) =	sbr.abs _section_cstart, $3  }
0xc0: {  	[dreg:$0x1] =	wrdreg $0xFFFFFFFF  }
0xc1: {  	_ =	task.clear_ibuf [dreg:s7], $0x2FFFF;
	_ =	strace $0x9FFFFFFF  }
0xc2: {  	(tm) =	ssettm $0x7FFFFFFF  }
0xc3: {  	_ =	shalt  }
tec
execute0_lowered:
.L_overlay_start_1:
0x0: {  	(tag) =	ssettag $0x1  }
0x1: {  	s4 =	rddreg [dreg:$0x0]  }
0x2: {  	s1 =	srdreg.scid;
	s5 =	rddreg [dreg:$0x1]  }
0x3: {  	s2 =	simm.s32 $0x0;
	s3 =	sand.u32 $0x1, s1;
	s1 =	rddreg [dreg:$0x2]  }
0x4: {  	s20 =	simm.s32 $0x8480;
	[smem:$0x7FF] =	sst s2  }
0x5: {  	s21 =	simm.s32 $0x8880;
	_ =	strace $0x80000047;
	[dreg:$0xe] =	wrdreg s20  }
0x6: {  	s22 =	simm.s32 $0x8C80;
	[dreg:$0xf] =	wrdreg s21  }
0x7: {  	s23 =	simm.s32 $0x480;
	[dreg:$0x10] =	wrdreg s22  }
0x8: {  	s24 =	simm.s32 $0x880;
	[dreg:$0x11] =	wrdreg s23  }
0x9: {  	s25 =	simm.s32 $0xC80;
	[dreg:$0x12] =	wrdreg s24  }
0xa: {  	s0 =	stileid.u32;
	[dreg:$0x13] =	wrdreg s25;
	s20 =	simm.s32 $0x6080  }
0xb: {  	s6 =	sshll.u32 s0, $0x6;
	s21 =	simm.s32 $0x6480;
	[smem:$0x7F4] =	sst s20  }
0xc: {  	s8 =	sadd.s32 $0xC38A00, s4;
	s22 =	simm.s32 $0x6880;
	[smem:$0x7F5] =	sst s21  }
0xd: {  	s7 =	sshll.u32 s3, $0x5;
	s23 =	simm.s32 $0x6C80;
	[smem:$0x7F6] =	sst s22  }
0xe: {  	s24 =	simm.s32 $0x7080;
	s6 =	sor.u32 s7, s6;
	[smem:$0x7F7] =	sst s23  }
0xf: {  	s14 =	sadd.s32 $0xA00, s4;
	[smem:$0x7F8] =	sst s24;
	s7 =	sshrl.u32 s6, $0x3  }
0x10: {  	s6 =	sshll.u32 s6, $0x4;
	s5 =	sadd.s32 s5, s7;
	s26 =	sor.u32 $0x1, s7  }
0x11: {  	s9 =	sadd.s32 s8, s6;
	s11 =	sor.u32 $0x2, s7;
	s31 =	sor.u32 $0x3, s7  }
0x12: {  	s12 =	smul.u32 $0x18700, s7;
	s7 =	sadd.s32 s7, s4;
	[dreg:$0x3] =	wrdreg s5  }
0x13: {  	s4 =	sadd.s32 s6, s4;
	s6 =	simm.s32 $0x2880;
	[dreg:$0x4] =	wrdreg s9  }
0x14: {  	s10 =	sshll.u32 s26, $0x7;
	s19 =	sadd.s32 $0xC3CA00, s7;
	[dreg:$0x1a] =	wrdreg s6  }
0x15: {  	s13 =	sshll.u32 s31, $0x7;
	s4 =	sadd.s32 $0xC3CC00, s4;
	[dreg:$0xc] =	wrdreg s19  }
0x16: {  	s5 =	smul.u32 $0x18700, s26;
	s26 =	simm.s32 $0x1080;
	[dreg:$0xd] =	wrdreg s4  }
0x17: {  	s16 =	smul.u32 $0x18700, s31;
	s31 =	simm.s32 $0x2080;
	[dreg:$0x14] =	wrdreg s26  }
0x18: {  	s7 =	simm.s32 $0x2C80;
	[dreg:$0x18] =	wrdreg s31  }
0x19: {  	s9 =	simm.s32 $0x3480;
	[dreg:$0x1b] =	wrdreg s7  }
0x1a: {  	s29 =	sshll.u32 s11, $0x7;
	s28 =	sadd.s32 s8, s10;
	[dreg:$0x1d] =	wrdreg s9  }
0x1b: {  	s30 =	sadd.s32 s8, s29;
	[dreg:$0x5] =	wrdreg s28  }
0x1c: {  	s8 =	sadd.s32 s8, s13;
	[dreg:$0x6] =	wrdreg s30  }
0x1d: {  	s15 =	sadd.s32 s14, s12;
	[dreg:$0x7] =	wrdreg s8  }
0x1e: {  	s29 =	simm.s32 $0x1880;
	[dreg:$0x8] =	wrdreg s15  }
0x1f: {  	s10 =	simm.s32 $0x3880;
	[dreg:$0x16] =	wrdreg s29  }
0x20: {  	s12 =	simm.s32 $0x4080;
	[dreg:$0x1e] =	wrdreg s10  }
0x21: {  	s13 =	simm.s32 $0x4480;
	[smem:$0x7EC] =	sst s12  }
0x22: {  	s19 =	simm.s32 $0x5C80;
	[smem:$0x7ED] =	sst s13  }
0x23: {  	v0 =	vimm.s32 $0x3F80;
	vm0 =	vcmask $0x300;
	s26 =	simm.s32 $0x7480;
	[smem:$0x7F3] =	sst s19  }
0x24: {  	vm1 =	vcmask $0x704;
	v1 =	vimm.s32 $0x7F80;
	vm2 =	vcmask $0xB08;
	s11 =	smul.u32 $0x18700, s11;
	s31 =	simm.s32 $0x9100;
	[smem:$0x7F9] =	sst s26  }
0x25: {  	vm4 =	vcmask $0xF0C;
	vm5 =	vcmask $0x1310;
	v0 =	vsel vm0, $0x0, v0;
	s5 =	sadd.s32 s14, s5;
	[smem:$0x7FD] =	sst s31  }
0x26: {  	vm6 =	vcmask $0x1714;
	v1 =	vsel vm0, $0x4000, v1;
	v0 =	vsel vm1, $0x480, v0;
	s17 =	sadd.s32 s14, s11;
	[dreg:$0x9] =	wrdreg s5  }
0x27: {  	vm7 =	vcmask $0x1B18;
	v1 =	vsel vm1, $0x4480, v1;
	v0 =	vsel vm2, $0x900, v0;
	s18 =	sadd.s32 s14, s16;
	[dreg:$0xa] =	wrdreg s17  }
0x28: {  	vm8 =	vcmask $0x1F1C;
	v1 =	vsel vm2, $0x4900, v1;
	v0 =	vsel vm4, $0xD80, v0;
	s28 =	simm.s32 $0x1480;
	[dreg:$0xb] =	wrdreg s18  }
0x29: {  	vm9 =	vcmask $0x2320;
	v1 =	vsel vm4, $0x4D80, v1;
	v0 =	vsel vm5, $0x1200, v0;
	s30 =	simm.s32 $0x1C80;
	[dreg:$0x15] =	wrdreg s28  }
0x2a: {  	vm10 =	vcmask $0x2724;
	v1 =	vsel vm5, $0x5200, v1;
	v0 =	vsel vm6, $0x1680, v0;
	s8 =	simm.s32 $0x3080;
	[dreg:$0x17] =	wrdreg s30  }
0x2b: {  	vm11 =	vcmask $0x2B28;
	v1 =	vsel vm6, $0x5680, v1;
	v0 =	vsel vm7, $0x1B00, v0;
	s11 =	simm.s32 $0x3C80;
	[dreg:$0x1c] =	wrdreg s8  }
0x2c: {  	vm12 =	vcmask $0x2F2C;
	v1 =	vsel vm7, $0x5B00, v1;
	s14 =	simm.s32 $0x4880;
	v0 =	vsel vm8, $0x1F80, v0;
	[dreg:$0x1f] =	wrdreg s11  }
0x2d: {  	vm13 =	vcmask $0x3330;
	s15 =	simm.s32 $0x4C80;
	v1 =	vsel vm8, $0x5F80, v1;
	[smem:$0x7EE] =	sst s14;
	v0 =	vsel vm9, $0x2000, v0  }
0x2e: {  	v2 =	vlaneseq.u32;
	s16 =	simm.s32 $0x5080;
	[smem:$0x7EF] =	sst s15;
	v1 =	vsel vm9, $0x6000, v1;
	v0 =	vsel vm10, $0x2480, v0  }
0x2f: {  	vm14 =	vcmask $0x3734;
	s3 =	ssub.s32 $0x2, s3;
	s29 =	simm.s32 $0x7C80;
	[smem:$0x7F0] =	sst s16;
	v1 =	vsel vm10, $0x6480, v1;
	v0 =	vsel vm11, $0x2900, v0  }
0x30: {  	v2 =	vmul.u32 $0x80, v2;
	s25 =	sshrl.u32 s3, $0x1;
	s5 =	simm.s32 $0x2480;
	[smem:$0x7FB] =	sst s29;
	v1 =	vsel vm11, $0x6900, v1;
	v0 =	vsel vm12, $0x2D80, v0  }
0x31: {  	vm15 =	vcmask $0x3B38;
	s3 =	ssub.s32 s3, s25;
	s17 =	simm.s32 $0x5480;
	[dreg:$0x19] =	wrdreg s5;
	v1 =	vsel vm12, $0x6D80, v1;
	v0 =	vsel vm13, $0x3200, v0  }
0x32: {  	[tilespmem:$0x1FFE0] =	vst v2;
	v63 =	vor.u32 $0x800, v2;
	s3 =	smax.u32 s3, $0x1;
	s18 =	simm.s32 $0x5880;
	[smem:$0x7F1] =	sst s17;
	v1 =	vsel vm13, $0x7200, v1;
	v0 =	vsel vm14, $0x3680, v0  }
0x33: {  	[tilespmem:$0x1FFF0] =	vst v63;
	s6 =	simm.s32 $0x80;
	s28 =	simm.s32 $0x7880;
	[smem:$0x7F2] =	sst s18;
	v1 =	vsel vm14, $0x7680, v1;
	v0 =	vsel vm15, $0x3B00, v0  }
0x34: {  	s4 =	simm.s32 $0x2;
	s30 =	simm.s32 $0x9080;
	[smem:$0x7FA] =	sst s28;
	v62 =	vsel vm15, $0x7B00, v1;
	[tilespmem:$0x1FFC0] =	vst v0  }
0x35: {  	s7 =	simm.s32 $0x1;
	s5 =	simm.s32 $0x8080;
	[smem:$0x7FC] =	sst s30;
	[tilespmem:$0x1FFD0] =	vst v62  }
.LBB2_1:
0x36: {  	s8 =	rddreg [dreg:$0x3]  }
0x37: {  	[tilespmem:s2], [sflag:$0x2] =	stream.linear.gather [hbm4b:s8+s2], $0x20, $0x38;
	[tilespmem:$0xA100] =	vst v63  }
0x38: {  	_ =	swait.ge [sflag:s4], $0x20  }
0x39: {  	s18 =	rddreg [dreg:$0x4]  }
0x3a: {  	s9 =	rddreg [dreg:$0x5]  }
0x3b: {  	[sflag:s4] =	ssyncset.done $0x0;
	s10 =	rddreg [dreg:$0xe]  }
0x3c: {  	s19 =	rddreg [dreg:$0x6];
	[sflag:s4] =	ssyncadd.s32 $0xFFFFFFE0  }
0x3d: {  	[tilespmem:s5], [sflag:$0x1] =	stream.linear.gather [hbm4b:s18+s2], $0x400, $0x38;
	[tilespmem:$0xA100] =	vst v63  }
0x3e: {  	s20 =	rddreg [dreg:$0xf]  }
0x3f: {  	[tilespmem:s10], [sflag:$0x1] =	stream.linear.gather [hbm4b:s9+s2], $0x400, $0x38;
	[tilespmem:$0xA100] =	vst v63  }
0x40: {  	s21 =	rddreg [dreg:$0x7]  }
0x41: {  	[tilespmem:s20], [sflag:$0x1] =	stream.linear.gather [hbm4b:s19+s2], $0x400, $0x38;
	[tilespmem:$0xA100] =	vst v63  }
0x42: {  	s11 =	rddreg [dreg:$0x10]  }
0x43: {  	[tilespmem:s11], [sflag:$0x1] =	stream.linear.gather [hbm4b:s21+s2], $0x400, $0x38;
	[tilespmem:$0xA100] =	vst v63  }
0x44: {  	v0 =	vld [tilespmem:$0x0];
	_ =	sdelay $0x4  }
0x45: {  	v1 =	vshra.s32 v0, $0x1F;
	v2 =	vand.u32 $0x7F, v0  }
0x46: {  	vm0 =	vlt.s32 v0, $0x1;
	v1 =	vshrl.u32 v1, $0x19;
	vm1 =	vne.s32 v2, $0x0  }
0x47: {  	v6 =	vimm.s32 $0x0;
	v0 =	vadd.s32 v1, v0;
	vm0 =	vmand vm0, vm1  }
0x48: {  	v0 =	vshrl.u32 v0, $0x7;
	v5 =	vsel vm0, $0xFFFFFFFF, v6  }
0x49: {  	v0 =	vadd.s32 v5, v0  }
0x4a: {  	v0 =	vshll.u32 v0, $0x7  }
0x4b: {  	vm12 =	vlt.s32 v0, $0x18600  }
0x4c: {  	s22 =	rddreg [dreg:$0x8];
	v0 =	vnsel vm12, $0x18600, v0  }
0x4d: {  	v7 =	vadd.s32 s22, v0  }
0x4e: {  	(v2sf) =	vpush v7, $0x0;
	_ =	sdelay $0x1  }
0x4f: {  	(v2sf) =	vpush v7, $0x1;
	_ =	sdelay $0x1  }
0x50: {  	(v2sf) =	vpush v7, $0x2;
	_ =	sdelay $0x1  }
0x51: {  	(v2sf) =	vpush v7, $0x3  }
0x52: {  	(v2sf) =	vpush v7, $0x4;
	_ =	sdelay $0x1  }
0x53: {  	(v2sf) =	vpush v7, $0x5;
	_ =	sdelay $0x5  }
0x54: {  	s23 =	spop (v2sf);
	(v2sf) =	vpush v7, $0x6;
	_ =	sdelay $0x1  }
0x55: {  	s13 =	rddreg [dreg:$0x9];
	s25 =	spop (v2sf);
	(v2sf) =	vpush v7, $0x7  }
0x56: {  	v0 =	vadd.s32 s13, v0;
	[tilespmem:s6], [sflag:$0x1] =	stream.linear.gather [hbm4b:s23+s2], $0x400, $0x38;
	[tilespmem:$0xA100] =	vst v63  }
0x57: {  	s24 =	rddreg [dreg:$0x11];
	s28 =	spop (v2sf);
	(v2sf) =	vpush v0, $0x8  }
0x58: {  	[tilespmem:s24], [sflag:$0x1] =	stream.linear.gather [hbm4b:s25+s2], $0x400, $0x38;
	[tilespmem:$0xA100] =	vst v63  }
0x59: {  	s30 =	spop (v2sf);
	(v2sf) =	vpush v0, $0x9  }
0x5a: {  	s26 =	rddreg [dreg:$0x12];
	s9 =	spop (v2sf)  }
0x5b: {  	(v2sf) =	vpush v0, $0xA;
	[tilespmem:s26], [sflag:$0x1] =	stream.linear.gather [hbm4b:s28+s2], $0x400, $0x38;
	[tilespmem:$0xA100] =	vst v63  }
0x5c: {  	s29 =	rddreg [dreg:$0x13];
	s11 =	spop (v2sf)  }
0x5d: {  	(v2sf) =	vpush v0, $0xB;
	[tilespmem:s29], [sflag:$0x1] =	stream.linear.gather [hbm4b:s30+s2], $0x400, $0x38;
	[tilespmem:$0xA100] =	vst v63  }
0x5e: {  	s31 =	rddreg [dreg:$0x14]  }
0x5f: {  	(v2sf) =	vpush v0, $0xC;
	[tilespmem:s31], [sflag:$0x1] =	stream.linear.gather [hbm4b:s9+s2], $0x400, $0x38;
	[tilespmem:$0xA100] =	vst v63  }
0x60: {  	s12 =	rddreg [dreg:$0x15]  }
0x61: {  	(v2sf) =	vpush v0, $0xD;
	[tilespmem:s12], [sflag:$0x1] =	stream.linear.gather [hbm4b:s11+s2], $0x400, $0x38;
	[tilespmem:$0xA100] =	vst v63  }
0x62: {  	s14 =	rddreg [dreg:$0x16];
	s15 =	spop (v2sf)  }
0x63: {  	(v2sf) =	vpush v0, $0xE;
	[tilespmem:s14], [sflag:$0x1] =	stream.linear.gather [hbm4b:s15+s2], $0x400, $0x38;
	[tilespmem:$0xA100] =	vst v63  }
0x64: {  	s16 =	rddreg [dreg:$0x17];
	s17 =	spop (v2sf)  }
0x65: {  	(v2sf) =	vpush v0, $0xF;
	[tilespmem:s16], [sflag:$0x1] =	stream.linear.gather [hbm4b:s17+s2], $0x400, $0x38;
	[tilespmem:$0xA100] =	vst v63  }
0x66: {  	s18 =	rddreg [dreg:$0x18];
	s19 =	spop (v2sf)  }
0x67: {  	[tilespmem:s18], [sflag:$0x1] =	stream.linear.gather [hbm4b:s19+s2], $0x400, $0x38;
	[tilespmem:$0xA100] =	vst v63  }
0x68: {  	s20 =	rddreg [dreg:$0x19];
	s21 =	spop (v2sf)  }
0x69: {  	[tilespmem:s20], [sflag:$0x1] =	stream.linear.gather [hbm4b:s21+s2], $0x400, $0x38;
	[tilespmem:$0xA100] =	vst v63  }
0x6a: {  	s22 =	rddreg [dreg:$0x1a];
	s23 =	spop (v2sf)  }
0x6b: {  	[tilespmem:s22], [sflag:$0x1] =	stream.linear.gather [hbm4b:s23+s2], $0x400, $0x38;
	[tilespmem:$0xA100] =	vst v63  }
0x6c: {  	s24 =	rddreg [dreg:$0x1b];
	s25 =	spop (v2sf)  }
0x6d: {  	[tilespmem:s24], [sflag:$0x1] =	stream.linear.gather [hbm4b:s25+s2], $0x400, $0x38;
	[tilespmem:$0xA100] =	vst v63  }
0x6e: {  	s26 =	rddreg [dreg:$0x1c];
	s28 =	spop (v2sf)  }
0x6f: {  	[tilespmem:s26], [sflag:$0x1] =	stream.linear.gather [hbm4b:s28+s2], $0x400, $0x38;
	[tilespmem:$0xA100] =	vst v63  }
0x70: {  	s29 =	rddreg [dreg:$0x1d];
	s30 =	spop (v2sf)  }
0x71: {  	[tilespmem:s29], [sflag:$0x1] =	stream.linear.gather [hbm4b:s30+s2], $0x400, $0x38;
	[tilespmem:$0xA100] =	vst v63  }
0x72: {  	s31 =	rddreg [dreg:$0x1e];
	s11 =	spop (v2sf)  }
0x73: {  	[tilespmem:s31], [sflag:$0x1] =	stream.linear.gather [hbm4b:s11+s2], $0x400, $0x38;
	[tilespmem:$0xA100] =	vst v63  }
0x74: {  	s12 =	rddreg [dreg:$0x1f];
	s13 =	spop (v2sf)  }
0x75: {  	[tilespmem:s12], [sflag:$0x1] =	stream.linear.gather [hbm4b:s13+s2], $0x400, $0x38;
	[tilespmem:$0xA100] =	vst v63  }
0x76: {  	v8 =	vld [tilespmem:$0x10];
	_ =	sdelay $0x4  }
0x77: {  	v9 =	vshra.s32 v8, $0x1F;
	v10 =	vand.u32 $0x7F, v8  }
0x78: {  	vm13 =	vlt.s32 v8, $0x1;
	v1 =	vshrl.u32 v9, $0x19;
	vm14 =	vne.s32 v10, $0x0  }
0x79: {  	v0 =	vadd.s32 v1, v8;
	vm0 =	vmand vm13, vm14  }
0x7a: {  	v0 =	vshrl.u32 v0, $0x7;
	v11 =	vsel vm0, $0xFFFFFFFF, v6  }
0x7b: {  	v0 =	vadd.s32 v11, v0  }
0x7c: {  	v0 =	vshll.u32 v0, $0x7  }
0x7d: {  	vm15 =	vlt.s32 v0, $0x18600  }
0x7e: {  	s14 =	rddreg [dreg:$0xa];
	v0 =	vnsel vm15, $0x18600, v0  }
0x7f: {  	v12 =	vadd.s32 s14, v0  }
0x80: {  	(v2sf) =	vpush v12, $0x0;
	_ =	sdelay $0x1  }
0x81: {  	(v2sf) =	vpush v12, $0x1;
	_ =	sdelay $0x1  }
0x82: {  	(v2sf) =	vpush v12, $0x2;
	_ =	sdelay $0x1  }
0x83: {  	(v2sf) =	vpush v12, $0x3;
	_ =	sdelay $0x1  }
0x84: {  	(v2sf) =	vpush v12, $0x4;
	_ =	sdelay $0x1  }
0x85: {  	(v2sf) =	vpush v12, $0x5;
	_ =	sdelay $0x1  }
0x86: {  	(v2sf) =	vpush v12, $0x6  }
0x87: {  	s16 =	sld [smem:$0x7EC]  }
0x88: {  	s15 =	rddreg [dreg:$0xb];
	(v2sf) =	vpush v12, $0x7  }
0x89: {  	s18 =	sld [smem:$0x7ED];
	v0 =	vadd.s32 s15, v0;
	s17 =	spop (v2sf)  }
0x8a: {  	(v2sf) =	vpush v0, $0x8;
	[tilespmem:s16], [sflag:$0x1] =	stream.linear.gather [hbm4b:s17+s2], $0x400, $0x38;
	[tilespmem:$0xA100] =	vst v63  }
0x8b: {  	s20 =	sld [smem:$0x7EE];
	s19 =	spop (v2sf)  }
0x8c: {  	(v2sf) =	vpush v0, $0x9;
	[tilespmem:s18], [sflag:$0x1] =	stream.linear.gather [hbm4b:s19+s2], $0x400, $0x38;
	[tilespmem:$0xA100] =	vst v63  }
0x8d: {  	s22 =	sld [smem:$0x7EF];
	s21 =	spop (v2sf)  }
0x8e: {  	(v2sf) =	vpush v0, $0xA;
	[tilespmem:s20], [sflag:$0x1] =	stream.linear.gather [hbm4b:s21+s2], $0x400, $0x38;
	[tilespmem:$0xA100] =	vst v63  }
0x8f: {  	s24 =	sld [smem:$0x7F0];
	s23 =	spop (v2sf)  }
0x90: {  	(v2sf) =	vpush v0, $0xB;
	[tilespmem:s22], [sflag:$0x1] =	stream.linear.gather [hbm4b:s23+s2], $0x400, $0x38;
	[tilespmem:$0xA100] =	vst v63  }
0x91: {  	s26 =	sld [smem:$0x7F1];
	s25 =	spop (v2sf)  }
0x92: {  	(v2sf) =	vpush v0, $0xC;
	[tilespmem:s24], [sflag:$0x1] =	stream.linear.gather [hbm4b:s25+s2], $0x400, $0x38;
	[tilespmem:$0xA100] =	vst v63  }
0x93: {  	s29 =	sld [smem:$0x7F2];
	s28 =	spop (v2sf)  }
0x94: {  	(v2sf) =	vpush v0, $0xD;
	[tilespmem:s26], [sflag:$0x1] =	stream.linear.gather [hbm4b:s28+s2], $0x400, $0x38;
	[tilespmem:$0xA100] =	vst v63  }
0x95: {  	s31 =	sld [smem:$0x7F3];
	s30 =	spop (v2sf)  }
0x96: {  	(v2sf) =	vpush v0, $0xE;
	[tilespmem:s29], [sflag:$0x1] =	stream.linear.gather [hbm4b:s30+s2], $0x400, $0x38;
	[tilespmem:$0xA100] =	vst v63  }
0x97: {  	s11 =	sld [smem:$0x7F4];
	s10 =	spop (v2sf)  }
0x98: {  	(v2sf) =	vpush v0, $0xF;
	[tilespmem:s31], [sflag:$0x1] =	stream.linear.gather [hbm4b:s10+s2], $0x400, $0x38;
	[tilespmem:$0xA100] =	vst v63  }
0x99: {  	s13 =	sld [smem:$0x7F5];
	s12 =	spop (v2sf)  }
0x9a: {  	[tilespmem:s11], [sflag:$0x1] =	stream.linear.gather [hbm4b:s12+s2], $0x400, $0x38;
	[tilespmem:$0xA100] =	vst v63  }
0x9b: {  	s15 =	sld [smem:$0x7F6];
	s14 =	spop (v2sf)  }
0x9c: {  	[tilespmem:s13], [sflag:$0x1] =	stream.linear.gather [hbm4b:s14+s2], $0x400, $0x38;
	[tilespmem:$0xA100] =	vst v63  }
0x9d: {  	s17 =	sld [smem:$0x7F7];
	s16 =	spop (v2sf)  }
0x9e: {  	[tilespmem:s15], [sflag:$0x1] =	stream.linear.gather [hbm4b:s16+s2], $0x400, $0x38;
	[tilespmem:$0xA100] =	vst v63  }
0x9f: {  	s19 =	sld [smem:$0x7F8];
	s18 =	spop (v2sf)  }
0xa0: {  	[tilespmem:s17], [sflag:$0x1] =	stream.linear.gather [hbm4b:s18+s2], $0x400, $0x38;
	[tilespmem:$0xA100] =	vst v63  }
0xa1: {  	s21 =	sld [smem:$0x7F9];
	s20 =	spop (v2sf)  }
0xa2: {  	[tilespmem:s19], [sflag:$0x1] =	stream.linear.gather [hbm4b:s20+s2], $0x400, $0x38;
	[tilespmem:$0xA100] =	vst v63  }
0xa3: {  	s23 =	sld [smem:$0x7FA];
	s22 =	spop (v2sf)  }
0xa4: {  	[tilespmem:s21], [sflag:$0x1] =	stream.linear.gather [hbm4b:s22+s2], $0x400, $0x38;
	[tilespmem:$0xA100] =	vst v63  }
0xa5: {  	s25 =	sld [smem:$0x7FB];
	s24 =	spop (v2sf)  }
0xa6: {  	[tilespmem:s23], [sflag:$0x1] =	stream.linear.gather [hbm4b:s24+s2], $0x400, $0x38;
	[tilespmem:$0xA100] =	vst v63  }
0xa7: {  	s26 =	spop (v2sf)  }
0xa8: {  	[tilespmem:s25], [sflag:$0x1] =	stream.linear.gather [hbm4b:s26+s2], $0x400, $0x38;
	[tilespmem:$0xA100] =	vst v63  }
0xa9: {  	_ =	swait.ge [sflag:s7], $0x400  }
0xaa: {  	[sflag:s7] =	ssyncset.done $0x0  }
0xab: {  	[sflag:s7] =	ssyncadd.s32 $0xFFFFFC00  }
0xac: {  	_ =	swait.ge [sflag:s7], $0x400  }
0xad: {  	[sflag:s7] =	ssyncset.done $0x0  }
0xae: {  	[sflag:s7] =	ssyncadd.s32 $0xFFFFFC00  }
0xaf: {  	_ =	swait.ge [sflag:s7], $0x400  }
0xb0: {  	[sflag:s7] =	ssyncset.done $0x0  }
0xb1: {  	[sflag:s7] =	ssyncadd.s32 $0xFFFFFC00  }
0xb2: {  	_ =	swait.ge [sflag:s7], $0x400  }
0xb3: {  	[sflag:s7] =	ssyncset.done $0x0  }
0xb4: {  	[sflag:s7] =	ssyncadd.s32 $0xFFFFFC00  }
0xb5: {  	_ =	swait.ge [sflag:s7], $0x400  }
0xb6: {  	[sflag:s7] =	ssyncset.done $0x0  }
0xb7: {  	[sflag:s7] =	ssyncadd.s32 $0xFFFFFC00  }
0xb8: {  	_ =	swait.ge [sflag:s7], $0x400  }
0xb9: {  	[sflag:s7] =	ssyncset.done $0x0  }
0xba: {  	[sflag:s7] =	ssyncadd.s32 $0xFFFFFC00  }
0xbb: {  	_ =	swait.ge [sflag:s7], $0x400  }
0xbc: {  	[sflag:s7] =	ssyncset.done $0x0  }
0xbd: {  	[sflag:s7] =	ssyncadd.s32 $0xFFFFFC00  }
0xbe: {  	_ =	swait.ge [sflag:s7], $0x400  }
0xbf: {  	[sflag:s7] =	ssyncset.done $0x0  }
0xc0: {  	[sflag:s7] =	ssyncadd.s32 $0xFFFFFC00  }
0xc1: {  	_ =	swait.ge [sflag:s7], $0x400  }
0xc2: {  	[sflag:s7] =	ssyncset.done $0x0  }
0xc3: {  	[sflag:s7] =	ssyncadd.s32 $0xFFFFFC00  }
0xc4: {  	_ =	swait.ge [sflag:s7], $0x400  }
0xc5: {  	[sflag:s7] =	ssyncset.done $0x0  }
0xc6: {  	[sflag:s7] =	ssyncadd.s32 $0xFFFFFC00  }
0xc7: {  	_ =	swait.ge [sflag:s7], $0x400  }
0xc8: {  	[sflag:s7] =	ssyncset.done $0x0  }
0xc9: {  	[sflag:s7] =	ssyncadd.s32 $0xFFFFFC00  }
0xca: {  	_ =	swait.ge [sflag:s7], $0x400  }
0xcb: {  	[sflag:s7] =	ssyncset.done $0x0  }
0xcc: {  	[sflag:s7] =	ssyncadd.s32 $0xFFFFFC00  }
0xcd: {  	_ =	swait.ge [sflag:s7], $0x400  }
0xce: {  	[sflag:s7] =	ssyncset.done $0x0  }
0xcf: {  	[sflag:s7] =	ssyncadd.s32 $0xFFFFFC00  }
0xd0: {  	_ =	swait.ge [sflag:s7], $0x400  }
0xd1: {  	[sflag:s7] =	ssyncset.done $0x0  }
0xd2: {  	[sflag:s7] =	ssyncadd.s32 $0xFFFFFC00  }
0xd3: {  	_ =	swait.ge [sflag:s7], $0x400  }
0xd4: {  	[sflag:s7] =	ssyncset.done $0x0  }
0xd5: {  	[sflag:s7] =	ssyncadd.s32 $0xFFFFFC00  }
0xd6: {  	_ =	swait.ge [sflag:s7], $0x400  }
0xd7: {  	[sflag:s7] =	ssyncset.done $0x0  }
0xd8: {  	[sflag:s7] =	ssyncadd.s32 $0xFFFFFC00  }
0xd9: {  	_ =	swait.ge [sflag:s7], $0x400  }
0xda: {  	[sflag:s7] =	ssyncset.done $0x0  }
0xdb: {  	[sflag:s7] =	ssyncadd.s32 $0xFFFFFC00  }
0xdc: {  	_ =	swait.ge [sflag:s7], $0x400  }
0xdd: {  	[sflag:s7] =	ssyncset.done $0x0  }
0xde: {  	[sflag:s7] =	ssyncadd.s32 $0xFFFFFC00  }
0xdf: {  	_ =	swait.ge [sflag:s7], $0x400  }
0xe0: {  	[sflag:s7] =	ssyncset.done $0x0  }
0xe1: {  	[sflag:s7] =	ssyncadd.s32 $0xFFFFFC00  }
0xe2: {  	_ =	swait.ge [sflag:s7], $0x400  }
0xe3: {  	[sflag:s7] =	ssyncset.done $0x0  }
0xe4: {  	[sflag:s7] =	ssyncadd.s32 $0xFFFFFC00  }
0xe5: {  	_ =	swait.ge [sflag:s7], $0x400  }
0xe6: {  	[sflag:s7] =	ssyncset.done $0x0  }
0xe7: {  	[sflag:s7] =	ssyncadd.s32 $0xFFFFFC00  }
0xe8: {  	_ =	swait.ge [sflag:s7], $0x400  }
0xe9: {  	[sflag:s7] =	ssyncset.done $0x0  }
0xea: {  	[sflag:s7] =	ssyncadd.s32 $0xFFFFFC00  }
0xeb: {  	_ =	swait.ge [sflag:s7], $0x400  }
0xec: {  	[sflag:s7] =	ssyncset.done $0x0  }
0xed: {  	[sflag:s7] =	ssyncadd.s32 $0xFFFFFC00  }
0xee: {  	_ =	swait.ge [sflag:s7], $0x400  }
0xef: {  	[sflag:s7] =	ssyncset.done $0x0  }
0xf0: {  	[sflag:s7] =	ssyncadd.s32 $0xFFFFFC00  }
0xf1: {  	_ =	swait.ge [sflag:s7], $0x400  }
0xf2: {  	[sflag:s7] =	ssyncset.done $0x0  }
0xf3: {  	[sflag:s7] =	ssyncadd.s32 $0xFFFFFC00  }
0xf4: {  	_ =	swait.ge [sflag:s7], $0x400  }
0xf5: {  	[sflag:s7] =	ssyncset.done $0x0  }
0xf6: {  	[sflag:s7] =	ssyncadd.s32 $0xFFFFFC00  }
0xf7: {  	_ =	swait.ge [sflag:s7], $0x400  }
0xf8: {  	[sflag:s7] =	ssyncset.done $0x0  }
0xf9: {  	[sflag:s7] =	ssyncadd.s32 $0xFFFFFC00  }
0xfa: {  	_ =	swait.ge [sflag:s7], $0x400  }
0xfb: {  	[sflag:s7] =	ssyncset.done $0x0  }
0xfc: {  	[sflag:s7] =	ssyncadd.s32 $0xFFFFFC00  }
0xfd: {  	_ =	swait.ge [sflag:s7], $0x400  }
0xfe: {  	[sflag:s7] =	ssyncset.done $0x0  }
0xff: {  	[sflag:s7] =	ssyncadd.s32 $0xFFFFFC00  }
0x100: {  	_ =	swait.ge [sflag:s7], $0x400  }
0x101: {  	[sflag:s7] =	ssyncset.done $0x0  }
0x102: {  	[sflag:s7] =	ssyncadd.s32 $0xFFFFFC00  }
0x103: {  	_ =	swait.ge [sflag:s7], $0x400  }
0x104: {  	[sflag:s7] =	ssyncset.done $0x0  }
0x105: {  	[sflag:s7] =	ssyncadd.s32 $0xFFFFFC00  }
0x106: {  	_ =	swait.ge [sflag:s7], $0x400  }
0x107: {  	[sflag:s7] =	ssyncset.done $0x0  }
0x108: {  	[sflag:s7] =	ssyncadd.s32 $0xFFFFFC00  }
0x109: {  	_ =	swait.ge [sflag:s7], $0x400  }
0x10a: {  	[sflag:s7] =	ssyncset.done $0x0  }
0x10b: {  	[sflag:s7] =	ssyncadd.s32 $0xFFFFFC00  }
0x10c: {  	_ =	swait.ge [sflag:s7], $0x400  }
0x10d: {  	[sflag:s7] =	ssyncset.done $0x0  }
0x10e: {  	[sflag:s7] =	ssyncadd.s32 $0xFFFFFC00  }
0x10f: {  	_ =	swait.ge [sflag:s7], $0x400  }
0x110: {  	[sflag:s7] =	ssyncset.done $0x0  }
0x111: {  	[sflag:s7] =	ssyncadd.s32 $0xFFFFFC00  }
0x112: {  	_ =	swait.ge [sflag:s7], $0x400  }
0x113: {  	[sflag:s7] =	ssyncset.done $0x0  }
0x114: {  	[sflag:s7] =	ssyncadd.s32 $0xFFFFFC00  }
0x115: {  	v13 =	vld [tilespmem:$0x0];
	_ =	sdelay $0x4  }
0x116: {  	v17 =	vld [tilespmem:$0x10];
	v14 =	vshra.s32 v13, $0x1F;
	v15 =	vand.u32 $0x7F, v13  }
0x117: {  	vm4 =	vlt.s32 v13, $0x1;
	v1 =	vshrl.u32 v14, $0x19;
	vm5 =	vne.s32 v15, $0x0  }
0x118: {  	v1 =	vadd.s32 v1, v13;
	vm0 =	vmand vm4, vm5  }
0x119: {  	v1 =	vshrl.u32 v1, $0x7;
	v16 =	vsel vm0, $0xFFFFFFFF, v6  }
0x11a: {  	v3 =	vadd.s32 $0xFFFE7980, v13;
	v1 =	vadd.s32 v16, v1  }
0x11b: {  	v4 =	vshra.s32 v17, $0x1F;
	v5 =	vand.u32 $0x7F, v17;
	v1 =	vshll.u32 v1, $0x7  }
0x11c: {  	v20 =	vld [tilespmem:$0x1FFE0];
	vm8 =	vlt.s32 v17, $0x1;
	v4 =	vshrl.u32 v4, $0x19;
	vm6 =	vlt.s32 v1, $0x18600  }
0x11d: {  	v19 =	vld [tilespmem:$0x1FFC0];
	vm9 =	vne.s32 v5, $0x0;
	vm10 =	vgt.s32 v3, $0x0;
	v1 =	vnsel vm6, $0x18600, v1  }
0x11e: {  	v4 =	vadd.s32 v4, v17;
	v3 =	vnsel vm10, $0x0, v3;
	v1 =	vsub.s32 v13, v1  }
0x11f: {  	vm0 =	vmand vm8, vm9;
	v4 =	vshrl.u32 v4, $0x7;
	vm7 =	vgt.s32 v1, $0x0  }
0x120: {  	v3 =	vmin.u32 v3, $0x7F;
	v18 =	vsel vm0, $0xFFFFFFFF, v6;
	v1 =	vnsel vm7, $0x0, v1  }
0x121: {  	v3 =	vor.u32 v20, v3;
	v4 =	vadd.s32 v18, v4;
	v1 =	vmin.u32 v1, $0x7F  }
0x122: {  	v4 =	vshll.u32 v4, $0x7;
	v1 =	vor.u32 v19, v1  }
0x123: {  	vm11 =	vlt.s32 v4, $0x18600  }
0x124: {  	v22 =	vld [tilespmem:$0x1FFD0];
	v4 =	vnsel vm11, $0x18600, v4  }
0x125: {  	v23 =	vld [tilespmem:$0x1FFF0];
	v4 =	vsub.s32 v17, v4  }
0x126: {  	v21 =	vadd.s32 $0xFFFE7980, v17;
	v3 =	vld.idx.msk [tilespmem:v3+s5+$0x0], $0xffff;
	vm12 =	vgt.s32 v4, $0x0  }
0x127: {  	vm13 =	vgt.s32 v21, $0x0;
	v4 =	vnsel vm12, $0x0, v4;
	v1 =	vld.idx.msk [tilespmem:v1+s6+$0x0], $0xffff  }
0x128: {  	v5 =	vnsel vm13, $0x0, v21;
	v4 =	vmin.u32 v4, $0x7F  }
0x129: {  	v5 =	vmin.u32 v5, $0x7F;
	v4 =	vor.u32 v22, v4  }
0x12a: {  	v5 =	vor.u32 v23, v5  }
0x12b: {  	vm14 =	vgt.s32 v13, $0x1867F  }
0x12c: {  	v0 =	vsel vm14, v3, v1  }
0x12d: {  	[tilespmem:$0x9080] =	vst v0  }
0x12e: {  	v0 =	vld.idx.msk [tilespmem:v4+s6+$0x0], $0xffff  }
0x12f: {  	v24 =	vld.idx.msk [tilespmem:v5+s5+$0x0], $0xffff;
	_ =	sdelay $0x3  }
0x130: {  	s29 =	sld [smem:$0x7FC];
	vm15 =	vgt.s32 v17, $0x1867F  }
0x131: {  	v0 =	vsel vm15, v24, v0  }
0x132: {  	s28 =	rddreg [dreg:$0xc];
	[tilespmem:$0x9090] =	vst v0  }
0x133: {  	[hbm4b:s28+s2] =	stream.linear.scatter [tilespmem:s29], [sflag:$0x2], $0x20, $0x38;
	[tilespmem:$0xA100] =	vst v63  }
0x134: {  	_ =	swait.ge [sflag:s4], $0x20  }
0x135: {  	[sflag:s4] =	ssyncset.done $0x0  }
0x136: {  	[sflag:s4] =	ssyncadd.s32 $0xFFFFFFE0  }
0x137: {  	v25 =	vld [tilespmem:$0x8080]  }
0x138: {  	v26 =	vld [tilespmem:$0x8090]  }
0x139: {  	v27 =	vld [tilespmem:$0x80A0]  }
0x13a: {  	v28 =	vld [tilespmem:$0x80B0]  }
0x13b: {  	v29 =	vld [tilespmem:$0x80C0]  }
0x13c: {  	v31 =	vld [tilespmem:$0x80D0]  }
0x13d: {  	v32 =	vld [tilespmem:$0x80E0]  }
0x13e: {  	v35 =	vld [tilespmem:$0x80F0]  }
0x13f: {  	v36 =	vld [tilespmem:$0x8100]  }
0x140: {  	v39 =	vld [tilespmem:$0x8110]  }
0x141: {  	v60 =	vld [tilespmem:$0x81C0]  }
0x142: {  	v11 =	vld [tilespmem:$0x81E0]  }
0x143: {  	v13 =	vld [tilespmem:$0x8200]  }
0x144: {  	v14 =	vld [tilespmem:$0x8240];
	v0 =	vmul.f32 $1.600000000e+01, v25;
	v1 =	vmul.f32 $1.600000000e+01, v26  }
0x145: {  	v40 =	vld [tilespmem:$0x8120];
	v2 =	vmul.f32 $1.600000000e+01, v27;
	v3 =	vmul.f32 $1.600000000e+01, v28  }
0x146: {  	v17 =	vld [tilespmem:$0x81F0];
	v4 =	vmul.f32 $1.600000000e+01, v29;
	v5 =	vmul.f32 $1.600000000e+01, v32  }
0x147: {  	v24 =	vld [tilespmem:$0x8210];
	v6 =	vmul.f32 $1.600000000e+01, v60;
	v11 =	vmul.f32 $1.600000000e+01, v11;
	v0 =	vadd.f32 $-1.600000000e+01, v0  }
0x148: {  	v43 =	vld [tilespmem:$0x8130];
	v13 =	vmul.f32 $1.600000000e+01, v13;
	v1 =	vadd.f32 $-1.600000000e+01, v1;
	v30 =	vadd.f32 $-1.600000000e+01, v2  }
0x149: {  	v44 =	vld [tilespmem:$0x8140];
	v14 =	vmul.f32 $1.600000000e+01, v14;
	v33 =	vadd.f32 $-1.600000000e+01, v3;
	v34 =	vadd.f32 $-1.600000000e+01, v4  }
0x14a: {  	v48 =	vld [tilespmem:$0x8160];
	v2 =	vmul.f32 $1.600000000e+01, v31;
	v38 =	vadd.f32 $-1.600000000e+01, v5;
	v3 =	vmul.f32 $1.600000000e+01, v35  }
0x14b: {  	v28 =	vld [tilespmem:$0x8230];
	v4 =	vmul.f32 $1.600000000e+01, v36;
	v5 =	vmul.f32 $1.600000000e+01, v40;
	v16 =	vadd.f32 $-1.600000000e+01, v6  }
0x14c: {  	v47 =	vld [tilespmem:$0x8150];
	v19 =	vadd.f32 $-1.600000000e+01, v11;
	v6 =	vmul.f32 $1.600000000e+01, v17;
	v11 =	vmul.f32 $1.600000000e+01, v24  }
0x14d: {  	v51 =	vld [tilespmem:$0x8170];
	v0 =	vmul.f32 $1.442695020e+00, v0;
	v1 =	vmul.f32 $1.442695020e+00, v1;
	v37 =	vadd.f32 $-1.600000000e+01, v2  }
0x14e: {  	v52 =	vld [tilespmem:$0x8180];
	v41 =	vadd.f32 $-1.600000000e+01, v3;
	v42 =	vadd.f32 $-1.600000000e+01, v4;
	v2 =	vmul.f32 $1.600000000e+01, v39  }
0x14f: {  	v56 =	vld [tilespmem:$0x81A0];
	v46 =	vadd.f32 $-1.600000000e+01, v5;
	v3 =	vmul.f32 $1.600000000e+01, v43;
	v4 =	vmul.f32 $1.600000000e+01, v44  }
0x150: {  	v31 =	vld [tilespmem:$0x8250];
	v5 =	vmul.f32 $1.600000000e+01, v48;
	v26 =	vadd.f32 $-1.600000000e+01, v6;
	v6 =	vmul.f32 $1.600000000e+01, v28  }
0x151: {  	v55 =	vld [tilespmem:$0x8190];
	(erf) = vpow2.f32 v0;
	v0 =	vmul.f32 $1.442695020e+00, v30  }
0x152: {  	v59 =	vld [tilespmem:$0x81B0];
	v45 =	vadd.f32 $-1.600000000e+01, v2;
	v49 =	vadd.f32 $-1.600000000e+01, v3;
	v2 =	vmul.f32 $1.600000000e+01, v47  }
0x153: {  	v50 =	vadd.f32 $-1.600000000e+01, v4;
	v3 =	vmul.f32 $1.600000000e+01, v51;
	v4 =	vmul.f32 $1.600000000e+01, v52  }
0x154: {  	v54 =	vadd.f32 $-1.600000000e+01, v5;
	v5 =	vmul.f32 $1.600000000e+01, v56;
	(erf) = vpow2.f32 v1  }
0x155: {  	v63 =	vld [tilespmem:$0x81D0];
	v1 =	vmul.f32 $1.442695020e+00, v33;
	v35 =	vmul.f32 $1.600000000e+01, v31  }
0x156: {  	v28 =	vld [tilespmem:$0x82E0];
	(erf) = vpow2.f32 v0;
	v0 =	vmul.f32 $1.442695020e+00, v34;
	v53 =	vadd.f32 $-1.600000000e+01, v2  }
0x157: {  	v58 =	vadd.f32 $-1.600000000e+01, v4;
	v2 =	vmul.f32 $1.600000000e+01, v55;
	v4 =	vmul.f32 $1.600000000e+01, v59  }
0x158: {  	v62 =	vadd.f32 $-1.600000000e+01, v5;
	(erf) = vpow2.f32 v1;
	v1 =	vmul.f32 $1.442695020e+00, v37  }
0x159: {  	(erf) = vpow2.f32 v0;
	v0 =	vmul.f32 $1.442695020e+00, v38  }
0x15a: {  	v34 =	vld [tilespmem:$0x8270];
	v61 =	vadd.f32 $-1.600000000e+01, v2;
	v12 =	vmul.f32 $1.442695020e+00, v62;
	v2 =	vmul.f32 $1.600000000e+01, v63  }
0x15b: {  	v15 =	vadd.f32 $-1.600000000e+01, v4;
	v4 =	vmul.f32 $1.442695020e+00, v16;
	v28 =	vmul.f32 $1.600000000e+01, v28  }
0x15c: {  	(erf) = vpow2.f32 v1;
	v1 =	vmul.f32 $1.442695020e+00, v41  }
0x15d: {  	v16 =	vld [tilespmem:$0x8260];
	(erf) = vpow2.f32 v0;
	v0 =	vmul.f32 $1.442695020e+00, v42  }
0x15e: {  	v32 =	vadd.f32 $-1.600000000e+01, v6;
	v38 =	vld [tilespmem:$0x8290];
	v18 =	vmul.f32 $1.442695020e+00, v15;
	(erf) = vpow2.f32 v1  }
0x15f: {  	v2 =	vadd.f32 $-1.600000000e+01, v2;
	v1 =	vmul.f32 $1.442695020e+00, v45;
	v6 =	vmul.f32 $1.600000000e+01, v34  }
0x160: {  	v42 =	vld [tilespmem:$0x82B0];
	(erf) = vpow2.f32 v0;
	v0 =	vmul.f32 $1.442695020e+00, v46  }
0x161: {  	v2 =	vmul.f32 $1.442695020e+00, v2;
	(erf) = vpow2.f32 v1  }
0x162: {  	v1 =	vmul.f32 $1.442695020e+00, v49;
	v16 =	vmul.f32 $1.600000000e+01, v16  }
0x163: {  	v33 =	vadd.f32 $-1.600000000e+01, v14;
	v14 =	vmul.f32 $1.600000000e+01, v38;
	(erf) = vpow2.f32 v0  }
0x164: {  	v39 =	vld [tilespmem:$0x82A0];
	v57 =	vadd.f32 $-1.600000000e+01, v3;
	v0 =	vmul.f32 $1.442695020e+00, v50;
	(erf) = vpow2.f32 v1  }
0x165: {  	v48 =	vld [tilespmem:$0x82F0];
	v9 =	vpop (erf);
	v40 =	vadd.f32 $-1.600000000e+01, v6;
	v1 =	vmul.f32 $1.442695020e+00, v53;
	v6 =	vmul.f32 $1.600000000e+01, v42  }
0x166: {  	v45 =	vld [tilespmem:$0x82D0];
	v10 =	vpop (erf);
	(erf) = vpow2.f32 v0;
	v0 =	vmul.f32 $1.442695020e+00, v54  }
0x167: {  	v56 =	vld [tilespmem:$0x8330];
	v7 =	vpop (erf);
	(erf) = vpow2.f32 v1;
	v1 =	vmul.f32 $1.442695020e+00, v57  }
0x168: {  	v53 =	vld [tilespmem:$0x8320];
	v8 =	vpop (erf);
	(erf) = vpow2.f32 v0;
	v0 =	vmul.f32 $1.442695020e+00, v58  }
0x169: {  	v25 =	vld [tilespmem:$0x8220];
	v37 =	vadd.f32 $-1.600000000e+01, v16;
	v3 =	vpop (erf);
	(erf) = vpow2.f32 v1;
	v1 =	vmul.f32 $1.442695020e+00, v61  }
0x16a: {  	v16 =	vmul.f32 $1.600000000e+01, v39;
	v46 =	vadd.f32 $-1.600000000e+01, v6;
	v6 =	vmul.f32 $1.600000000e+01, v48  }
0x16b: {  	v49 =	vmul.f32 $1.600000000e+01, v45;
	v5 =	vpop (erf);
	(erf) = vpow2.f32 v0  }
0x16c: {  	v54 =	vadd.f32 $-1.600000000e+01, v6;
	v6 =	vmul.f32 $1.600000000e+01, v56;
	v0 =	vpop (erf);
	(erf) = vpow2.f32 v1  }
0x16d: {  	v51 =	vadd.f32 $-1.600000000e+01, v28;
	v61 =	vld [tilespmem:$0x8360];
	v28 =	vmul.f32 $1.600000000e+01, v53;
	(erf) = vpow2.f32 v12;
	v1 =	vpop (erf)  }
0x16e: {  	v12 =	vmul.f32 $1.600000000e+01, v25;
	v21 =	vpop (erf);
	(erf) = vpow2.f32 v18  }
0x16f: {  	v27 =	vadd.f32 $-1.600000000e+01, v13;
	v18 =	vld [tilespmem:$0x8280];
	(erf) = vpow2.f32 v4;
	v23 =	vpop (erf);
	v4 =	vmul.f32 $1.442695020e+00, v19  }
0x170: {  	v29 =	vadd.f32 $-1.600000000e+01, v11;
	v17 =	vpop (erf);
	(erf) = vpow2.f32 v2;
	v2 =	vmul.f32 $1.442695020e+00, v26  }
0x171: {  	v59 =	vadd.f32 $-1.600000000e+01, v28;
	(erf) = vpow2.f32 v4;
	v4 =	vmul.f32 $1.442695020e+00, v27  }
0x172: {  	v28 =	vmul.f32 $1.600000000e+01, v61;
	v30 =	vadd.f32 $-1.600000000e+01, v12;
	v19 =	vpop (erf);
	(erf) = vpow2.f32 v2  }
0x173: {  	v27 =	vld [tilespmem:$0x82C0];
	v13 =	vpop (erf);
	v2 =	vmul.f32 $1.442695020e+00, v29;
	(erf) = vpow2.f32 v4  }
0x174: {  	v29 =	vld [tilespmem:$0x8300];
	v4 =	vmul.f32 $1.442695020e+00, v30;
	v18 =	vmul.f32 $1.600000000e+01, v18  }
0x175: {  	v36 =	vadd.f32 $-1.600000000e+01, v35;
	v15 =	vpop (erf);
	(erf) = vpow2.f32 v2;
	v2 =	vmul.f32 $1.442695020e+00, v32  }
0x176: {  	v52 =	vld [tilespmem:$0x8310];
	v11 =	vpop (erf);
	(erf) = vpow2.f32 v4;
	v4 =	vmul.f32 $1.442695020e+00, v33  }
0x177: {  	v57 =	vld [tilespmem:$0x8340];
	v12 =	vpop (erf);
	(erf) = vpow2.f32 v2;
	v2 =	vmul.f32 $1.442695020e+00, v36  }
0x178: {  	v43 =	vadd.f32 $-1.600000000e+01, v14;
	v25 =	vpop (erf);
	v27 =	vmul.f32 $1.600000000e+01, v27;
	(erf) = vpow2.f32 v4  }
0x179: {  	v60 =	vld [tilespmem:$0x8350];
	v44 =	vadd.f32 $-1.600000000e+01, v16;
	v4 =	vmul.f32 $1.442695020e+00, v37;
	v29 =	vmul.f32 $1.600000000e+01, v29  }
0x17a: {  	v41 =	vadd.f32 $-1.600000000e+01, v18;
	v36 =	vld [tilespmem:$0x8370];
	v26 =	vpop (erf);
	(erf) = vpow2.f32 v2;
	v2 =	vmul.f32 $1.442695020e+00, v40  }
0x17b: {  	v39 =	vld [tilespmem:$0x8380];
	v22 =	vpop (erf);
	v47 =	vadd.f32 $-1.600000000e+01, v27;
	v27 =	vmul.f32 $1.600000000e+01, v52;
	(erf) = vpow2.f32 v4  }
0x17c: {  	v48 =	vld [tilespmem:$0x83A0];
	v4 =	vmul.f32 $1.442695020e+00, v41;
	v55 =	vadd.f32 $-1.600000000e+01, v29;
	v29 =	vmul.f32 $1.600000000e+01, v57  }
0x17d: {  	v50 =	vadd.f32 $-1.600000000e+01, v49;
	v24 =	vpop (erf);
	(erf) = vpow2.f32 v2;
	v2 =	vmul.f32 $1.442695020e+00, v43  }
0x17e: {  	v18 =	vpop (erf);
	v58 =	vadd.f32 $-1.600000000e+01, v27;
	v27 =	vmul.f32 $1.600000000e+01, v60;
	(erf) = vpow2.f32 v4  }
0x17f: {  	v62 =	vadd.f32 $-1.600000000e+01, v6;
	v52 =	vld [tilespmem:$0x83C0];
	v4 =	vmul.f32 $1.442695020e+00, v44;
	v6 =	vmul.f32 $1.600000000e+01, v36  }
0x180: {  	v20 =	vpop (erf);
	v63 =	vadd.f32 $-1.600000000e+01, v29;
	v29 =	vmul.f32 $1.600000000e+01, v39;
	(erf) = vpow2.f32 v2  }
0x181: {  	v44 =	vld [tilespmem:$0x83E0];
	v2 =	vmul.f32 $1.442695020e+00, v46;
	v46 =	vadd.f32 $-1.600000000e+01, v28;
	v28 =	vmul.f32 $1.600000000e+01, v48  }
0x182: {  	v14 =	vpop (erf);
	(erf) = vpow2.f32 v4;
	v4 =	vmul.f32 $1.442695020e+00, v47  }
0x183: {  	v48 =	vld [tilespmem:$0x8460];
	v16 =	vpop (erf);
	(erf) = vpow2.f32 v2;
	v2 =	vmul.f32 $1.442695020e+00, v50  }
0x184: {  	v47 =	vld [tilespmem:$0x8390];
	v38 =	vpop (erf);
	v50 =	vadd.f32 $-1.600000000e+01, v29;
	v29 =	vmul.f32 $1.600000000e+01, v52;
	(erf) = vpow2.f32 v4  }
0x185: {  	v40 =	vpop (erf);
	v4 =	vmul.f32 $1.442695020e+00, v51;
	(erf) = vpow2.f32 v2  }
0x186: {  	v61 =	vld [tilespmem:$0x8420];
	v2 =	vmul.f32 $1.442695020e+00, v54;
	v44 =	vmul.f32 $1.600000000e+01, v44  }
0x187: {  	v35 =	vpop (erf);
	(erf) = vpow2.f32 v4;
	v4 =	vmul.f32 $1.442695020e+00, v55  }
0x188: {  	v51 =	vld [tilespmem:$0x83B0];
	v29 =	vadd.f32 $-1.600000000e+01, v29;
	v37 =	vpop (erf);
	v48 =	vmul.f32 $1.600000000e+01, v48;
	(erf) = vpow2.f32 v2  }
0x189: {  	v45 =	vadd.f32 $-1.600000000e+01, v27;
	v2 =	vmul.f32 $1.442695020e+00, v58;
	v27 =	vmul.f32 $1.600000000e+01, v47  }
0x18a: {  	v55 =	vld [tilespmem:$0x83D0];
	v33 =	vpop (erf);
	v29 =	vmul.f32 $1.442695020e+00, v29;
	(erf) = vpow2.f32 v4  }
0x18b: {  	v4 =	vmul.f32 $1.442695020e+00, v59;
	v59 =	vadd.f32 $-1.600000000e+01, v44;
	v44 =	vmul.f32 $1.600000000e+01, v61  }
0x18c: {  	v34 =	vpop (erf);
	(erf) = vpow2.f32 v2;
	v2 =	vmul.f32 $1.442695020e+00, v62  }
0x18d: {  	v31 =	vpop (erf);
	v30 =	vmul.f32 $1.600000000e+01, v51;
	(erf) = vpow2.f32 v4  }
0x18e: {  	v49 =	vadd.f32 $-1.600000000e+01, v6;
	v32 =	vpop (erf);
	v4 =	vmul.f32 $1.442695020e+00, v63;
	(erf) = vpow2.f32 v2  }
0x18f: {  	v53 =	vadd.f32 $-1.600000000e+01, v27;
	v42 =	vpop (erf);
	v2 =	vmul.f32 $1.442695020e+00, v45;
	v27 =	vmul.f32 $1.600000000e+01, v55  }
0x190: {  	v58 =	vld [tilespmem:$0x83F0];
	(erf) = vpow2.f32 v4;
	v43 =	vpop (erf);
	v4 =	vmul.f32 $1.442695020e+00, v46  }
0x191: {  	v45 =	vld [tilespmem:$0x8400];
	v39 =	vpop (erf);
	(erf) = vpow2.f32 v2;
	v2 =	vmul.f32 $1.442695020e+00, v49  }
0x192: {  	v60 =	vld [tilespmem:$0x8410];
	v54 =	vadd.f32 $-1.600000000e+01, v28;
	(erf) = vpow2.f32 v4;
	v41 =	vpop (erf);
	v4 =	vmul.f32 $1.442695020e+00, v50  }
0x193: {  	v56 =	vmul.f32 $1.442695020e+00, v53;
	v57 =	vadd.f32 $-1.600000000e+01, v30;
	v53 =	vld [tilespmem:$0x8430];
	v36 =	vpop (erf);
	(erf) = vpow2.f32 v2  }
0x194: {  	v46 =	vld [tilespmem:$0x8440];
	v27 =	vadd.f32 $-1.600000000e+01, v27;
	(erf) = vpow2.f32 v4;
	v4 =	vmul.f32 $1.442695020e+00, v54  }
0x195: {  	v30 =	vmul.f32 $1.600000000e+01, v58;
	v28 =	vmul.f32 $1.442695020e+00, v57  }
0x196: {  	v27 =	vmul.f32 $1.442695020e+00, v27;
	v6 =	vpop (erf);
	v45 =	vmul.f32 $1.600000000e+01, v45  }
0x197: {  	v54 =	vmul.f32 $1.600000000e+01, v60;
	v2 =	vpop (erf);
	(erf) = vpow2.f32 v56  }
0x198: {  	v47 =	vmul.f32 $1.600000000e+01, v53;
	(erf) = vpow2.f32 v4;
	v4 =	vpop (erf)  }
0x199: {  	v62 =	vadd.f32 $-1.600000000e+01, v30;
	v46 =	vmul.f32 $1.600000000e+01, v46;
	v51 =	vpop (erf);
	(erf) = vpow2.f32 v28  }
0x19a: {  	v57 =	vld [tilespmem:$0x8450];
	v63 =	vadd.f32 $-1.600000000e+01, v45;
	v28 =	vmul.f32 $1.442695020e+00, v59;
	(erf) = vpow2.f32 v29;
	v52 =	vpop (erf)  }
0x19b: {  	v55 =	vadd.f32 $-1.600000000e+01, v54;
	v49 =	vpop (erf);
	(erf) = vpow2.f32 v27;
	v27 =	vmul.f32 $1.442695020e+00, v62  }
0x19c: {  	v56 =	vadd.f32 $-1.600000000e+01, v44;
	v59 =	vld [tilespmem:$0x8470];
	(erf) = vpow2.f32 v28;
	v50 =	vpop (erf);
	v28 =	vmul.f32 $1.442695020e+00, v63  }
0x19d: {  	v53 =	vld [tilespmem:$0x8480];
	v46 =	vadd.f32 $-1.600000000e+01, v46;
	v45 =	vmul.f32 $1.442695020e+00, v55;
	v29 =	vpop (erf);
	(erf) = vpow2.f32 v27  }
0x19e: {  	v58 =	vadd.f32 $-1.600000000e+01, v47;
	(erf) = vpow2.f32 v28;
	v28 =	vmul.f32 $1.442695020e+00, v56  }
0x19f: {  	v44 =	vmul.f32 $1.600000000e+01, v57;
	v46 =	vmul.f32 $1.442695020e+00, v46;
	v56 =	vld [tilespmem:$0x84A0]  }
0x1a0: {  	v30 =	vpop (erf);
	(erf) = vpow2.f32 v45;
	v45 =	vmul.f32 $1.442695020e+00, v58  }
0x1a1: {  	v44 =	vadd.f32 $-1.600000000e+01, v44;
	v47 =	vmul.f32 $1.600000000e+01, v59;
	v27 =	vpop (erf);
	(erf) = vpow2.f32 v28  }
0x1a2: {  	v60 =	vadd.f32 $-1.600000000e+01, v48;
	v61 =	vmul.f32 $1.600000000e+01, v53;
	v28 =	vpop (erf);
	(erf) = vpow2.f32 v45  }
0x1a3: {  	v44 =	vmul.f32 $1.442695020e+00, v44;
	v62 =	vadd.f32 $-1.600000000e+01, v47;
	v54 =	vpop (erf);
	(erf) = vpow2.f32 v46;
	v46 =	vld [tilespmem:$0x8490]  }
0x1a4: {  	v63 =	vadd.f32 $-1.600000000e+01, v61;
	v58 =	vld [tilespmem:$0x84C0];
	v45 =	vmul.f32 $1.442695020e+00, v60;
	v56 =	vmul.f32 $1.600000000e+01, v56  }
0x1a5: {  	v9 =	vadd.f32 $0.0e+00, v9;
	v60 =	vld [tilespmem:$0x84B0];
	v55 =	vpop (erf);
	(erf) = vpow2.f32 v44;
	v44 =	vmul.f32 $1.442695020e+00, v62  }
0x1a6: {  	v53 =	vpop (erf);
	(erf) = vpow2.f32 v45;
	v45 =	vmul.f32 $1.442695020e+00, v63  }
0x1a7: {  	v9 =	vadd.f32 v10, v9;
	v48 =	vpop (erf);
	(erf) = vpow2.f32 v44  }
0x1a8: {  	v57 =	vmul.f32 $1.600000000e+01, v46;
	v46 =	vpop (erf);
	(erf) = vpow2.f32 v45;
	v45 =	vadd.f32 $-1.600000000e+01, v56;
	v56 =	vld [tilespmem:$0x84D0]  }
0x1a9: {  	v58 =	vmul.f32 $1.600000000e+01, v58  }
0x1aa: {  	v9 =	vadd.f32 v7, v9;
	v59 =	vmul.f32 $1.600000000e+01, v60;
	v60 =	vld [tilespmem:$0x84E0];
	v61 =	vadd.f32 $-1.600000000e+01, v57  }
0x1ab: {  	v21 =	vadd.f32 $0.0e+00, v21;
	v58 =	vadd.f32 $-1.600000000e+01, v58  }
0x1ac: {  	v62 =	vadd.f32 $-1.600000000e+01, v59;
	v59 =	vld [tilespmem:$0x84F0];
	v45 =	vmul.f32 $1.442695020e+00, v45;
	v57 =	vmul.f32 $1.442695020e+00, v61  }
0x1ad: {  	v9 =	vadd.f32 v8, v9;
	v58 =	vmul.f32 $1.442695020e+00, v58;
	v61 =	vmul.f32 $1.600000000e+01, v56  }
0x1ae: {  	v21 =	vadd.f32 v23, v21;
	v47 =	vpop (erf);
	(erf) = vpow2.f32 v57;
	v57 =	vmul.f32 $1.442695020e+00, v62;
	v62 =	vld [tilespmem:$0x8500]  }
0x1af: {  	v9 =	vadd.f32 v3, v9;
	v44 =	vpop (erf);
	v60 =	vmul.f32 $1.600000000e+01, v60;
	(erf) = vpow2.f32 v45  }
0x1b0: {  	v17 =	vadd.f32 v17, v21;
	v45 =	vpop (erf);
	(erf) = vpow2.f32 v57;
	v57 =	vadd.f32 $-1.600000000e+01, v61  }
0x1b1: {  	v59 =	vmul.f32 $1.600000000e+01, v59;
	v56 =	vpop (erf);
	(erf) = vpow2.f32 v58;
	v58 =	vadd.f32 $-1.600000000e+01, v60;
	v60 =	vld [tilespmem:$0x8510]  }
0x1b2: {  	v9 =	vadd.f32 v5, v9;
	v17 =	vadd.f32 v19, v17;
	v61 =	vld [tilespmem:$0x8520];
	v57 =	vmul.f32 $1.442695020e+00, v57  }
0x1b3: {  	v63 =	vadd.f32 $-1.600000000e+01, v59;
	v59 =	vld [tilespmem:$0x8530];
	v58 =	vmul.f32 $1.442695020e+00, v58;
	v62 =	vmul.f32 $1.600000000e+01, v62  }
0x1b4: {  	v9 =	vadd.f32 v0, v9;
	v10 =	vpop (erf);
	(erf) = vpow2.f32 v57  }
0x1b5: {  	v19 =	vld [tilespmem:$0x8570];
	v13 =	vadd.f32 v13, v17;
	v7 =	vpop (erf);
	(erf) = vpow2.f32 v58;
	v58 =	vadd.f32 $-1.600000000e+01, v62  }
0x1b6: {  	v9 =	vadd.f32 v1, v9;
	v57 =	vmul.f32 $1.442695020e+00, v63;
	v62 =	vld [tilespmem:$0x8540];
	v60 =	vmul.f32 $1.600000000e+01, v60  }
0x1b7: {  	v13 =	vadd.f32 v15, v13;
	v15 =	vld [tilespmem:$0x8590];
	v63 =	vmul.f32 $1.600000000e+01, v61;
	v23 =	vmul.f32 $1.442695020e+00, v58  }
0x1b8: {  	v8 =	vpop (erf);
	(erf) = vpow2.f32 v57;
	v61 =	vadd.f32 $-1.600000000e+01, v60;
	v60 =	vmul.f32 $1.600000000e+01, v59;
	v59 =	vld [tilespmem:$0x8560]  }
0x1b9: {  	v25 =	vadd.f32 $0.0e+00, v25;
	v3 =	vpop (erf);
	v63 =	vadd.f32 $-1.600000000e+01, v63;
	(erf) = vpow2.f32 v23;
	v23 =	vld [tilespmem:$0x8550]  }
0x1ba: {  	v19 =	vmul.f32 $1.600000000e+01, v19;
	v11 =	vadd.f32 v11, v13;
	v57 =	vmul.f32 $1.442695020e+00, v61  }
0x1bb: {  	v61 =	vmul.f32 $1.442695020e+00, v63;
	v63 =	vmul.f32 $1.600000000e+01, v62;
	v60 =	vadd.f32 $-1.600000000e+01, v60  }
0x1bc: {  	v19 =	vadd.f32 $-1.600000000e+01, v19;
	v15 =	vmul.f32 $1.600000000e+01, v15;
	v5 =	vpop (erf);
	(erf) = vpow2.f32 v57;
	v57 =	vld [tilespmem:$0x8580]  }
0x1bd: {  	v0 =	vpop (erf);
	v62 =	vmul.f32 $1.442695020e+00, v60;
	(erf) = vpow2.f32 v61;
	v61 =	vadd.f32 $-1.600000000e+01, v63  }
0x1be: {  	v11 =	vadd.f32 v12, v11;
	v60 =	vmul.f32 $1.600000000e+01, v59;
	v23 =	vmul.f32 $1.600000000e+01, v23  }
0x1bf: {  	v19 =	vmul.f32 $1.442695020e+00, v19;
	v15 =	vadd.f32 $-1.600000000e+01, v15;
	v1 =	vpop (erf);
	v63 =	vmul.f32 $1.442695020e+00, v61  }
0x1c0: {  	v59 =	vpop (erf);
	(erf) = vpow2.f32 v62;
	v62 =	vadd.f32 $-1.600000000e+01, v60;
	v61 =	vadd.f32 $-1.600000000e+01, v23  }
0x1c1: {  	v23 =	vld [tilespmem:$0x85A0];
	(erf) = vpow2.f32 v63;
	v63 =	vadd.f32 v26, v25;
	v57 =	vmul.f32 $1.600000000e+01, v57  }
0x1c2: {  	v60 =	vadd.f32 $0.0e+00, v38;
	v26 =	vmul.f32 $1.442695020e+00, v62;
	v62 =	vld [tilespmem:$0x85B0];
	v21 =	vmul.f32 $1.442695020e+00, v61  }
0x1c3: {  	v15 =	vmul.f32 $1.442695020e+00, v15;
	v25 =	vpop (erf);
	v17 =	vadd.f32 v22, v63;
	v61 =	vadd.f32 $-1.600000000e+01, v57;
	v63 =	vld [tilespmem:$0x85C0]  }
0x1c4: {  	v54 =	vadd.f32 $0.0e+00, v54;
	v58 =	vpop (erf);
	(erf) = vpow2.f32 v21;
	v21 =	vadd.f32 v40, v60  }
0x1c5: {  	v38 =	vpop (erf);
	v60 =	vld [tilespmem:$0x85D0];
	(erf) = vpow2.f32 v26;
	v17 =	vadd.f32 v24, v17;
	v12 =	vmul.f32 $1.442695020e+00, v61  }
0x1c6: {  	v40 =	vpop (erf);
	v23 =	vmul.f32 $1.600000000e+01, v23;
	(erf) = vpow2.f32 v19;
	v57 =	vadd.f32 v35, v21  }
0x1c7: {  	[tilespmem:$0x1FC50] =	vst v25;
	v61 =	vld [tilespmem:$0x85E0];
	v13 =	vmul.f32 $1.600000000e+01, v62;
	v17 =	vadd.f32 v18, v17;
	(erf) = vpow2.f32 v12  }
0x1c8: {  	v25 =	vld [tilespmem:$0x85F0];
	[tilespmem:$0x1FC60] =	vst v58;
	v58 =	vadd.f32 $-1.600000000e+01, v23;
	v18 =	vadd.f32 v37, v57;
	v63 =	vmul.f32 $1.600000000e+01, v63  }
0x1c9: {  	v62 =	vpop (erf);
	v35 =	vld [tilespmem:$0x8640];
	(erf) = vpow2.f32 v15;
	v13 =	vadd.f32 $-1.600000000e+01, v13;
	v57 =	vadd.f32 $0.0e+00, v42  }
0x1ca: {  	v17 =	vadd.f32 v20, v17;
	v12 =	vmul.f32 $1.442695020e+00, v58;
	v26 =	vmul.f32 $1.600000000e+01, v60  }
0x1cb: {  	[tilespmem:$0x1FC90] =	vst v40;
	v23 =	vadd.f32 v33, v18;
	v24 =	vadd.f32 $-1.600000000e+01, v63;
	v13 =	vmul.f32 $1.442695020e+00, v13  }
0x1cc: {  	[tilespmem:$0x1FCA0] =	vst v62;
	v37 =	vld [tilespmem:$0x8600];
	v40 =	vmul.f32 $1.600000000e+01, v61;
	v62 =	vadd.f32 v43, v57;
	v14 =	vadd.f32 v14, v17  }
0x1cd: {  	v22 =	vpop (erf);
	(erf) = vpow2.f32 v12;
	v58 =	vadd.f32 $-1.600000000e+01, v26;
	v17 =	vmul.f32 $1.600000000e+01, v25  }
0x1ce: {  	v61 =	vld [tilespmem:$0x8610];
	v26 =	vadd.f32 $0.0e+00, v51;
	v21 =	vmul.f32 $1.600000000e+01, v35;
	v15 =	vadd.f32 v34, v23  }
0x1cf: {  	[tilespmem:$0x1FC70] =	vst v38;
	v38 =	vpop (erf);
	v63 =	vld [tilespmem:$0x8620];
	v12 =	vmul.f32 $1.442695020e+00, v24;
	(erf) = vpow2.f32 v13;
	v60 =	vadd.f32 $-1.600000000e+01, v40  }
0x1d0: {  	v57 =	vld [tilespmem:$0x8660];
	v19 =	vadd.f32 v39, v62;
	v14 =	vadd.f32 v16, v14;
	v13 =	vmul.f32 $1.442695020e+00, v58  }
0x1d1: {  	v18 =	vmul.f32 $1.600000000e+01, v37;
	v25 =	vadd.f32 $-1.600000000e+01, v17;
	v17 =	vadd.f32 v52, v26  }
0x1d2: {  	v33 =	vpop (erf);
	v15 =	vadd.f32 v31, v15;
	(erf) = vpow2.f32 v12;
	v12 =	vmul.f32 $1.442695020e+00, v60  }
0x1d3: {  	v34 =	vld [tilespmem:$0x8630];
	v24 =	vpop (erf);
	v19 =	vadd.f32 v41, v19;
	(erf) = vpow2.f32 v13;
	v13 =	vmul.f32 $1.442695020e+00, v25  }
0x1d4: {  	v35 =	vld [tilespmem:$0x8690];
	v31 =	vadd.f32 $-1.600000000e+01, v18;
	v16 =	vmul.f32 $1.600000000e+01, v61;
	v20 =	vmul.f32 $1.600000000e+01, v63  }
0x1d5: {  	[tilespmem:$0x1FCC0] =	vst v22;
	v52 =	vld [tilespmem:$0x8650];
	v49 =	vadd.f32 v49, v17;
	v22 =	vmul.f32 $1.600000000e+01, v57;
	v15 =	vadd.f32 v32, v15  }
0x1d6: {  	v32 =	vpop (erf);
	(erf) = vpow2.f32 v12;
	v19 =	vadd.f32 v36, v19;
	v12 =	vmul.f32 $1.442695020e+00, v31  }
0x1d7: {  	v42 =	vpop (erf);
	(erf) = vpow2.f32 v13;
	v43 =	vadd.f32 $-1.600000000e+01, v16;
	v51 =	vadd.f32 $-1.600000000e+01, v20  }
0x1d8: {  	v60 =	vld [tilespmem:$0x8670];
	v18 =	vmul.f32 $1.600000000e+01, v34;
	v16 =	vadd.f32 v50, v49;
	v20 =	vadd.f32 v55, v54  }
0x1d9: {  	v63 =	vld [tilespmem:$0x8680];
	v31 =	vadd.f32 $0.0e+00, v56;
	v34 =	vadd.f32 $-1.600000000e+01, v21;
	v21 =	vmul.f32 $1.600000000e+01, v35  }
0x1da: {  	v39 =	vpop (erf);
	v17 =	vmul.f32 $1.600000000e+01, v52;
	v6 =	vadd.f32 v6, v19;
	(erf) = vpow2.f32 v12  }
0x1db: {  	v36 =	vld [tilespmem:$0x86A0];
	v13 =	vmul.f32 $1.442695020e+00, v43;
	v62 =	vadd.f32 $-1.600000000e+01, v18;
	v20 =	vadd.f32 v53, v20  }
0x1dc: {  	v12 =	vmul.f32 $1.442695020e+00, v51;
	v10 =	vadd.f32 v10, v31;
	v43 =	vadd.f32 $-1.600000000e+01, v22  }
0x1dd: {  	v41 =	vmul.f32 $1.600000000e+01, v60;
	v53 =	vadd.f32 $-1.600000000e+01, v21;
	v16 =	vadd.f32 v29, v16  }
0x1de: {  	v58 =	vpop (erf);
	v40 =	vadd.f32 $-1.600000000e+01, v17;
	v18 =	vmul.f32 $1.600000000e+01, v63;
	v2 =	vadd.f32 v2, v6  }
0x1df: {  	v26 =	vld [tilespmem:$0x86B0];
	v61 =	vpop (erf);
	(erf) = vpow2.f32 v13;
	v13 =	vmul.f32 $1.442695020e+00, v62;
	v17 =	vadd.f32 $-1.600000000e+01, v41  }
0x1e0: {  	v35 =	vld [tilespmem:$0x8710];
	v51 =	vmul.f32 $1.600000000e+01, v36;
	v7 =	vadd.f32 v7, v10;
	v56 =	vmul.f32 $1.442695020e+00, v53  }
0x1e1: {  	v29 =	vld [tilespmem:$0x86E0];
	v57 =	vadd.f32 v48, v20;
	v62 =	vadd.f32 v30, v16;
	(erf) = vpow2.f32 v12  }
0x1e2: {  	v37 =	vpop (erf);
	v30 =	vld [tilespmem:$0x86F0];
	v12 =	vmul.f32 $1.442695020e+00, v34;
	v18 =	vadd.f32 $-1.600000000e+01, v18;
	v2 =	vadd.f32 v4, v2  }
0x1e3: {  	[tilespmem:$0x1FCD0] =	vst v38;
	v48 =	vld [tilespmem:$0x8770];
	v38 =	vpop (erf);
	(erf) = vpow2.f32 v13;
	v13 =	vmul.f32 $1.442695020e+00, v40;
	v55 =	vadd.f32 $-1.600000000e+01, v51  }
0x1e4: {  	[tilespmem:$0x1FCB0] =	vst v42;
	v34 =	vld [tilespmem:$0x8700];
	v42 =	vpop (erf);
	v52 =	vmul.f32 $1.442695020e+00, v17;
	v7 =	vadd.f32 v8, v7;
	v60 =	vadd.f32 v46, v57  }
0x1e5: {  	[tilespmem:$0x9100] =	vst v9;
	v9 =	vadd.f32 v27, v62;
	v40 =	vld [tilespmem:$0x8730];
	(erf) = vpow2.f32 v12;
	v49 =	vpop (erf);
	v12 =	vmul.f32 $1.442695020e+00, v43  }
0x1e6: {  	[tilespmem:$0x1FCE0] =	vst v58;
	v27 =	vld [tilespmem:$0x86C0];
	v54 =	vmul.f32 $1.442695020e+00, v18;
	v50 =	vpop (erf);
	v58 =	vmul.f32 $1.442695020e+00, v55;
	v3 =	vadd.f32 v3, v7  }
0x1e7: {  	[tilespmem:$0x1FC80] =	vst v24;
	v63 =	vadd.f32 v47, v60;
	v18 =	vadd.f32 v28, v9;
	v28 =	vld [tilespmem:$0x86D0];
	v24 =	vpop (erf);
	(erf) = vpow2.f32 v13  }
0x1e8: {  	[tilespmem:$0x1FCF0] =	vst v38;
	v38 =	vld [tilespmem:$0x8720];
	v4 =	vmul.f32 $1.600000000e+01, v30;
	v23 =	vpop (erf);
	(erf) = vpow2.f32 v12;
	v3 =	vadd.f32 v5, v3  }
0x1e9: {  	[tilespmem:$0x9180] =	vst v11;
	v51 =	vld [tilespmem:$0x8780];
	v11 =	vadd.f32 v44, v63;
	v5 =	vmul.f32 $1.600000000e+01, v35;
	v21 =	vpop (erf);
	(erf) = vpow2.f32 v52  }
0x1ea: {  	[tilespmem:$0x1FD20] =	vst v37;
	v43 =	vld [tilespmem:$0x8740];
	v37 =	vadd.f32 $-1.600000000e+01, v4;
	v4 =	vmul.f32 $1.600000000e+01, v40;
	v17 =	vpop (erf);
	(erf) = vpow2.f32 v54  }
0x1eb: {  	[tilespmem:$0x1FD10] =	vst v42;
	v44 =	vld [tilespmem:$0x8750];
	v0 =	vadd.f32 v0, v3;
	v19 =	vadd.f32 v45, v11;
	v3 =	vmul.f32 $1.600000000e+01, v29  }
0x1ec: {  	[tilespmem:$0x9300] =	vst v2;
	v47 =	vld [tilespmem:$0x8760];
	v42 =	vadd.f32 $-1.600000000e+01, v5;
	v22 =	vpop (erf);
	(erf) = vpow2.f32 v56;
	v2 =	vmul.f32 $1.600000000e+01, v28  }
0x1ed: {  	[tilespmem:$0x1FD00] =	vst v61;
	v55 =	vld [tilespmem:$0x87A0];
	v46 =	vadd.f32 $-1.600000000e+01, v4;
	v4 =	vmul.f32 $1.600000000e+01, v48;
	v61 =	vpop (erf);
	(erf) = vpow2.f32 v58  }
0x1ee: {  	v52 =	vld [tilespmem:$0x8790];
	v0 =	vadd.f32 v1, v0;
	v1 =	vmul.f32 $1.600000000e+01, v27;
	v36 =	vadd.f32 $-1.600000000e+01, v3  }
0x1ef: {  	[tilespmem:$0x1FD40] =	vst v50;
	v56 =	vld [tilespmem:$0x87B0];
	v3 =	vmul.f32 $1.600000000e+01, v38;
	v31 =	vadd.f32 $-1.600000000e+01, v2;
	v2 =	vmul.f32 $1.600000000e+01, v34  }
0x1f0: {  	v62 =	vld [tilespmem:$0x87D0];
	v5 =	vmul.f32 $1.600000000e+01, v44;
	v54 =	vadd.f32 $-1.600000000e+01, v4;
	[tilespmem:$0x9480] =	vst v0;
	v0 =	vmul.f32 $1.600000000e+01, v26  }
0x1f1: {  	[tilespmem:$0x9400] =	vst v19;
	v19 =	vld [tilespmem:$0x87E0];
	v1 =	vadd.f32 $-1.600000000e+01, v1;
	v45 =	vadd.f32 $-1.600000000e+01, v3;
	v3 =	vmul.f32 $1.600000000e+01, v47  }
0x1f2: {  	[tilespmem:$0x1FD50] =	vst v61;
	v20 =	vpop (erf);
	v61 =	vld [tilespmem:$0x87C0];
	v41 =	vadd.f32 $-1.600000000e+01, v2;
	v2 =	vmul.f32 $1.600000000e+01, v43;
	v50 =	vadd.f32 $-1.600000000e+01, v5  }
0x1f3: {  	v12 =	vpop (erf);
	v5 =	vmul.f32 $1.600000000e+01, v52;
	v0 =	vadd.f32 $-1.600000000e+01, v0;
	v1 =	vmul.f32 $1.442695020e+00, v1  }
0x1f4: {  	v10 =	vpop (erf);
	v53 =	vadd.f32 $-1.600000000e+01, v3;
	v3 =	vmul.f32 $1.600000000e+01, v55;
	v4 =	vmul.f32 $1.600000000e+01, v56  }
0x1f5: {  	[tilespmem:$0x1FD30] =	vst v49;
	v30 =	vld [tilespmem:$0x8800];
	v16 =	vpop (erf);
	v49 =	vadd.f32 $-1.600000000e+01, v2;
	v2 =	vmul.f32 $1.600000000e+01, v51;
	v60 =	vadd.f32 $-1.600000000e+01, v5  }
0x1f6: {  	[tilespmem:$0x9200] =	vst v14;
	v14 =	vpop (erf);
	v5 =	vmul.f32 $1.600000000e+01, v62;
	v0 =	vmul.f32 $1.442695020e+00, v0;
	v13 =	vadd.f32 $-1.600000000e+01, v3  }
0x1f7: {  	v43 =	vld [tilespmem:$0x8840];
	v9 =	vpop (erf);
	v3 =	vmul.f32 $1.600000000e+01, v19;
	v58 =	vadd.f32 $-1.600000000e+01, v2;
	v2 =	vmul.f32 $1.600000000e+01, v61  }
0x1f8: {  	v25 =	vpop (erf);
	(erf) = vpow2.f32 v0;
	v0 =	vmul.f32 $1.442695020e+00, v31  }
0x1f9: {  	[tilespmem:$0x1FD70] =	vst v25;
	v25 =	vld [tilespmem:$0x87F0];
	(erf) = vpow2.f32 v1;
	v1 =	vmul.f32 $1.442695020e+00, v36  }
0x1fa: {  	v31 =	vld [tilespmem:$0x8810];
	v28 =	vadd.f32 $-1.600000000e+01, v2;
	v2 =	vmul.f32 $1.600000000e+01, v30;
	(erf) = vpow2.f32 v0  }
0x1fb: {  	v0 =	vmul.f32 $1.442695020e+00, v37;
	(erf) = vpow2.f32 v1  }
0x1fc: {  	v38 =	vld [tilespmem:$0x8830];
	v1 =	vmul.f32 $1.442695020e+00, v41;
	v41 =	vadd.f32 $-1.600000000e+01, v2;
	v2 =	vmul.f32 $1.600000000e+01, v43  }
0x1fd: {  	v37 =	vld [tilespmem:$0x8820];
	(erf) = vpow2.f32 v0;
	v0 =	vmul.f32 $1.442695020e+00, v42  }
0x1fe: {  	[tilespmem:$0x9380] =	vst v18;
	v18 =	vadd.f32 $-1.600000000e+01, v4;
	(erf) = vpow2.f32 v1;
	v1 =	vmul.f32 $1.442695020e+00, v45  }
0x1ff: {  	v29 =	vadd.f32 $-1.600000000e+01, v5;
	v4 =	vmul.f32 $1.600000000e+01, v25;
	v5 =	vmul.f32 $1.600000000e+01, v31  }
0x200: {  	(erf) = vpow2.f32 v0;
	v0 =	vmul.f32 $1.442695020e+00, v46  }
0x201: {  	v44 =	vld [tilespmem:$0x8850];
	v35 =	vadd.f32 $-1.600000000e+01, v3;
	(erf) = vpow2.f32 v1;
	v1 =	vmul.f32 $1.442695020e+00, v49  }
0x202: {  	v36 =	vadd.f32 $-1.600000000e+01, v4;
	v3 =	vmul.f32 $1.600000000e+01, v37;
	v4 =	vmul.f32 $1.600000000e+01, v38  }
0x203: {  	[tilespmem:$0x9280] =	vst v15;
	v15 =	vpop (erf);
	v49 =	vld [tilespmem:$0x8860];
	(erf) = vpow2.f32 v0;
	v0 =	vmul.f32 $1.442695020e+00, v50  }
0x204: {  	[tilespmem:$0x1FD60] =	vst v10;
	v10 =	vpop (erf);
	(erf) = vpow2.f32 v1;
	v1 =	vmul.f32 $1.442695020e+00, v53  }
0x205: {  	v57 =	vpop (erf);
	(erf) = vpow2.f32 v0;
	v0 =	vmul.f32 $1.442695020e+00, v54  }
0x206: {  	v42 =	vadd.f32 $-1.600000000e+01, v5;
	v5 =	vmul.f32 $1.600000000e+01, v44;
	v63 =	vpop (erf);
	(erf) = vpow2.f32 v1  }
0x207: {  	v1 =	vmul.f32 $1.442695020e+00, v58;
	v11 =	vpop (erf);
	(erf) = vpow2.f32 v0  }
0x208: {  	v47 =	vadd.f32 $-1.600000000e+01, v3;
	v0 =	vmul.f32 $1.442695020e+00, v60;
	v26 =	vpop (erf);
	v3 =	vmul.f32 $1.600000000e+01, v49  }
0x209: {  	[tilespmem:$0x1FD80] =	vst v57;
	(erf) = vpow2.f32 v1;
	v1 =	vmul.f32 $1.442695020e+00, v13;
	v27 =	vpop (erf)  }
0x20a: {  	[tilespmem:$0x1FDA0] =	vst v63;
	(erf) = vpow2.f32 v0;
	v0 =	vmul.f32 $1.442695020e+00, v18;
	v57 =	vpop (erf)  }
0x20b: {  	[tilespmem:$0x1FDB0] =	vst v11;
	(erf) = vpow2.f32 v1;
	v1 =	vmul.f32 $1.442695020e+00, v28;
	v34 =	vpop (erf)  }
0x20c: {  	[tilespmem:$0x1FDD0] =	vst v26;
	(erf) = vpow2.f32 v0;
	v0 =	vmul.f32 $1.442695020e+00, v29;
	v55 =	vpop (erf)  }
0x20d: {  	[tilespmem:$0x1FDF0] =	vst v27;
	(erf) = vpow2.f32 v1;
	v1 =	vmul.f32 $1.442695020e+00, v35;
	v40 =	vpop (erf)  }
0x20e: {  	[tilespmem:$0x1FD90] =	vst v34;
	(erf) = vpow2.f32 v0;
	v0 =	vmul.f32 $1.442695020e+00, v36;
	v45 =	vpop (erf)  }
0x20f: {  	[tilespmem:$0x1FDC0] =	vst v40;
	(erf) = vpow2.f32 v1;
	v1 =	vmul.f32 $1.442695020e+00, v41;
	v46 =	vpop (erf)  }
0x210: {  	v48 =	vadd.f32 $-1.600000000e+01, v4;
	[tilespmem:$0x1FDE0] =	vst v45;
	(erf) = vpow2.f32 v0;
	v0 =	vmul.f32 $1.442695020e+00, v42;
	v51 =	vpop (erf)  }
0x211: {  	v53 =	vadd.f32 $-1.600000000e+01, v2;
	[tilespmem:$0x1FE00] =	vst v46;
	(erf) = vpow2.f32 v1;
	v1 =	vmul.f32 $1.442695020e+00, v47;
	v52 =	vpop (erf)  }
0x212: {  	v50 =	vld [tilespmem:$0x8870];
	v54 =	vadd.f32 $-1.600000000e+01, v5;
	[tilespmem:$0x1FE10] =	vst v51;
	(erf) = vpow2.f32 v0;
	v0 =	vmul.f32 $1.442695020e+00, v48;
	v60 =	vpop (erf)  }
0x213: {  	v56 =	vld [tilespmem:$0x8880];
	v62 =	vadd.f32 $-1.600000000e+01, v3;
	[tilespmem:$0x1FE30] =	vst v52;
	(erf) = vpow2.f32 v1;
	v1 =	vmul.f32 $1.442695020e+00, v53;
	v61 =	vpop (erf)  }
0x214: {  	v58 =	vld [tilespmem:$0x8890];
	(erf) = vpow2.f32 v0;
	v0 =	vmul.f32 $1.442695020e+00, v54;
	[tilespmem:$0x1FE20] =	vst v61;
	v18 =	vpop (erf)  }
0x215: {  	v11 =	vld [tilespmem:$0x88A0];
	(erf) = vpow2.f32 v1;
	v1 =	vmul.f32 $1.442695020e+00, v62;
	[tilespmem:$0x1FE40] =	vst v18;
	v19 =	vpop (erf)  }
0x216: {  	(erf) = vpow2.f32 v0;
	[tilespmem:$0x1FE50] =	vst v19  }
0x217: {  	v4 =	vmul.f32 $1.600000000e+01, v50;
	v13 =	vld [tilespmem:$0x88B0];
	(erf) = vpow2.f32 v1  }
0x218: {  	v2 =	vmul.f32 $1.600000000e+01, v56;
	v27 =	vld [tilespmem:$0x88C0]  }
0x219: {  	v63 =	vadd.f32 $-1.600000000e+01, v4;
	v5 =	vmul.f32 $1.600000000e+01, v58;
	v28 =	vld [tilespmem:$0x88D0]  }
0x21a: {  	v25 =	vadd.f32 $-1.600000000e+01, v2;
	v3 =	vmul.f32 $1.600000000e+01, v11;
	v35 =	vld [tilespmem:$0x88E0]  }
0x21b: {  	v26 =	vadd.f32 $-1.600000000e+01, v5;
	v0 =	vmul.f32 $1.442695020e+00, v63;
	v36 =	vld [tilespmem:$0x88F0]  }
0x21c: {  	v4 =	vmul.f32 $1.600000000e+01, v13;
	v31 =	vadd.f32 $-1.600000000e+01, v3;
	v1 =	vmul.f32 $1.442695020e+00, v25;
	v42 =	vld [tilespmem:$0x8900]  }
0x21d: {  	(erf) = vpow2.f32 v0;
	v0 =	vmul.f32 $1.442695020e+00, v26;
	v43 =	vld [tilespmem:$0x8910]  }
0x21e: {  	v34 =	vadd.f32 $-1.600000000e+01, v4;
	v29 =	vpop (erf);
	v50 =	vld [tilespmem:$0x8920];
	(erf) = vpow2.f32 v1;
	v1 =	vmul.f32 $1.442695020e+00, v31  }
0x21f: {  	v56 =	vld [tilespmem:$0x8930];
	v30 =	vpop (erf);
	(erf) = vpow2.f32 v0  }
0x220: {  	v8 =	vld [tilespmem:$0x8940];
	v37 =	vpop (erf);
	v0 =	vmul.f32 $1.442695020e+00, v34;
	(erf) = vpow2.f32 v1  }
0x221: {  	v11 =	vld [tilespmem:$0x8950];
	v2 =	vmul.f32 $1.600000000e+01, v27;
	v5 =	vmul.f32 $1.600000000e+01, v28  }
0x222: {  	v25 =	vld [tilespmem:$0x8960];
	v38 =	vpop (erf);
	(erf) = vpow2.f32 v0;
	v3 =	vmul.f32 $1.600000000e+01, v35  }
0x223: {  	v26 =	vld [tilespmem:$0x8970];
	v4 =	vmul.f32 $1.600000000e+01, v36;
	v40 =	vadd.f32 $-1.600000000e+01, v2;
	v41 =	vadd.f32 $-1.600000000e+01, v5  }
0x224: {  	v31 =	vld [tilespmem:$0x8980];
	v48 =	vadd.f32 $-1.600000000e+01, v3;
	v2 =	vmul.f32 $1.600000000e+01, v42;
	v5 =	vmul.f32 $1.600000000e+01, v43  }
0x225: {  	v34 =	vld [tilespmem:$0x8990];
	v49 =	vadd.f32 $-1.600000000e+01, v4;
	v3 =	vmul.f32 $1.600000000e+01, v50;
	v4 =	vmul.f32 $1.600000000e+01, v56  }
0x226: {  	[tilespmem:$0x1FE80] =	vst v37;
	v37 =	vld [tilespmem:$0x89A0];
	v1 =	vmul.f32 $1.442695020e+00, v40;
	v0 =	vmul.f32 $1.442695020e+00, v41  }
0x227: {  	[tilespmem:$0x1FE90] =	vst v38;
	v38 =	vld [tilespmem:$0x89B0];
	v58 =	vadd.f32 $-1.600000000e+01, v2;
	v62 =	vadd.f32 $-1.600000000e+01, v5;
	v2 =	vmul.f32 $1.600000000e+01, v8  }
0x228: {  	v47 =	vpop (erf);
	v13 =	vadd.f32 $-1.600000000e+01, v3;
	v5 =	vmul.f32 $1.600000000e+01, v11;
	v3 =	vmul.f32 $1.600000000e+01, v25  }
0x229: {  	v44 =	vld [tilespmem:$0x89D0];
	v53 =	vpop (erf);
	v19 =	vadd.f32 $-1.600000000e+01, v4;
	v4 =	vmul.f32 $1.600000000e+01, v26;
	(erf) = vpow2.f32 v1  }
0x22a: {  	[tilespmem:$0x1FE70] =	vst v30;
	v52 =	vpop (erf);
	v43 =	vld [tilespmem:$0x89C0];
	v1 =	vmul.f32 $1.442695020e+00, v48;
	v28 =	vadd.f32 $-1.600000000e+01, v2;
	v30 =	vadd.f32 $-1.600000000e+01, v5  }
0x22b: {  	v54 =	vld [tilespmem:$0x89E0];
	v63 =	vpop (erf);
	v35 =	vadd.f32 $-1.600000000e+01, v3;
	v2 =	vmul.f32 $1.600000000e+01, v31;
	v5 =	vmul.f32 $1.600000000e+01, v34  }
0x22c: {  	v61 =	vld [tilespmem:$0x89F0];
	v56 =	vpop (erf);
	v36 =	vadd.f32 $-1.600000000e+01, v4;
	v3 =	vmul.f32 $1.600000000e+01, v37;
	v4 =	vmul.f32 $1.600000000e+01, v38  }
0x22d: {  	v18 =	vpop (erf);
	(erf) = vpow2.f32 v0;
	v0 =	vmul.f32 $1.442695020e+00, v49  }
0x22e: {  	[tilespmem:$0x1FEA0] =	vst v18;
	v18 =	vld [tilespmem:$0x8A00];
	(erf) = vpow2.f32 v1;
	v1 =	vmul.f32 $1.442695020e+00, v58  }
0x22f: {  	v27 =	vpop (erf);
	v40 =	vadd.f32 $-1.600000000e+01, v2;
	v42 =	vadd.f32 $-1.600000000e+01, v5;
	v2 =	vmul.f32 $1.600000000e+01, v43  }
0x230: {  	[tilespmem:$0x1FEB0] =	vst v27;
	v27 =	vld [tilespmem:$0x8A20];
	v46 =	vadd.f32 $-1.600000000e+01, v3;
	v5 =	vmul.f32 $1.600000000e+01, v44;
	v3 =	vmul.f32 $1.600000000e+01, v54  }
0x231: {  	[tilespmem:$0x1FE60] =	vst v29;
	v29 =	vpop (erf);
	v31 =	vld [tilespmem:$0x8A40];
	v50 =	vadd.f32 $-1.600000000e+01, v4;
	v4 =	vmul.f32 $1.600000000e+01, v61;
	(erf) = vpow2.f32 v0  }
0x232: {  	v48 =	vpop (erf);
	v0 =	vmul.f32 $1.442695020e+00, v62;
	(erf) = vpow2.f32 v1  }
0x233: {  	v58 =	vpop (erf);
	v1 =	vmul.f32 $1.442695020e+00, v13;
	v8 =	vadd.f32 $-1.600000000e+01, v2;
	v2 =	vmul.f32 $1.600000000e+01, v18  }
0x234: {  	v51 =	vpop (erf);
	(erf) = vpow2.f32 v0;
	v0 =	vmul.f32 $1.442695020e+00, v19  }
0x235: {  	[tilespmem:$0x1FEC0] =	vst v29;
	v41 =	vpop (erf);
	v25 =	vadd.f32 $-1.600000000e+01, v3;
	v19 =	vld [tilespmem:$0x8A10];
	v3 =	vmul.f32 $1.600000000e+01, v27;
	(erf) = vpow2.f32 v1  }
0x236: {  	[tilespmem:$0x1FED0] =	vst v41;
	v41 =	vld [tilespmem:$0x8A60];
	v1 =	vmul.f32 $1.442695020e+00, v28;
	v29 =	vadd.f32 $-1.600000000e+01, v2;
	v2 =	vmul.f32 $1.600000000e+01, v31  }
0x237: {  	v61 =	vld [tilespmem:$0x8A80];
	(erf) = vpow2.f32 v0;
	v0 =	vmul.f32 $1.442695020e+00, v30  }
0x238: {  	v28 =	vld [tilespmem:$0x8A30];
	(erf) = vpow2.f32 v1;
	v1 =	vmul.f32 $1.442695020e+00, v35  }
0x239: {  	(erf) = vpow2.f32 v0;
	v0 =	vmul.f32 $1.442695020e+00, v36  }
0x23a: {  	v34 =	vld [tilespmem:$0x8A50];
	v13 =	vadd.f32 $-1.600000000e+01, v5;
	(erf) = vpow2.f32 v1;
	v1 =	vmul.f32 $1.442695020e+00, v40  }
0x23b: {  	v43 =	vld [tilespmem:$0x8A70];
	v35 =	vadd.f32 $-1.600000000e+01, v3;
	v45 =	vpop (erf);
	v5 =	vmul.f32 $1.600000000e+01, v19;
	v3 =	vmul.f32 $1.600000000e+01, v41  }
0x23c: {  	v26 =	vadd.f32 $-1.600000000e+01, v4;
	v49 =	vpop (erf);
	(erf) = vpow2.f32 v0;
	v0 =	vmul.f32 $1.442695020e+00, v42  }
0x23d: {  	[tilespmem:$0x1FEF0] =	vst v49;
	v4 =	vmul.f32 $1.600000000e+01, v28;
	v49 =	vadd.f32 $-1.600000000e+01, v2;
	v2 =	vmul.f32 $1.600000000e+01, v61  }
0x23e: {  	(erf) = vpow2.f32 v1;
	v1 =	vmul.f32 $1.442695020e+00, v46  }
0x23f: {  	v62 =	vpop (erf);
	v30 =	vadd.f32 $-1.600000000e+01, v5;
	v5 =	vmul.f32 $1.600000000e+01, v34;
	(erf) = vpow2.f32 v0  }
0x240: {  	[tilespmem:$0x1FF00] =	vst v62;
	v11 =	vpop (erf);
	v62 =	vld [tilespmem:$0x8A90];
	v0 =	vmul.f32 $1.442695020e+00, v50;
	v37 =	vadd.f32 $-1.600000000e+01, v4;
	v4 =	vmul.f32 $1.600000000e+01, v43  }
0x241: {  	[tilespmem:$0x1FF10] =	vst v11;
	v11 =	vld [tilespmem:$0x8AA0];
	(erf) = vpow2.f32 v1;
	v1 =	vmul.f32 $1.442695020e+00, v8  }
0x242: {  	(erf) = vpow2.f32 v0;
	v0 =	vmul.f32 $1.442695020e+00, v13  }
0x243: {  	v36 =	vpop (erf);
	(erf) = vpow2.f32 v1;
	v1 =	vmul.f32 $1.442695020e+00, v25  }
0x244: {  	v40 =	vpop (erf);
	v13 =	vld [tilespmem:$0x8AB0];
	(erf) = vpow2.f32 v0;
	v0 =	vmul.f32 $1.442695020e+00, v26  }
0x245: {  	v54 =	vadd.f32 $-1.600000000e+01, v5;
	v38 =	vpop (erf);
	v25 =	vld [tilespmem:$0x8AC0];
	v5 =	vmul.f32 $1.600000000e+01, v62;
	(erf) = vpow2.f32 v1  }
0x246: {  	v31 =	vld [tilespmem:$0x8AF0];
	v7 =	vadd.f32 $-1.600000000e+01, v3;
	v1 =	vmul.f32 $1.442695020e+00, v29;
	v3 =	vmul.f32 $1.600000000e+01, v11  }
0x247: {  	v42 =	vpop (erf);
	v26 =	vld [tilespmem:$0x8AD0];
	(erf) = vpow2.f32 v0;
	v0 =	vmul.f32 $1.442695020e+00, v30  }
0x248: {  	v44 =	vpop (erf);
	(erf) = vpow2.f32 v1;
	v1 =	vmul.f32 $1.442695020e+00, v35  }
0x249: {  	v8 =	vadd.f32 $-1.600000000e+01, v4;
	v46 =	vpop (erf);
	v4 =	vmul.f32 $1.600000000e+01, v13;
	(erf) = vpow2.f32 v0  }
0x24a: {  	v18 =	vadd.f32 $-1.600000000e+01, v2;
	v0 =	vmul.f32 $1.442695020e+00, v37;
	v2 =	vmul.f32 $1.600000000e+01, v25  }
0x24b: {  	[tilespmem:$0x1FEE0] =	vst v45;
	v45 =	vpop (erf);
	v19 =	vadd.f32 $-1.600000000e+01, v5;
	(erf) = vpow2.f32 v1;
	v1 =	vmul.f32 $1.442695020e+00, v49  }
0x24c: {  	v30 =	vld [tilespmem:$0x8AE0];
	v29 =	vadd.f32 $-1.600000000e+01, v4;
	v5 =	vmul.f32 $1.600000000e+01, v26;
	v4 =	vmul.f32 $1.600000000e+01, v31  }
0x24d: {  	v50 =	vpop (erf);
	(erf) = vpow2.f32 v0;
	v0 =	vmul.f32 $1.442695020e+00, v54  }
0x24e: {  	v34 =	vpop (erf);
	v54 =	vld [tilespmem:$0x8B00];
	(erf) = vpow2.f32 v1;
	v1 =	vmul.f32 $1.442695020e+00, v7  }
0x24f: {  	v37 =	vpop (erf);
	(erf) = vpow2.f32 v0;
	v0 =	vmul.f32 $1.442695020e+00, v8  }
0x250: {  	v35 =	vpop (erf);
	(erf) = vpow2.f32 v1;
	v1 =	vmul.f32 $1.442695020e+00, v18  }
0x251: {  	v27 =	vadd.f32 $-1.600000000e+01, v3;
	v61 =	vpop (erf);
	v3 =	vmul.f32 $1.600000000e+01, v30;
	v8 =	vld [tilespmem:$0x8B10];
	(erf) = vpow2.f32 v0  }
0x252: {  	[tilespmem:$0x1FF20] =	vst v50;
	v50 =	vpop (erf);
	v18 =	vld [tilespmem:$0x8B20];
	v0 =	vmul.f32 $1.442695020e+00, v19;
	(erf) = vpow2.f32 v1  }
0x253: {  	v41 =	vadd.f32 $-1.600000000e+01, v2;
	v1 =	vmul.f32 $1.442695020e+00, v27;
	v2 =	vmul.f32 $1.600000000e+01, v54  }
0x254: {  	v28 =	vpop (erf);
	(erf) = vpow2.f32 v0;
	v0 =	vmul.f32 $1.442695020e+00, v29  }
0x255: {  	v49 =	vadd.f32 $-1.600000000e+01, v5;
	v62 =	vpop (erf);
	v19 =	vld [tilespmem:$0x8B30];
	(erf) = vpow2.f32 v1;
	v1 =	vmul.f32 $1.442695020e+00, v41  }
0x256: {  	v11 =	vadd.f32 $-1.600000000e+01, v3;
	v43 =	vpop (erf);
	v5 =	vmul.f32 $1.600000000e+01, v8;
	(erf) = vpow2.f32 v0  }
0x257: {  	v13 =	vadd.f32 $-1.600000000e+01, v4;
	v54 =	vld [tilespmem:$0x8B50];
	v0 =	vmul.f32 $1.442695020e+00, v49;
	v3 =	vmul.f32 $1.600000000e+01, v18  }
0x258: {  	[tilespmem:$0x1FF40] =	vst v43;
	v26 =	vpop (erf);
	v43 =	vld [tilespmem:$0x8B40];
	(erf) = vpow2.f32 v1;
	v1 =	vmul.f32 $1.442695020e+00, v11  }
0x259: {  	[tilespmem:$0x1FF30] =	vst v28;
	v28 =	vpop (erf);
	v18 =	vld [tilespmem:$0x8B60];
	v41 =	vadd.f32 $-1.600000000e+01, v5;
	(erf) = vpow2.f32 v0;
	v0 =	vmul.f32 $1.442695020e+00, v13  }
0x25a: {  	v25 =	vadd.f32 $-1.600000000e+01, v2;
	v27 =	vpop (erf);
	v4 =	vmul.f32 $1.600000000e+01, v19;
	v19 =	vld [tilespmem:$0x8B70];
	(erf) = vpow2.f32 v1  }
0x25b: {  	v29 =	vpop (erf);
	(erf) = vpow2.f32 v0;
	v0 =	vmul.f32 $1.442695020e+00, v41;
	v41 =	vld [tilespmem:$0x1FC50]  }
0x25c: {  	v11 =	vadd.f32 $-1.600000000e+01, v3;
	v5 =	vmul.f32 $1.600000000e+01, v54;
	v1 =	vmul.f32 $1.442695020e+00, v25  }
0x25d: {  	v7 =	vld [tilespmem:$0x8BB0];
	v13 =	vadd.f32 $-1.600000000e+01, v4;
	v2 =	vmul.f32 $1.600000000e+01, v43;
	v25 =	vadd.f32 $0.0e+00, v59  }
0x25e: {  	v31 =	vpop (erf);
	v59 =	vadd.f32 $-1.600000000e+01, v5;
	(erf) = vpow2.f32 v1;
	v3 =	vmul.f32 $1.600000000e+01, v18;
	v18 =	vld [tilespmem:$0x1FC60]  }
0x25f: {  	v49 =	vpop (erf);
	v1 =	vmul.f32 $1.442695020e+00, v11;
	v30 =	vadd.f32 $-1.600000000e+01, v2;
	v11 =	vld [tilespmem:$0x8B80];
	(erf) = vpow2.f32 v0  }
0x260: {  	v0 =	vmul.f32 $1.442695020e+00, v13;
	v4 =	vmul.f32 $1.600000000e+01, v19;
	v2 =	vadd.f32 v41, v25;
	v41 =	vld [tilespmem:$0x1FC80]  }
0x261: {  	v43 =	vpop (erf);
	v19 =	vadd.f32 $0.0e+00, v33;
	(erf) = vpow2.f32 v1;
	v1 =	vmul.f32 $1.442695020e+00, v30;
	v25 =	vld [tilespmem:$0x1FC70]  }
0x262: {  	v54 =	vpop (erf);
	v13 =	vld [tilespmem:$0x8B90];
	(erf) = vpow2.f32 v0;
	v0 =	vmul.f32 $1.442695020e+00, v59;
	v33 =	vadd.f32 $-1.600000000e+01, v4  }
0x263: {  	v59 =	vld [tilespmem:$0x1FC90];
	v2 =	vadd.f32 v18, v2;
	v18 =	vpop (erf);
	(erf) = vpow2.f32 v1  }
0x264: {  	v30 =	vpop (erf);
	(erf) = vpow2.f32 v0;
	v0 =	vmul.f32 $1.442695020e+00, v33;
	v33 =	vld [tilespmem:$0x1FCB0]  }
0x265: {  	v4 =	vld [tilespmem:$0x8BA0];
	v1 =	vadd.f32 v41, v19  }
0x266: {  	v2 =	vadd.f32 v25, v2;
	v25 =	vld [tilespmem:$0x1FCA0]  }
0x267: {  	v3 =	vadd.f32 $-1.600000000e+01, v3;
	v1 =	vadd.f32 v32, v1  }
0x268: {  	v5 =	vmul.f32 $1.600000000e+01, v11;
	v6 =	vmul.f32 $1.600000000e+01, v13;
	v2 =	vadd.f32 v59, v2;
	v59 =	vld [tilespmem:$0x1FCC0]  }
0x269: {  	v7 =	vmul.f32 $1.600000000e+01, v7;
	v3 =	vmul.f32 $1.442695020e+00, v3;
	v1 =	vadd.f32 v33, v1  }
0x26a: {  	v13 =	vadd.f32 $-1.600000000e+01, v5;
	v5 =	vld [tilespmem:$0x8BC0];
	v4 =	vmul.f32 $1.600000000e+01, v4;
	v32 =	vadd.f32 $-1.600000000e+01, v6  }
0x26b: {  	v19 =	vpop (erf);
	(erf) = vpow2.f32 v3;
	v2 =	vadd.f32 v25, v2;
	v1 =	vadd.f32 v39, v1;
	v39 =	vld [tilespmem:$0x1FCD0]  }
0x26c: {  	v3 =	vmul.f32 $1.442695020e+00, v13;
	v41 =	vpop (erf);
	(erf) = vpow2.f32 v0  }
0x26d: {  	v11 =	vld [tilespmem:$0x1FCE0];
	v0 =	vmul.f32 $1.442695020e+00, v32;
	v2 =	vadd.f32 v59, v2;
	v59 =	vadd.f32 $-1.600000000e+01, v7  }
0x26e: {  	v13 =	vadd.f32 $-1.600000000e+01, v4;
	v25 =	vpop (erf);
	(erf) = vpow2.f32 v3  }
0x26f: {  	v33 =	vpop (erf);
	(erf) = vpow2.f32 v0;
	v0 =	vmul.f32 $1.442695020e+00, v59;
	v59 =	vld [tilespmem:$0x1FD00]  }
0x270: {  	v3 =	vmul.f32 $1.442695020e+00, v13;
	v13 =	vmul.f32 $1.600000000e+01, v5;
	v2 =	vadd.f32 v39, v2;
	v39 =	vld [tilespmem:$0x1FCF0];
	_ =	sdelay $0x1  }
0x271: {  	v1 =	vadd.f32 v11, v1;
	v11 =	vadd.f32 $-1.600000000e+01, v13;
	v13 =	vld [tilespmem:$0x1FD10]  }
0x272: {  	v6 =	vld [tilespmem:$0x8BD0]  }
0x273: {  	v1 =	vadd.f32 v59, v1;
	v59 =	vld [tilespmem:$0x1FD20]  }
0x274: {  	v7 =	vadd.f32 $0.0e+00, v39;
	_ =	sdelay $0x1  }
0x275: {  	v4 =	vadd.f32 v13, v7;
	v13 =	vld [tilespmem:$0x1FD30]  }
0x276: {  	[tilespmem:$0x1FF50] =	vst v2;
	v2 =	vld [tilespmem:$0x8BE0]  }
0x277: {  	v6 =	vmul.f32 $1.600000000e+01, v6;
	v1 =	vadd.f32 v59, v1;
	v59 =	vld [tilespmem:$0x1FD40]  }
0x278: {  	v5 =	vld [tilespmem:$0x8BF0];
	v32 =	vpop (erf);
	(erf) = vpow2.f32 v3  }
0x279: {  	v39 =	vpop (erf);
	(erf) = vpow2.f32 v0;
	v0 =	vadd.f32 $-1.600000000e+01, v6;
	v6 =	vld [tilespmem:$0x8C00]  }
0x27a: {  	v11 =	vmul.f32 $1.442695020e+00, v11;
	v4 =	vadd.f32 v13, v4  }
0x27b: {  	v3 =	vld [tilespmem:$0x8C10]  }
0x27c: {  	v2 =	vmul.f32 $1.600000000e+01, v2;
	v13 =	vpop (erf);
	(erf) = vpow2.f32 v11;
	v11 =	vld [tilespmem:$0x1FD50];
	v4 =	vadd.f32 v59, v4  }
0x27d: {  	v5 =	vmul.f32 $1.600000000e+01, v5;
	v0 =	vmul.f32 $1.442695020e+00, v0  }
0x27e: {  	v8 =	vld [tilespmem:$0x8C30];
	v2 =	vadd.f32 $-1.600000000e+01, v2;
	v59 =	vmul.f32 $1.600000000e+01, v6;
	v4 =	vadd.f32 v24, v4  }
0x27f: {  	[tilespmem:$0x1FF60] =	vst v1;
	v1 =	vadd.f32 $0.0e+00, v22;
	v22 =	vpop (erf);
	(erf) = vpow2.f32 v0;
	v0 =	vadd.f32 $-1.600000000e+01, v5;
	v5 =	vld [tilespmem:$0x8C20]  }
0x280: {  	v2 =	vmul.f32 $1.442695020e+00, v2;
	v24 =	vadd.f32 $-1.600000000e+01, v59;
	v4 =	vadd.f32 v23, v4;
	v23 =	vld [tilespmem:$0x8C40]  }
0x281: {  	v3 =	vmul.f32 $1.600000000e+01, v3;
	v0 =	vmul.f32 $1.442695020e+00, v0;
	v1 =	vadd.f32 v11, v1  }
0x282: {  	v11 =	vpop (erf);
	(erf) = vpow2.f32 v2;
	v2 =	vmul.f32 $1.442695020e+00, v24;
	v24 =	vld [tilespmem:$0x1FD60]  }
0x283: {  	v8 =	vmul.f32 $1.600000000e+01, v8;
	v7 =	vld [tilespmem:$0x8C50];
	v1 =	vadd.f32 v20, v1  }
0x284: {  	v59 =	vadd.f32 $-1.600000000e+01, v3;
	v5 =	vmul.f32 $1.600000000e+01, v5;
	v20 =	vpop (erf);
	(erf) = vpow2.f32 v0  }
0x285: {  	v4 =	vadd.f32 v21, v4;
	v1 =	vadd.f32 v12, v1;
	v3 =	vmul.f32 $1.600000000e+01, v23;
	v23 =	vld [tilespmem:$0x1FD70]  }
0x286: {  	v0 =	vmul.f32 $1.442695020e+00, v59;
	v59 =	vadd.f32 $-1.600000000e+01, v5;
	v21 =	vadd.f32 $-1.600000000e+01, v8  }
0x287: {  	v4 =	vadd.f32 v17, v4;
	v1 =	vadd.f32 v24, v1  }
0x288: {  	v7 =	vmul.f32 $1.600000000e+01, v7;
	v12 =	vpop (erf);
	(erf) = vpow2.f32 v2  }
0x289: {  	v2 =	vmul.f32 $1.442695020e+00, v59;
	[tilespmem:$0x1FF70] =	vst v4;
	v4 =	vld [tilespmem:$0x8C60];
	v1 =	vadd.f32 v16, v1;
	v16 =	vadd.f32 $-1.600000000e+01, v3  }
0x28a: {  	v24 =	vpop (erf);
	(erf) = vpow2.f32 v0;
	v0 =	vmul.f32 $1.442695020e+00, v21;
	v59 =	vadd.f32 $0.0e+00, v23  }
0x28b: {  	v21 =	vpop (erf);
	(erf) = vpow2.f32 v2;
	v1 =	vadd.f32 v14, v1;
	v14 =	vmul.f32 $1.442695020e+00, v16  }
0x28c: {  	v23 =	vpop (erf);
	(erf) = vpow2.f32 v0;
	v17 =	vadd.f32 v15, v59;
	v59 =	vadd.f32 $-1.600000000e+01, v7  }
0x28d: {  	v1 =	vadd.f32 v9, v1;
	v9 =	vpop (erf);
	(erf) = vpow2.f32 v14;
	v14 =	vld [tilespmem:$0x1FD90]  }
0x28e: {  	v15 =	vmul.f32 $1.600000000e+01, v4;
	v0 =	vmul.f32 $1.442695020e+00, v59;
	v59 =	vld [tilespmem:$0x1FD80]  }
0x28f: {  	v3 =	vadd.f32 v10, v17  }
0x290: {  	v17 =	vadd.f32 $0.0e+00, v57;
	v2 =	vadd.f32 $-1.600000000e+01, v15;
	v15 =	vld [tilespmem:$0x1FDA0]  }
0x291: {  	v5 =	vld [tilespmem:$0x8C70]  }
0x292: {  	[tilespmem:$0x1FF80] =	vst v1;
	v1 =	vadd.f32 v14, v17;
	v17 =	vld [tilespmem:$0x1FDB0]  }
0x293: {  	v16 =	vld [tilespmem:$0x8C90];
	v3 =	vadd.f32 v59, v3  }
0x294: {  	v59 =	vld [tilespmem:$0x8CB0]  }
0x295: {  	v3 =	vadd.f32 v15, v3;
	v15 =	vld [tilespmem:$0x1FDC0]  }
0x296: {  	v7 =	vld [tilespmem:$0x8C80]  }
0x297: {  	v3 =	vadd.f32 v17, v3;
	v17 =	vld [tilespmem:$0x1FDE0]  }
0x298: {  	v4 =	vld [tilespmem:$0x8CA0];
	v1 =	vadd.f32 v55, v1  }
0x299: {  	v5 =	vmul.f32 $1.600000000e+01, v5  }
0x29a: {  	v59 =	vmul.f32 $1.600000000e+01, v59;
	v1 =	vadd.f32 v15, v1  }
0x29b: {  	v10 =	vadd.f32 $-1.600000000e+01, v5;
	v8 =	vmul.f32 $1.600000000e+01, v16;
	v7 =	vmul.f32 $1.600000000e+01, v7  }
0x29c: {  	v2 =	vmul.f32 $1.442695020e+00, v2;
	v1 =	vadd.f32 v17, v1;
	v17 =	vadd.f32 $-1.600000000e+01, v59;
	v59 =	vld [tilespmem:$0x1FE00]  }
0x29d: {  	v5 =	vld [tilespmem:$0x8CC0];
	v14 =	vadd.f32 $-1.600000000e+01, v8;
	v4 =	vmul.f32 $1.600000000e+01, v4;
	v16 =	vadd.f32 $-1.600000000e+01, v7  }
0x29e: {  	v57 =	vpop (erf);
	(erf) = vpow2.f32 v0;
	v0 =	vmul.f32 $1.442695020e+00, v10;
	v7 =	vld [tilespmem:$0x1FE10]  }
0x29f: {  	v10 =	vpop (erf);
	(erf) = vpow2.f32 v2;
	v8 =	vadd.f32 $-1.600000000e+01, v4;
	v4 =	vld [tilespmem:$0x8CE0];
	v2 =	vmul.f32 $1.442695020e+00, v16  }
0x2a0: {  	v55 =	vpop (erf);
	(erf) = vpow2.f32 v0;
	v0 =	vmul.f32 $1.442695020e+00, v14;
	v16 =	vld [tilespmem:$0x1FDD0]  }
0x2a1: {  	v14 =	vpop (erf);
	(erf) = vpow2.f32 v2;
	v2 =	vmul.f32 $1.442695020e+00, v8;
	v8 =	vld [tilespmem:$0x1FE20];
	v1 =	vadd.f32 v59, v1  }
0x2a2: {  	v15 =	vld [tilespmem:$0x1FDF0]  }
0x2a3: {  	v1 =	vadd.f32 v7, v1;
	v7 =	vld [tilespmem:$0x1FE30];
	_ =	sdelay $0x1  }
0x2a4: {  	v60 =	vadd.f32 $0.0e+00, v60;
	v3 =	vadd.f32 v16, v3  }
0x2a5: {  	v6 =	vld [tilespmem:$0x8CD0];
	v5 =	vmul.f32 $1.600000000e+01, v5;
	v16 =	vpop (erf);
	(erf) = vpow2.f32 v0  }
0x2a6: {  	v60 =	vadd.f32 v8, v60;
	v8 =	vmul.f32 $1.600000000e+01, v4;
	v3 =	vadd.f32 v15, v3  }
0x2a7: {  	v15 =	vpop (erf);
	(erf) = vpow2.f32 v2;
	v2 =	vadd.f32 $-1.600000000e+01, v5;
	v1 =	vadd.f32 v7, v1;
	v7 =	vld [tilespmem:$0x1FE40];
	_ =	sdelay $0x1  }
0x2a8: {  	[tilespmem:$0x1FFA0] =	vst v1;
	v1 =	vmul.f32 $1.442695020e+00, v2;
	v2 =	vadd.f32 $-1.600000000e+01, v8;
	v8 =	vld [tilespmem:$0x1FE50]  }
0x2a9: {  	v6 =	vmul.f32 $1.600000000e+01, v6;
	v0 =	vmul.f32 $1.442695020e+00, v17;
	_ =	sdelay $0x1  }
0x2aa: {  	v17 =	vpop (erf);
	(erf) = vpow2.f32 v0;
	v0 =	vadd.f32 $-1.600000000e+01, v6;
	v6 =	vld [tilespmem:$0x8D00];
	v60 =	vadd.f32 v7, v60  }
0x2ab: {  	v59 =	vld [tilespmem:$0x8CF0]  }
0x2ac: {  	v60 =	vadd.f32 v8, v60;
	v8 =	vld [tilespmem:$0x1FE60];
	_ =	sdelay $0x1  }
0x2ad: {  	v5 =	vld [tilespmem:$0x1FE70]  }
0x2ae: {  	v0 =	vmul.f32 $1.442695020e+00, v0  }
0x2af: {  	[tilespmem:$0x1FF90] =	vst v3;
	v6 =	vmul.f32 $1.600000000e+01, v6;
	v3 =	vmul.f32 $1.600000000e+01, v59  }
0x2b0: {  	v59 =	vpop (erf);
	(erf) = vpow2.f32 v1;
	v2 =	vmul.f32 $1.442695020e+00, v2;
	v7 =	vld [tilespmem:$0x1FE80];
	v60 =	vadd.f32 v8, v60  }
0x2b1: {  	v4 =	vld [tilespmem:$0x8D10];
	v1 =	vadd.f32 $0.0e+00, v47;
	v47 =	vpop (erf);
	(erf) = vpow2.f32 v0  }
0x2b2: {  	v8 =	vpop (erf);
	(erf) = vpow2.f32 v2;
	v2 =	vadd.f32 $-1.600000000e+01, v6;
	v6 =	vadd.f32 v5, v60;
	v5 =	vld [tilespmem:$0x1FE90];
	_ =	sdelay $0x1  }
0x2b3: {  	v53 =	vadd.f32 v53, v1  }
0x2b4: {  	v0 =	vadd.f32 $-1.600000000e+01, v3;
	v3 =	vld [tilespmem:$0x8D20];
	v6 =	vadd.f32 v7, v6  }
0x2b5: {  	v4 =	vmul.f32 $1.600000000e+01, v4;
	v1 =	vld [tilespmem:$0x8D30];
	v53 =	vadd.f32 v52, v53  }
0x2b6: {  	v0 =	vmul.f32 $1.442695020e+00, v0;
	v60 =	vmul.f32 $1.442695020e+00, v2;
	v2 =	vadd.f32 v5, v6;
	v6 =	vld [tilespmem:$0x1FEA0]  }
0x2b7: {  	v53 =	vadd.f32 v63, v53  }
0x2b8: {  	v52 =	vpop (erf);
	(erf) = vpow2.f32 v0;
	v0 =	vadd.f32 $-1.600000000e+01, v4  }
0x2b9: {  	v3 =	vmul.f32 $1.600000000e+01, v3;
	v63 =	vld [tilespmem:$0x8D50];
	v56 =	vadd.f32 v56, v53  }
0x2ba: {  	v1 =	vmul.f32 $1.600000000e+01, v1;
	v4 =	vld [tilespmem:$0x8D40];
	v0 =	vmul.f32 $1.442695020e+00, v0  }
0x2bb: {  	v3 =	vadd.f32 $-1.600000000e+01, v3;
	v7 =	vpop (erf);
	(erf) = vpow2.f32 v60;
	v6 =	vadd.f32 v6, v56;
	v56 =	vld [tilespmem:$0x1FEB0]  }
0x2bc: {  	v53 =	vpop (erf);
	(erf) = vpow2.f32 v0;
	v0 =	vadd.f32 $-1.600000000e+01, v1  }
0x2bd: {  	v3 =	vmul.f32 $1.442695020e+00, v3  }
0x2be: {  	v63 =	vmul.f32 $1.600000000e+01, v63;
	v0 =	vmul.f32 $1.442695020e+00, v0  }
0x2bf: {  	v60 =	vadd.f32 $0.0e+00, v48;
	v4 =	vmul.f32 $1.600000000e+01, v4;
	v48 =	vpop (erf);
	(erf) = vpow2.f32 v3  }
0x2c0: {  	v6 =	vadd.f32 v56, v6;
	v56 =	vpop (erf);
	(erf) = vpow2.f32 v0;
	v0 =	vadd.f32 $-1.600000000e+01, v63;
	v63 =	vld [tilespmem:$0x1FEC0]  }
0x2c1: {  	v3 =	vadd.f32 $-1.600000000e+01, v4  }
0x2c2: {  	v1 =	vld [tilespmem:$0x8D60]  }
0x2c3: {  	v4 =	vadd.f32 v58, v60;
	v58 =	vld [tilespmem:$0x8D80];
	v3 =	vmul.f32 $1.442695020e+00, v3  }
0x2c4: {  	[tilespmem:$0x1FFB0] =	vst v2;
	v2 =	vld [tilespmem:$0x8D70]  }
0x2c5: {  	v60 =	vadd.f32 v63, v6;
	v63 =	vpop (erf);
	(erf) = vpow2.f32 v3;
	v3 =	vadd.f32 $0.0e+00, v36;
	v36 =	vld [tilespmem:$0x1FED0];
	_ =	sdelay $0x2  }
0x2c6: {  	v1 =	vmul.f32 $1.600000000e+01, v1;
	v4 =	vadd.f32 v51, v4  }
0x2c7: {  	v2 =	vmul.f32 $1.600000000e+01, v2;
	v0 =	vmul.f32 $1.442695020e+00, v0;
	v6 =	vld [tilespmem:$0x8D90]  }
0x2c8: {  	v3 =	vadd.f32 v40, v3;
	v4 =	vadd.f32 v36, v4;
	v36 =	vmul.f32 $1.600000000e+01, v58;
	v58 =	vld [tilespmem:$0x1FEE0]  }
0x2c9: {  	v1 =	vadd.f32 $-1.600000000e+01, v1;
	v51 =	vpop (erf);
	(erf) = vpow2.f32 v0;
	v0 =	vadd.f32 $-1.600000000e+01, v2;
	v2 =	vld [tilespmem:$0x8DA0]  }
0x2ca: {  	v3 =	vadd.f32 v38, v3;
	v38 =	vld [tilespmem:$0x1FEF0]  }
0x2cb: {  	v1 =	vmul.f32 $1.442695020e+00, v1;
	v40 =	vld [tilespmem:$0x8DB0]  }
0x2cc: {  	v0 =	vmul.f32 $1.442695020e+00, v0;
	v6 =	vmul.f32 $1.600000000e+01, v6;
	v3 =	vadd.f32 v42, v3;
	v42 =	vld [tilespmem:$0x1FF00]  }
0x2cd: {  	v4 =	vadd.f32 v58, v4;
	v58 =	vpop (erf);
	(erf) = vpow2.f32 v1;
	v1 =	vadd.f32 $-1.600000000e+01, v36  }
0x2ce: {  	v3 =	vadd.f32 v44, v3;
	v36 =	vpop (erf);
	(erf) = vpow2.f32 v0;
	v0 =	vadd.f32 $-1.600000000e+01, v6;
	v6 =	vld [tilespmem:$0x8DC0]  }
0x2cf: {  	v5 =	vld [tilespmem:$0x8DD0];
	v2 =	vmul.f32 $1.600000000e+01, v2;
	v4 =	vadd.f32 v38, v4;
	v1 =	vmul.f32 $1.442695020e+00, v1  }
0x2d0: {  	v40 =	vmul.f32 $1.600000000e+01, v40;
	v44 =	vld [tilespmem:$0x1FF10];
	v3 =	vadd.f32 v46, v3;
	v0 =	vmul.f32 $1.442695020e+00, v0  }
0x2d1: {  	v4 =	vadd.f32 v42, v4;
	v42 =	vpop (erf);
	(erf) = vpow2.f32 v1;
	v1 =	vadd.f32 $-1.600000000e+01, v2  }
0x2d2: {  	v3 =	vadd.f32 v45, v3;
	v45 =	vld [tilespmem:$0x1FF20];
	v38 =	vpop (erf);
	(erf) = vpow2.f32 v0  }
0x2d3: {  	v0 =	vadd.f32 $-1.600000000e+01, v40;
	v1 =	vmul.f32 $1.442695020e+00, v1;
	v40 =	vmul.f32 $1.600000000e+01, v6;
	v6 =	vld [tilespmem:$0x8DF0]  }
0x2d4: {  	v34 =	vadd.f32 $0.0e+00, v34;
	v5 =	vmul.f32 $1.600000000e+01, v5;
	v2 =	vld [tilespmem:$0x8DE0]  }
0x2d5: {  	v44 =	vadd.f32 v44, v4;
	v46 =	vpop (erf);
	(erf) = vpow2.f32 v1;
	v1 =	vadd.f32 $-1.600000000e+01, v40  }
0x2d6: {  	v4 =	vadd.f32 v37, v34;
	v37 =	vadd.f32 $-1.600000000e+01, v5;
	v5 =	vld [tilespmem:$0x8E00];
	v0 =	vmul.f32 $1.442695020e+00, v0  }
0x2d7: {  	v26 =	vadd.f32 $0.0e+00, v26;
	v45 =	vadd.f32 v45, v3;
	v1 =	vmul.f32 $1.442695020e+00, v1  }
0x2d8: {  	v3 =	vld [tilespmem:$0x8E10];
	v4 =	vadd.f32 v35, v4;
	v40 =	vpop (erf);
	(erf) = vpow2.f32 v0;
	v6 =	vmul.f32 $1.600000000e+01, v6  }
0x2d9: {  	v2 =	vmul.f32 $1.600000000e+01, v2;
	v35 =	vpop (erf);
	(erf) = vpow2.f32 v1;
	v1 =	vadd.f32 v28, v26  }
0x2da: {  	v0 =	vmul.f32 $1.442695020e+00, v37;
	v4 =	vadd.f32 v61, v4;
	v37 =	vadd.f32 $-1.600000000e+01, v6;
	v6 =	vld [tilespmem:$0x8E20]  }
0x2db: {  	v2 =	vadd.f32 $-1.600000000e+01, v2;
	v5 =	vmul.f32 $1.600000000e+01, v5;
	v1 =	vadd.f32 v27, v1;
	v27 =	vld [tilespmem:$0x1FF30]  }
0x2dc: {  	v18 =	vadd.f32 $0.0e+00, v18;
	v28 =	vld [tilespmem:$0x8E30];
	v4 =	vadd.f32 v50, v4  }
0x2dd: {  	v3 =	vmul.f32 $1.600000000e+01, v3;
	v2 =	vmul.f32 $1.442695020e+00, v2;
	v61 =	vadd.f32 $-1.600000000e+01, v5  }
0x2de: {  	v34 =	vpop (erf);
	(erf) = vpow2.f32 v0;
	v5 =	vld [tilespmem:$0x8E70];
	v0 =	vmul.f32 $1.442695020e+00, v37;
	v1 =	vadd.f32 v29, v1  }
0x2df: {  	v50 =	vadd.f32 $-1.600000000e+01, v3;
	v3 =	vld [tilespmem:$0x8E40];
	v37 =	vpop (erf);
	(erf) = vpow2.f32 v2;
	v2 =	vmul.f32 $1.442695020e+00, v61  }
0x2e0: {  	v61 =	vmul.f32 $1.600000000e+01, v6;
	v6 =	vld [tilespmem:$0x8E50];
	v1 =	vadd.f32 v31, v1;
	v4 =	vadd.f32 v27, v4  }
0x2e1: {  	v13 =	vadd.f32 $0.0e+00, v13;
	v28 =	vmul.f32 $1.600000000e+01, v28;
	v26 =	vpop (erf);
	(erf) = vpow2.f32 v0  }
0x2e2: {  	v0 =	vmul.f32 $1.442695020e+00, v50;
	v1 =	vadd.f32 v49, v1;
	v4 =	vadd.f32 v62, v4;
	v62 =	vld [tilespmem:$0x1FF40]  }
0x2e3: {  	v29 =	vpop (erf);
	(erf) = vpow2.f32 v2;
	v31 =	vadd.f32 $-1.600000000e+01, v28;
	v2 =	vadd.f32 $-1.600000000e+01, v61;
	v61 =	vld [tilespmem:$0x8E60]  }
0x2e4: {  	v5 =	vmul.f32 $1.600000000e+01, v5;
	v3 =	vmul.f32 $1.600000000e+01, v3;
	v1 =	vadd.f32 v43, v1  }
0x2e5: {  	v27 =	vpop (erf);
	(erf) = vpow2.f32 v0;
	v43 =	vadd.f32 v30, v18;
	v6 =	vmul.f32 $1.600000000e+01, v6  }
0x2e6: {  	v0 =	vmul.f32 $1.442695020e+00, v31;
	v18 =	vadd.f32 v54, v1;
	v1 =	vadd.f32 v22, v13  }
0x2e7: {  	v2 =	vmul.f32 $1.442695020e+00, v2;
	v31 =	vpop (erf);
	v49 =	vadd.f32 $-1.600000000e+01, v6;
	v50 =	vadd.f32 v62, v4  }
0x2e8: {  	v28 =	vpop (erf);
	v6 =	vld [tilespmem:$0x8E80];
	v61 =	vmul.f32 $1.600000000e+01, v61;
	v62 =	vadd.f32 $-1.600000000e+01, v3;
	v3 =	vadd.f32 v19, v43  }
0x2e9: {  	(erf) = vpow2.f32 v2;
	v30 =	vpop (erf);
	v43 =	vadd.f32 $-1.600000000e+01, v5;
	v1 =	vadd.f32 v11, v1  }
0x2ea: {  	(erf) = vpow2.f32 v0;
	v30 =	vadd.f32 $0.0e+00, v30;
	v2 =	vadd.f32 $-1.600000000e+01, v61  }
0x2eb: {  	v19 =	vpop (erf);
	v0 =	vmul.f32 $1.442695020e+00, v49;
	v49 =	vld [tilespmem:$0x8EA0];
	v54 =	vmul.f32 $1.442695020e+00, v62;
	v3 =	vadd.f32 v41, v3  }
0x2ec: {  	v62 =	vld [tilespmem:$0x8E90];
	v1 =	vadd.f32 v20, v1;
	v30 =	vadd.f32 v19, v30;
	v2 =	vmul.f32 $1.442695020e+00, v2  }
0x2ed: {  	v22 =	vpop (erf);
	(erf) = vpow2.f32 v54;
	v6 =	vmul.f32 $1.600000000e+01, v6;
	v3 =	vadd.f32 v25, v3  }
0x2ee: {  	v41 =	vld [tilespmem:$0x8ED0];
	v1 =	vadd.f32 v12, v1;
	v22 =	vadd.f32 v22, v30;
	(erf) = vpow2.f32 v0  }
0x2ef: {  	v54 =	vld [tilespmem:$0x8EB0];
	v0 =	vmul.f32 $1.442695020e+00, v43;
	(erf) = vpow2.f32 v2;
	v61 =	vadd.f32 $-1.600000000e+01, v6  }
0x2f0: {  	v11 =	vpop (erf);
	v3 =	vadd.f32 v33, v3;
	v5 =	vmul.f32 $1.600000000e+01, v49;
	v1 =	vadd.f32 v24, v1  }
0x2f1: {  	v33 =	vld [tilespmem:$0x8EC0];
	v11 =	vadd.f32 v11, v22;
	v4 =	vmul.f32 $1.600000000e+01, v62;
	(erf) = vpow2.f32 v0  }
0x2f2: {  	v2 =	vmul.f32 $1.442695020e+00, v61;
	v3 =	vadd.f32 v32, v3;
	v43 =	vadd.f32 $-1.600000000e+01, v5  }
0x2f3: {  	v20 =	vpop (erf);
	v25 =	vmul.f32 $1.600000000e+01, v41;
	v1 =	vadd.f32 v21, v1;
	v62 =	vadd.f32 $-1.600000000e+01, v4  }
0x2f4: {  	v61 =	vld [tilespmem:$0x8EF0];
	v11 =	vadd.f32 v20, v11;
	v13 =	vmul.f32 $1.600000000e+01, v54;
	(erf) = vpow2.f32 v2  }
0x2f5: {  	v54 =	vld [tilespmem:$0x8EE0];
	v6 =	vadd.f32 v39, v3;
	v2 =	vmul.f32 $1.442695020e+00, v43;
	v0 =	vmul.f32 $1.442695020e+00, v62  }
0x2f6: {  	v12 =	vpop (erf);
	v49 =	vadd.f32 $-1.600000000e+01, v13;
	v4 =	vmul.f32 $1.600000000e+01, v33;
	v62 =	vadd.f32 $0.0e+00, v9  }
0x2f7: {  	v39 =	vadd.f32 $-1.600000000e+01, v25;
	v3 =	vld [tilespmem:$0x8F10];
	v11 =	vadd.f32 v12, v11;
	(erf) = vpow2.f32 v0  }
0x2f8: {  	v0 =	vmul.f32 $1.442695020e+00, v49;
	v32 =	vadd.f32 $-1.600000000e+01, v4;
	v33 =	vadd.f32 v57, v62  }
0x2f9: {  	v41 =	vld [tilespmem:$0x8F00];
	v13 =	vpop (erf);
	v4 =	vadd.f32 v23, v1;
	v5 =	vmul.f32 $1.600000000e+01, v61;
	(erf) = vpow2.f32 v2  }
0x2fa: {  	v49 =	vmul.f32 $1.600000000e+01, v54;
	v54 =	vadd.f32 $0.0e+00, v59;
	v11 =	vadd.f32 v13, v11  }
0x2fb: {  	v62 =	vld [tilespmem:$0x8F20];
	v9 =	vpop (erf);
	(erf) = vpow2.f32 v0;
	v43 =	vmul.f32 $1.442695020e+00, v32;
	v10 =	vadd.f32 v10, v33  }
0x2fc: {  	v0 =	vmul.f32 $1.442695020e+00, v39;
	v61 =	vadd.f32 $-1.600000000e+01, v5;
	v3 =	vmul.f32 $1.600000000e+01, v3  }
0x2fd: {  	v57 =	vadd.f32 $-1.600000000e+01, v49;
	v33 =	vpop (erf);
	(erf) = vpow2.f32 v43;
	v59 =	vadd.f32 v55, v10  }
0x2fe: {  	v49 =	vld [tilespmem:$0x8F30];
	v43 =	vadd.f32 v47, v54;
	v47 =	vmul.f32 $1.600000000e+01, v41;
	v24 =	vpop (erf);
	(erf) = vpow2.f32 v0  }
0x2ff: {  	v55 =	vadd.f32 $-1.600000000e+01, v3;
	v41 =	vld [tilespmem:$0x8F60];
	v1 =	vmul.f32 $1.442695020e+00, v57;
	v0 =	vmul.f32 $1.442695020e+00, v61  }
0x300: {  	v57 =	vld [tilespmem:$0x8F40];
	v5 =	vmul.f32 $1.600000000e+01, v62;
	v2 =	vadd.f32 v14, v59;
	v8 =	vadd.f32 v8, v43  }
0x301: {  	v39 =	vpop (erf);
	v54 =	vadd.f32 $-1.600000000e+01, v47;
	v59 =	vld [tilespmem:$0x8F50];
	v61 =	vmul.f32 $1.442695020e+00, v55;
	(erf) = vpow2.f32 v1  }
0x302: {  	v47 =	vld [tilespmem:$0x8F70];
	v23 =	vpop (erf);
	v21 =	vadd.f32 $-1.600000000e+01, v5;
	v2 =	vadd.f32 v16, v2;
	(erf) = vpow2.f32 v0  }
0x303: {  	v8 =	vadd.f32 v52, v8;
	v1 =	vmul.f32 $1.442695020e+00, v54;
	v62 =	vmul.f32 $1.600000000e+01, v49  }
0x304: {  	v49 =	vadd.f32 $0.0e+00, v63;
	v5 =	vmul.f32 $1.600000000e+01, v41;
	v2 =	vadd.f32 v15, v2  }
0x305: {  	v25 =	vpop (erf);
	v7 =	vadd.f32 v7, v8;
	(erf) = vpow2.f32 v1;
	v1 =	vmul.f32 $1.442695020e+00, v21  }
0x306: {  	v14 =	vpop (erf);
	v32 =	vadd.f32 $-1.600000000e+01, v62;
	v43 =	vmul.f32 $1.600000000e+01, v57;
	(erf) = vpow2.f32 v61  }
0x307: {  	v55 =	vld [tilespmem:$0x8F90];
	v10 =	vmul.f32 $1.600000000e+01, v59;
	v16 =	vmul.f32 $1.600000000e+01, v47;
	v5 =	vadd.f32 $-1.600000000e+01, v5  }
0x308: {  	v41 =	vld [tilespmem:$0x8FC0];
	v0 =	vadd.f32 v17, v2;
	v7 =	vadd.f32 v53, v7;
	v2 =	vmul.f32 $1.442695020e+00, v32  }
0x309: {  	v15 =	vpop (erf);
	v62 =	vld [tilespmem:$0x8FB0];
	(erf) = vpow2.f32 v1;
	v8 =	vadd.f32 $-1.600000000e+01, v43;
	v17 =	vadd.f32 v51, v49  }
0x30a: {  	v59 =	vld [tilespmem:$0x8FA0];
	v52 =	vadd.f32 $-1.600000000e+01, v10;
	v5 =	vmul.f32 $1.442695020e+00, v5;
	v7 =	vadd.f32 v48, v7  }
0x30b: {  	v3 =	vpop (erf);
	v53 =	vld [tilespmem:$0x8F80];
	(erf) = vpow2.f32 v2;
	v54 =	vmul.f32 $1.442695020e+00, v8;
	v17 =	vadd.f32 v58, v17  }
0x30c: {  	v8 =	vmul.f32 $1.600000000e+01, v55;
	v1 =	vadd.f32 v56, v7;
	v56 =	vadd.f32 $0.0e+00, v35  }
0x30d: {  	v58 =	vadd.f32 $-1.600000000e+01, v16;
	v51 =	vmul.f32 $1.600000000e+01, v41;
	v2 =	vmul.f32 $1.442695020e+00, v52  }
0x30e: {  	v49 =	vld [tilespmem:$0x8FE0];
	v32 =	vpop (erf);
	v21 =	vmul.f32 $1.600000000e+01, v62;
	(erf) = vpow2.f32 v54;
	v61 =	vadd.f32 v34, v56  }
0x30f: {  	v57 =	vadd.f32 v36, v17;
	v63 =	vadd.f32 $-1.600000000e+01, v8;
	v16 =	vmul.f32 $1.600000000e+01, v59  }
0x310: {  	v59 =	vadd.f32 $0.0e+00, v33;
	v10 =	vmul.f32 $1.600000000e+01, v53;
	v17 =	vadd.f32 v37, v61  }
0x311: {  	v35 =	vpop (erf);
	(erf) = vpow2.f32 v2;
	v48 =	vadd.f32 $-1.600000000e+01, v21;
	v7 =	vadd.f32 v42, v57  }
0x312: {  	v52 =	vld [tilespmem:$0x8FF0];
	v2 =	vmul.f32 $1.442695020e+00, v58;
	v10 =	vadd.f32 $-1.600000000e+01, v10;
	v17 =	vadd.f32 v26, v17  }
0x313: {  	v62 =	vld [tilespmem:$0x9020];
	v34 =	vpop (erf);
	(erf) = vpow2.f32 v5;
	v47 =	vadd.f32 $-1.600000000e+01, v16;
	v56 =	vmul.f32 $1.600000000e+01, v49  }
0x314: {  	v42 =	vld [tilespmem:$0x8FD0];
	v7 =	vadd.f32 v38, v7;
	v10 =	vmul.f32 $1.442695020e+00, v10;
	v17 =	vadd.f32 v29, v17  }
0x315: {  	v24 =	vadd.f32 v24, v59;
	v5 =	vpop (erf);
	(erf) = vpow2.f32 v2;
	v16 =	vmul.f32 $1.442695020e+00, v48  }
0x316: {  	v57 =	vld [tilespmem:$0x9010];
	v8 =	vpop (erf);
	(erf) = vpow2.f32 v10;
	v10 =	vmul.f32 $1.442695020e+00, v47;
	v17 =	vadd.f32 v27, v17  }
0x317: {  	v54 =	vld [tilespmem:$0x9000];
	v58 =	vmul.f32 $1.600000000e+01, v52;
	v43 =	vadd.f32 v46, v7;
	v46 =	vmul.f32 $1.442695020e+00, v63  }
0x318: {  	v22 =	vmul.f32 $1.600000000e+01, v62;
	v7 =	vpop (erf);
	v27 =	vadd.f32 $-1.600000000e+01, v51;
	v17 =	vadd.f32 v31, v17  }
0x319: {  	v24 =	vadd.f32 v39, v24;
	v26 =	vmul.f32 $1.600000000e+01, v42;
	(erf) = vpow2.f32 v46;
	v21 =	vpop (erf)  }
0x31a: {  	(erf) = vpow2.f32 v10;
	v10 =	vpop (erf);
	v55 =	vmul.f32 $1.442695020e+00, v27;
	v27 =	vadd.f32 $-1.600000000e+01, v56  }
0x31b: {  	v61 =	vadd.f32 $-1.600000000e+01, v58;
	v36 =	vmul.f32 $1.600000000e+01, v57;
	v53 =	vadd.f32 $-1.600000000e+01, v26;
	v29 =	vpop (erf)  }
0x31c: {  	v26 =	vmul.f32 $1.600000000e+01, v54;
	v19 =	vadd.f32 v28, v17;
	v27 =	vmul.f32 $1.442695020e+00, v27;
	v17 =	vpop (erf)  }
0x31d: {  	v63 =	vld [tilespmem:$0x9030];
	v23 =	vadd.f32 v23, v24;
	(erf) = vpow2.f32 v16;
	v16 =	vmul.f32 $1.442695020e+00, v53;
	v31 =	vpop (erf)  }
0x31e: {  	v38 =	vld [tilespmem:$0x9040];
	v22 =	vadd.f32 $-1.600000000e+01, v22;
	v26 =	vadd.f32 $-1.600000000e+01, v26;
	(erf) = vpow2.f32 v55;
	v28 =	vpop (erf)  }
0x31f: {  	v37 =	vadd.f32 $-1.600000000e+01, v36;
	(erf) = vpow2.f32 v16;
	v16 =	vmul.f32 $1.442695020e+00, v61;
	v12 =	vpop (erf)  }
0x320: {  	v2 =	vadd.f32 v40, v43;
	v40 =	vld [tilespmem:$0x9050];
	v39 =	vmul.f32 $1.442695020e+00, v26;
	(erf) = vpow2.f32 v27;
	v27 =	vpop (erf)  }
0x321: {  	v23 =	vadd.f32 v25, v23;
	v41 =	vmul.f32 $1.442695020e+00, v37;
	(erf) = vpow2.f32 v16;
	v33 =	vpop (erf)  }
0x322: {  	v9 =	vadd.f32 v9, v11;
	v42 =	vmul.f32 $1.600000000e+01, v63;
	(erf) = vpow2.f32 v39;
	v25 =	vpop (erf)  }
0x323: {  	v46 =	vld [tilespmem:$0x9060];
	v22 =	vmul.f32 $1.442695020e+00, v22;
	v20 =	vmul.f32 $1.600000000e+01, v38;
	v14 =	vadd.f32 v14, v23;
	v11 =	vpop (erf)  }
0x324: {  	v52 =	vld [tilespmem:$0x9070];
	v51 =	vadd.f32 $0.0e+00, v32;
	v43 =	vadd.f32 $-1.600000000e+01, v42;
	(erf) = vpow2.f32 v41;
	v47 =	vpop (erf)  }
0x325: {  	[tilespmem:$0x9880] =	vst v60;
	v20 =	vadd.f32 $-1.600000000e+01, v20;
	v26 =	vmul.f32 $1.600000000e+01, v40;
	v29 =	vadd.f32 $0.0e+00, v29;
	v48 =	vpop (erf)  }
0x326: {  	[tilespmem:$0x9900] =	vst v44;
	v14 =	vadd.f32 v15, v14;
	v13 =	vmul.f32 $1.442695020e+00, v43;
	(erf) = vpow2.f32 v22;
	v54 =	vpop (erf)  }
0x327: {  	[tilespmem:$0x9980] =	vst v45;
	v56 =	vadd.f32 v35, v51;
	v62 =	vmul.f32 $1.442695020e+00, v20;
	v17 =	vadd.f32 v17, v29;
	v57 =	vpop (erf)  }
0x328: {  	[tilespmem:$0x9A80] =	vst v18;
	v58 =	vadd.f32 $-1.600000000e+01, v26;
	v16 =	vmul.f32 $1.600000000e+01, v46;
	(erf) = vpow2.f32 v13;
	v59 =	vpop (erf)  }
0x329: {  	[tilespmem:$0x9A00] =	vst v50;
	v40 =	vmul.f32 $1.600000000e+01, v52;
	v3 =	vadd.f32 v3, v14;
	v17 =	vadd.f32 v31, v17;
	v63 =	vpop (erf)  }
0x32a: {  	[tilespmem:$0x9B00] =	vst v6;
	v49 =	vld [tilespmem:$0x1FF50];
	v39 =	vadd.f32 $-1.600000000e+01, v16;
	v13 =	vmul.f32 $1.442695020e+00, v58;
	(erf) = vpow2.f32 v62;
	v38 =	vpop (erf)  }
0x32b: {  	[tilespmem:$0x9B80] =	vst v4;
	v16 =	vadd.f32 $-1.600000000e+01, v40;
	v11 =	vadd.f32 $0.0e+00, v11;
	v42 =	vpop (erf)  }
0x32c: {  	[tilespmem:$0x9E00] =	vst v9;
	v36 =	vld [tilespmem:$0x1FF90];
	v14 =	vmul.f32 $1.442695020e+00, v39;
	(erf) = vpow2.f32 v13;
	v43 =	vadd.f32 $0.0e+00, v42  }
0x32d: {  	[tilespmem:$0x9C00] =	vst v0;
	v53 =	vld [tilespmem:$0x1FF60];
	v22 =	vadd.f32 v34, v56;
	v11 =	vadd.f32 v47, v11;
	v46 =	vpop (erf)  }
0x32e: {  	[tilespmem:$0x9C80] =	vst v1;
	v55 =	vld [tilespmem:$0x1FF70];
	v47 =	vmul.f32 $1.442695020e+00, v16;
	(erf) = vpow2.f32 v14;
	v13 =	vadd.f32 v46, v43  }
0x32f: {  	[tilespmem:$0x9500] =	vst v49;
	v37 =	vld [tilespmem:$0x1FFA0];
	v17 =	vadd.f32 v28, v17;
	v11 =	vadd.f32 v48, v11;
	v48 =	vpop (erf)  }
0x330: {  	[tilespmem:$0x9D00] =	vst v2;
	v5 =	vadd.f32 v5, v22;
	(erf) = vpow2.f32 v47;
	v13 =	vadd.f32 v48, v13  }
0x331: {  	[tilespmem:$0x9700] =	vst v36;
	v51 =	vadd.f32 v12, v17;
	v50 =	vadd.f32 v54, v11;
	v49 =	vpop (erf)  }
0x332: {  	[tilespmem:$0x9580] =	vst v53;
	v61 =	vld [tilespmem:$0x1FF80];
	v5 =	vadd.f32 v8, v5;
	v52 =	vadd.f32 v49, v13  }
0x333: {  	[tilespmem:$0x9600] =	vst v55;
	v41 =	vld [tilespmem:$0x1FFB0];
	v56 =	vadd.f32 v27, v51;
	v55 =	vadd.f32 v57, v50;
	v53 =	vpop (erf)  }
0x334: {  	[tilespmem:$0x9780] =	vst v37;
	v54 =	vadd.f32 v7, v5;
	v57 =	vadd.f32 v53, v52  }
0x335: {  	[tilespmem:$0x9D80] =	vst v19;
	v1 =	vadd.f32 v33, v56;
	v5 =	vadd.f32 v59, v55;
	v58 =	vpop (erf)  }
0x336: {  	[tilespmem:$0x9E80] =	vst v3;
	v0 =	vadd.f32 v21, v54;
	v59 =	vadd.f32 v58, v57  }
0x337: {  	[tilespmem:$0x9680] =	vst v61;
	v1 =	vadd.f32 v25, v1;
	v5 =	vadd.f32 v63, v5;
	v60 =	vpop (erf)  }
0x338: {  	[tilespmem:$0x9800] =	vst v41;
	v0 =	vadd.f32 v10, v0;
	v2 =	vadd.f32 v60, v59  }
0x339: {  	[tilespmem:$0x9F80] =	vst v1;
	v61 =	vadd.f32 v38, v5;
	v62 =	vpop (erf)  }
0x33a: {  	s31 =	sld [smem:$0x7FD];
	[tilespmem:$0x9F00] =	vst v0;
	v63 =	vadd.f32 v62, v2  }
0x33b: {  	p0 =	sne.s32 s3, $0x1;
	[tilespmem:$0xA000] =	vst v61  }
.Ltmp0:
0x33c: {  	s30 =	rddreg [dreg:$0xd];
	[tilespmem:$0xA080] =	vst v63;
	(pc) =	sbr.rel @p0 .LBB2_1-.Ltmp0, $4  }
0x33d: {  	[hbm4b:s30+s2] =	stream.linear.scatter [tilespmem:s31], [sflag:$0x2], $0x1000, $0x38;
	[tilespmem:$0xA100] =	vst v63  }
0x33e: {  	_ =	swait.ge [sflag:s4], $0x1000  }
0x33f: {  	[sflag:s4] =	ssyncset.done $0x0  }
0x340: {  	s3 =	sadd.s32 $0xFFFFFFFF, s3;
	[sflag:s4] =	ssyncadd.s32 $0xFFFFF000  }
0x341: {  	_ =	sfence.sel $0x180000  }
0x342: {  	[bflag:$0x0] =	sbarrier.arrive $0xFFFF  }
0x343: {  	p0 =	sne.s32 s0, $0x0;
	_ =	strace $0x90000047  }
0x344: {  	s0 =	sadd.s32 @!p0 $0x100000, s1;
	[bflag:$0x2] =	sbarrier.arrive $0xFFFF  }
0x345: {  	[sflag:s0] =	ssyncadd.tile.s32 @!p0 $0x1;
	_ =	shalt  }
.Lfunc_end2:
_tile_overlayer_lowered:
.L_overlay_start_2:
0x346: {  	(tag) =	ssettag $0x2  }
0x347: {  	s0 =	rddreg [dreg:$0x0];
	s2 =	stileid.u32  }
0x348: {  	s1 =	rddreg [dreg:$0x1];
	p0 =	sne.s32 s2, $0x0  }
0x349: {  	s3 =	rddreg [dreg:$0x2];
	[bflag:$0x3] =	sbarrier.arrive $0xFFFF;
	s2 =	simm.s32 @!p0 $0x1C02  }
0x34a: {  	[timem:s3], [sflag:s2] =	dma.local @!p0 [hbm:s0], s1  }
0x34b: {  	s0 =	simm.s32 @!p0 $0x2  }
0x34c: {  	_ =	swait.ge @!p0 [sflag:s0], s1  }
0x34d: {  	s1 =	ssub.s32 @!p0 $0x0, s1;
	[sflag:s0] =	ssyncset.done @!p0 $0x0  }
0x34e: {  	[sflag:s0] =	ssyncadd.s32 @!p0 s1  }
0x34f: {  	[bflag:$0x3] =	sbarrier.arrive $0xFFFF  }
0x350: {  	_ =	shalt  }

</sc_bundles>
